<compile_context>
chip_gen: v7x
topology: tpu7x:2x2x1
jax: 0.10.2.dev20260603
libtpu: 0.0.44.dev20260713+nightly
codegen_flags: <defaults>
</compile_context>

<pallas_src>
import functools

import jax
import jax.numpy as jnp
from jax import lax
from jax.experimental import pallas as pl
from jax.experimental.pallas import tpu as pltpu, tpu_sc as plsc

_B = 16384
_D = 64
_V = 1000001
_NC = 2
_NS = 16
_NW = _NC * _NS
_NTC = (_V + 127) // 128
_RANGE = 245
_WTC = 2
_LANES = _WTC * 128
_NWIN = 123
_NOUTER = 31
_NSUB = 8
_OUTR = _B + _NW


def _make_scan():
  mesh = plsc.VectorSubcoreMesh(core_axis_name="c", subcore_axis_name="s")

  @functools.partial(
      pl.kernel,
      out_type=jax.ShapeDtypeStruct((_OUTR, 128), jnp.float32),
      mesh=mesh,
      scratch_types=[
          pltpu.VMEM((_B + 16,), jnp.int32),
          pltpu.VMEM((_B + 16,), jnp.int32),
          pltpu.VMEM((_B + 16,), jnp.int32),
          pltpu.VMEM((4, _D, _LANES), jnp.float32),
          pltpu.VMEM((2, 32, 128), jnp.float32),
          pltpu.VMEM((2, 32), jnp.int32),
          pltpu.SMEM((_NSUB,), jnp.int32),
          pltpu.SMEM((_NSUB,), jnp.int32),
          pltpu.SemaphoreType.DMA,
          pltpu.SemaphoreType.DMA,
          pltpu.SemaphoreType.DMA,
          pltpu.SemaphoreType.DMA,
          pltpu.SemaphoreType.DMA,
      ],
      compiler_params=pltpu.CompilerParams(needs_layout_passes=False),
  )
  def scan(labels_hbm, tt_hbm, out_hbm, lab, sj, wj, win, stage, pend,
           seg_s, seg_n, sem0, sem1, sem2, sem3, semo):
    wid = lax.axis_index("s") * _NC + lax.axis_index("c")
    iota = lax.iota(jnp.int32, 16)
    lo_tc = wid * _RANGE
    hi_tc = jnp.minimum(lo_tc + _RANGE, _NTC)

    def lane_off(k):
      c0 = jnp.minimum(lo_tc + k * _WTC, _NTC - _WTC)
      return c0 * 128

    def fetch(k, buf, sem):
      off = lane_off(k)
      pltpu.async_copy(
          tt_hbm.at[pl.ds(0, 32), pl.ds(off, _LANES)], buf.at[pl.ds(0, 32)],
          sem)
      pltpu.async_copy(
          tt_hbm.at[pl.ds(32, 32), pl.ds(off, _LANES)], buf.at[pl.ds(32, 32)],
          sem)

    wsems = (sem0, sem1, sem2, sem3)
    for kk in range(4):
      fetch(kk, win.at[kk], wsems[kk])

    pltpu.sync_copy(labels_hbm, lab.at[pl.ds(0, _B)])

    def pre(c, cnt):
      lv = lab[pl.ds(c * 16, 16)]
      tc = lax.shift_right_logical(lv, 7)
      m = (tc >= lo_tc) & (tc < hi_tc)
      cum = plsc.cumsum(jnp.where(m, 1, 0))
      plsc.store_scatter(wj, [cnt + cum - 1], c * 16 + iota, mask=m)
      return cnt + cum[15]

    cnt = lax.fori_loop(0, _B // 16, pre, 0)
    nch = (cnt + 15) // 16

    def mksub(r, off):
      seg_s[r] = off

      def srt(j, o):
        jv = j * 16 + iota
        valid = jv < cnt
        bs = wj[pl.ds(j * 16, 16)]
        lv = plsc.load_gather(lab, [bs], mask=valid)
        sr = lax.shift_right_logical(lax.shift_right_logical(lv, 7) - lo_tc, 5)
        m = valid & (sr == r)
        cum = plsc.cumsum(jnp.where(m, 1, 0))
        plsc.store_scatter(sj, [o + cum - 1], bs, mask=m)
        return o + cum[15]

      off2 = lax.fori_loop(0, nch, srt, off)
      seg_n[r] = off2 - seg_s[r]
      return off2

    off = 0
    for r in range(_NSUB):
      off = mksub(r, off)

    def window_pass(k, buf, sem, p):
      pltpu.make_async_copy(
          tt_hbm.at[:, pl.ds(0, _LANES)], buf, sem).wait()
      c0n = jnp.minimum(lo_tc + k * _WTC, _NTC - _WTC)
      base_lane = c0n * 128
      r = k >> 4
      s0 = seg_s[r]
      sn = seg_n[r]
      swch = (sn + 15) // 16

      def wfil(j, wcnt):
        jloc = j * 16 + iota
        valid = jloc < sn
        bs = sj[pl.ds(s0 + j * 16, 16)]
        lv = plsc.load_gather(lab, [bs], mask=valid)
        tc = lax.shift_right_logical(lv, 7)
        m = valid & (tc >= c0n) & (tc < c0n + _WTC)
        cum = plsc.cumsum(jnp.where(m, 1, 0))
        plsc.store_scatter(wj, [wcnt + cum - 1], bs, mask=m)
        return wcnt + cum[15]

      wcnt = lax.fori_loop(0, swch, wfil, 0)

      def ext(i, p):
        b_s = plsc.load_gather(wj, [jnp.broadcast_to(i, (16,))])
        l_s = plsc.load_gather(lab, [b_s])
        lane = l_s - base_lane
        f = (p // 32) % 2
        slot = p % 32
        for ch in range(_D // 16):
          d_idx = ch * 16 + iota
          vals = plsc.load_gather(buf, [d_idx, lane])
          stage[f, slot, pl.ds(ch * 16, 16)] = vals
        plsc.store_scatter(
            pend.at[f], [jnp.broadcast_to(slot, (16,))], b_s, mask=iota == 0)
        p1 = p + 1

        @pl.when(p1 % 32 == 0)
        def _flush():
          pltpu.async_copy(stage.at[f], out_hbm.at[pend.at[f]], semo).wait()

        return p1

      p = lax.fori_loop(0, wcnt, ext, p)
      nk = k + 4

      @pl.when(nk < _NOUTER * 4)
      def _refetch():
        fetch(nk, buf, sem)

      return p

    def outer(t, st):
      for kk in range(4):
        st = window_pass(4 * t + kk, win.at[kk], wsems[kk], st)
      return st

    p = lax.fori_loop(0, _NOUTER, outer, 0)

    f = (p // 32) % 2
    rem = p % 32
    trash = _B + ((jnp.broadcast_to(wid, (16,)) + iota) % _NW)
    for h in range(2):
      plsc.store_scatter(
          pend.at[f], [iota + 16 * h], trash, mask=(iota + 16 * h) >= rem)
    pltpu.async_copy(stage.at[f], out_hbm.at[pend.at[f]], semo).wait()

  return scan


_scan = _make_scan()


@jax.jit
def kernel(labels, embedding_table):
  out_wide = _scan(labels.astype(jnp.int32), embedding_table.T)
  return out_wide[:_B, :_D]

# --- scband reference (transcript-rebuilt; emitter-appended) ---
"""Pipeline reference for scband-label-embedder-13460427505876 (READ-ONLY COPY).

The authoritative reference and input builder live on the scoring server;
editing this copy changes nothing except your own understanding.
"""

import jax, jax.numpy as jnp
import numpy as np

NUM_CLASSES = 1000000
COND_SIZE = 64
BATCH = 16384

def setup_inputs(seed: int = 0) -> dict:
    key = jax.random.key(seed)
    k1, k2 = jax.random.split(key)
    labels = jax.random.randint(k1, (BATCH,), 0, NUM_CLASSES, dtype=jnp.int64 if jax.config.jax_enable_x64 else jnp.int32)
    # embedding table has num_classes + 1 rows (extra row for CFG null label)
    embedding_table = jax.random.normal(k2, (NUM_CLASSES + 1, COND_SIZE), dtype=jnp.float32) * 0.02
    return {"labels": labels, "embedding_table": embedding_table}

def reference(labels, embedding_table):
    # nn.Embedding lookup: table[labels]
    embeddings = jnp.take(embedding_table, labels, axis=0)
    return embeddings

if __name__ == "__main__":
    import jax
    _d = setup_inputs()
    print(jax.jit(kernel)(*tuple(_d.values())))

</pallas_src>

<mosaic_0001>
#map = affine_map<(d0, d1) -> (0)>
#map1 = affine_map<(d0, d1) -> (0, 0)>
module attributes {stable_mosaic.version = 14 : i64} {
  func.func @scan(%arg0: i32, %arg1: i32, %arg2: memref<16384xi32, #tpu.memory_space<hbm>>, %arg3: memref<64x1000001xf32, #tpu.memory_space<hbm>>, %arg4: memref<16416x128xf32, #tpu.memory_space<hbm>>, %arg5: memref<16400xi32, #tpu.memory_space<vmem>>, %arg6: memref<16400xi32, #tpu.memory_space<vmem>>, %arg7: memref<16400xi32, #tpu.memory_space<vmem>>, %arg8: memref<4x64x256xf32, #tpu.memory_space<vmem>>, %arg9: memref<2x32x128xf32, #tpu.memory_space<vmem>>, %arg10: memref<2x32xi32, #tpu.memory_space<vmem>>, %arg11: memref<8xi32, #tpu.memory_space<smem>>, %arg12: memref<8xi32, #tpu.memory_space<smem>>, %arg13: memref<!tpu.dma_semaphore, #tpu.memory_space<semaphore_mem>>, %arg14: memref<!tpu.dma_semaphore, #tpu.memory_space<semaphore_mem>>, %arg15: memref<!tpu.dma_semaphore, #tpu.memory_space<semaphore_mem>>, %arg16: memref<!tpu.dma_semaphore, #tpu.memory_space<semaphore_mem>>, %arg17: memref<!tpu.dma_semaphore, #tpu.memory_space<semaphore_mem>>) attributes {dimension_semantics = [#tpu.dimension_semantics<core_parallel>, #tpu.dimension_semantics<subcore_parallel>], iteration_bounds = array<i64: 2, 16>, scalar_prefetch = 0 : i64, scratch_operands = 13 : i64, tpu.core_type = #tpu.core_type<sc_vector_subcore>, window_params = [{transform_indices = #map}, {transform_indices = #map1}, {transform_indices = #map1}]} {
    %mul3A = arith.constant 2 : i32
    %mul3A_0 = arith.muli %arg1, %mul3A : i32
    %add3A = arith.addi %mul3A_0, %arg0 : i32
    %iota3A = tpu.iota {dimensions = array<i32: 0>} : vector<16xi32>
    %mul3A_1 = arith.constant 245 : i32
    %mul3A_2 = arith.muli %add3A, %mul3A_1 : i32
    %add3A_3 = arith.constant 245 : i32
    %add3A_4 = arith.addi %mul3A_2, %add3A_3 : i32
    %min3A = arith.constant 7813 : i32
    %min3A_5 = arith.minsi %add3A_4, %min3A : i32
    %add3A_6 = arith.constant 0 : i32
    %add3A_7 = arith.addi %mul3A_2, %add3A_6 : i32
    %min3A_8 = arith.constant 7811 : i32
    %min3A_9 = arith.minsi %add3A_7, %min3A_8 : i32
    %mul3A_10 = arith.constant 128 : i32
    %mul3A_11 = arith.muli %min3A_9, %mul3A_10 : i32
    %dma_start3A = arith.constant 0 : i32
    %dma_start3A_12 = arith.constant 0 : i32
    %dma_start3A_13 = arith.constant 0 : i32
    %dma_start3A_14 = tpu.memref_slice %arg8[%dma_start3A, %dma_start3A_12, %dma_start3A_13] : memref<4x64x256xf32, #tpu.memory_space<vmem>> -> memref<1x64x256xf32, #tpu.memory_space<vmem>>
    %dma_start3A_15 = tpu.memref_squeeze %dma_start3A_14 : memref<1x64x256xf32, #tpu.memory_space<vmem>> -> memref<64x256xf32, #tpu.memory_space<vmem>>
    %dma_start3A_16 = arith.constant 0 : i32
    %dma_start3A_17 = arith.constant 0 : i32
    %dma_start3A_18 = tpu.memref_slice %dma_start3A_15[%dma_start3A_16, %dma_start3A_17] : memref<64x256xf32, #tpu.memory_space<vmem>> -> memref<32x256xf32, #tpu.memory_space<vmem>>
    %dma_start3A_19 = arith.constant 0 : i32
    %dma_start3A_20 = tpu.memref_slice %arg3[%dma_start3A_19, %mul3A_11] : memref<64x1000001xf32, #tpu.memory_space<hbm>> -> memref<32x256xf32, #tpu.memory_space<hbm>>
    %dma_start3A_21 = arith.constant 0 : i32
    %dma_start3A_22 = arith.constant 0 : i32
    %dma_start3A_23 = tpu.memref_slice %arg8[%dma_start3A, %dma_start3A_21, %dma_start3A_22] : memref<4x64x256xf32, #tpu.memory_space<vmem>> -> memref<1x64x256xf32, #tpu.memory_space<vmem>>
    %dma_start3A_24 = tpu.memref_squeeze %dma_start3A_23 : memref<1x64x256xf32, #tpu.memory_space<vmem>> -> memref<64x256xf32, #tpu.memory_space<vmem>>
    %dma_start3A_25 = arith.constant 0 : i32
    %dma_start3A_26 = arith.constant 0 : i32
    %dma_start3A_27 = tpu.memref_slice %dma_start3A_24[%dma_start3A_25, %dma_start3A_26] : memref<64x256xf32, #tpu.memory_space<vmem>> -> memref<32x256xf32, #tpu.memory_space<vmem>>
    %dma_start3A_28 = arith.constant 0 : i32
    %dma_start3A_29 = tpu.memref_slice %arg3[%dma_start3A_28, %mul3A_11] : memref<64x1000001xf32, #tpu.memory_space<hbm>> -> memref<32x256xf32, #tpu.memory_space<hbm>>
    tpu.enqueue_dma source(%dma_start3A_29 : memref<32x256xf32, #tpu.memory_space<hbm>>) target(%dma_start3A_27 : memref<32x256xf32, #tpu.memory_space<vmem>>) target_semaphore(%arg13 : memref<!tpu.dma_semaphore, #tpu.memory_space<semaphore_mem>>)
    %dma_start3A_30 = arith.constant 0 : i32
    %dma_start3A_31 = arith.constant 0 : i32
    %dma_start3A_32 = arith.constant 0 : i32
    %dma_start3A_33 = tpu.memref_slice %arg8[%dma_start3A_30, %dma_start3A_31, %dma_start3A_32] : memref<4x64x256xf32, #tpu.memory_space<vmem>> -> memref<1x64x256xf32, #tpu.memory_space<vmem>>
    %dma_start3A_34 = tpu.memref_squeeze %dma_start3A_33 : memref<1x64x256xf32, #tpu.memory_space<vmem>> -> memref<64x256xf32, #tpu.memory_space<vmem>>
    %dma_start3A_35 = arith.constant 32 : i32
    %dma_start3A_36 = arith.constant 0 : i32
    %dma_start3A_37 = tpu.memref_slice %dma_start3A_34[%dma_start3A_35, %dma_start3A_36] : memref<64x256xf32, #tpu.memory_space<vmem>> -> memref<32x256xf32, #tpu.memory_space<vmem>>
    %dma_start3A_38 = arith.constant 32 : i32
    %dma_start3A_39 = tpu.memref_slice %arg3[%dma_start3A_38, %mul3A_11] : memref<64x1000001xf32, #tpu.memory_space<hbm>> -> memref<32x256xf32, #tpu.memory_space<hbm>>
    %dma_start3A_40 = arith.constant 0 : i32
    %dma_start3A_41 = arith.constant 0 : i32
    %dma_start3A_42 = tpu.memref_slice %arg8[%dma_start3A_30, %dma_start3A_40, %dma_start3A_41] : memref<4x64x256xf32, #tpu.memory_space<vmem>> -> memref<1x64x256xf32, #tpu.memory_space<vmem>>
    %dma_start3A_43 = tpu.memref_squeeze %dma_start3A_42 : memref<1x64x256xf32, #tpu.memory_space<vmem>> -> memref<64x256xf32, #tpu.memory_space<vmem>>
    %dma_start3A_44 = arith.constant 32 : i32
    %dma_start3A_45 = arith.constant 0 : i32
    %dma_start3A_46 = tpu.memref_slice %dma_start3A_43[%dma_start3A_44, %dma_start3A_45] : memref<64x256xf32, #tpu.memory_space<vmem>> -> memref<32x256xf32, #tpu.memory_space<vmem>>
    %dma_start3A_47 = arith.constant 32 : i32
    %dma_start3A_48 = tpu.memref_slice %arg3[%dma_start3A_47, %mul3A_11] : memref<64x1000001xf32, #tpu.memory_space<hbm>> -> memref<32x256xf32, #tpu.memory_space<hbm>>
    tpu.enqueue_dma source(%dma_start3A_48 : memref<32x256xf32, #tpu.memory_space<hbm>>) target(%dma_start3A_46 : memref<32x256xf32, #tpu.memory_space<vmem>>) target_semaphore(%arg13 : memref<!tpu.dma_semaphore, #tpu.memory_space<semaphore_mem>>)
    %add3A_49 = arith.constant 2 : i32
    %add3A_50 = arith.addi %mul3A_2, %add3A_49 : i32
    %min3A_51 = arith.constant 7811 : i32
    %min3A_52 = arith.minsi %add3A_50, %min3A_51 : i32
    %mul3A_53 = arith.constant 128 : i32
    %mul3A_54 = arith.muli %min3A_52, %mul3A_53 : i32
    %dma_start3A_55 = arith.constant 1 : i32
    %dma_start3A_56 = arith.constant 0 : i32
    %dma_start3A_57 = arith.constant 0 : i32
    %dma_start3A_58 = tpu.memref_slice %arg8[%dma_start3A_55, %dma_start3A_56, %dma_start3A_57] : memref<4x64x256xf32, #tpu.memory_space<vmem>> -> memref<1x64x256xf32, #tpu.memory_space<vmem>>
    %dma_start3A_59 = tpu.memref_squeeze %dma_start3A_58 : memref<1x64x256xf32, #tpu.memory_space<vmem>> -> memref<64x256xf32, #tpu.memory_space<vmem>>
    %dma_start3A_60 = arith.constant 0 : i32
    %dma_start3A_61 = arith.constant 0 : i32
    %dma_start3A_62 = tpu.memref_slice %dma_start3A_59[%dma_start3A_60, %dma_start3A_61] : memref<64x256xf32, #tpu.memory_space<vmem>> -> memref<32x256xf32, #tpu.memory_space<vmem>>
    %dma_start3A_63 = arith.constant 0 : i32
    %dma_start3A_64 = tpu.memref_slice %arg3[%dma_start3A_63, %mul3A_54] : memref<64x1000001xf32, #tpu.memory_space<hbm>> -> memref<32x256xf32, #tpu.memory_space<hbm>>
    %dma_start3A_65 = arith.constant 0 : i32
    %dma_start3A_66 = arith.constant 0 : i32
    %dma_start3A_67 = tpu.memref_slice %arg8[%dma_start3A_55, %dma_start3A_65, %dma_start3A_66] : memref<4x64x256xf32, #tpu.memory_space<vmem>> -> memref<1x64x256xf32, #tpu.memory_space<vmem>>
    %dma_start3A_68 = tpu.memref_squeeze %dma_start3A_67 : memref<1x64x256xf32, #tpu.memory_space<vmem>> -> memref<64x256xf32, #tpu.memory_space<vmem>>
    %dma_start3A_69 = arith.constant 0 : i32
    %dma_start3A_70 = arith.constant 0 : i32
    %dma_start3A_71 = tpu.memref_slice %dma_start3A_68[%dma_start3A_69, %dma_start3A_70] : memref<64x256xf32, #tpu.memory_space<vmem>> -> memref<32x256xf32, #tpu.memory_space<vmem>>
    %dma_start3A_72 = arith.constant 0 : i32
    %dma_start3A_73 = tpu.memref_slice %arg3[%dma_start3A_72, %mul3A_54] : memref<64x1000001xf32, #tpu.memory_space<hbm>> -> memref<32x256xf32, #tpu.memory_space<hbm>>
    tpu.enqueue_dma source(%dma_start3A_73 : memref<32x256xf32, #tpu.memory_space<hbm>>) target(%dma_start3A_71 : memref<32x256xf32, #tpu.memory_space<vmem>>) target_semaphore(%arg14 : memref<!tpu.dma_semaphore, #tpu.memory_space<semaphore_mem>>)
    %dma_start3A_74 = arith.constant 1 : i32
    %dma_start3A_75 = arith.constant 0 : i32
    %dma_start3A_76 = arith.constant 0 : i32
    %dma_start3A_77 = tpu.memref_slice %arg8[%dma_start3A_74, %dma_start3A_75, %dma_start3A_76] : memref<4x64x256xf32, #tpu.memory_space<vmem>> -> memref<1x64x256xf32, #tpu.memory_space<vmem>>
    %dma_start3A_78 = tpu.memref_squeeze %dma_start3A_77 : memref<1x64x256xf32, #tpu.memory_space<vmem>> -> memref<64x256xf32, #tpu.memory_space<vmem>>
    %dma_start3A_79 = arith.constant 32 : i32
    %dma_start3A_80 = arith.constant 0 : i32
    %dma_start3A_81 = tpu.memref_slice %dma_start3A_78[%dma_start3A_79, %dma_start3A_80] : memref<64x256xf32, #tpu.memory_space<vmem>> -> memref<32x256xf32, #tpu.memory_space<vmem>>
    %dma_start3A_82 = arith.constant 32 : i32
    %dma_start3A_83 = tpu.memref_slice %arg3[%dma_start3A_82, %mul3A_54] : memref<64x1000001xf32, #tpu.memory_space<hbm>> -> memref<32x256xf32, #tpu.memory_space<hbm>>
    %dma_start3A_84 = arith.constant 0 : i32
    %dma_start3A_85 = arith.constant 0 : i32
    %dma_start3A_86 = tpu.memref_slice %arg8[%dma_start3A_74, %dma_start3A_84, %dma_start3A_85] : memref<4x64x256xf32, #tpu.memory_space<vmem>> -> memref<1x64x256xf32, #tpu.memory_space<vmem>>
    %dma_start3A_87 = tpu.memref_squeeze %dma_start3A_86 : memref<1x64x256xf32, #tpu.memory_space<vmem>> -> memref<64x256xf32, #tpu.memory_space<vmem>>
    %dma_start3A_88 = arith.constant 32 : i32
    %dma_start3A_89 = arith.constant 0 : i32
    %dma_start3A_90 = tpu.memref_slice %dma_start3A_87[%dma_start3A_88, %dma_start3A_89] : memref<64x256xf32, #tpu.memory_space<vmem>> -> memref<32x256xf32, #tpu.memory_space<vmem>>
    %dma_start3A_91 = arith.constant 32 : i32
    %dma_start3A_92 = tpu.memref_slice %arg3[%dma_start3A_91, %mul3A_54] : memref<64x1000001xf32, #tpu.memory_space<hbm>> -> memref<32x256xf32, #tpu.memory_space<hbm>>
    tpu.enqueue_dma source(%dma_start3A_92 : memref<32x256xf32, #tpu.memory_space<hbm>>) target(%dma_start3A_90 : memref<32x256xf32, #tpu.memory_space<vmem>>) target_semaphore(%arg14 : memref<!tpu.dma_semaphore, #tpu.memory_space<semaphore_mem>>)
    %add3A_93 = arith.constant 4 : i32
    %add3A_94 = arith.addi %mul3A_2, %add3A_93 : i32
    %min3A_95 = arith.constant 7811 : i32
    %min3A_96 = arith.minsi %add3A_94, %min3A_95 : i32
    %mul3A_97 = arith.constant 128 : i32
    %mul3A_98 = arith.muli %min3A_96, %mul3A_97 : i32
    %dma_start3A_99 = arith.constant 2 : i32
    %dma_start3A_100 = arith.constant 0 : i32
    %dma_start3A_101 = arith.constant 0 : i32
    %dma_start3A_102 = tpu.memref_slice %arg8[%dma_start3A_99, %dma_start3A_100, %dma_start3A_101] : memref<4x64x256xf32, #tpu.memory_space<vmem>> -> memref<1x64x256xf32, #tpu.memory_space<vmem>>
    %dma_start3A_103 = tpu.memref_squeeze %dma_start3A_102 : memref<1x64x256xf32, #tpu.memory_space<vmem>> -> memref<64x256xf32, #tpu.memory_space<vmem>>
    %dma_start3A_104 = arith.constant 0 : i32
    %dma_start3A_105 = arith.constant 0 : i32
    %dma_start3A_106 = tpu.memref_slice %dma_start3A_103[%dma_start3A_104, %dma_start3A_105] : memref<64x256xf32, #tpu.memory_space<vmem>> -> memref<32x256xf32, #tpu.memory_space<vmem>>
    %dma_start3A_107 = arith.constant 0 : i32
    %dma_start3A_108 = tpu.memref_slice %arg3[%dma_start3A_107, %mul3A_98] : memref<64x1000001xf32, #tpu.memory_space<hbm>> -> memref<32x256xf32, #tpu.memory_space<hbm>>
    %dma_start3A_109 = arith.constant 0 : i32
    %dma_start3A_110 = arith.constant 0 : i32
    %dma_start3A_111 = tpu.memref_slice %arg8[%dma_start3A_99, %dma_start3A_109, %dma_start3A_110] : memref<4x64x256xf32, #tpu.memory_space<vmem>> -> memref<1x64x256xf32, #tpu.memory_space<vmem>>
    %dma_start3A_112 = tpu.memref_squeeze %dma_start3A_111 : memref<1x64x256xf32, #tpu.memory_space<vmem>> -> memref<64x256xf32, #tpu.memory_space<vmem>>
    %dma_start3A_113 = arith.constant 0 : i32
    %dma_start3A_114 = arith.constant 0 : i32
    %dma_start3A_115 = tpu.memref_slice %dma_start3A_112[%dma_start3A_113, %dma_start3A_114] : memref<64x256xf32, #tpu.memory_space<vmem>> -> memref<32x256xf32, #tpu.memory_space<vmem>>
    %dma_start3A_116 = arith.constant 0 : i32
    %dma_start3A_117 = tpu.memref_slice %arg3[%dma_start3A_116, %mul3A_98] : memref<64x1000001xf32, #tpu.memory_space<hbm>> -> memref<32x256xf32, #tpu.memory_space<hbm>>
    tpu.enqueue_dma source(%dma_start3A_117 : memref<32x256xf32, #tpu.memory_space<hbm>>) target(%dma_start3A_115 : memref<32x256xf32, #tpu.memory_space<vmem>>) target_semaphore(%arg15 : memref<!tpu.dma_semaphore, #tpu.memory_space<semaphore_mem>>)
    %dma_start3A_118 = arith.constant 2 : i32
    %dma_start3A_119 = arith.constant 0 : i32
    %dma_start3A_120 = arith.constant 0 : i32
    %dma_start3A_121 = tpu.memref_slice %arg8[%dma_start3A_118, %dma_start3A_119, %dma_start3A_120] : memref<4x64x256xf32, #tpu.memory_space<vmem>> -> memref<1x64x256xf32, #tpu.memory_space<vmem>>
    %dma_start3A_122 = tpu.memref_squeeze %dma_start3A_121 : memref<1x64x256xf32, #tpu.memory_space<vmem>> -> memref<64x256xf32, #tpu.memory_space<vmem>>
    %dma_start3A_123 = arith.constant 32 : i32
    %dma_start3A_124 = arith.constant 0 : i32
    %dma_start3A_125 = tpu.memref_slice %dma_start3A_122[%dma_start3A_123, %dma_start3A_124] : memref<64x256xf32, #tpu.memory_space<vmem>> -> memref<32x256xf32, #tpu.memory_space<vmem>>
    %dma_start3A_126 = arith.constant 32 : i32
    %dma_start3A_127 = tpu.memref_slice %arg3[%dma_start3A_126, %mul3A_98] : memref<64x1000001xf32, #tpu.memory_space<hbm>> -> memref<32x256xf32, #tpu.memory_space<hbm>>
    %dma_start3A_128 = arith.constant 0 : i32
    %dma_start3A_129 = arith.constant 0 : i32
    %dma_start3A_130 = tpu.memref_slice %arg8[%dma_start3A_118, %dma_start3A_128, %dma_start3A_129] : memref<4x64x256xf32, #tpu.memory_space<vmem>> -> memref<1x64x256xf32, #tpu.memory_space<vmem>>
    %dma_start3A_131 = tpu.memref_squeeze %dma_start3A_130 : memref<1x64x256xf32, #tpu.memory_space<vmem>> -> memref<64x256xf32, #tpu.memory_space<vmem>>
    %dma_start3A_132 = arith.constant 32 : i32
    %dma_start3A_133 = arith.constant 0 : i32
    %dma_start3A_134 = tpu.memref_slice %dma_start3A_131[%dma_start3A_132, %dma_start3A_133] : memref<64x256xf32, #tpu.memory_space<vmem>> -> memref<32x256xf32, #tpu.memory_space<vmem>>
    %dma_start3A_135 = arith.constant 32 : i32
    %dma_start3A_136 = tpu.memref_slice %arg3[%dma_start3A_135, %mul3A_98] : memref<64x1000001xf32, #tpu.memory_space<hbm>> -> memref<32x256xf32, #tpu.memory_space<hbm>>
    tpu.enqueue_dma source(%dma_start3A_136 : memref<32x256xf32, #tpu.memory_space<hbm>>) target(%dma_start3A_134 : memref<32x256xf32, #tpu.memory_space<vmem>>) target_semaphore(%arg15 : memref<!tpu.dma_semaphore, #tpu.memory_space<semaphore_mem>>)
    %add3A_137 = arith.constant 6 : i32
    %add3A_138 = arith.addi %mul3A_2, %add3A_137 : i32
    %min3A_139 = arith.constant 7811 : i32
    %min3A_140 = arith.minsi %add3A_138, %min3A_139 : i32
    %mul3A_141 = arith.constant 128 : i32
    %mul3A_142 = arith.muli %min3A_140, %mul3A_141 : i32
    %dma_start3A_143 = arith.constant 3 : i32
    %dma_start3A_144 = arith.constant 0 : i32
    %dma_start3A_145 = arith.constant 0 : i32
    %dma_start3A_146 = tpu.memref_slice %arg8[%dma_start3A_143, %dma_start3A_144, %dma_start3A_145] : memref<4x64x256xf32, #tpu.memory_space<vmem>> -> memref<1x64x256xf32, #tpu.memory_space<vmem>>
    %dma_start3A_147 = tpu.memref_squeeze %dma_start3A_146 : memref<1x64x256xf32, #tpu.memory_space<vmem>> -> memref<64x256xf32, #tpu.memory_space<vmem>>
    %dma_start3A_148 = arith.constant 0 : i32
    %dma_start3A_149 = arith.constant 0 : i32
    %dma_start3A_150 = tpu.memref_slice %dma_start3A_147[%dma_start3A_148, %dma_start3A_149] : memref<64x256xf32, #tpu.memory_space<vmem>> -> memref<32x256xf32, #tpu.memory_space<vmem>>
    %dma_start3A_151 = arith.constant 0 : i32
    %dma_start3A_152 = tpu.memref_slice %arg3[%dma_start3A_151, %mul3A_142] : memref<64x1000001xf32, #tpu.memory_space<hbm>> -> memref<32x256xf32, #tpu.memory_space<hbm>>
    %dma_start3A_153 = arith.constant 0 : i32
    %dma_start3A_154 = arith.constant 0 : i32
    %dma_start3A_155 = tpu.memref_slice %arg8[%dma_start3A_143, %dma_start3A_153, %dma_start3A_154] : memref<4x64x256xf32, #tpu.memory_space<vmem>> -> memref<1x64x256xf32, #tpu.memory_space<vmem>>
    %dma_start3A_156 = tpu.memref_squeeze %dma_start3A_155 : memref<1x64x256xf32, #tpu.memory_space<vmem>> -> memref<64x256xf32, #tpu.memory_space<vmem>>
    %dma_start3A_157 = arith.constant 0 : i32
    %dma_start3A_158 = arith.constant 0 : i32
    %dma_start3A_159 = tpu.memref_slice %dma_start3A_156[%dma_start3A_157, %dma_start3A_158] : memref<64x256xf32, #tpu.memory_space<vmem>> -> memref<32x256xf32, #tpu.memory_space<vmem>>
    %dma_start3A_160 = arith.constant 0 : i32
    %dma_start3A_161 = tpu.memref_slice %arg3[%dma_start3A_160, %mul3A_142] : memref<64x1000001xf32, #tpu.memory_space<hbm>> -> memref<32x256xf32, #tpu.memory_space<hbm>>
    tpu.enqueue_dma source(%dma_start3A_161 : memref<32x256xf32, #tpu.memory_space<hbm>>) target(%dma_start3A_159 : memref<32x256xf32, #tpu.memory_space<vmem>>) target_semaphore(%arg16 : memref<!tpu.dma_semaphore, #tpu.memory_space<semaphore_mem>>)
    %dma_start3A_162 = arith.constant 3 : i32
    %dma_start3A_163 = arith.constant 0 : i32
    %dma_start3A_164 = arith.constant 0 : i32
    %dma_start3A_165 = tpu.memref_slice %arg8[%dma_start3A_162, %dma_start3A_163, %dma_start3A_164] : memref<4x64x256xf32, #tpu.memory_space<vmem>> -> memref<1x64x256xf32, #tpu.memory_space<vmem>>
    %dma_start3A_166 = tpu.memref_squeeze %dma_start3A_165 : memref<1x64x256xf32, #tpu.memory_space<vmem>> -> memref<64x256xf32, #tpu.memory_space<vmem>>
    %dma_start3A_167 = arith.constant 32 : i32
    %dma_start3A_168 = arith.constant 0 : i32
    %dma_start3A_169 = tpu.memref_slice %dma_start3A_166[%dma_start3A_167, %dma_start3A_168] : memref<64x256xf32, #tpu.memory_space<vmem>> -> memref<32x256xf32, #tpu.memory_space<vmem>>
    %dma_start3A_170 = arith.constant 32 : i32
    %dma_start3A_171 = tpu.memref_slice %arg3[%dma_start3A_170, %mul3A_142] : memref<64x1000001xf32, #tpu.memory_space<hbm>> -> memref<32x256xf32, #tpu.memory_space<hbm>>
    %dma_start3A_172 = arith.constant 0 : i32
    %dma_start3A_173 = arith.constant 0 : i32
    %dma_start3A_174 = tpu.memref_slice %arg8[%dma_start3A_162, %dma_start3A_172, %dma_start3A_173] : memref<4x64x256xf32, #tpu.memory_space<vmem>> -> memref<1x64x256xf32, #tpu.memory_space<vmem>>
    %dma_start3A_175 = tpu.memref_squeeze %dma_start3A_174 : memref<1x64x256xf32, #tpu.memory_space<vmem>> -> memref<64x256xf32, #tpu.memory_space<vmem>>
    %dma_start3A_176 = arith.constant 32 : i32
    %dma_start3A_177 = arith.constant 0 : i32
    %dma_start3A_178 = tpu.memref_slice %dma_start3A_175[%dma_start3A_176, %dma_start3A_177] : memref<64x256xf32, #tpu.memory_space<vmem>> -> memref<32x256xf32, #tpu.memory_space<vmem>>
    %dma_start3A_179 = arith.constant 32 : i32
    %dma_start3A_180 = tpu.memref_slice %arg3[%dma_start3A_179, %mul3A_142] : memref<64x1000001xf32, #tpu.memory_space<hbm>> -> memref<32x256xf32, #tpu.memory_space<hbm>>
    tpu.enqueue_dma source(%dma_start3A_180 : memref<32x256xf32, #tpu.memory_space<hbm>>) target(%dma_start3A_178 : memref<32x256xf32, #tpu.memory_space<vmem>>) target_semaphore(%arg16 : memref<!tpu.dma_semaphore, #tpu.memory_space<semaphore_mem>>)
    "tpu.region"() ({
      %run_scoped3A = tpu.sem_alloc : memref<!tpu.dma_semaphore, #tpu.memory_space<semaphore_mem>>
      %dma_start3A_498 = arith.constant 0 : i32
      %dma_start3A_499 = tpu.memref_slice %arg5[%dma_start3A_498] : memref<16400xi32, #tpu.memory_space<vmem>> -> memref<16384xi32, #tpu.memory_space<vmem>>
      %dma_start3A_500 = arith.constant 0 : i32
      %dma_start3A_501 = tpu.memref_slice %arg5[%dma_start3A_500] : memref<16400xi32, #tpu.memory_space<vmem>> -> memref<16384xi32, #tpu.memory_space<vmem>>
      tpu.enqueue_dma source(%arg2 : memref<16384xi32, #tpu.memory_space<hbm>>) target(%dma_start3A_501 : memref<16384xi32, #tpu.memory_space<vmem>>) target_semaphore(%run_scoped3A : memref<!tpu.dma_semaphore, #tpu.memory_space<semaphore_mem>>)
      %dma_wait3A_502 = arith.constant 0 : i32
      %dma_wait3A_503 = tpu.memref_slice %arg5[%dma_wait3A_502] : memref<16400xi32, #tpu.memory_space<vmem>> -> memref<16384xi32, #tpu.memory_space<vmem>>
      %dma_wait3A_504 = arith.constant 0 : i32
      %dma_wait3A_505 = tpu.memref_slice %arg5[%dma_wait3A_504] : memref<16400xi32, #tpu.memory_space<vmem>> -> memref<16384xi32, #tpu.memory_space<vmem>>
      tpu.wait_dma2 semaphore(%run_scoped3A : memref<!tpu.dma_semaphore, #tpu.memory_space<semaphore_mem>>) src(%arg2 : memref<16384xi32, #tpu.memory_space<hbm>>) dst(%dma_wait3A_505 : memref<16384xi32, #tpu.memory_space<vmem>>)
      tpu.yield
    }) : () -> ()
    %scan3A = arith.constant 0 : i32
    %scan3A_181 = arith.constant 0 : i32
    %scan3A_182 = arith.constant 1024 : i32
    %scan3A_183 = arith.addi %scan3A_181, %scan3A_182 : i32
    %scan3A_184 = arith.constant 1 : i32
    %scan3A_185 = scf.for %scan3A_498 = %scan3A_181 to %scan3A_183 step %scan3A_184 iter_args(%scan3A_499 = %scan3A) -> (i32)  : i32 {
      %mul3A_500 = arith.constant 16 : i32
      %mul3A_501 = arith.muli %scan3A_498, %mul3A_500 : i32
      %get3A_502 = arith.index_cast %mul3A_501 : i32 to index
      %get3A_503 = tpu.vector_load %arg5[%get3A_502] {strides = array<i32>} : memref<16400xi32, #tpu.memory_space<vmem>>, vector<16xi32>,
      %shift_right_logical3A = arith.constant 7 : i32
      %shift_right_logical3A_504 = vector.broadcast %shift_right_logical3A : i32 to vector<16xi32>
      %shift_right_logical3A_505 = arith.shrui %get3A_503, %shift_right_logical3A_504 : vector<16xi32>
      %ge3A_506 = vector.broadcast %mul3A_2 : i32 to vector<16xi32>
      %ge3A_507 = arith.cmpi sge, %shift_right_logical3A_505, %ge3A_506 : vector<16xi32>
      %lt3A_508 = vector.broadcast %min3A_5 : i32 to vector<16xi32>
      %lt3A_509 = arith.cmpi slt, %shift_right_logical3A_505, %lt3A_508 : vector<16xi32>
      %and3A_510 = arith.andi %ge3A_507, %lt3A_509 : vector<16xi1>
      %jit3A_511 = arith.constant 1 : i32
      %jit3A_512 = arith.constant 0 : i32
      %broadcast_in_dim3A_513 = vector.broadcast %jit3A_511 : i32 to vector<16xi32>
      %broadcast_in_dim3A_514 = vector.broadcast %jit3A_512 : i32 to vector<16xi32>
      %select_n3A_515 = arith.select %and3A_510, %broadcast_in_dim3A_513, %broadcast_in_dim3A_514 : vector<16xi1>, vector<16xi32>
      %broadcast_in_dim3A_516 = arith.constant true
      %broadcast_in_dim3A_517 = vector.broadcast %broadcast_in_dim3A_516 : i1 to vector<16xi1>
      %masked_cumsum3A = tpu.scan <sum>, %select_n3A_515 masked %broadcast_in_dim3A_517 : vector<16xi32>, vector<16xi1> -> vector<16xi32>
      %add3A_518 = vector.broadcast %scan3A_499 : i32 to vector<16xi32>
      %add3A_519 = arith.addi %add3A_518, %masked_cumsum3A : vector<16xi32>
      %sub3A_520 = arith.constant 1 : i32
      %sub3A_521 = vector.broadcast %sub3A_520 : i32 to vector<16xi32>
      %sub3A_522 = arith.subi %add3A_519, %sub3A_521 : vector<16xi32>
      %mul3A_523 = arith.constant 16 : i32
      %mul3A_524 = arith.muli %scan3A_498, %mul3A_523 : i32
      %add3A_525 = vector.broadcast %mul3A_524 : i32 to vector<16xi32>
      %add3A_526 = arith.addi %add3A_525, %iota3A : vector<16xi32>
      tpu.vector_store_idx %arg7[%sub3A_522], %add3A_526 masked %and3A_510 : memref<16400xi32, #tpu.memory_space<vmem>>[vector<16xi32>], vector<16xi32>, vector<16xi1>
      %slice3A = vector.extract_strided_slice %masked_cumsum3A {offsets = [15], sizes = [1], strides = [1]} : vector<16xi32> to vector<1xi32>
      %squeeze3A = vector.extract %slice3A[0] : i32 from vector<1xi32>
      %add3A_527 = arith.addi %scan3A_499, %squeeze3A : i32
      scf.yield %add3A_527 : i32
    }
    %scan3A_186 = arith.constant 1024 : i32
    %add3A_187 = arith.constant 15 : i32
    %add3A_188 = arith.addi %scan3A_185, %add3A_187 : i32
    %jit3A = arith.constant 16 : i32
    %div3A = arith.divsi %add3A_188, %jit3A : i32
    %sign3A = arith.constant 0 : i32
    %sign3A_189 = arith.cmpi sgt, %add3A_188, %sign3A : i32
    %sign3A_190 = arith.extui %sign3A_189 : i1 to i32
    %sign3A_191 = arith.constant 0 : i32
    %sign3A_192 = arith.cmpi slt, %add3A_188, %sign3A_191 : i32
    %sign3A_193 = arith.extui %sign3A_192 : i1 to i32
    %sign3A_194 = arith.subi %sign3A_190, %sign3A_193 : i32
    %sign3A_195 = arith.constant 0 : i32
    %sign3A_196 = arith.cmpi sgt, %jit3A, %sign3A_195 : i32
    %sign3A_197 = arith.extui %sign3A_196 : i1 to i32
    %sign3A_198 = arith.constant 0 : i32
    %sign3A_199 = arith.cmpi slt, %jit3A, %sign3A_198 : i32
    %sign3A_200 = arith.extui %sign3A_199 : i1 to i32
    %sign3A_201 = arith.subi %sign3A_197, %sign3A_200 : i32
    %ne3A = arith.cmpi ne, %sign3A_194, %sign3A_201 : i32
    %rem3A = arith.remsi %add3A_188, %jit3A : i32
    %ne3A_202 = arith.constant 0 : i32
    %ne3A_203 = arith.cmpi ne, %rem3A, %ne3A_202 : i32
    %and3A = arith.andi %ne3A, %ne3A_203 : i1
    %sub3A = arith.constant 1 : i32
    %sub3A_204 = arith.subi %div3A, %sub3A : i32
    %select_n3A = arith.select %and3A, %sub3A_204, %div3A : i32
    %swap3A = arith.constant 0 : i32
    %swap3A_205 = arith.constant 0 : i32
    %swap3A_206 = arith.index_cast %swap3A_205 : i32 to index
    %swap3A_207 = memref.load %arg11[%swap3A_206] : memref<8xi32, #tpu.memory_space<smem>>
    memref.store %swap3A, %arg11[%swap3A_206] : memref<8xi32, #tpu.memory_space<smem>>
    %while3A = arith.constant 0 : i32
    %while3A_208 = arith.constant 0 : i32
    %while3A_209 = arith.subi %select_n3A, %while3A : i32
    %while3A_210 = arith.addi %while3A, %while3A_209 : i32
    %while3A_211 = arith.constant 1 : i32
    %while3A_212 = arith.divsi %while3A_209, %while3A_211 : i32
    %while3A_213 = arith.muli %while3A_212, %while3A_211 : i32
    %while3A_214 = arith.addi %while3A, %while3A_213 : i32
    %while3A_215 = arith.constant 1 : i32
    %while3A_216 = scf.for %while3A_498 = %while3A to %while3A_214 step %while3A_215 iter_args(%while3A_499 = %while3A_208) -> (i32)  : i32 {
      %mul3A_500 = arith.constant 16 : i32
      %mul3A_501 = arith.muli %while3A_498, %mul3A_500 : i32
      %add3A_502 = vector.broadcast %mul3A_501 : i32 to vector<16xi32>
      %add3A_503 = arith.addi %add3A_502, %iota3A : vector<16xi32>
      %lt3A_504 = vector.broadcast %scan3A_185 : i32 to vector<16xi32>
      %lt3A_505 = arith.cmpi slt, %add3A_503, %lt3A_504 : vector<16xi32>
      %mul3A_506 = arith.constant 16 : i32
      %mul3A_507 = arith.muli %while3A_498, %mul3A_506 : i32
      %get3A_508 = arith.index_cast %mul3A_507 : i32 to index
      %get3A_509 = tpu.vector_load %arg7[%get3A_508] {strides = array<i32>} : memref<16400xi32, #tpu.memory_space<vmem>>, vector<16xi32>,
      %gather3A = tpu.vector_load_idx %arg5[%get3A_509] masked %lt3A_505 : memref<16400xi32, #tpu.memory_space<vmem>>[vector<16xi32>], vector<16xi32>, vector<16xi1>
      %shift_right_logical3A = arith.constant 7 : i32
      %shift_right_logical3A_510 = vector.broadcast %shift_right_logical3A : i32 to vector<16xi32>
      %shift_right_logical3A_511 = arith.shrui %gather3A, %shift_right_logical3A_510 : vector<16xi32>
      %sub3A_512 = vector.broadcast %mul3A_2 : i32 to vector<16xi32>
      %sub3A_513 = arith.subi %shift_right_logical3A_511, %sub3A_512 : vector<16xi32>
      %shift_right_logical3A_514 = arith.constant 5 : i32
      %shift_right_logical3A_515 = vector.broadcast %shift_right_logical3A_514 : i32 to vector<16xi32>
      %shift_right_logical3A_516 = arith.shrui %sub3A_513, %shift_right_logical3A_515 : vector<16xi32>
      %eq3A_517 = arith.constant 0 : i32
      %eq3A_518 = vector.broadcast %eq3A_517 : i32 to vector<16xi32>
      %eq3A_519 = arith.cmpi eq, %shift_right_logical3A_516, %eq3A_518 : vector<16xi32>
      %and3A_520 = arith.andi %lt3A_505, %eq3A_519 : vector<16xi1>
      %jit3A_521 = arith.constant 1 : i32
      %jit3A_522 = arith.constant 0 : i32
      %broadcast_in_dim3A_523 = vector.broadcast %jit3A_521 : i32 to vector<16xi32>
      %broadcast_in_dim3A_524 = vector.broadcast %jit3A_522 : i32 to vector<16xi32>
      %select_n3A_525 = arith.select %and3A_520, %broadcast_in_dim3A_523, %broadcast_in_dim3A_524 : vector<16xi1>, vector<16xi32>
      %broadcast_in_dim3A_526 = arith.constant true
      %broadcast_in_dim3A_527 = vector.broadcast %broadcast_in_dim3A_526 : i1 to vector<16xi1>
      %masked_cumsum3A = tpu.scan <sum>, %select_n3A_525 masked %broadcast_in_dim3A_527 : vector<16xi32>, vector<16xi1> -> vector<16xi32>
      %add3A_528 = vector.broadcast %while3A_499 : i32 to vector<16xi32>
      %add3A_529 = arith.addi %add3A_528, %masked_cumsum3A : vector<16xi32>
      %sub3A_530 = arith.constant 1 : i32
      %sub3A_531 = vector.broadcast %sub3A_530 : i32 to vector<16xi32>
      %sub3A_532 = arith.subi %add3A_529, %sub3A_531 : vector<16xi32>
      tpu.vector_store_idx %arg6[%sub3A_532], %get3A_509 masked %and3A_520 : memref<16400xi32, #tpu.memory_space<vmem>>[vector<16xi32>], vector<16xi32>, vector<16xi1>
      %slice3A = vector.extract_strided_slice %masked_cumsum3A {offsets = [15], sizes = [1], strides = [1]} : vector<16xi32> to vector<1xi32>
      %squeeze3A = vector.extract %slice3A[0] : i32 from vector<1xi32>
      %add3A_533 = arith.addi %while3A_499, %squeeze3A : i32
      scf.yield %add3A_533 : i32
    }
    %while3A_217 = arith.constant 1 : i32
    %while3A_218 = scf.for %while3A_498 = %while3A_214 to %while3A_210 step %while3A_217 iter_args(%while3A_499 = %while3A_216) -> (i32)  : i32 {
      %mul3A_500 = arith.constant 16 : i32
      %mul3A_501 = arith.muli %while3A_498, %mul3A_500 : i32
      %add3A_502 = vector.broadcast %mul3A_501 : i32 to vector<16xi32>
      %add3A_503 = arith.addi %add3A_502, %iota3A : vector<16xi32>
      %lt3A_504 = vector.broadcast %scan3A_185 : i32 to vector<16xi32>
      %lt3A_505 = arith.cmpi slt, %add3A_503, %lt3A_504 : vector<16xi32>
      %mul3A_506 = arith.constant 16 : i32
      %mul3A_507 = arith.muli %while3A_498, %mul3A_506 : i32
      %get3A_508 = arith.index_cast %mul3A_507 : i32 to index
      %get3A_509 = tpu.vector_load %arg7[%get3A_508] {strides = array<i32>} : memref<16400xi32, #tpu.memory_space<vmem>>, vector<16xi32>,
      %gather3A = tpu.vector_load_idx %arg5[%get3A_509] masked %lt3A_505 : memref<16400xi32, #tpu.memory_space<vmem>>[vector<16xi32>], vector<16xi32>, vector<16xi1>
      %shift_right_logical3A = arith.constant 7 : i32
      %shift_right_logical3A_510 = vector.broadcast %shift_right_logical3A : i32 to vector<16xi32>
      %shift_right_logical3A_511 = arith.shrui %gather3A, %shift_right_logical3A_510 : vector<16xi32>
      %sub3A_512 = vector.broadcast %mul3A_2 : i32 to vector<16xi32>
      %sub3A_513 = arith.subi %shift_right_logical3A_511, %sub3A_512 : vector<16xi32>
      %shift_right_logical3A_514 = arith.constant 5 : i32
      %shift_right_logical3A_515 = vector.broadcast %shift_right_logical3A_514 : i32 to vector<16xi32>
      %shift_right_logical3A_516 = arith.shrui %sub3A_513, %shift_right_logical3A_515 : vector<16xi32>
      %eq3A_517 = arith.constant 0 : i32
      %eq3A_518 = vector.broadcast %eq3A_517 : i32 to vector<16xi32>
      %eq3A_519 = arith.cmpi eq, %shift_right_logical3A_516, %eq3A_518 : vector<16xi32>
      %and3A_520 = arith.andi %lt3A_505, %eq3A_519 : vector<16xi1>
      %jit3A_521 = arith.constant 1 : i32
      %jit3A_522 = arith.constant 0 : i32
      %broadcast_in_dim3A_523 = vector.broadcast %jit3A_521 : i32 to vector<16xi32>
      %broadcast_in_dim3A_524 = vector.broadcast %jit3A_522 : i32 to vector<16xi32>
      %select_n3A_525 = arith.select %and3A_520, %broadcast_in_dim3A_523, %broadcast_in_dim3A_524 : vector<16xi1>, vector<16xi32>
      %broadcast_in_dim3A_526 = arith.constant true
      %broadcast_in_dim3A_527 = vector.broadcast %broadcast_in_dim3A_526 : i1 to vector<16xi1>
      %masked_cumsum3A = tpu.scan <sum>, %select_n3A_525 masked %broadcast_in_dim3A_527 : vector<16xi32>, vector<16xi1> -> vector<16xi32>
      %add3A_528 = vector.broadcast %while3A_499 : i32 to vector<16xi32>
      %add3A_529 = arith.addi %add3A_528, %masked_cumsum3A : vector<16xi32>
      %sub3A_530 = arith.constant 1 : i32
      %sub3A_531 = vector.broadcast %sub3A_530 : i32 to vector<16xi32>
      %sub3A_532 = arith.subi %add3A_529, %sub3A_531 : vector<16xi32>
      tpu.vector_store_idx %arg6[%sub3A_532], %get3A_509 masked %and3A_520 : memref<16400xi32, #tpu.memory_space<vmem>>[vector<16xi32>], vector<16xi32>, vector<16xi1>
      %slice3A = vector.extract_strided_slice %masked_cumsum3A {offsets = [15], sizes = [1], strides = [1]} : vector<16xi32> to vector<1xi32>
      %squeeze3A = vector.extract %slice3A[0] : i32 from vector<1xi32>
      %add3A_533 = arith.addi %while3A_499, %squeeze3A : i32
      scf.yield %add3A_533 : i32
    }
    %get3A = arith.constant 0 : i32
    %get3A_219 = arith.index_cast %get3A : i32 to index
    %get3A_220 = memref.load %arg11[%get3A_219] : memref<8xi32, #tpu.memory_space<smem>>
    %sub3A_221 = arith.subi %while3A_218, %get3A_220 : i32
    %swap3A_222 = arith.constant 0 : i32
    %swap3A_223 = arith.index_cast %swap3A_222 : i32 to index
    %swap3A_224 = memref.load %arg12[%swap3A_223] : memref<8xi32, #tpu.memory_space<smem>>
    memref.store %sub3A_221, %arg12[%swap3A_223] : memref<8xi32, #tpu.memory_space<smem>>
    %swap3A_225 = arith.constant 1 : i32
    %swap3A_226 = arith.index_cast %swap3A_225 : i32 to index
    %swap3A_227 = memref.load %arg11[%swap3A_226] : memref<8xi32, #tpu.memory_space<smem>>
    memref.store %while3A_218, %arg11[%swap3A_226] : memref<8xi32, #tpu.memory_space<smem>>
    %while3A_228 = arith.constant 0 : i32
    %while3A_229 = arith.subi %select_n3A, %while3A_228 : i32
    %while3A_230 = arith.addi %while3A_228, %while3A_229 : i32
    %while3A_231 = arith.constant 1 : i32
    %while3A_232 = arith.divsi %while3A_229, %while3A_231 : i32
    %while3A_233 = arith.muli %while3A_232, %while3A_231 : i32
    %while3A_234 = arith.addi %while3A_228, %while3A_233 : i32
    %while3A_235 = arith.constant 1 : i32
    %while3A_236 = scf.for %while3A_498 = %while3A_228 to %while3A_234 step %while3A_235 iter_args(%while3A_499 = %while3A_218) -> (i32)  : i32 {
      %mul3A_500 = arith.constant 16 : i32
      %mul3A_501 = arith.muli %while3A_498, %mul3A_500 : i32
      %add3A_502 = vector.broadcast %mul3A_501 : i32 to vector<16xi32>
      %add3A_503 = arith.addi %add3A_502, %iota3A : vector<16xi32>
      %lt3A_504 = vector.broadcast %scan3A_185 : i32 to vector<16xi32>
      %lt3A_505 = arith.cmpi slt, %add3A_503, %lt3A_504 : vector<16xi32>
      %mul3A_506 = arith.constant 16 : i32
      %mul3A_507 = arith.muli %while3A_498, %mul3A_506 : i32
      %get3A_508 = arith.index_cast %mul3A_507 : i32 to index
      %get3A_509 = tpu.vector_load %arg7[%get3A_508] {strides = array<i32>} : memref<16400xi32, #tpu.memory_space<vmem>>, vector<16xi32>,
      %gather3A = tpu.vector_load_idx %arg5[%get3A_509] masked %lt3A_505 : memref<16400xi32, #tpu.memory_space<vmem>>[vector<16xi32>], vector<16xi32>, vector<16xi1>
      %shift_right_logical3A = arith.constant 7 : i32
      %shift_right_logical3A_510 = vector.broadcast %shift_right_logical3A : i32 to vector<16xi32>
      %shift_right_logical3A_511 = arith.shrui %gather3A, %shift_right_logical3A_510 : vector<16xi32>
      %sub3A_512 = vector.broadcast %mul3A_2 : i32 to vector<16xi32>
      %sub3A_513 = arith.subi %shift_right_logical3A_511, %sub3A_512 : vector<16xi32>
      %shift_right_logical3A_514 = arith.constant 5 : i32
      %shift_right_logical3A_515 = vector.broadcast %shift_right_logical3A_514 : i32 to vector<16xi32>
      %shift_right_logical3A_516 = arith.shrui %sub3A_513, %shift_right_logical3A_515 : vector<16xi32>
      %eq3A_517 = arith.constant 1 : i32
      %eq3A_518 = vector.broadcast %eq3A_517 : i32 to vector<16xi32>
      %eq3A_519 = arith.cmpi eq, %shift_right_logical3A_516, %eq3A_518 : vector<16xi32>
      %and3A_520 = arith.andi %lt3A_505, %eq3A_519 : vector<16xi1>
      %jit3A_521 = arith.constant 1 : i32
      %jit3A_522 = arith.constant 0 : i32
      %broadcast_in_dim3A_523 = vector.broadcast %jit3A_521 : i32 to vector<16xi32>
      %broadcast_in_dim3A_524 = vector.broadcast %jit3A_522 : i32 to vector<16xi32>
      %select_n3A_525 = arith.select %and3A_520, %broadcast_in_dim3A_523, %broadcast_in_dim3A_524 : vector<16xi1>, vector<16xi32>
      %broadcast_in_dim3A_526 = arith.constant true
      %broadcast_in_dim3A_527 = vector.broadcast %broadcast_in_dim3A_526 : i1 to vector<16xi1>
      %masked_cumsum3A = tpu.scan <sum>, %select_n3A_525 masked %broadcast_in_dim3A_527 : vector<16xi32>, vector<16xi1> -> vector<16xi32>
      %add3A_528 = vector.broadcast %while3A_499 : i32 to vector<16xi32>
      %add3A_529 = arith.addi %add3A_528, %masked_cumsum3A : vector<16xi32>
      %sub3A_530 = arith.constant 1 : i32
      %sub3A_531 = vector.broadcast %sub3A_530 : i32 to vector<16xi32>
      %sub3A_532 = arith.subi %add3A_529, %sub3A_531 : vector<16xi32>
      tpu.vector_store_idx %arg6[%sub3A_532], %get3A_509 masked %and3A_520 : memref<16400xi32, #tpu.memory_space<vmem>>[vector<16xi32>], vector<16xi32>, vector<16xi1>
      %slice3A = vector.extract_strided_slice %masked_cumsum3A {offsets = [15], sizes = [1], strides = [1]} : vector<16xi32> to vector<1xi32>
      %squeeze3A = vector.extract %slice3A[0] : i32 from vector<1xi32>
      %add3A_533 = arith.addi %while3A_499, %squeeze3A : i32
      scf.yield %add3A_533 : i32
    }
    %while3A_237 = arith.constant 1 : i32
    %while3A_238 = scf.for %while3A_498 = %while3A_234 to %while3A_230 step %while3A_237 iter_args(%while3A_499 = %while3A_236) -> (i32)  : i32 {
      %mul3A_500 = arith.constant 16 : i32
      %mul3A_501 = arith.muli %while3A_498, %mul3A_500 : i32
      %add3A_502 = vector.broadcast %mul3A_501 : i32 to vector<16xi32>
      %add3A_503 = arith.addi %add3A_502, %iota3A : vector<16xi32>
      %lt3A_504 = vector.broadcast %scan3A_185 : i32 to vector<16xi32>
      %lt3A_505 = arith.cmpi slt, %add3A_503, %lt3A_504 : vector<16xi32>
      %mul3A_506 = arith.constant 16 : i32
      %mul3A_507 = arith.muli %while3A_498, %mul3A_506 : i32
      %get3A_508 = arith.index_cast %mul3A_507 : i32 to index
      %get3A_509 = tpu.vector_load %arg7[%get3A_508] {strides = array<i32>} : memref<16400xi32, #tpu.memory_space<vmem>>, vector<16xi32>,
      %gather3A = tpu.vector_load_idx %arg5[%get3A_509] masked %lt3A_505 : memref<16400xi32, #tpu.memory_space<vmem>>[vector<16xi32>], vector<16xi32>, vector<16xi1>
      %shift_right_logical3A = arith.constant 7 : i32
      %shift_right_logical3A_510 = vector.broadcast %shift_right_logical3A : i32 to vector<16xi32>
      %shift_right_logical3A_511 = arith.shrui %gather3A, %shift_right_logical3A_510 : vector<16xi32>
      %sub3A_512 = vector.broadcast %mul3A_2 : i32 to vector<16xi32>
      %sub3A_513 = arith.subi %shift_right_logical3A_511, %sub3A_512 : vector<16xi32>
      %shift_right_logical3A_514 = arith.constant 5 : i32
      %shift_right_logical3A_515 = vector.broadcast %shift_right_logical3A_514 : i32 to vector<16xi32>
      %shift_right_logical3A_516 = arith.shrui %sub3A_513, %shift_right_logical3A_515 : vector<16xi32>
      %eq3A_517 = arith.constant 1 : i32
      %eq3A_518 = vector.broadcast %eq3A_517 : i32 to vector<16xi32>
      %eq3A_519 = arith.cmpi eq, %shift_right_logical3A_516, %eq3A_518 : vector<16xi32>
      %and3A_520 = arith.andi %lt3A_505, %eq3A_519 : vector<16xi1>
      %jit3A_521 = arith.constant 1 : i32
      %jit3A_522 = arith.constant 0 : i32
      %broadcast_in_dim3A_523 = vector.broadcast %jit3A_521 : i32 to vector<16xi32>
      %broadcast_in_dim3A_524 = vector.broadcast %jit3A_522 : i32 to vector<16xi32>
      %select_n3A_525 = arith.select %and3A_520, %broadcast_in_dim3A_523, %broadcast_in_dim3A_524 : vector<16xi1>, vector<16xi32>
      %broadcast_in_dim3A_526 = arith.constant true
      %broadcast_in_dim3A_527 = vector.broadcast %broadcast_in_dim3A_526 : i1 to vector<16xi1>
      %masked_cumsum3A = tpu.scan <sum>, %select_n3A_525 masked %broadcast_in_dim3A_527 : vector<16xi32>, vector<16xi1> -> vector<16xi32>
      %add3A_528 = vector.broadcast %while3A_499 : i32 to vector<16xi32>
      %add3A_529 = arith.addi %add3A_528, %masked_cumsum3A : vector<16xi32>
      %sub3A_530 = arith.constant 1 : i32
      %sub3A_531 = vector.broadcast %sub3A_530 : i32 to vector<16xi32>
      %sub3A_532 = arith.subi %add3A_529, %sub3A_531 : vector<16xi32>
      tpu.vector_store_idx %arg6[%sub3A_532], %get3A_509 masked %and3A_520 : memref<16400xi32, #tpu.memory_space<vmem>>[vector<16xi32>], vector<16xi32>, vector<16xi1>
      %slice3A = vector.extract_strided_slice %masked_cumsum3A {offsets = [15], sizes = [1], strides = [1]} : vector<16xi32> to vector<1xi32>
      %squeeze3A = vector.extract %slice3A[0] : i32 from vector<1xi32>
      %add3A_533 = arith.addi %while3A_499, %squeeze3A : i32
      scf.yield %add3A_533 : i32
    }
    %get3A_239 = arith.constant 1 : i32
    %get3A_240 = arith.index_cast %get3A_239 : i32 to index
    %get3A_241 = memref.load %arg11[%get3A_240] : memref<8xi32, #tpu.memory_space<smem>>
    %sub3A_242 = arith.subi %while3A_238, %get3A_241 : i32
    %swap3A_243 = arith.constant 1 : i32
    %swap3A_244 = arith.index_cast %swap3A_243 : i32 to index
    %swap3A_245 = memref.load %arg12[%swap3A_244] : memref<8xi32, #tpu.memory_space<smem>>
    memref.store %sub3A_242, %arg12[%swap3A_244] : memref<8xi32, #tpu.memory_space<smem>>
    %swap3A_246 = arith.constant 2 : i32
    %swap3A_247 = arith.index_cast %swap3A_246 : i32 to index
    %swap3A_248 = memref.load %arg11[%swap3A_247] : memref<8xi32, #tpu.memory_space<smem>>
    memref.store %while3A_238, %arg11[%swap3A_247] : memref<8xi32, #tpu.memory_space<smem>>
    %while3A_249 = arith.constant 0 : i32
    %while3A_250 = arith.subi %select_n3A, %while3A_249 : i32
    %while3A_251 = arith.addi %while3A_249, %while3A_250 : i32
    %while3A_252 = arith.constant 1 : i32
    %while3A_253 = arith.divsi %while3A_250, %while3A_252 : i32
    %while3A_254 = arith.muli %while3A_253, %while3A_252 : i32
    %while3A_255 = arith.addi %while3A_249, %while3A_254 : i32
    %while3A_256 = arith.constant 1 : i32
    %while3A_257 = scf.for %while3A_498 = %while3A_249 to %while3A_255 step %while3A_256 iter_args(%while3A_499 = %while3A_238) -> (i32)  : i32 {
      %mul3A_500 = arith.constant 16 : i32
      %mul3A_501 = arith.muli %while3A_498, %mul3A_500 : i32
      %add3A_502 = vector.broadcast %mul3A_501 : i32 to vector<16xi32>
      %add3A_503 = arith.addi %add3A_502, %iota3A : vector<16xi32>
      %lt3A_504 = vector.broadcast %scan3A_185 : i32 to vector<16xi32>
      %lt3A_505 = arith.cmpi slt, %add3A_503, %lt3A_504 : vector<16xi32>
      %mul3A_506 = arith.constant 16 : i32
      %mul3A_507 = arith.muli %while3A_498, %mul3A_506 : i32
      %get3A_508 = arith.index_cast %mul3A_507 : i32 to index
      %get3A_509 = tpu.vector_load %arg7[%get3A_508] {strides = array<i32>} : memref<16400xi32, #tpu.memory_space<vmem>>, vector<16xi32>,
      %gather3A = tpu.vector_load_idx %arg5[%get3A_509] masked %lt3A_505 : memref<16400xi32, #tpu.memory_space<vmem>>[vector<16xi32>], vector<16xi32>, vector<16xi1>
      %shift_right_logical3A = arith.constant 7 : i32
      %shift_right_logical3A_510 = vector.broadcast %shift_right_logical3A : i32 to vector<16xi32>
      %shift_right_logical3A_511 = arith.shrui %gather3A, %shift_right_logical3A_510 : vector<16xi32>
      %sub3A_512 = vector.broadcast %mul3A_2 : i32 to vector<16xi32>
      %sub3A_513 = arith.subi %shift_right_logical3A_511, %sub3A_512 : vector<16xi32>
      %shift_right_logical3A_514 = arith.constant 5 : i32
      %shift_right_logical3A_515 = vector.broadcast %shift_right_logical3A_514 : i32 to vector<16xi32>
      %shift_right_logical3A_516 = arith.shrui %sub3A_513, %shift_right_logical3A_515 : vector<16xi32>
      %eq3A_517 = arith.constant 2 : i32
      %eq3A_518 = vector.broadcast %eq3A_517 : i32 to vector<16xi32>
      %eq3A_519 = arith.cmpi eq, %shift_right_logical3A_516, %eq3A_518 : vector<16xi32>
      %and3A_520 = arith.andi %lt3A_505, %eq3A_519 : vector<16xi1>
      %jit3A_521 = arith.constant 1 : i32
      %jit3A_522 = arith.constant 0 : i32
      %broadcast_in_dim3A_523 = vector.broadcast %jit3A_521 : i32 to vector<16xi32>
      %broadcast_in_dim3A_524 = vector.broadcast %jit3A_522 : i32 to vector<16xi32>
      %select_n3A_525 = arith.select %and3A_520, %broadcast_in_dim3A_523, %broadcast_in_dim3A_524 : vector<16xi1>, vector<16xi32>
      %broadcast_in_dim3A_526 = arith.constant true
      %broadcast_in_dim3A_527 = vector.broadcast %broadcast_in_dim3A_526 : i1 to vector<16xi1>
      %masked_cumsum3A = tpu.scan <sum>, %select_n3A_525 masked %broadcast_in_dim3A_527 : vector<16xi32>, vector<16xi1> -> vector<16xi32>
      %add3A_528 = vector.broadcast %while3A_499 : i32 to vector<16xi32>
      %add3A_529 = arith.addi %add3A_528, %masked_cumsum3A : vector<16xi32>
      %sub3A_530 = arith.constant 1 : i32
      %sub3A_531 = vector.broadcast %sub3A_530 : i32 to vector<16xi32>
      %sub3A_532 = arith.subi %add3A_529, %sub3A_531 : vector<16xi32>
      tpu.vector_store_idx %arg6[%sub3A_532], %get3A_509 masked %and3A_520 : memref<16400xi32, #tpu.memory_space<vmem>>[vector<16xi32>], vector<16xi32>, vector<16xi1>
      %slice3A = vector.extract_strided_slice %masked_cumsum3A {offsets = [15], sizes = [1], strides = [1]} : vector<16xi32> to vector<1xi32>
      %squeeze3A = vector.extract %slice3A[0] : i32 from vector<1xi32>
      %add3A_533 = arith.addi %while3A_499, %squeeze3A : i32
      scf.yield %add3A_533 : i32
    }
    %while3A_258 = arith.constant 1 : i32
    %while3A_259 = scf.for %while3A_498 = %while3A_255 to %while3A_251 step %while3A_258 iter_args(%while3A_499 = %while3A_257) -> (i32)  : i32 {
      %mul3A_500 = arith.constant 16 : i32
      %mul3A_501 = arith.muli %while3A_498, %mul3A_500 : i32
      %add3A_502 = vector.broadcast %mul3A_501 : i32 to vector<16xi32>
      %add3A_503 = arith.addi %add3A_502, %iota3A : vector<16xi32>
      %lt3A_504 = vector.broadcast %scan3A_185 : i32 to vector<16xi32>
      %lt3A_505 = arith.cmpi slt, %add3A_503, %lt3A_504 : vector<16xi32>
      %mul3A_506 = arith.constant 16 : i32
      %mul3A_507 = arith.muli %while3A_498, %mul3A_506 : i32
      %get3A_508 = arith.index_cast %mul3A_507 : i32 to index
      %get3A_509 = tpu.vector_load %arg7[%get3A_508] {strides = array<i32>} : memref<16400xi32, #tpu.memory_space<vmem>>, vector<16xi32>,
      %gather3A = tpu.vector_load_idx %arg5[%get3A_509] masked %lt3A_505 : memref<16400xi32, #tpu.memory_space<vmem>>[vector<16xi32>], vector<16xi32>, vector<16xi1>
      %shift_right_logical3A = arith.constant 7 : i32
      %shift_right_logical3A_510 = vector.broadcast %shift_right_logical3A : i32 to vector<16xi32>
      %shift_right_logical3A_511 = arith.shrui %gather3A, %shift_right_logical3A_510 : vector<16xi32>
      %sub3A_512 = vector.broadcast %mul3A_2 : i32 to vector<16xi32>
      %sub3A_513 = arith.subi %shift_right_logical3A_511, %sub3A_512 : vector<16xi32>
      %shift_right_logical3A_514 = arith.constant 5 : i32
      %shift_right_logical3A_515 = vector.broadcast %shift_right_logical3A_514 : i32 to vector<16xi32>
      %shift_right_logical3A_516 = arith.shrui %sub3A_513, %shift_right_logical3A_515 : vector<16xi32>
      %eq3A_517 = arith.constant 2 : i32
      %eq3A_518 = vector.broadcast %eq3A_517 : i32 to vector<16xi32>
      %eq3A_519 = arith.cmpi eq, %shift_right_logical3A_516, %eq3A_518 : vector<16xi32>
      %and3A_520 = arith.andi %lt3A_505, %eq3A_519 : vector<16xi1>
      %jit3A_521 = arith.constant 1 : i32
      %jit3A_522 = arith.constant 0 : i32
      %broadcast_in_dim3A_523 = vector.broadcast %jit3A_521 : i32 to vector<16xi32>
      %broadcast_in_dim3A_524 = vector.broadcast %jit3A_522 : i32 to vector<16xi32>
      %select_n3A_525 = arith.select %and3A_520, %broadcast_in_dim3A_523, %broadcast_in_dim3A_524 : vector<16xi1>, vector<16xi32>
      %broadcast_in_dim3A_526 = arith.constant true
      %broadcast_in_dim3A_527 = vector.broadcast %broadcast_in_dim3A_526 : i1 to vector<16xi1>
      %masked_cumsum3A = tpu.scan <sum>, %select_n3A_525 masked %broadcast_in_dim3A_527 : vector<16xi32>, vector<16xi1> -> vector<16xi32>
      %add3A_528 = vector.broadcast %while3A_499 : i32 to vector<16xi32>
      %add3A_529 = arith.addi %add3A_528, %masked_cumsum3A : vector<16xi32>
      %sub3A_530 = arith.constant 1 : i32
      %sub3A_531 = vector.broadcast %sub3A_530 : i32 to vector<16xi32>
      %sub3A_532 = arith.subi %add3A_529, %sub3A_531 : vector<16xi32>
      tpu.vector_store_idx %arg6[%sub3A_532], %get3A_509 masked %and3A_520 : memref<16400xi32, #tpu.memory_space<vmem>>[vector<16xi32>], vector<16xi32>, vector<16xi1>
      %slice3A = vector.extract_strided_slice %masked_cumsum3A {offsets = [15], sizes = [1], strides = [1]} : vector<16xi32> to vector<1xi32>
      %squeeze3A = vector.extract %slice3A[0] : i32 from vector<1xi32>
      %add3A_533 = arith.addi %while3A_499, %squeeze3A : i32
      scf.yield %add3A_533 : i32
    }
    %get3A_260 = arith.constant 2 : i32
    %get3A_261 = arith.index_cast %get3A_260 : i32 to index
    %get3A_262 = memref.load %arg11[%get3A_261] : memref<8xi32, #tpu.memory_space<smem>>
    %sub3A_263 = arith.subi %while3A_259, %get3A_262 : i32
    %swap3A_264 = arith.constant 2 : i32
    %swap3A_265 = arith.index_cast %swap3A_264 : i32 to index
    %swap3A_266 = memref.load %arg12[%swap3A_265] : memref<8xi32, #tpu.memory_space<smem>>
    memref.store %sub3A_263, %arg12[%swap3A_265] : memref<8xi32, #tpu.memory_space<smem>>
    %swap3A_267 = arith.constant 3 : i32
    %swap3A_268 = arith.index_cast %swap3A_267 : i32 to index
    %swap3A_269 = memref.load %arg11[%swap3A_268] : memref<8xi32, #tpu.memory_space<smem>>
    memref.store %while3A_259, %arg11[%swap3A_268] : memref<8xi32, #tpu.memory_space<smem>>
    %while3A_270 = arith.constant 0 : i32
    %while3A_271 = arith.subi %select_n3A, %while3A_270 : i32
    %while3A_272 = arith.addi %while3A_270, %while3A_271 : i32
    %while3A_273 = arith.constant 1 : i32
    %while3A_274 = arith.divsi %while3A_271, %while3A_273 : i32
    %while3A_275 = arith.muli %while3A_274, %while3A_273 : i32
    %while3A_276 = arith.addi %while3A_270, %while3A_275 : i32
    %while3A_277 = arith.constant 1 : i32
    %while3A_278 = scf.for %while3A_498 = %while3A_270 to %while3A_276 step %while3A_277 iter_args(%while3A_499 = %while3A_259) -> (i32)  : i32 {
      %mul3A_500 = arith.constant 16 : i32
      %mul3A_501 = arith.muli %while3A_498, %mul3A_500 : i32
      %add3A_502 = vector.broadcast %mul3A_501 : i32 to vector<16xi32>
      %add3A_503 = arith.addi %add3A_502, %iota3A : vector<16xi32>
      %lt3A_504 = vector.broadcast %scan3A_185 : i32 to vector<16xi32>
      %lt3A_505 = arith.cmpi slt, %add3A_503, %lt3A_504 : vector<16xi32>
      %mul3A_506 = arith.constant 16 : i32
      %mul3A_507 = arith.muli %while3A_498, %mul3A_506 : i32
      %get3A_508 = arith.index_cast %mul3A_507 : i32 to index
      %get3A_509 = tpu.vector_load %arg7[%get3A_508] {strides = array<i32>} : memref<16400xi32, #tpu.memory_space<vmem>>, vector<16xi32>,
      %gather3A = tpu.vector_load_idx %arg5[%get3A_509] masked %lt3A_505 : memref<16400xi32, #tpu.memory_space<vmem>>[vector<16xi32>], vector<16xi32>, vector<16xi1>
      %shift_right_logical3A = arith.constant 7 : i32
      %shift_right_logical3A_510 = vector.broadcast %shift_right_logical3A : i32 to vector<16xi32>
      %shift_right_logical3A_511 = arith.shrui %gather3A, %shift_right_logical3A_510 : vector<16xi32>
      %sub3A_512 = vector.broadcast %mul3A_2 : i32 to vector<16xi32>
      %sub3A_513 = arith.subi %shift_right_logical3A_511, %sub3A_512 : vector<16xi32>
      %shift_right_logical3A_514 = arith.constant 5 : i32
      %shift_right_logical3A_515 = vector.broadcast %shift_right_logical3A_514 : i32 to vector<16xi32>
      %shift_right_logical3A_516 = arith.shrui %sub3A_513, %shift_right_logical3A_515 : vector<16xi32>
      %eq3A_517 = arith.constant 3 : i32
      %eq3A_518 = vector.broadcast %eq3A_517 : i32 to vector<16xi32>
      %eq3A_519 = arith.cmpi eq, %shift_right_logical3A_516, %eq3A_518 : vector<16xi32>
      %and3A_520 = arith.andi %lt3A_505, %eq3A_519 : vector<16xi1>
      %jit3A_521 = arith.constant 1 : i32
      %jit3A_522 = arith.constant 0 : i32
      %broadcast_in_dim3A_523 = vector.broadcast %jit3A_521 : i32 to vector<16xi32>
      %broadcast_in_dim3A_524 = vector.broadcast %jit3A_522 : i32 to vector<16xi32>
      %select_n3A_525 = arith.select %and3A_520, %broadcast_in_dim3A_523, %broadcast_in_dim3A_524 : vector<16xi1>, vector<16xi32>
      %broadcast_in_dim3A_526 = arith.constant true
      %broadcast_in_dim3A_527 = vector.broadcast %broadcast_in_dim3A_526 : i1 to vector<16xi1>
      %masked_cumsum3A = tpu.scan <sum>, %select_n3A_525 masked %broadcast_in_dim3A_527 : vector<16xi32>, vector<16xi1> -> vector<16xi32>
      %add3A_528 = vector.broadcast %while3A_499 : i32 to vector<16xi32>
      %add3A_529 = arith.addi %add3A_528, %masked_cumsum3A : vector<16xi32>
      %sub3A_530 = arith.constant 1 : i32
      %sub3A_531 = vector.broadcast %sub3A_530 : i32 to vector<16xi32>
      %sub3A_532 = arith.subi %add3A_529, %sub3A_531 : vector<16xi32>
      tpu.vector_store_idx %arg6[%sub3A_532], %get3A_509 masked %and3A_520 : memref<16400xi32, #tpu.memory_space<vmem>>[vector<16xi32>], vector<16xi32>, vector<16xi1>
      %slice3A = vector.extract_strided_slice %masked_cumsum3A {offsets = [15], sizes = [1], strides = [1]} : vector<16xi32> to vector<1xi32>
      %squeeze3A = vector.extract %slice3A[0] : i32 from vector<1xi32>
      %add3A_533 = arith.addi %while3A_499, %squeeze3A : i32
      scf.yield %add3A_533 : i32
    }
    %while3A_279 = arith.constant 1 : i32
    %while3A_280 = scf.for %while3A_498 = %while3A_276 to %while3A_272 step %while3A_279 iter_args(%while3A_499 = %while3A_278) -> (i32)  : i32 {
      %mul3A_500 = arith.constant 16 : i32
      %mul3A_501 = arith.muli %while3A_498, %mul3A_500 : i32
      %add3A_502 = vector.broadcast %mul3A_501 : i32 to vector<16xi32>
      %add3A_503 = arith.addi %add3A_502, %iota3A : vector<16xi32>
      %lt3A_504 = vector.broadcast %scan3A_185 : i32 to vector<16xi32>
      %lt3A_505 = arith.cmpi slt, %add3A_503, %lt3A_504 : vector<16xi32>
      %mul3A_506 = arith.constant 16 : i32
      %mul3A_507 = arith.muli %while3A_498, %mul3A_506 : i32
      %get3A_508 = arith.index_cast %mul3A_507 : i32 to index
      %get3A_509 = tpu.vector_load %arg7[%get3A_508] {strides = array<i32>} : memref<16400xi32, #tpu.memory_space<vmem>>, vector<16xi32>,
      %gather3A = tpu.vector_load_idx %arg5[%get3A_509] masked %lt3A_505 : memref<16400xi32, #tpu.memory_space<vmem>>[vector<16xi32>], vector<16xi32>, vector<16xi1>
      %shift_right_logical3A = arith.constant 7 : i32
      %shift_right_logical3A_510 = vector.broadcast %shift_right_logical3A : i32 to vector<16xi32>
      %shift_right_logical3A_511 = arith.shrui %gather3A, %shift_right_logical3A_510 : vector<16xi32>
      %sub3A_512 = vector.broadcast %mul3A_2 : i32 to vector<16xi32>
      %sub3A_513 = arith.subi %shift_right_logical3A_511, %sub3A_512 : vector<16xi32>
      %shift_right_logical3A_514 = arith.constant 5 : i32
      %shift_right_logical3A_515 = vector.broadcast %shift_right_logical3A_514 : i32 to vector<16xi32>
      %shift_right_logical3A_516 = arith.shrui %sub3A_513, %shift_right_logical3A_515 : vector<16xi32>
      %eq3A_517 = arith.constant 3 : i32
      %eq3A_518 = vector.broadcast %eq3A_517 : i32 to vector<16xi32>
      %eq3A_519 = arith.cmpi eq, %shift_right_logical3A_516, %eq3A_518 : vector<16xi32>
      %and3A_520 = arith.andi %lt3A_505, %eq3A_519 : vector<16xi1>
      %jit3A_521 = arith.constant 1 : i32
      %jit3A_522 = arith.constant 0 : i32
      %broadcast_in_dim3A_523 = vector.broadcast %jit3A_521 : i32 to vector<16xi32>
      %broadcast_in_dim3A_524 = vector.broadcast %jit3A_522 : i32 to vector<16xi32>
      %select_n3A_525 = arith.select %and3A_520, %broadcast_in_dim3A_523, %broadcast_in_dim3A_524 : vector<16xi1>, vector<16xi32>
      %broadcast_in_dim3A_526 = arith.constant true
      %broadcast_in_dim3A_527 = vector.broadcast %broadcast_in_dim3A_526 : i1 to vector<16xi1>
      %masked_cumsum3A = tpu.scan <sum>, %select_n3A_525 masked %broadcast_in_dim3A_527 : vector<16xi32>, vector<16xi1> -> vector<16xi32>
      %add3A_528 = vector.broadcast %while3A_499 : i32 to vector<16xi32>
      %add3A_529 = arith.addi %add3A_528, %masked_cumsum3A : vector<16xi32>
      %sub3A_530 = arith.constant 1 : i32
      %sub3A_531 = vector.broadcast %sub3A_530 : i32 to vector<16xi32>
      %sub3A_532 = arith.subi %add3A_529, %sub3A_531 : vector<16xi32>
      tpu.vector_store_idx %arg6[%sub3A_532], %get3A_509 masked %and3A_520 : memref<16400xi32, #tpu.memory_space<vmem>>[vector<16xi32>], vector<16xi32>, vector<16xi1>
      %slice3A = vector.extract_strided_slice %masked_cumsum3A {offsets = [15], sizes = [1], strides = [1]} : vector<16xi32> to vector<1xi32>
      %squeeze3A = vector.extract %slice3A[0] : i32 from vector<1xi32>
      %add3A_533 = arith.addi %while3A_499, %squeeze3A : i32
      scf.yield %add3A_533 : i32
    }
    %get3A_281 = arith.constant 3 : i32
    %get3A_282 = arith.index_cast %get3A_281 : i32 to index
    %get3A_283 = memref.load %arg11[%get3A_282] : memref<8xi32, #tpu.memory_space<smem>>
    %sub3A_284 = arith.subi %while3A_280, %get3A_283 : i32
    %swap3A_285 = arith.constant 3 : i32
    %swap3A_286 = arith.index_cast %swap3A_285 : i32 to index
    %swap3A_287 = memref.load %arg12[%swap3A_286] : memref<8xi32, #tpu.memory_space<smem>>
    memref.store %sub3A_284, %arg12[%swap3A_286] : memref<8xi32, #tpu.memory_space<smem>>
    %swap3A_288 = arith.constant 4 : i32
    %swap3A_289 = arith.index_cast %swap3A_288 : i32 to index
    %swap3A_290 = memref.load %arg11[%swap3A_289] : memref<8xi32, #tpu.memory_space<smem>>
    memref.store %while3A_280, %arg11[%swap3A_289] : memref<8xi32, #tpu.memory_space<smem>>
    %while3A_291 = arith.constant 0 : i32
    %while3A_292 = arith.subi %select_n3A, %while3A_291 : i32
    %while3A_293 = arith.addi %while3A_291, %while3A_292 : i32
    %while3A_294 = arith.constant 1 : i32
    %while3A_295 = arith.divsi %while3A_292, %while3A_294 : i32
    %while3A_296 = arith.muli %while3A_295, %while3A_294 : i32
    %while3A_297 = arith.addi %while3A_291, %while3A_296 : i32
    %while3A_298 = arith.constant 1 : i32
    %while3A_299 = scf.for %while3A_498 = %while3A_291 to %while3A_297 step %while3A_298 iter_args(%while3A_499 = %while3A_280) -> (i32)  : i32 {
      %mul3A_500 = arith.constant 16 : i32
      %mul3A_501 = arith.muli %while3A_498, %mul3A_500 : i32
      %add3A_502 = vector.broadcast %mul3A_501 : i32 to vector<16xi32>
      %add3A_503 = arith.addi %add3A_502, %iota3A : vector<16xi32>
      %lt3A_504 = vector.broadcast %scan3A_185 : i32 to vector<16xi32>
      %lt3A_505 = arith.cmpi slt, %add3A_503, %lt3A_504 : vector<16xi32>
      %mul3A_506 = arith.constant 16 : i32
      %mul3A_507 = arith.muli %while3A_498, %mul3A_506 : i32
      %get3A_508 = arith.index_cast %mul3A_507 : i32 to index
      %get3A_509 = tpu.vector_load %arg7[%get3A_508] {strides = array<i32>} : memref<16400xi32, #tpu.memory_space<vmem>>, vector<16xi32>,
      %gather3A = tpu.vector_load_idx %arg5[%get3A_509] masked %lt3A_505 : memref<16400xi32, #tpu.memory_space<vmem>>[vector<16xi32>], vector<16xi32>, vector<16xi1>
      %shift_right_logical3A = arith.constant 7 : i32
      %shift_right_logical3A_510 = vector.broadcast %shift_right_logical3A : i32 to vector<16xi32>
      %shift_right_logical3A_511 = arith.shrui %gather3A, %shift_right_logical3A_510 : vector<16xi32>
      %sub3A_512 = vector.broadcast %mul3A_2 : i32 to vector<16xi32>
      %sub3A_513 = arith.subi %shift_right_logical3A_511, %sub3A_512 : vector<16xi32>
      %shift_right_logical3A_514 = arith.constant 5 : i32
      %shift_right_logical3A_515 = vector.broadcast %shift_right_logical3A_514 : i32 to vector<16xi32>
      %shift_right_logical3A_516 = arith.shrui %sub3A_513, %shift_right_logical3A_515 : vector<16xi32>
      %eq3A_517 = arith.constant 4 : i32
      %eq3A_518 = vector.broadcast %eq3A_517 : i32 to vector<16xi32>
      %eq3A_519 = arith.cmpi eq, %shift_right_logical3A_516, %eq3A_518 : vector<16xi32>
      %and3A_520 = arith.andi %lt3A_505, %eq3A_519 : vector<16xi1>
      %jit3A_521 = arith.constant 1 : i32
      %jit3A_522 = arith.constant 0 : i32
      %broadcast_in_dim3A_523 = vector.broadcast %jit3A_521 : i32 to vector<16xi32>
      %broadcast_in_dim3A_524 = vector.broadcast %jit3A_522 : i32 to vector<16xi32>
      %select_n3A_525 = arith.select %and3A_520, %broadcast_in_dim3A_523, %broadcast_in_dim3A_524 : vector<16xi1>, vector<16xi32>
      %broadcast_in_dim3A_526 = arith.constant true
      %broadcast_in_dim3A_527 = vector.broadcast %broadcast_in_dim3A_526 : i1 to vector<16xi1>
      %masked_cumsum3A = tpu.scan <sum>, %select_n3A_525 masked %broadcast_in_dim3A_527 : vector<16xi32>, vector<16xi1> -> vector<16xi32>
      %add3A_528 = vector.broadcast %while3A_499 : i32 to vector<16xi32>
      %add3A_529 = arith.addi %add3A_528, %masked_cumsum3A : vector<16xi32>
      %sub3A_530 = arith.constant 1 : i32
      %sub3A_531 = vector.broadcast %sub3A_530 : i32 to vector<16xi32>
      %sub3A_532 = arith.subi %add3A_529, %sub3A_531 : vector<16xi32>
      tpu.vector_store_idx %arg6[%sub3A_532], %get3A_509 masked %and3A_520 : memref<16400xi32, #tpu.memory_space<vmem>>[vector<16xi32>], vector<16xi32>, vector<16xi1>
      %slice3A = vector.extract_strided_slice %masked_cumsum3A {offsets = [15], sizes = [1], strides = [1]} : vector<16xi32> to vector<1xi32>
      %squeeze3A = vector.extract %slice3A[0] : i32 from vector<1xi32>
      %add3A_533 = arith.addi %while3A_499, %squeeze3A : i32
      scf.yield %add3A_533 : i32
    }
    %while3A_300 = arith.constant 1 : i32
    %while3A_301 = scf.for %while3A_498 = %while3A_297 to %while3A_293 step %while3A_300 iter_args(%while3A_499 = %while3A_299) -> (i32)  : i32 {
      %mul3A_500 = arith.constant 16 : i32
      %mul3A_501 = arith.muli %while3A_498, %mul3A_500 : i32
      %add3A_502 = vector.broadcast %mul3A_501 : i32 to vector<16xi32>
      %add3A_503 = arith.addi %add3A_502, %iota3A : vector<16xi32>
      %lt3A_504 = vector.broadcast %scan3A_185 : i32 to vector<16xi32>
      %lt3A_505 = arith.cmpi slt, %add3A_503, %lt3A_504 : vector<16xi32>
      %mul3A_506 = arith.constant 16 : i32
      %mul3A_507 = arith.muli %while3A_498, %mul3A_506 : i32
      %get3A_508 = arith.index_cast %mul3A_507 : i32 to index
      %get3A_509 = tpu.vector_load %arg7[%get3A_508] {strides = array<i32>} : memref<16400xi32, #tpu.memory_space<vmem>>, vector<16xi32>,
      %gather3A = tpu.vector_load_idx %arg5[%get3A_509] masked %lt3A_505 : memref<16400xi32, #tpu.memory_space<vmem>>[vector<16xi32>], vector<16xi32>, vector<16xi1>
      %shift_right_logical3A = arith.constant 7 : i32
      %shift_right_logical3A_510 = vector.broadcast %shift_right_logical3A : i32 to vector<16xi32>
      %shift_right_logical3A_511 = arith.shrui %gather3A, %shift_right_logical3A_510 : vector<16xi32>
      %sub3A_512 = vector.broadcast %mul3A_2 : i32 to vector<16xi32>
      %sub3A_513 = arith.subi %shift_right_logical3A_511, %sub3A_512 : vector<16xi32>
      %shift_right_logical3A_514 = arith.constant 5 : i32
      %shift_right_logical3A_515 = vector.broadcast %shift_right_logical3A_514 : i32 to vector<16xi32>
      %shift_right_logical3A_516 = arith.shrui %sub3A_513, %shift_right_logical3A_515 : vector<16xi32>
      %eq3A_517 = arith.constant 4 : i32
      %eq3A_518 = vector.broadcast %eq3A_517 : i32 to vector<16xi32>
      %eq3A_519 = arith.cmpi eq, %shift_right_logical3A_516, %eq3A_518 : vector<16xi32>
      %and3A_520 = arith.andi %lt3A_505, %eq3A_519 : vector<16xi1>
      %jit3A_521 = arith.constant 1 : i32
      %jit3A_522 = arith.constant 0 : i32
      %broadcast_in_dim3A_523 = vector.broadcast %jit3A_521 : i32 to vector<16xi32>
      %broadcast_in_dim3A_524 = vector.broadcast %jit3A_522 : i32 to vector<16xi32>
      %select_n3A_525 = arith.select %and3A_520, %broadcast_in_dim3A_523, %broadcast_in_dim3A_524 : vector<16xi1>, vector<16xi32>
      %broadcast_in_dim3A_526 = arith.constant true
      %broadcast_in_dim3A_527 = vector.broadcast %broadcast_in_dim3A_526 : i1 to vector<16xi1>
      %masked_cumsum3A = tpu.scan <sum>, %select_n3A_525 masked %broadcast_in_dim3A_527 : vector<16xi32>, vector<16xi1> -> vector<16xi32>
      %add3A_528 = vector.broadcast %while3A_499 : i32 to vector<16xi32>
      %add3A_529 = arith.addi %add3A_528, %masked_cumsum3A : vector<16xi32>
      %sub3A_530 = arith.constant 1 : i32
      %sub3A_531 = vector.broadcast %sub3A_530 : i32 to vector<16xi32>
      %sub3A_532 = arith.subi %add3A_529, %sub3A_531 : vector<16xi32>
      tpu.vector_store_idx %arg6[%sub3A_532], %get3A_509 masked %and3A_520 : memref<16400xi32, #tpu.memory_space<vmem>>[vector<16xi32>], vector<16xi32>, vector<16xi1>
      %slice3A = vector.extract_strided_slice %masked_cumsum3A {offsets = [15], sizes = [1], strides = [1]} : vector<16xi32> to vector<1xi32>
      %squeeze3A = vector.extract %slice3A[0] : i32 from vector<1xi32>
      %add3A_533 = arith.addi %while3A_499, %squeeze3A : i32
      scf.yield %add3A_533 : i32
    }
    %get3A_302 = arith.constant 4 : i32
    %get3A_303 = arith.index_cast %get3A_302 : i32 to index
    %get3A_304 = memref.load %arg11[%get3A_303] : memref<8xi32, #tpu.memory_space<smem>>
    %sub3A_305 = arith.subi %while3A_301, %get3A_304 : i32
    %swap3A_306 = arith.constant 4 : i32
    %swap3A_307 = arith.index_cast %swap3A_306 : i32 to index
    %swap3A_308 = memref.load %arg12[%swap3A_307] : memref<8xi32, #tpu.memory_space<smem>>
    memref.store %sub3A_305, %arg12[%swap3A_307] : memref<8xi32, #tpu.memory_space<smem>>
    %swap3A_309 = arith.constant 5 : i32
    %swap3A_310 = arith.index_cast %swap3A_309 : i32 to index
    %swap3A_311 = memref.load %arg11[%swap3A_310] : memref<8xi32, #tpu.memory_space<smem>>
    memref.store %while3A_301, %arg11[%swap3A_310] : memref<8xi32, #tpu.memory_space<smem>>
    %while3A_312 = arith.constant 0 : i32
    %while3A_313 = arith.subi %select_n3A, %while3A_312 : i32
    %while3A_314 = arith.addi %while3A_312, %while3A_313 : i32
    %while3A_315 = arith.constant 1 : i32
    %while3A_316 = arith.divsi %while3A_313, %while3A_315 : i32
    %while3A_317 = arith.muli %while3A_316, %while3A_315 : i32
    %while3A_318 = arith.addi %while3A_312, %while3A_317 : i32
    %while3A_319 = arith.constant 1 : i32
    %while3A_320 = scf.for %while3A_498 = %while3A_312 to %while3A_318 step %while3A_319 iter_args(%while3A_499 = %while3A_301) -> (i32)  : i32 {
      %mul3A_500 = arith.constant 16 : i32
      %mul3A_501 = arith.muli %while3A_498, %mul3A_500 : i32
      %add3A_502 = vector.broadcast %mul3A_501 : i32 to vector<16xi32>
      %add3A_503 = arith.addi %add3A_502, %iota3A : vector<16xi32>
      %lt3A_504 = vector.broadcast %scan3A_185 : i32 to vector<16xi32>
      %lt3A_505 = arith.cmpi slt, %add3A_503, %lt3A_504 : vector<16xi32>
      %mul3A_506 = arith.constant 16 : i32
      %mul3A_507 = arith.muli %while3A_498, %mul3A_506 : i32
      %get3A_508 = arith.index_cast %mul3A_507 : i32 to index
      %get3A_509 = tpu.vector_load %arg7[%get3A_508] {strides = array<i32>} : memref<16400xi32, #tpu.memory_space<vmem>>, vector<16xi32>,
      %gather3A = tpu.vector_load_idx %arg5[%get3A_509] masked %lt3A_505 : memref<16400xi32, #tpu.memory_space<vmem>>[vector<16xi32>], vector<16xi32>, vector<16xi1>
      %shift_right_logical3A = arith.constant 7 : i32
      %shift_right_logical3A_510 = vector.broadcast %shift_right_logical3A : i32 to vector<16xi32>
      %shift_right_logical3A_511 = arith.shrui %gather3A, %shift_right_logical3A_510 : vector<16xi32>
      %sub3A_512 = vector.broadcast %mul3A_2 : i32 to vector<16xi32>
      %sub3A_513 = arith.subi %shift_right_logical3A_511, %sub3A_512 : vector<16xi32>
      %shift_right_logical3A_514 = arith.constant 5 : i32
      %shift_right_logical3A_515 = vector.broadcast %shift_right_logical3A_514 : i32 to vector<16xi32>
      %shift_right_logical3A_516 = arith.shrui %sub3A_513, %shift_right_logical3A_515 : vector<16xi32>
      %eq3A_517 = arith.constant 5 : i32
      %eq3A_518 = vector.broadcast %eq3A_517 : i32 to vector<16xi32>
      %eq3A_519 = arith.cmpi eq, %shift_right_logical3A_516, %eq3A_518 : vector<16xi32>
      %and3A_520 = arith.andi %lt3A_505, %eq3A_519 : vector<16xi1>
      %jit3A_521 = arith.constant 1 : i32
      %jit3A_522 = arith.constant 0 : i32
      %broadcast_in_dim3A_523 = vector.broadcast %jit3A_521 : i32 to vector<16xi32>
      %broadcast_in_dim3A_524 = vector.broadcast %jit3A_522 : i32 to vector<16xi32>
      %select_n3A_525 = arith.select %and3A_520, %broadcast_in_dim3A_523, %broadcast_in_dim3A_524 : vector<16xi1>, vector<16xi32>
      %broadcast_in_dim3A_526 = arith.constant true
      %broadcast_in_dim3A_527 = vector.broadcast %broadcast_in_dim3A_526 : i1 to vector<16xi1>
      %masked_cumsum3A = tpu.scan <sum>, %select_n3A_525 masked %broadcast_in_dim3A_527 : vector<16xi32>, vector<16xi1> -> vector<16xi32>
      %add3A_528 = vector.broadcast %while3A_499 : i32 to vector<16xi32>
      %add3A_529 = arith.addi %add3A_528, %masked_cumsum3A : vector<16xi32>
      %sub3A_530 = arith.constant 1 : i32
      %sub3A_531 = vector.broadcast %sub3A_530 : i32 to vector<16xi32>
      %sub3A_532 = arith.subi %add3A_529, %sub3A_531 : vector<16xi32>
      tpu.vector_store_idx %arg6[%sub3A_532], %get3A_509 masked %and3A_520 : memref<16400xi32, #tpu.memory_space<vmem>>[vector<16xi32>], vector<16xi32>, vector<16xi1>
      %slice3A = vector.extract_strided_slice %masked_cumsum3A {offsets = [15], sizes = [1], strides = [1]} : vector<16xi32> to vector<1xi32>
      %squeeze3A = vector.extract %slice3A[0] : i32 from vector<1xi32>
      %add3A_533 = arith.addi %while3A_499, %squeeze3A : i32
      scf.yield %add3A_533 : i32
    }
    %while3A_321 = arith.constant 1 : i32
    %while3A_322 = scf.for %while3A_498 = %while3A_318 to %while3A_314 step %while3A_321 iter_args(%while3A_499 = %while3A_320) -> (i32)  : i32 {
      %mul3A_500 = arith.constant 16 : i32
      %mul3A_501 = arith.muli %while3A_498, %mul3A_500 : i32
      %add3A_502 = vector.broadcast %mul3A_501 : i32 to vector<16xi32>
      %add3A_503 = arith.addi %add3A_502, %iota3A : vector<16xi32>
      %lt3A_504 = vector.broadcast %scan3A_185 : i32 to vector<16xi32>
      %lt3A_505 = arith.cmpi slt, %add3A_503, %lt3A_504 : vector<16xi32>
      %mul3A_506 = arith.constant 16 : i32
      %mul3A_507 = arith.muli %while3A_498, %mul3A_506 : i32
      %get3A_508 = arith.index_cast %mul3A_507 : i32 to index
      %get3A_509 = tpu.vector_load %arg7[%get3A_508] {strides = array<i32>} : memref<16400xi32, #tpu.memory_space<vmem>>, vector<16xi32>,
      %gather3A = tpu.vector_load_idx %arg5[%get3A_509] masked %lt3A_505 : memref<16400xi32, #tpu.memory_space<vmem>>[vector<16xi32>], vector<16xi32>, vector<16xi1>
      %shift_right_logical3A = arith.constant 7 : i32
      %shift_right_logical3A_510 = vector.broadcast %shift_right_logical3A : i32 to vector<16xi32>
      %shift_right_logical3A_511 = arith.shrui %gather3A, %shift_right_logical3A_510 : vector<16xi32>
      %sub3A_512 = vector.broadcast %mul3A_2 : i32 to vector<16xi32>
      %sub3A_513 = arith.subi %shift_right_logical3A_511, %sub3A_512 : vector<16xi32>
      %shift_right_logical3A_514 = arith.constant 5 : i32
      %shift_right_logical3A_515 = vector.broadcast %shift_right_logical3A_514 : i32 to vector<16xi32>
      %shift_right_logical3A_516 = arith.shrui %sub3A_513, %shift_right_logical3A_515 : vector<16xi32>
      %eq3A_517 = arith.constant 5 : i32
      %eq3A_518 = vector.broadcast %eq3A_517 : i32 to vector<16xi32>
      %eq3A_519 = arith.cmpi eq, %shift_right_logical3A_516, %eq3A_518 : vector<16xi32>
      %and3A_520 = arith.andi %lt3A_505, %eq3A_519 : vector<16xi1>
      %jit3A_521 = arith.constant 1 : i32
      %jit3A_522 = arith.constant 0 : i32
      %broadcast_in_dim3A_523 = vector.broadcast %jit3A_521 : i32 to vector<16xi32>
      %broadcast_in_dim3A_524 = vector.broadcast %jit3A_522 : i32 to vector<16xi32>
      %select_n3A_525 = arith.select %and3A_520, %broadcast_in_dim3A_523, %broadcast_in_dim3A_524 : vector<16xi1>, vector<16xi32>
      %broadcast_in_dim3A_526 = arith.constant true
      %broadcast_in_dim3A_527 = vector.broadcast %broadcast_in_dim3A_526 : i1 to vector<16xi1>
      %masked_cumsum3A = tpu.scan <sum>, %select_n3A_525 masked %broadcast_in_dim3A_527 : vector<16xi32>, vector<16xi1> -> vector<16xi32>
      %add3A_528 = vector.broadcast %while3A_499 : i32 to vector<16xi32>
      %add3A_529 = arith.addi %add3A_528, %masked_cumsum3A : vector<16xi32>
      %sub3A_530 = arith.constant 1 : i32
      %sub3A_531 = vector.broadcast %sub3A_530 : i32 to vector<16xi32>
      %sub3A_532 = arith.subi %add3A_529, %sub3A_531 : vector<16xi32>
      tpu.vector_store_idx %arg6[%sub3A_532], %get3A_509 masked %and3A_520 : memref<16400xi32, #tpu.memory_space<vmem>>[vector<16xi32>], vector<16xi32>, vector<16xi1>
      %slice3A = vector.extract_strided_slice %masked_cumsum3A {offsets = [15], sizes = [1], strides = [1]} : vector<16xi32> to vector<1xi32>
      %squeeze3A = vector.extract %slice3A[0] : i32 from vector<1xi32>
      %add3A_533 = arith.addi %while3A_499, %squeeze3A : i32
      scf.yield %add3A_533 : i32
    }
    %get3A_323 = arith.constant 5 : i32
    %get3A_324 = arith.index_cast %get3A_323 : i32 to index
    %get3A_325 = memref.load %arg11[%get3A_324] : memref<8xi32, #tpu.memory_space<smem>>
    %sub3A_326 = arith.subi %while3A_322, %get3A_325 : i32
    %swap3A_327 = arith.constant 5 : i32
    %swap3A_328 = arith.index_cast %swap3A_327 : i32 to index
    %swap3A_329 = memref.load %arg12[%swap3A_328] : memref<8xi32, #tpu.memory_space<smem>>
    memref.store %sub3A_326, %arg12[%swap3A_328] : memref<8xi32, #tpu.memory_space<smem>>
    %swap3A_330 = arith.constant 6 : i32
    %swap3A_331 = arith.index_cast %swap3A_330 : i32 to index
    %swap3A_332 = memref.load %arg11[%swap3A_331] : memref<8xi32, #tpu.memory_space<smem>>
    memref.store %while3A_322, %arg11[%swap3A_331] : memref<8xi32, #tpu.memory_space<smem>>
    %while3A_333 = arith.constant 0 : i32
    %while3A_334 = arith.subi %select_n3A, %while3A_333 : i32
    %while3A_335 = arith.addi %while3A_333, %while3A_334 : i32
    %while3A_336 = arith.constant 1 : i32
    %while3A_337 = arith.divsi %while3A_334, %while3A_336 : i32
    %while3A_338 = arith.muli %while3A_337, %while3A_336 : i32
    %while3A_339 = arith.addi %while3A_333, %while3A_338 : i32
    %while3A_340 = arith.constant 1 : i32
    %while3A_341 = scf.for %while3A_498 = %while3A_333 to %while3A_339 step %while3A_340 iter_args(%while3A_499 = %while3A_322) -> (i32)  : i32 {
      %mul3A_500 = arith.constant 16 : i32
      %mul3A_501 = arith.muli %while3A_498, %mul3A_500 : i32
      %add3A_502 = vector.broadcast %mul3A_501 : i32 to vector<16xi32>
      %add3A_503 = arith.addi %add3A_502, %iota3A : vector<16xi32>
      %lt3A_504 = vector.broadcast %scan3A_185 : i32 to vector<16xi32>
      %lt3A_505 = arith.cmpi slt, %add3A_503, %lt3A_504 : vector<16xi32>
      %mul3A_506 = arith.constant 16 : i32
      %mul3A_507 = arith.muli %while3A_498, %mul3A_506 : i32
      %get3A_508 = arith.index_cast %mul3A_507 : i32 to index
      %get3A_509 = tpu.vector_load %arg7[%get3A_508] {strides = array<i32>} : memref<16400xi32, #tpu.memory_space<vmem>>, vector<16xi32>,
      %gather3A = tpu.vector_load_idx %arg5[%get3A_509] masked %lt3A_505 : memref<16400xi32, #tpu.memory_space<vmem>>[vector<16xi32>], vector<16xi32>, vector<16xi1>
      %shift_right_logical3A = arith.constant 7 : i32
      %shift_right_logical3A_510 = vector.broadcast %shift_right_logical3A : i32 to vector<16xi32>
      %shift_right_logical3A_511 = arith.shrui %gather3A, %shift_right_logical3A_510 : vector<16xi32>
      %sub3A_512 = vector.broadcast %mul3A_2 : i32 to vector<16xi32>
      %sub3A_513 = arith.subi %shift_right_logical3A_511, %sub3A_512 : vector<16xi32>
      %shift_right_logical3A_514 = arith.constant 5 : i32
      %shift_right_logical3A_515 = vector.broadcast %shift_right_logical3A_514 : i32 to vector<16xi32>
      %shift_right_logical3A_516 = arith.shrui %sub3A_513, %shift_right_logical3A_515 : vector<16xi32>
      %eq3A_517 = arith.constant 6 : i32
      %eq3A_518 = vector.broadcast %eq3A_517 : i32 to vector<16xi32>
      %eq3A_519 = arith.cmpi eq, %shift_right_logical3A_516, %eq3A_518 : vector<16xi32>
      %and3A_520 = arith.andi %lt3A_505, %eq3A_519 : vector<16xi1>
      %jit3A_521 = arith.constant 1 : i32
      %jit3A_522 = arith.constant 0 : i32
      %broadcast_in_dim3A_523 = vector.broadcast %jit3A_521 : i32 to vector<16xi32>
      %broadcast_in_dim3A_524 = vector.broadcast %jit3A_522 : i32 to vector<16xi32>
      %select_n3A_525 = arith.select %and3A_520, %broadcast_in_dim3A_523, %broadcast_in_dim3A_524 : vector<16xi1>, vector<16xi32>
      %broadcast_in_dim3A_526 = arith.constant true
      %broadcast_in_dim3A_527 = vector.broadcast %broadcast_in_dim3A_526 : i1 to vector<16xi1>
      %masked_cumsum3A = tpu.scan <sum>, %select_n3A_525 masked %broadcast_in_dim3A_527 : vector<16xi32>, vector<16xi1> -> vector<16xi32>
      %add3A_528 = vector.broadcast %while3A_499 : i32 to vector<16xi32>
      %add3A_529 = arith.addi %add3A_528, %masked_cumsum3A : vector<16xi32>
      %sub3A_530 = arith.constant 1 : i32
      %sub3A_531 = vector.broadcast %sub3A_530 : i32 to vector<16xi32>
      %sub3A_532 = arith.subi %add3A_529, %sub3A_531 : vector<16xi32>
      tpu.vector_store_idx %arg6[%sub3A_532], %get3A_509 masked %and3A_520 : memref<16400xi32, #tpu.memory_space<vmem>>[vector<16xi32>], vector<16xi32>, vector<16xi1>
      %slice3A = vector.extract_strided_slice %masked_cumsum3A {offsets = [15], sizes = [1], strides = [1]} : vector<16xi32> to vector<1xi32>
      %squeeze3A = vector.extract %slice3A[0] : i32 from vector<1xi32>
      %add3A_533 = arith.addi %while3A_499, %squeeze3A : i32
      scf.yield %add3A_533 : i32
    }
    %while3A_342 = arith.constant 1 : i32
    %while3A_343 = scf.for %while3A_498 = %while3A_339 to %while3A_335 step %while3A_342 iter_args(%while3A_499 = %while3A_341) -> (i32)  : i32 {
      %mul3A_500 = arith.constant 16 : i32
      %mul3A_501 = arith.muli %while3A_498, %mul3A_500 : i32
      %add3A_502 = vector.broadcast %mul3A_501 : i32 to vector<16xi32>
      %add3A_503 = arith.addi %add3A_502, %iota3A : vector<16xi32>
      %lt3A_504 = vector.broadcast %scan3A_185 : i32 to vector<16xi32>
      %lt3A_505 = arith.cmpi slt, %add3A_503, %lt3A_504 : vector<16xi32>
      %mul3A_506 = arith.constant 16 : i32
      %mul3A_507 = arith.muli %while3A_498, %mul3A_506 : i32
      %get3A_508 = arith.index_cast %mul3A_507 : i32 to index
      %get3A_509 = tpu.vector_load %arg7[%get3A_508] {strides = array<i32>} : memref<16400xi32, #tpu.memory_space<vmem>>, vector<16xi32>,
      %gather3A = tpu.vector_load_idx %arg5[%get3A_509] masked %lt3A_505 : memref<16400xi32, #tpu.memory_space<vmem>>[vector<16xi32>], vector<16xi32>, vector<16xi1>
      %shift_right_logical3A = arith.constant 7 : i32
      %shift_right_logical3A_510 = vector.broadcast %shift_right_logical3A : i32 to vector<16xi32>
      %shift_right_logical3A_511 = arith.shrui %gather3A, %shift_right_logical3A_510 : vector<16xi32>
      %sub3A_512 = vector.broadcast %mul3A_2 : i32 to vector<16xi32>
      %sub3A_513 = arith.subi %shift_right_logical3A_511, %sub3A_512 : vector<16xi32>
      %shift_right_logical3A_514 = arith.constant 5 : i32
      %shift_right_logical3A_515 = vector.broadcast %shift_right_logical3A_514 : i32 to vector<16xi32>
      %shift_right_logical3A_516 = arith.shrui %sub3A_513, %shift_right_logical3A_515 : vector<16xi32>
      %eq3A_517 = arith.constant 6 : i32
      %eq3A_518 = vector.broadcast %eq3A_517 : i32 to vector<16xi32>
      %eq3A_519 = arith.cmpi eq, %shift_right_logical3A_516, %eq3A_518 : vector<16xi32>
      %and3A_520 = arith.andi %lt3A_505, %eq3A_519 : vector<16xi1>
      %jit3A_521 = arith.constant 1 : i32
      %jit3A_522 = arith.constant 0 : i32
      %broadcast_in_dim3A_523 = vector.broadcast %jit3A_521 : i32 to vector<16xi32>
      %broadcast_in_dim3A_524 = vector.broadcast %jit3A_522 : i32 to vector<16xi32>
      %select_n3A_525 = arith.select %and3A_520, %broadcast_in_dim3A_523, %broadcast_in_dim3A_524 : vector<16xi1>, vector<16xi32>
      %broadcast_in_dim3A_526 = arith.constant true
      %broadcast_in_dim3A_527 = vector.broadcast %broadcast_in_dim3A_526 : i1 to vector<16xi1>
      %masked_cumsum3A = tpu.scan <sum>, %select_n3A_525 masked %broadcast_in_dim3A_527 : vector<16xi32>, vector<16xi1> -> vector<16xi32>
      %add3A_528 = vector.broadcast %while3A_499 : i32 to vector<16xi32>
      %add3A_529 = arith.addi %add3A_528, %masked_cumsum3A : vector<16xi32>
      %sub3A_530 = arith.constant 1 : i32
      %sub3A_531 = vector.broadcast %sub3A_530 : i32 to vector<16xi32>
      %sub3A_532 = arith.subi %add3A_529, %sub3A_531 : vector<16xi32>
      tpu.vector_store_idx %arg6[%sub3A_532], %get3A_509 masked %and3A_520 : memref<16400xi32, #tpu.memory_space<vmem>>[vector<16xi32>], vector<16xi32>, vector<16xi1>
      %slice3A = vector.extract_strided_slice %masked_cumsum3A {offsets = [15], sizes = [1], strides = [1]} : vector<16xi32> to vector<1xi32>
      %squeeze3A = vector.extract %slice3A[0] : i32 from vector<1xi32>
      %add3A_533 = arith.addi %while3A_499, %squeeze3A : i32
      scf.yield %add3A_533 : i32
    }
    %get3A_344 = arith.constant 6 : i32
    %get3A_345 = arith.index_cast %get3A_344 : i32 to index
    %get3A_346 = memref.load %arg11[%get3A_345] : memref<8xi32, #tpu.memory_space<smem>>
    %sub3A_347 = arith.subi %while3A_343, %get3A_346 : i32
    %swap3A_348 = arith.constant 6 : i32
    %swap3A_349 = arith.index_cast %swap3A_348 : i32 to index
    %swap3A_350 = memref.load %arg12[%swap3A_349] : memref<8xi32, #tpu.memory_space<smem>>
    memref.store %sub3A_347, %arg12[%swap3A_349] : memref<8xi32, #tpu.memory_space<smem>>
    %swap3A_351 = arith.constant 7 : i32
    %swap3A_352 = arith.index_cast %swap3A_351 : i32 to index
    %swap3A_353 = memref.load %arg11[%swap3A_352] : memref<8xi32, #tpu.memory_space<smem>>
    memref.store %while3A_343, %arg11[%swap3A_352] : memref<8xi32, #tpu.memory_space<smem>>
    %while3A_354 = arith.constant 0 : i32
    %while3A_355 = arith.subi %select_n3A, %while3A_354 : i32
    %while3A_356 = arith.addi %while3A_354, %while3A_355 : i32
    %while3A_357 = arith.constant 1 : i32
    %while3A_358 = arith.divsi %while3A_355, %while3A_357 : i32
    %while3A_359 = arith.muli %while3A_358, %while3A_357 : i32
    %while3A_360 = arith.addi %while3A_354, %while3A_359 : i32
    %while3A_361 = arith.constant 1 : i32
    %while3A_362 = scf.for %while3A_498 = %while3A_354 to %while3A_360 step %while3A_361 iter_args(%while3A_499 = %while3A_343) -> (i32)  : i32 {
      %mul3A_500 = arith.constant 16 : i32
      %mul3A_501 = arith.muli %while3A_498, %mul3A_500 : i32
      %add3A_502 = vector.broadcast %mul3A_501 : i32 to vector<16xi32>
      %add3A_503 = arith.addi %add3A_502, %iota3A : vector<16xi32>
      %lt3A_504 = vector.broadcast %scan3A_185 : i32 to vector<16xi32>
      %lt3A_505 = arith.cmpi slt, %add3A_503, %lt3A_504 : vector<16xi32>
      %mul3A_506 = arith.constant 16 : i32
      %mul3A_507 = arith.muli %while3A_498, %mul3A_506 : i32
      %get3A_508 = arith.index_cast %mul3A_507 : i32 to index
      %get3A_509 = tpu.vector_load %arg7[%get3A_508] {strides = array<i32>} : memref<16400xi32, #tpu.memory_space<vmem>>, vector<16xi32>,
      %gather3A = tpu.vector_load_idx %arg5[%get3A_509] masked %lt3A_505 : memref<16400xi32, #tpu.memory_space<vmem>>[vector<16xi32>], vector<16xi32>, vector<16xi1>
      %shift_right_logical3A = arith.constant 7 : i32
      %shift_right_logical3A_510 = vector.broadcast %shift_right_logical3A : i32 to vector<16xi32>
      %shift_right_logical3A_511 = arith.shrui %gather3A, %shift_right_logical3A_510 : vector<16xi32>
      %sub3A_512 = vector.broadcast %mul3A_2 : i32 to vector<16xi32>
      %sub3A_513 = arith.subi %shift_right_logical3A_511, %sub3A_512 : vector<16xi32>
      %shift_right_logical3A_514 = arith.constant 5 : i32
      %shift_right_logical3A_515 = vector.broadcast %shift_right_logical3A_514 : i32 to vector<16xi32>
      %shift_right_logical3A_516 = arith.shrui %sub3A_513, %shift_right_logical3A_515 : vector<16xi32>
      %eq3A_517 = arith.constant 7 : i32
      %eq3A_518 = vector.broadcast %eq3A_517 : i32 to vector<16xi32>
      %eq3A_519 = arith.cmpi eq, %shift_right_logical3A_516, %eq3A_518 : vector<16xi32>
      %and3A_520 = arith.andi %lt3A_505, %eq3A_519 : vector<16xi1>
      %jit3A_521 = arith.constant 1 : i32
      %jit3A_522 = arith.constant 0 : i32
      %broadcast_in_dim3A_523 = vector.broadcast %jit3A_521 : i32 to vector<16xi32>
      %broadcast_in_dim3A_524 = vector.broadcast %jit3A_522 : i32 to vector<16xi32>
      %select_n3A_525 = arith.select %and3A_520, %broadcast_in_dim3A_523, %broadcast_in_dim3A_524 : vector<16xi1>, vector<16xi32>
      %broadcast_in_dim3A_526 = arith.constant true
      %broadcast_in_dim3A_527 = vector.broadcast %broadcast_in_dim3A_526 : i1 to vector<16xi1>
      %masked_cumsum3A = tpu.scan <sum>, %select_n3A_525 masked %broadcast_in_dim3A_527 : vector<16xi32>, vector<16xi1> -> vector<16xi32>
      %add3A_528 = vector.broadcast %while3A_499 : i32 to vector<16xi32>
      %add3A_529 = arith.addi %add3A_528, %masked_cumsum3A : vector<16xi32>
      %sub3A_530 = arith.constant 1 : i32
      %sub3A_531 = vector.broadcast %sub3A_530 : i32 to vector<16xi32>
      %sub3A_532 = arith.subi %add3A_529, %sub3A_531 : vector<16xi32>
      tpu.vector_store_idx %arg6[%sub3A_532], %get3A_509 masked %and3A_520 : memref<16400xi32, #tpu.memory_space<vmem>>[vector<16xi32>], vector<16xi32>, vector<16xi1>
      %slice3A = vector.extract_strided_slice %masked_cumsum3A {offsets = [15], sizes = [1], strides = [1]} : vector<16xi32> to vector<1xi32>
      %squeeze3A = vector.extract %slice3A[0] : i32 from vector<1xi32>
      %add3A_533 = arith.addi %while3A_499, %squeeze3A : i32
      scf.yield %add3A_533 : i32
    }
    %while3A_363 = arith.constant 1 : i32
    %while3A_364 = scf.for %while3A_498 = %while3A_360 to %while3A_356 step %while3A_363 iter_args(%while3A_499 = %while3A_362) -> (i32)  : i32 {
      %mul3A_500 = arith.constant 16 : i32
      %mul3A_501 = arith.muli %while3A_498, %mul3A_500 : i32
      %add3A_502 = vector.broadcast %mul3A_501 : i32 to vector<16xi32>
      %add3A_503 = arith.addi %add3A_502, %iota3A : vector<16xi32>
      %lt3A_504 = vector.broadcast %scan3A_185 : i32 to vector<16xi32>
      %lt3A_505 = arith.cmpi slt, %add3A_503, %lt3A_504 : vector<16xi32>
      %mul3A_506 = arith.constant 16 : i32
      %mul3A_507 = arith.muli %while3A_498, %mul3A_506 : i32
      %get3A_508 = arith.index_cast %mul3A_507 : i32 to index
      %get3A_509 = tpu.vector_load %arg7[%get3A_508] {strides = array<i32>} : memref<16400xi32, #tpu.memory_space<vmem>>, vector<16xi32>,
      %gather3A = tpu.vector_load_idx %arg5[%get3A_509] masked %lt3A_505 : memref<16400xi32, #tpu.memory_space<vmem>>[vector<16xi32>], vector<16xi32>, vector<16xi1>
      %shift_right_logical3A = arith.constant 7 : i32
      %shift_right_logical3A_510 = vector.broadcast %shift_right_logical3A : i32 to vector<16xi32>
      %shift_right_logical3A_511 = arith.shrui %gather3A, %shift_right_logical3A_510 : vector<16xi32>
      %sub3A_512 = vector.broadcast %mul3A_2 : i32 to vector<16xi32>
      %sub3A_513 = arith.subi %shift_right_logical3A_511, %sub3A_512 : vector<16xi32>
      %shift_right_logical3A_514 = arith.constant 5 : i32
      %shift_right_logical3A_515 = vector.broadcast %shift_right_logical3A_514 : i32 to vector<16xi32>
      %shift_right_logical3A_516 = arith.shrui %sub3A_513, %shift_right_logical3A_515 : vector<16xi32>
      %eq3A_517 = arith.constant 7 : i32
      %eq3A_518 = vector.broadcast %eq3A_517 : i32 to vector<16xi32>
      %eq3A_519 = arith.cmpi eq, %shift_right_logical3A_516, %eq3A_518 : vector<16xi32>
      %and3A_520 = arith.andi %lt3A_505, %eq3A_519 : vector<16xi1>
      %jit3A_521 = arith.constant 1 : i32
      %jit3A_522 = arith.constant 0 : i32
      %broadcast_in_dim3A_523 = vector.broadcast %jit3A_521 : i32 to vector<16xi32>
      %broadcast_in_dim3A_524 = vector.broadcast %jit3A_522 : i32 to vector<16xi32>
      %select_n3A_525 = arith.select %and3A_520, %broadcast_in_dim3A_523, %broadcast_in_dim3A_524 : vector<16xi1>, vector<16xi32>
      %broadcast_in_dim3A_526 = arith.constant true
      %broadcast_in_dim3A_527 = vector.broadcast %broadcast_in_dim3A_526 : i1 to vector<16xi1>
      %masked_cumsum3A = tpu.scan <sum>, %select_n3A_525 masked %broadcast_in_dim3A_527 : vector<16xi32>, vector<16xi1> -> vector<16xi32>
      %add3A_528 = vector.broadcast %while3A_499 : i32 to vector<16xi32>
      %add3A_529 = arith.addi %add3A_528, %masked_cumsum3A : vector<16xi32>
      %sub3A_530 = arith.constant 1 : i32
      %sub3A_531 = vector.broadcast %sub3A_530 : i32 to vector<16xi32>
      %sub3A_532 = arith.subi %add3A_529, %sub3A_531 : vector<16xi32>
      tpu.vector_store_idx %arg6[%sub3A_532], %get3A_509 masked %and3A_520 : memref<16400xi32, #tpu.memory_space<vmem>>[vector<16xi32>], vector<16xi32>, vector<16xi1>
      %slice3A = vector.extract_strided_slice %masked_cumsum3A {offsets = [15], sizes = [1], strides = [1]} : vector<16xi32> to vector<1xi32>
      %squeeze3A = vector.extract %slice3A[0] : i32 from vector<1xi32>
      %add3A_533 = arith.addi %while3A_499, %squeeze3A : i32
      scf.yield %add3A_533 : i32
    }
    %get3A_365 = arith.constant 7 : i32
    %get3A_366 = arith.index_cast %get3A_365 : i32 to index
    %get3A_367 = memref.load %arg11[%get3A_366] : memref<8xi32, #tpu.memory_space<smem>>
    %sub3A_368 = arith.subi %while3A_364, %get3A_367 : i32
    %swap3A_369 = arith.constant 7 : i32
    %swap3A_370 = arith.index_cast %swap3A_369 : i32 to index
    %swap3A_371 = memref.load %arg12[%swap3A_370] : memref<8xi32, #tpu.memory_space<smem>>
    memref.store %sub3A_368, %arg12[%swap3A_370] : memref<8xi32, #tpu.memory_space<smem>>
    %scan3A_372 = arith.constant 0 : i32
    %scan3A_373 = arith.constant 0 : i32
    %scan3A_374 = arith.constant 31 : i32
    %scan3A_375 = arith.addi %scan3A_373, %scan3A_374 : i32
    %scan3A_376 = arith.constant 1 : i32
    %scan3A_377 = scf.for %scan3A_498 = %scan3A_373 to %scan3A_375 step %scan3A_376 iter_args(%scan3A_499 = %scan3A_372) -> (i32)  : i32 {
      %mul3A_500 = arith.constant 4 : i32
      %mul3A_501 = arith.muli %mul3A_500, %scan3A_498 : i32
      %add3A_502 = arith.constant 0 : i32
      %add3A_503 = arith.addi %mul3A_501, %add3A_502 : i32
      %dma_wait3A_504 = arith.constant 0 : i32
      %dma_wait3A_505 = arith.constant 0 : i32
      %dma_wait3A_506 = arith.constant 0 : i32
      %dma_wait3A_507 = tpu.memref_slice %arg8[%dma_wait3A_504, %dma_wait3A_505, %dma_wait3A_506] : memref<4x64x256xf32, #tpu.memory_space<vmem>> -> memref<1x64x256xf32, #tpu.memory_space<vmem>>
      %dma_wait3A_508 = tpu.memref_squeeze %dma_wait3A_507 : memref<1x64x256xf32, #tpu.memory_space<vmem>> -> memref<64x256xf32, #tpu.memory_space<vmem>>
      %dma_wait3A_509 = arith.constant 0 : i32
      %dma_wait3A_510 = arith.constant 0 : i32
      %dma_wait3A_511 = tpu.memref_slice %arg3[%dma_wait3A_509, %dma_wait3A_510] : memref<64x1000001xf32, #tpu.memory_space<hbm>> -> memref<64x256xf32, #tpu.memory_space<hbm>>
      %dma_wait3A_512 = arith.constant 0 : i32
      %dma_wait3A_513 = arith.constant 0 : i32
      %dma_wait3A_514 = tpu.memref_slice %arg8[%dma_wait3A_504, %dma_wait3A_512, %dma_wait3A_513] : memref<4x64x256xf32, #tpu.memory_space<vmem>> -> memref<1x64x256xf32, #tpu.memory_space<vmem>>
      %dma_wait3A_515 = tpu.memref_squeeze %dma_wait3A_514 : memref<1x64x256xf32, #tpu.memory_space<vmem>> -> memref<64x256xf32, #tpu.memory_space<vmem>>
      %dma_wait3A_516 = arith.constant 0 : i32
      %dma_wait3A_517 = arith.constant 0 : i32
      %dma_wait3A_518 = tpu.memref_slice %arg3[%dma_wait3A_516, %dma_wait3A_517] : memref<64x1000001xf32, #tpu.memory_space<hbm>> -> memref<64x256xf32, #tpu.memory_space<hbm>>
      tpu.wait_dma2 semaphore(%arg13 : memref<!tpu.dma_semaphore, #tpu.memory_space<semaphore_mem>>) src(%dma_wait3A_518 : memref<64x256xf32, #tpu.memory_space<hbm>>) dst(%dma_wait3A_515 : memref<64x256xf32, #tpu.memory_space<vmem>>)
      %mul3A_519 = arith.constant 2 : i32
      %mul3A_520 = arith.muli %add3A_503, %mul3A_519 : i32
      %add3A_521 = arith.addi %mul3A_2, %mul3A_520 : i32
      %min3A_522 = arith.constant 7811 : i32
      %min3A_523 = arith.minsi %add3A_521, %min3A_522 : i32
      %mul3A_524 = arith.constant 128 : i32
      %mul3A_525 = arith.muli %min3A_523, %mul3A_524 : i32
      %shift_right_arithmetic3A = arith.constant 4 : i32
      %shift_right_arithmetic3A_526 = arith.shrsi %add3A_503, %shift_right_arithmetic3A : i32
      %get3A_527 = arith.index_cast %shift_right_arithmetic3A_526 : i32 to index
      %get3A_528 = memref.load %arg11[%get3A_527] : memref<8xi32, #tpu.memory_space<smem>>
      %get3A_529 = arith.index_cast %shift_right_arithmetic3A_526 : i32 to index
      %get3A_530 = memref.load %arg12[%get3A_529] : memref<8xi32, #tpu.memory_space<smem>>
      %add3A_531 = arith.constant 15 : i32
      %add3A_532 = arith.addi %get3A_530, %add3A_531 : i32
      %jit3A_533 = arith.constant 16 : i32
      %div3A_534 = arith.divsi %add3A_532, %jit3A_533 : i32
      %sign3A_535 = arith.constant 0 : i32
      %sign3A_536 = arith.cmpi sgt, %add3A_532, %sign3A_535 : i32
      %sign3A_537 = arith.extui %sign3A_536 : i1 to i32
      %sign3A_538 = arith.constant 0 : i32
      %sign3A_539 = arith.cmpi slt, %add3A_532, %sign3A_538 : i32
      %sign3A_540 = arith.extui %sign3A_539 : i1 to i32
      %sign3A_541 = arith.subi %sign3A_537, %sign3A_540 : i32
      %sign3A_542 = arith.constant 0 : i32
      %sign3A_543 = arith.cmpi sgt, %jit3A_533, %sign3A_542 : i32
      %sign3A_544 = arith.extui %sign3A_543 : i1 to i32
      %sign3A_545 = arith.constant 0 : i32
      %sign3A_546 = arith.cmpi slt, %jit3A_533, %sign3A_545 : i32
      %sign3A_547 = arith.extui %sign3A_546 : i1 to i32
      %sign3A_548 = arith.subi %sign3A_544, %sign3A_547 : i32
      %ne3A_549 = arith.cmpi ne, %sign3A_541, %sign3A_548 : i32
      %rem3A_550 = arith.remsi %add3A_532, %jit3A_533 : i32
      %ne3A_551 = arith.constant 0 : i32
      %ne3A_552 = arith.cmpi ne, %rem3A_550, %ne3A_551 : i32
      %and3A_553 = arith.andi %ne3A_549, %ne3A_552 : i1
      %sub3A_554 = arith.constant 1 : i32
      %sub3A_555 = arith.subi %div3A_534, %sub3A_554 : i32
      %select_n3A_556 = arith.select %and3A_553, %sub3A_555, %div3A_534 : i32
      %while3A_557 = arith.constant 0 : i32
      %while3A_558 = arith.constant 0 : i32
      %while3A_559 = arith.subi %select_n3A_556, %while3A_557 : i32
      %while3A_560 = arith.addi %while3A_557, %while3A_559 : i32
      %while3A_561 = arith.constant 1 : i32
      %while3A_562 = arith.divsi %while3A_559, %while3A_561 : i32
      %while3A_563 = arith.muli %while3A_562, %while3A_561 : i32
      %while3A_564 = arith.addi %while3A_557, %while3A_563 : i32
      %while3A_565 = arith.constant 1 : i32
      %while3A_566 = scf.for %while3A_857 = %while3A_557 to %while3A_564 step %while3A_565 iter_args(%while3A_858 = %while3A_558) -> (i32)  : i32 {
        %mul3A_859 = arith.constant 16 : i32
        %mul3A_860 = arith.muli %while3A_857, %mul3A_859 : i32
        %add3A_861 = vector.broadcast %mul3A_860 : i32 to vector<16xi32>
        %add3A_862 = arith.addi %add3A_861, %iota3A : vector<16xi32>
        %lt3A_863 = vector.broadcast %get3A_530 : i32 to vector<16xi32>
        %lt3A_864 = arith.cmpi slt, %add3A_862, %lt3A_863 : vector<16xi32>
        %mul3A_865 = arith.constant 16 : i32
        %mul3A_866 = arith.muli %while3A_857, %mul3A_865 : i32
        %add3A_867 = arith.addi %get3A_528, %mul3A_866 : i32
        %get3A_868 = arith.index_cast %add3A_867 : i32 to index
        %get3A_869 = tpu.vector_load %arg6[%get3A_868] {strides = array<i32>} : memref<16400xi32, #tpu.memory_space<vmem>>, vector<16xi32>,
        %gather3A = tpu.vector_load_idx %arg5[%get3A_869] masked %lt3A_864 : memref<16400xi32, #tpu.memory_space<vmem>>[vector<16xi32>], vector<16xi32>, vector<16xi1>
        %shift_right_logical3A = arith.constant 7 : i32
        %shift_right_logical3A_870 = vector.broadcast %shift_right_logical3A : i32 to vector<16xi32>
        %shift_right_logical3A_871 = arith.shrui %gather3A, %shift_right_logical3A_870 : vector<16xi32>
        %ge3A_872 = vector.broadcast %min3A_523 : i32 to vector<16xi32>
        %ge3A_873 = arith.cmpi sge, %shift_right_logical3A_871, %ge3A_872 : vector<16xi32>
        %and3A_874 = arith.andi %lt3A_864, %ge3A_873 : vector<16xi1>
        %add3A_875 = arith.constant 2 : i32
        %add3A_876 = arith.addi %min3A_523, %add3A_875 : i32
        %lt3A_877 = vector.broadcast %add3A_876 : i32 to vector<16xi32>
        %lt3A_878 = arith.cmpi slt, %shift_right_logical3A_871, %lt3A_877 : vector<16xi32>
        %and3A_879 = arith.andi %and3A_874, %lt3A_878 : vector<16xi1>
        %jit3A_880 = arith.constant 1 : i32
        %jit3A_881 = arith.constant 0 : i32
        %broadcast_in_dim3A_882 = vector.broadcast %jit3A_880 : i32 to vector<16xi32>
        %broadcast_in_dim3A_883 = vector.broadcast %jit3A_881 : i32 to vector<16xi32>
        %select_n3A_884 = arith.select %and3A_879, %broadcast_in_dim3A_882, %broadcast_in_dim3A_883 : vector<16xi1>, vector<16xi32>
        %broadcast_in_dim3A_885 = arith.constant true
        %broadcast_in_dim3A_886 = vector.broadcast %broadcast_in_dim3A_885 : i1 to vector<16xi1>
        %masked_cumsum3A = tpu.scan <sum>, %select_n3A_884 masked %broadcast_in_dim3A_886 : vector<16xi32>, vector<16xi1> -> vector<16xi32>
        %add3A_887 = vector.broadcast %while3A_858 : i32 to vector<16xi32>
        %add3A_888 = arith.addi %add3A_887, %masked_cumsum3A : vector<16xi32>
        %sub3A_889 = arith.constant 1 : i32
        %sub3A_890 = vector.broadcast %sub3A_889 : i32 to vector<16xi32>
        %sub3A_891 = arith.subi %add3A_888, %sub3A_890 : vector<16xi32>
        tpu.vector_store_idx %arg7[%sub3A_891], %get3A_869 masked %and3A_879 : memref<16400xi32, #tpu.memory_space<vmem>>[vector<16xi32>], vector<16xi32>, vector<16xi1>
        %slice3A = vector.extract_strided_slice %masked_cumsum3A {offsets = [15], sizes = [1], strides = [1]} : vector<16xi32> to vector<1xi32>
        %squeeze3A = vector.extract %slice3A[0] : i32 from vector<1xi32>
        %add3A_892 = arith.addi %while3A_858, %squeeze3A : i32
        scf.yield %add3A_892 : i32
      }
      %while3A_567 = arith.constant 1 : i32
      %while3A_568 = scf.for %while3A_857 = %while3A_564 to %while3A_560 step %while3A_567 iter_args(%while3A_858 = %while3A_566) -> (i32)  : i32 {
        %mul3A_859 = arith.constant 16 : i32
        %mul3A_860 = arith.muli %while3A_857, %mul3A_859 : i32
        %add3A_861 = vector.broadcast %mul3A_860 : i32 to vector<16xi32>
        %add3A_862 = arith.addi %add3A_861, %iota3A : vector<16xi32>
        %lt3A_863 = vector.broadcast %get3A_530 : i32 to vector<16xi32>
        %lt3A_864 = arith.cmpi slt, %add3A_862, %lt3A_863 : vector<16xi32>
        %mul3A_865 = arith.constant 16 : i32
        %mul3A_866 = arith.muli %while3A_857, %mul3A_865 : i32
        %add3A_867 = arith.addi %get3A_528, %mul3A_866 : i32
        %get3A_868 = arith.index_cast %add3A_867 : i32 to index
        %get3A_869 = tpu.vector_load %arg6[%get3A_868] {strides = array<i32>} : memref<16400xi32, #tpu.memory_space<vmem>>, vector<16xi32>,
        %gather3A = tpu.vector_load_idx %arg5[%get3A_869] masked %lt3A_864 : memref<16400xi32, #tpu.memory_space<vmem>>[vector<16xi32>], vector<16xi32>, vector<16xi1>
        %shift_right_logical3A = arith.constant 7 : i32
        %shift_right_logical3A_870 = vector.broadcast %shift_right_logical3A : i32 to vector<16xi32>
        %shift_right_logical3A_871 = arith.shrui %gather3A, %shift_right_logical3A_870 : vector<16xi32>
        %ge3A_872 = vector.broadcast %min3A_523 : i32 to vector<16xi32>
        %ge3A_873 = arith.cmpi sge, %shift_right_logical3A_871, %ge3A_872 : vector<16xi32>
        %and3A_874 = arith.andi %lt3A_864, %ge3A_873 : vector<16xi1>
        %add3A_875 = arith.constant 2 : i32
        %add3A_876 = arith.addi %min3A_523, %add3A_875 : i32
        %lt3A_877 = vector.broadcast %add3A_876 : i32 to vector<16xi32>
        %lt3A_878 = arith.cmpi slt, %shift_right_logical3A_871, %lt3A_877 : vector<16xi32>
        %and3A_879 = arith.andi %and3A_874, %lt3A_878 : vector<16xi1>
        %jit3A_880 = arith.constant 1 : i32
        %jit3A_881 = arith.constant 0 : i32
        %broadcast_in_dim3A_882 = vector.broadcast %jit3A_880 : i32 to vector<16xi32>
        %broadcast_in_dim3A_883 = vector.broadcast %jit3A_881 : i32 to vector<16xi32>
        %select_n3A_884 = arith.select %and3A_879, %broadcast_in_dim3A_882, %broadcast_in_dim3A_883 : vector<16xi1>, vector<16xi32>
        %broadcast_in_dim3A_885 = arith.constant true
        %broadcast_in_dim3A_886 = vector.broadcast %broadcast_in_dim3A_885 : i1 to vector<16xi1>
        %masked_cumsum3A = tpu.scan <sum>, %select_n3A_884 masked %broadcast_in_dim3A_886 : vector<16xi32>, vector<16xi1> -> vector<16xi32>
        %add3A_887 = vector.broadcast %while3A_858 : i32 to vector<16xi32>
        %add3A_888 = arith.addi %add3A_887, %masked_cumsum3A : vector<16xi32>
        %sub3A_889 = arith.constant 1 : i32
        %sub3A_890 = vector.broadcast %sub3A_889 : i32 to vector<16xi32>
        %sub3A_891 = arith.subi %add3A_888, %sub3A_890 : vector<16xi32>
        tpu.vector_store_idx %arg7[%sub3A_891], %get3A_869 masked %and3A_879 : memref<16400xi32, #tpu.memory_space<vmem>>[vector<16xi32>], vector<16xi32>, vector<16xi1>
        %slice3A = vector.extract_strided_slice %masked_cumsum3A {offsets = [15], sizes = [1], strides = [1]} : vector<16xi32> to vector<1xi32>
        %squeeze3A = vector.extract %slice3A[0] : i32 from vector<1xi32>
        %add3A_892 = arith.addi %while3A_858, %squeeze3A : i32
        scf.yield %add3A_892 : i32
      }
      %while3A_569 = arith.constant 0 : i32
      %while3A_570 = arith.constant 0 : i32
      %while3A_571 = arith.subi %while3A_568, %while3A_570 : i32
      %while3A_572 = arith.addi %while3A_570, %while3A_571 : i32
      %while3A_573 = arith.constant 1 : i32
      %while3A_574 = arith.divsi %while3A_571, %while3A_573 : i32
      %while3A_575 = arith.muli %while3A_574, %while3A_573 : i32
      %while3A_576 = arith.addi %while3A_570, %while3A_575 : i32
      %while3A_577 = arith.constant 1 : i32
      %while3A_578 = scf.for %while3A_857 = %while3A_570 to %while3A_576 step %while3A_577 iter_args(%while3A_858 = %scan3A_499) -> (i32)  : i32 {
        %broadcast_in_dim3A_859 = vector.broadcast %while3A_857 : i32 to vector<16xi32>
        %gather3A = tpu.vector_load_idx %arg7[%broadcast_in_dim3A_859] : memref<16400xi32, #tpu.memory_space<vmem>>[vector<16xi32>], vector<16xi32>,
        %gather3A_860 = tpu.vector_load_idx %arg5[%gather3A] : memref<16400xi32, #tpu.memory_space<vmem>>[vector<16xi32>], vector<16xi32>,
        %sub3A_861 = vector.broadcast %mul3A_525 : i32 to vector<16xi32>
        %sub3A_862 = arith.subi %gather3A_860, %sub3A_861 : vector<16xi32>
        %jit3A_863 = arith.constant 32 : i32
        %div3A_864 = arith.divsi %while3A_858, %jit3A_863 : i32
        %sign3A_865 = arith.constant 0 : i32
        %sign3A_866 = arith.cmpi sgt, %while3A_858, %sign3A_865 : i32
        %sign3A_867 = arith.extui %sign3A_866 : i1 to i32
        %sign3A_868 = arith.constant 0 : i32
        %sign3A_869 = arith.cmpi slt, %while3A_858, %sign3A_868 : i32
        %sign3A_870 = arith.extui %sign3A_869 : i1 to i32
        %sign3A_871 = arith.subi %sign3A_867, %sign3A_870 : i32
        %sign3A_872 = arith.constant 0 : i32
        %sign3A_873 = arith.cmpi sgt, %jit3A_863, %sign3A_872 : i32
        %sign3A_874 = arith.extui %sign3A_873 : i1 to i32
        %sign3A_875 = arith.constant 0 : i32
        %sign3A_876 = arith.cmpi slt, %jit3A_863, %sign3A_875 : i32
        %sign3A_877 = arith.extui %sign3A_876 : i1 to i32
        %sign3A_878 = arith.subi %sign3A_874, %sign3A_877 : i32
        %ne3A_879 = arith.cmpi ne, %sign3A_871, %sign3A_878 : i32
        %rem3A_880 = arith.remsi %while3A_858, %jit3A_863 : i32
        %ne3A_881 = arith.constant 0 : i32
        %ne3A_882 = arith.cmpi ne, %rem3A_880, %ne3A_881 : i32
        %and3A_883 = arith.andi %ne3A_879, %ne3A_882 : i1
        %sub3A_884 = arith.constant 1 : i32
        %sub3A_885 = arith.subi %div3A_864, %sub3A_884 : i32
        %select_n3A_886 = arith.select %and3A_883, %sub3A_885, %div3A_864 : i32
        %jit3A_887 = arith.constant 2 : i32
        %eq3A_888 = arith.constant 0 : i32
        %eq3A_889 = arith.cmpi eq, %jit3A_887, %eq3A_888 : i32
        %jit3A_890 = arith.constant 1 : i32
        %select_n3A_891 = arith.select %eq3A_889, %jit3A_890, %jit3A_887 : i32
        %rem3A_892 = arith.remsi %select_n3A_886, %select_n3A_891 : i32
        %ne3A_893 = arith.constant 0 : i32
        %ne3A_894 = arith.cmpi ne, %rem3A_892, %ne3A_893 : i32
        %lt3A_895 = arith.constant 0 : i32
        %lt3A_896 = arith.cmpi slt, %rem3A_892, %lt3A_895 : i32
        %lt3A_897 = arith.constant 0 : i32
        %lt3A_898 = arith.cmpi slt, %select_n3A_891, %lt3A_897 : i32
        %ne3A_899 = arith.xori %lt3A_896, %lt3A_898 : i1
        %and3A_900 = arith.andi %ne3A_899, %ne3A_894 : i1
        %add3A_901 = arith.addi %rem3A_892, %select_n3A_891 : i32
        %select_n3A_902 = arith.select %and3A_900, %add3A_901, %rem3A_892 : i32
        %jit3A_903 = arith.constant 32 : i32
        %eq3A_904 = arith.constant 0 : i32
        %eq3A_905 = arith.cmpi eq, %jit3A_903, %eq3A_904 : i32
        %jit3A_906 = arith.constant 1 : i32
        %select_n3A_907 = arith.select %eq3A_905, %jit3A_906, %jit3A_903 : i32
        %rem3A_908 = arith.remsi %while3A_858, %select_n3A_907 : i32
        %ne3A_909 = arith.constant 0 : i32
        %ne3A_910 = arith.cmpi ne, %rem3A_908, %ne3A_909 : i32
        %lt3A_911 = arith.constant 0 : i32
        %lt3A_912 = arith.cmpi slt, %rem3A_908, %lt3A_911 : i32
        %lt3A_913 = arith.constant 0 : i32
        %lt3A_914 = arith.cmpi slt, %select_n3A_907, %lt3A_913 : i32
        %ne3A_915 = arith.xori %lt3A_912, %lt3A_914 : i1
        %and3A_916 = arith.andi %ne3A_915, %ne3A_910 : i1
        %add3A_917 = arith.addi %rem3A_908, %select_n3A_907 : i32
        %select_n3A_918 = arith.select %and3A_916, %add3A_917, %rem3A_908 : i32
        %add3A_919 = arith.constant 0 : i32
        %add3A_920 = vector.broadcast %add3A_919 : i32 to vector<16xi32>
        %add3A_921 = arith.addi %add3A_920, %iota3A : vector<16xi32>
        %gather3A_922 = arith.constant 0 : i32
        %gather3A_923 = arith.constant 0 : i32
        %gather3A_924 = tpu.memref_slice %arg8[%while3A_569, %gather3A_922, %gather3A_923] : memref<4x64x256xf32, #tpu.memory_space<vmem>> -> memref<1x64x256xf32, #tpu.memory_space<vmem>>
        %gather3A_925 = tpu.memref_squeeze %gather3A_924 : memref<1x64x256xf32, #tpu.memory_space<vmem>> -> memref<64x256xf32, #tpu.memory_space<vmem>>
        %gather3A_926 = tpu.vector_load_idx %gather3A_925[%add3A_921, %sub3A_862] : memref<64x256xf32, #tpu.memory_space<vmem>>[vector<16xi32>, vector<16xi32>], vector<16xf32>,
        %swap3A_927 = arith.index_cast %select_n3A_902 : i32 to index
        %swap3A_928 = arith.index_cast %select_n3A_918 : i32 to index
        %swap3A_929 = arith.constant 0 : index
        %swap3A_930 = tpu.vector_load %arg9[%swap3A_927, %swap3A_928, %swap3A_929] {strides = array<i32>} : memref<2x32x128xf32, #tpu.memory_space<vmem>>, vector<16xf32>,
        tpu.vector_store %arg9[%swap3A_927, %swap3A_928, %swap3A_929], %gather3A_926 {strides = array<i32>} : memref<2x32x128xf32, #tpu.memory_space<vmem>>, vector<16xf32>,
        %add3A_931 = arith.constant 16 : i32
        %add3A_932 = vector.broadcast %add3A_931 : i32 to vector<16xi32>
        %add3A_933 = arith.addi %add3A_932, %iota3A : vector<16xi32>
        %gather3A_934 = arith.constant 0 : i32
        %gather3A_935 = arith.constant 0 : i32
        %gather3A_936 = tpu.memref_slice %arg8[%while3A_569, %gather3A_934, %gather3A_935] : memref<4x64x256xf32, #tpu.memory_space<vmem>> -> memref<1x64x256xf32, #tpu.memory_space<vmem>>
        %gather3A_937 = tpu.memref_squeeze %gather3A_936 : memref<1x64x256xf32, #tpu.memory_space<vmem>> -> memref<64x256xf32, #tpu.memory_space<vmem>>
        %gather3A_938 = tpu.vector_load_idx %gather3A_937[%add3A_933, %sub3A_862] : memref<64x256xf32, #tpu.memory_space<vmem>>[vector<16xi32>, vector<16xi32>], vector<16xf32>,
        %swap3A_939 = arith.index_cast %select_n3A_902 : i32 to index
        %swap3A_940 = arith.index_cast %select_n3A_918 : i32 to index
        %swap3A_941 = arith.constant 16 : index
        %swap3A_942 = tpu.vector_load %arg9[%swap3A_939, %swap3A_940, %swap3A_941] {strides = array<i32>} : memref<2x32x128xf32, #tpu.memory_space<vmem>>, vector<16xf32>,
        tpu.vector_store %arg9[%swap3A_939, %swap3A_940, %swap3A_941], %gather3A_938 {strides = array<i32>} : memref<2x32x128xf32, #tpu.memory_space<vmem>>, vector<16xf32>,
        %add3A_943 = arith.constant 32 : i32
        %add3A_944 = vector.broadcast %add3A_943 : i32 to vector<16xi32>
        %add3A_945 = arith.addi %add3A_944, %iota3A : vector<16xi32>
        %gather3A_946 = arith.constant 0 : i32
        %gather3A_947 = arith.constant 0 : i32
        %gather3A_948 = tpu.memref_slice %arg8[%while3A_569, %gather3A_946, %gather3A_947] : memref<4x64x256xf32, #tpu.memory_space<vmem>> -> memref<1x64x256xf32, #tpu.memory_space<vmem>>
        %gather3A_949 = tpu.memref_squeeze %gather3A_948 : memref<1x64x256xf32, #tpu.memory_space<vmem>> -> memref<64x256xf32, #tpu.memory_space<vmem>>
        %gather3A_950 = tpu.vector_load_idx %gather3A_949[%add3A_945, %sub3A_862] : memref<64x256xf32, #tpu.memory_space<vmem>>[vector<16xi32>, vector<16xi32>], vector<16xf32>,
        %swap3A_951 = arith.index_cast %select_n3A_902 : i32 to index
        %swap3A_952 = arith.index_cast %select_n3A_918 : i32 to index
        %swap3A_953 = arith.constant 32 : index
        %swap3A_954 = tpu.vector_load %arg9[%swap3A_951, %swap3A_952, %swap3A_953] {strides = array<i32>} : memref<2x32x128xf32, #tpu.memory_space<vmem>>, vector<16xf32>,
        tpu.vector_store %arg9[%swap3A_951, %swap3A_952, %swap3A_953], %gather3A_950 {strides = array<i32>} : memref<2x32x128xf32, #tpu.memory_space<vmem>>, vector<16xf32>,
        %add3A_955 = arith.constant 48 : i32
        %add3A_956 = vector.broadcast %add3A_955 : i32 to vector<16xi32>
        %add3A_957 = arith.addi %add3A_956, %iota3A : vector<16xi32>
        %gather3A_958 = arith.constant 0 : i32
        %gather3A_959 = arith.constant 0 : i32
        %gather3A_960 = tpu.memref_slice %arg8[%while3A_569, %gather3A_958, %gather3A_959] : memref<4x64x256xf32, #tpu.memory_space<vmem>> -> memref<1x64x256xf32, #tpu.memory_space<vmem>>
        %gather3A_961 = tpu.memref_squeeze %gather3A_960 : memref<1x64x256xf32, #tpu.memory_space<vmem>> -> memref<64x256xf32, #tpu.memory_space<vmem>>
        %gather3A_962 = tpu.vector_load_idx %gather3A_961[%add3A_957, %sub3A_862] : memref<64x256xf32, #tpu.memory_space<vmem>>[vector<16xi32>, vector<16xi32>], vector<16xf32>,
        %swap3A_963 = arith.index_cast %select_n3A_902 : i32 to index
        %swap3A_964 = arith.index_cast %select_n3A_918 : i32 to index
        %swap3A_965 = arith.constant 48 : index
        %swap3A_966 = tpu.vector_load %arg9[%swap3A_963, %swap3A_964, %swap3A_965] {strides = array<i32>} : memref<2x32x128xf32, #tpu.memory_space<vmem>>, vector<16xf32>,
        tpu.vector_store %arg9[%swap3A_963, %swap3A_964, %swap3A_965], %gather3A_962 {strides = array<i32>} : memref<2x32x128xf32, #tpu.memory_space<vmem>>, vector<16xf32>,
        %broadcast_in_dim3A_967 = vector.broadcast %select_n3A_918 : i32 to vector<16xi32>
        %eq3A_968 = arith.constant 0 : i32
        %eq3A_969 = vector.broadcast %eq3A_968 : i32 to vector<16xi32>
        %eq3A_970 = arith.cmpi eq, %iota3A, %eq3A_969 : vector<16xi32>
        %scatter3A_971 = arith.constant 0 : i32
        %scatter3A_972 = tpu.memref_slice %arg10[%select_n3A_902, %scatter3A_971] : memref<2x32xi32, #tpu.memory_space<vmem>> -> memref<1x32xi32, #tpu.memory_space<vmem>>
        %scatter3A_973 = tpu.memref_squeeze %scatter3A_972 : memref<1x32xi32, #tpu.memory_space<vmem>> -> memref<32xi32, #tpu.memory_space<vmem>>
        tpu.vector_store_idx %scatter3A_973[%broadcast_in_dim3A_967], %gather3A masked %eq3A_970 : memref<32xi32, #tpu.memory_space<vmem>>[vector<16xi32>], vector<16xi32>, vector<16xi1>
        %add3A_974 = arith.constant 1 : i32
        %add3A_975 = arith.addi %while3A_858, %add3A_974 : i32
        %jit3A_976 = arith.constant 32 : i32
        %eq3A_977 = arith.constant 0 : i32
        %eq3A_978 = arith.cmpi eq, %jit3A_976, %eq3A_977 : i32
        %jit3A_979 = arith.constant 1 : i32
        %select_n3A_980 = arith.select %eq3A_978, %jit3A_979, %jit3A_976 : i32
        %rem3A_981 = arith.remsi %add3A_975, %select_n3A_980 : i32
        %ne3A_982 = arith.constant 0 : i32
        %ne3A_983 = arith.cmpi ne, %rem3A_981, %ne3A_982 : i32
        %lt3A_984 = arith.constant 0 : i32
        %lt3A_985 = arith.cmpi slt, %rem3A_981, %lt3A_984 : i32
        %lt3A_986 = arith.constant 0 : i32
        %lt3A_987 = arith.cmpi slt, %select_n3A_980, %lt3A_986 : i32
        %ne3A_988 = arith.xori %lt3A_985, %lt3A_987 : i1
        %and3A_989 = arith.andi %ne3A_988, %ne3A_983 : i1
        %add3A_990 = arith.addi %rem3A_981, %select_n3A_980 : i32
        %select_n3A_991 = arith.select %and3A_989, %add3A_990, %rem3A_981 : i32
        %eq3A_992 = arith.constant 0 : i32
        %eq3A_993 = arith.cmpi eq, %select_n3A_991, %eq3A_992 : i32
        %convert_element_type3A_994 = arith.extui %eq3A_993 : i1 to i32
        %cond3A_995 = arith.constant 0 : i32
        %cond3A_996 = arith.cmpi ne, %convert_element_type3A_994, %cond3A_995 : i32
        scf.if %cond3A_996 {
          %dma_start3A_997 = arith.constant 0 : i32
          %dma_start3A_998 = arith.constant 0 : i32
          %dma_start3A_999 = tpu.memref_slice %arg9[%select_n3A_902, %dma_start3A_997, %dma_start3A_998] : memref<2x32x128xf32, #tpu.memory_space<vmem>> -> memref<1x32x128xf32, #tpu.memory_space<vmem>>
          %dma_start3A_1000 = tpu.memref_squeeze %dma_start3A_999 : memref<1x32x128xf32, #tpu.memory_space<vmem>> -> memref<32x128xf32, #tpu.memory_space<vmem>>
          %dma_start3A_1001 = arith.constant 0 : i32
          %dma_start3A_1002 = tpu.memref_slice %arg10[%select_n3A_902, %dma_start3A_1001] : memref<2x32xi32, #tpu.memory_space<vmem>> -> memref<1x32xi32, #tpu.memory_space<vmem>>
          %dma_start3A_1003 = tpu.memref_squeeze %dma_start3A_1002 : memref<1x32xi32, #tpu.memory_space<vmem>> -> memref<32xi32, #tpu.memory_space<vmem>>
          %dma_start3A_1004 = arith.constant 0 : i32
          %dma_start3A_1005 = arith.constant 0 : i32
          %dma_start3A_1006 = tpu.memref_slice %arg4[%dma_start3A_1004, %dma_start3A_1005] : memref<16416x128xf32, #tpu.memory_space<hbm>> -> memref<16416x128xf32, #tpu.memory_space<hbm>>
          tpu.enqueue_indirect_dma source(%dma_start3A_1000 : memref<32x128xf32, #tpu.memory_space<vmem>>) target(%dma_start3A_1006 : memref<16416x128xf32, #tpu.memory_space<hbm>>) offsets(%dma_start3A_1003 : memref<32xi32, #tpu.memory_space<vmem>>) semaphore(%arg17 : memref<!tpu.dma_semaphore, #tpu.memory_space<semaphore_mem>>)
          %dma_wait3A_1007 = arith.constant 0 : i32
          %dma_wait3A_1008 = arith.constant 0 : i32
          %dma_wait3A_1009 = tpu.memref_slice %arg9[%select_n3A_902, %dma_wait3A_1007, %dma_wait3A_1008] : memref<2x32x128xf32, #tpu.memory_space<vmem>> -> memref<1x32x128xf32, #tpu.memory_space<vmem>>
          %dma_wait3A_1010 = tpu.memref_squeeze %dma_wait3A_1009 : memref<1x32x128xf32, #tpu.memory_space<vmem>> -> memref<32x128xf32, #tpu.memory_space<vmem>>
          %dma_wait3A_1011 = arith.constant 0 : i32
          %dma_wait3A_1012 = tpu.memref_slice %arg10[%select_n3A_902, %dma_wait3A_1011] : memref<2x32xi32, #tpu.memory_space<vmem>> -> memref<1x32xi32, #tpu.memory_space<vmem>>
          %dma_wait3A_1013 = tpu.memref_squeeze %dma_wait3A_1012 : memref<1x32xi32, #tpu.memory_space<vmem>> -> memref<32xi32, #tpu.memory_space<vmem>>
          %dma_wait3A_1014 = arith.constant 0 : i32
          %dma_wait3A_1015 = arith.constant 0 : i32
          %dma_wait3A_1016 = tpu.memref_slice %arg4[%dma_wait3A_1014, %dma_wait3A_1015] : memref<16416x128xf32, #tpu.memory_space<hbm>> -> memref<16416x128xf32, #tpu.memory_space<hbm>>
          tpu.wait_indirect_dma semaphore(%arg17 : memref<!tpu.dma_semaphore, #tpu.memory_space<semaphore_mem>>) src(%dma_wait3A_1010 : memref<32x128xf32, #tpu.memory_space<vmem>>) dst(%dma_wait3A_1016 : memref<16416x128xf32, #tpu.memory_space<hbm>>)
        } else {
        }
        scf.yield %add3A_975 : i32
      }
      %while3A_579 = arith.constant 1 : i32
      %while3A_580 = scf.for %while3A_857 = %while3A_576 to %while3A_572 step %while3A_579 iter_args(%while3A_858 = %while3A_578) -> (i32)  : i32 {
        %broadcast_in_dim3A_859 = vector.broadcast %while3A_857 : i32 to vector<16xi32>
        %gather3A = tpu.vector_load_idx %arg7[%broadcast_in_dim3A_859] : memref<16400xi32, #tpu.memory_space<vmem>>[vector<16xi32>], vector<16xi32>,
        %gather3A_860 = tpu.vector_load_idx %arg5[%gather3A] : memref<16400xi32, #tpu.memory_space<vmem>>[vector<16xi32>], vector<16xi32>,
        %sub3A_861 = vector.broadcast %mul3A_525 : i32 to vector<16xi32>
        %sub3A_862 = arith.subi %gather3A_860, %sub3A_861 : vector<16xi32>
        %jit3A_863 = arith.constant 32 : i32
        %div3A_864 = arith.divsi %while3A_858, %jit3A_863 : i32
        %sign3A_865 = arith.constant 0 : i32
        %sign3A_866 = arith.cmpi sgt, %while3A_858, %sign3A_865 : i32
        %sign3A_867 = arith.extui %sign3A_866 : i1 to i32
        %sign3A_868 = arith.constant 0 : i32
        %sign3A_869 = arith.cmpi slt, %while3A_858, %sign3A_868 : i32
        %sign3A_870 = arith.extui %sign3A_869 : i1 to i32
        %sign3A_871 = arith.subi %sign3A_867, %sign3A_870 : i32
        %sign3A_872 = arith.constant 0 : i32
        %sign3A_873 = arith.cmpi sgt, %jit3A_863, %sign3A_872 : i32
        %sign3A_874 = arith.extui %sign3A_873 : i1 to i32
        %sign3A_875 = arith.constant 0 : i32
        %sign3A_876 = arith.cmpi slt, %jit3A_863, %sign3A_875 : i32
        %sign3A_877 = arith.extui %sign3A_876 : i1 to i32
        %sign3A_878 = arith.subi %sign3A_874, %sign3A_877 : i32
        %ne3A_879 = arith.cmpi ne, %sign3A_871, %sign3A_878 : i32
        %rem3A_880 = arith.remsi %while3A_858, %jit3A_863 : i32
        %ne3A_881 = arith.constant 0 : i32
        %ne3A_882 = arith.cmpi ne, %rem3A_880, %ne3A_881 : i32
        %and3A_883 = arith.andi %ne3A_879, %ne3A_882 : i1
        %sub3A_884 = arith.constant 1 : i32
        %sub3A_885 = arith.subi %div3A_864, %sub3A_884 : i32
        %select_n3A_886 = arith.select %and3A_883, %sub3A_885, %div3A_864 : i32
        %jit3A_887 = arith.constant 2 : i32
        %eq3A_888 = arith.constant 0 : i32
        %eq3A_889 = arith.cmpi eq, %jit3A_887, %eq3A_888 : i32
        %jit3A_890 = arith.constant 1 : i32
        %select_n3A_891 = arith.select %eq3A_889, %jit3A_890, %jit3A_887 : i32
        %rem3A_892 = arith.remsi %select_n3A_886, %select_n3A_891 : i32
        %ne3A_893 = arith.constant 0 : i32
        %ne3A_894 = arith.cmpi ne, %rem3A_892, %ne3A_893 : i32
        %lt3A_895 = arith.constant 0 : i32
        %lt3A_896 = arith.cmpi slt, %rem3A_892, %lt3A_895 : i32
        %lt3A_897 = arith.constant 0 : i32
        %lt3A_898 = arith.cmpi slt, %select_n3A_891, %lt3A_897 : i32
        %ne3A_899 = arith.xori %lt3A_896, %lt3A_898 : i1
        %and3A_900 = arith.andi %ne3A_899, %ne3A_894 : i1
        %add3A_901 = arith.addi %rem3A_892, %select_n3A_891 : i32
        %select_n3A_902 = arith.select %and3A_900, %add3A_901, %rem3A_892 : i32
        %jit3A_903 = arith.constant 32 : i32
        %eq3A_904 = arith.constant 0 : i32
        %eq3A_905 = arith.cmpi eq, %jit3A_903, %eq3A_904 : i32
        %jit3A_906 = arith.constant 1 : i32
        %select_n3A_907 = arith.select %eq3A_905, %jit3A_906, %jit3A_903 : i32
        %rem3A_908 = arith.remsi %while3A_858, %select_n3A_907 : i32
        %ne3A_909 = arith.constant 0 : i32
        %ne3A_910 = arith.cmpi ne, %rem3A_908, %ne3A_909 : i32
        %lt3A_911 = arith.constant 0 : i32
        %lt3A_912 = arith.cmpi slt, %rem3A_908, %lt3A_911 : i32
        %lt3A_913 = arith.constant 0 : i32
        %lt3A_914 = arith.cmpi slt, %select_n3A_907, %lt3A_913 : i32
        %ne3A_915 = arith.xori %lt3A_912, %lt3A_914 : i1
        %and3A_916 = arith.andi %ne3A_915, %ne3A_910 : i1
        %add3A_917 = arith.addi %rem3A_908, %select_n3A_907 : i32
        %select_n3A_918 = arith.select %and3A_916, %add3A_917, %rem3A_908 : i32
        %add3A_919 = arith.constant 0 : i32
        %add3A_920 = vector.broadcast %add3A_919 : i32 to vector<16xi32>
        %add3A_921 = arith.addi %add3A_920, %iota3A : vector<16xi32>
        %gather3A_922 = arith.constant 0 : i32
        %gather3A_923 = arith.constant 0 : i32
        %gather3A_924 = tpu.memref_slice %arg8[%while3A_569, %gather3A_922, %gather3A_923] : memref<4x64x256xf32, #tpu.memory_space<vmem>> -> memref<1x64x256xf32, #tpu.memory_space<vmem>>
        %gather3A_925 = tpu.memref_squeeze %gather3A_924 : memref<1x64x256xf32, #tpu.memory_space<vmem>> -> memref<64x256xf32, #tpu.memory_space<vmem>>
        %gather3A_926 = tpu.vector_load_idx %gather3A_925[%add3A_921, %sub3A_862] : memref<64x256xf32, #tpu.memory_space<vmem>>[vector<16xi32>, vector<16xi32>], vector<16xf32>,
        %swap3A_927 = arith.index_cast %select_n3A_902 : i32 to index
        %swap3A_928 = arith.index_cast %select_n3A_918 : i32 to index
        %swap3A_929 = arith.constant 0 : index
        %swap3A_930 = tpu.vector_load %arg9[%swap3A_927, %swap3A_928, %swap3A_929] {strides = array<i32>} : memref<2x32x128xf32, #tpu.memory_space<vmem>>, vector<16xf32>,
        tpu.vector_store %arg9[%swap3A_927, %swap3A_928, %swap3A_929], %gather3A_926 {strides = array<i32>} : memref<2x32x128xf32, #tpu.memory_space<vmem>>, vector<16xf32>,
        %add3A_931 = arith.constant 16 : i32
        %add3A_932 = vector.broadcast %add3A_931 : i32 to vector<16xi32>
        %add3A_933 = arith.addi %add3A_932, %iota3A : vector<16xi32>
        %gather3A_934 = arith.constant 0 : i32
        %gather3A_935 = arith.constant 0 : i32
        %gather3A_936 = tpu.memref_slice %arg8[%while3A_569, %gather3A_934, %gather3A_935] : memref<4x64x256xf32, #tpu.memory_space<vmem>> -> memref<1x64x256xf32, #tpu.memory_space<vmem>>
        %gather3A_937 = tpu.memref_squeeze %gather3A_936 : memref<1x64x256xf32, #tpu.memory_space<vmem>> -> memref<64x256xf32, #tpu.memory_space<vmem>>
        %gather3A_938 = tpu.vector_load_idx %gather3A_937[%add3A_933, %sub3A_862] : memref<64x256xf32, #tpu.memory_space<vmem>>[vector<16xi32>, vector<16xi32>], vector<16xf32>,
        %swap3A_939 = arith.index_cast %select_n3A_902 : i32 to index
        %swap3A_940 = arith.index_cast %select_n3A_918 : i32 to index
        %swap3A_941 = arith.constant 16 : index
        %swap3A_942 = tpu.vector_load %arg9[%swap3A_939, %swap3A_940, %swap3A_941] {strides = array<i32>} : memref<2x32x128xf32, #tpu.memory_space<vmem>>, vector<16xf32>,
        tpu.vector_store %arg9[%swap3A_939, %swap3A_940, %swap3A_941], %gather3A_938 {strides = array<i32>} : memref<2x32x128xf32, #tpu.memory_space<vmem>>, vector<16xf32>,
        %add3A_943 = arith.constant 32 : i32
        %add3A_944 = vector.broadcast %add3A_943 : i32 to vector<16xi32>
        %add3A_945 = arith.addi %add3A_944, %iota3A : vector<16xi32>
        %gather3A_946 = arith.constant 0 : i32
        %gather3A_947 = arith.constant 0 : i32
        %gather3A_948 = tpu.memref_slice %arg8[%while3A_569, %gather3A_946, %gather3A_947] : memref<4x64x256xf32, #tpu.memory_space<vmem>> -> memref<1x64x256xf32, #tpu.memory_space<vmem>>
        %gather3A_949 = tpu.memref_squeeze %gather3A_948 : memref<1x64x256xf32, #tpu.memory_space<vmem>> -> memref<64x256xf32, #tpu.memory_space<vmem>>
        %gather3A_950 = tpu.vector_load_idx %gather3A_949[%add3A_945, %sub3A_862] : memref<64x256xf32, #tpu.memory_space<vmem>>[vector<16xi32>, vector<16xi32>], vector<16xf32>,
        %swap3A_951 = arith.index_cast %select_n3A_902 : i32 to index
        %swap3A_952 = arith.index_cast %select_n3A_918 : i32 to index
        %swap3A_953 = arith.constant 32 : index
        %swap3A_954 = tpu.vector_load %arg9[%swap3A_951, %swap3A_952, %swap3A_953] {strides = array<i32>} : memref<2x32x128xf32, #tpu.memory_space<vmem>>, vector<16xf32>,
        tpu.vector_store %arg9[%swap3A_951, %swap3A_952, %swap3A_953], %gather3A_950 {strides = array<i32>} : memref<2x32x128xf32, #tpu.memory_space<vmem>>, vector<16xf32>,
        %add3A_955 = arith.constant 48 : i32
        %add3A_956 = vector.broadcast %add3A_955 : i32 to vector<16xi32>
        %add3A_957 = arith.addi %add3A_956, %iota3A : vector<16xi32>
        %gather3A_958 = arith.constant 0 : i32
        %gather3A_959 = arith.constant 0 : i32
        %gather3A_960 = tpu.memref_slice %arg8[%while3A_569, %gather3A_958, %gather3A_959] : memref<4x64x256xf32, #tpu.memory_space<vmem>> -> memref<1x64x256xf32, #tpu.memory_space<vmem>>
        %gather3A_961 = tpu.memref_squeeze %gather3A_960 : memref<1x64x256xf32, #tpu.memory_space<vmem>> -> memref<64x256xf32, #tpu.memory_space<vmem>>
        %gather3A_962 = tpu.vector_load_idx %gather3A_961[%add3A_957, %sub3A_862] : memref<64x256xf32, #tpu.memory_space<vmem>>[vector<16xi32>, vector<16xi32>], vector<16xf32>,
        %swap3A_963 = arith.index_cast %select_n3A_902 : i32 to index
        %swap3A_964 = arith.index_cast %select_n3A_918 : i32 to index
        %swap3A_965 = arith.constant 48 : index
        %swap3A_966 = tpu.vector_load %arg9[%swap3A_963, %swap3A_964, %swap3A_965] {strides = array<i32>} : memref<2x32x128xf32, #tpu.memory_space<vmem>>, vector<16xf32>,
        tpu.vector_store %arg9[%swap3A_963, %swap3A_964, %swap3A_965], %gather3A_962 {strides = array<i32>} : memref<2x32x128xf32, #tpu.memory_space<vmem>>, vector<16xf32>,
        %broadcast_in_dim3A_967 = vector.broadcast %select_n3A_918 : i32 to vector<16xi32>
        %eq3A_968 = arith.constant 0 : i32
        %eq3A_969 = vector.broadcast %eq3A_968 : i32 to vector<16xi32>
        %eq3A_970 = arith.cmpi eq, %iota3A, %eq3A_969 : vector<16xi32>
        %scatter3A_971 = arith.constant 0 : i32
        %scatter3A_972 = tpu.memref_slice %arg10[%select_n3A_902, %scatter3A_971] : memref<2x32xi32, #tpu.memory_space<vmem>> -> memref<1x32xi32, #tpu.memory_space<vmem>>
        %scatter3A_973 = tpu.memref_squeeze %scatter3A_972 : memref<1x32xi32, #tpu.memory_space<vmem>> -> memref<32xi32, #tpu.memory_space<vmem>>
        tpu.vector_store_idx %scatter3A_973[%broadcast_in_dim3A_967], %gather3A masked %eq3A_970 : memref<32xi32, #tpu.memory_space<vmem>>[vector<16xi32>], vector<16xi32>, vector<16xi1>
        %add3A_974 = arith.constant 1 : i32
        %add3A_975 = arith.addi %while3A_858, %add3A_974 : i32
        %jit3A_976 = arith.constant 32 : i32
        %eq3A_977 = arith.constant 0 : i32
        %eq3A_978 = arith.cmpi eq, %jit3A_976, %eq3A_977 : i32
        %jit3A_979 = arith.constant 1 : i32
        %select_n3A_980 = arith.select %eq3A_978, %jit3A_979, %jit3A_976 : i32
        %rem3A_981 = arith.remsi %add3A_975, %select_n3A_980 : i32
        %ne3A_982 = arith.constant 0 : i32
        %ne3A_983 = arith.cmpi ne, %rem3A_981, %ne3A_982 : i32
        %lt3A_984 = arith.constant 0 : i32
        %lt3A_985 = arith.cmpi slt, %rem3A_981, %lt3A_984 : i32
        %lt3A_986 = arith.constant 0 : i32
        %lt3A_987 = arith.cmpi slt, %select_n3A_980, %lt3A_986 : i32
        %ne3A_988 = arith.xori %lt3A_985, %lt3A_987 : i1
        %and3A_989 = arith.andi %ne3A_988, %ne3A_983 : i1
        %add3A_990 = arith.addi %rem3A_981, %select_n3A_980 : i32
        %select_n3A_991 = arith.select %and3A_989, %add3A_990, %rem3A_981 : i32
        %eq3A_992 = arith.constant 0 : i32
        %eq3A_993 = arith.cmpi eq, %select_n3A_991, %eq3A_992 : i32
        %convert_element_type3A_994 = arith.extui %eq3A_993 : i1 to i32
        %cond3A_995 = arith.constant 0 : i32
        %cond3A_996 = arith.cmpi ne, %convert_element_type3A_994, %cond3A_995 : i32
        scf.if %cond3A_996 {
          %dma_start3A_997 = arith.constant 0 : i32
          %dma_start3A_998 = arith.constant 0 : i32
          %dma_start3A_999 = tpu.memref_slice %arg9[%select_n3A_902, %dma_start3A_997, %dma_start3A_998] : memref<2x32x128xf32, #tpu.memory_space<vmem>> -> memref<1x32x128xf32, #tpu.memory_space<vmem>>
          %dma_start3A_1000 = tpu.memref_squeeze %dma_start3A_999 : memref<1x32x128xf32, #tpu.memory_space<vmem>> -> memref<32x128xf32, #tpu.memory_space<vmem>>
          %dma_start3A_1001 = arith.constant 0 : i32
          %dma_start3A_1002 = tpu.memref_slice %arg10[%select_n3A_902, %dma_start3A_1001] : memref<2x32xi32, #tpu.memory_space<vmem>> -> memref<1x32xi32, #tpu.memory_space<vmem>>
          %dma_start3A_1003 = tpu.memref_squeeze %dma_start3A_1002 : memref<1x32xi32, #tpu.memory_space<vmem>> -> memref<32xi32, #tpu.memory_space<vmem>>
          %dma_start3A_1004 = arith.constant 0 : i32
          %dma_start3A_1005 = arith.constant 0 : i32
          %dma_start3A_1006 = tpu.memref_slice %arg4[%dma_start3A_1004, %dma_start3A_1005] : memref<16416x128xf32, #tpu.memory_space<hbm>> -> memref<16416x128xf32, #tpu.memory_space<hbm>>
          tpu.enqueue_indirect_dma source(%dma_start3A_1000 : memref<32x128xf32, #tpu.memory_space<vmem>>) target(%dma_start3A_1006 : memref<16416x128xf32, #tpu.memory_space<hbm>>) offsets(%dma_start3A_1003 : memref<32xi32, #tpu.memory_space<vmem>>) semaphore(%arg17 : memref<!tpu.dma_semaphore, #tpu.memory_space<semaphore_mem>>)
          %dma_wait3A_1007 = arith.constant 0 : i32
          %dma_wait3A_1008 = arith.constant 0 : i32
          %dma_wait3A_1009 = tpu.memref_slice %arg9[%select_n3A_902, %dma_wait3A_1007, %dma_wait3A_1008] : memref<2x32x128xf32, #tpu.memory_space<vmem>> -> memref<1x32x128xf32, #tpu.memory_space<vmem>>
          %dma_wait3A_1010 = tpu.memref_squeeze %dma_wait3A_1009 : memref<1x32x128xf32, #tpu.memory_space<vmem>> -> memref<32x128xf32, #tpu.memory_space<vmem>>
          %dma_wait3A_1011 = arith.constant 0 : i32
          %dma_wait3A_1012 = tpu.memref_slice %arg10[%select_n3A_902, %dma_wait3A_1011] : memref<2x32xi32, #tpu.memory_space<vmem>> -> memref<1x32xi32, #tpu.memory_space<vmem>>
          %dma_wait3A_1013 = tpu.memref_squeeze %dma_wait3A_1012 : memref<1x32xi32, #tpu.memory_space<vmem>> -> memref<32xi32, #tpu.memory_space<vmem>>
          %dma_wait3A_1014 = arith.constant 0 : i32
          %dma_wait3A_1015 = arith.constant 0 : i32
          %dma_wait3A_1016 = tpu.memref_slice %arg4[%dma_wait3A_1014, %dma_wait3A_1015] : memref<16416x128xf32, #tpu.memory_space<hbm>> -> memref<16416x128xf32, #tpu.memory_space<hbm>>
          tpu.wait_indirect_dma semaphore(%arg17 : memref<!tpu.dma_semaphore, #tpu.memory_space<semaphore_mem>>) src(%dma_wait3A_1010 : memref<32x128xf32, #tpu.memory_space<vmem>>) dst(%dma_wait3A_1016 : memref<16416x128xf32, #tpu.memory_space<hbm>>)
        } else {
        }
        scf.yield %add3A_975 : i32
      }
      %add3A_581 = arith.constant 4 : i32
      %add3A_582 = arith.addi %add3A_503, %add3A_581 : i32
      %lt3A_583 = arith.constant 124 : i32
      %lt3A_584 = arith.cmpi slt, %add3A_582, %lt3A_583 : i32
      %convert_element_type3A = arith.extui %lt3A_584 : i1 to i32
      %cond3A = arith.constant 0 : i32
      %cond3A_585 = arith.constant 0 : i32
      %cond3A_586 = arith.cmpi ne, %convert_element_type3A, %cond3A_585 : i32
      scf.if %cond3A_586 {
        %mul3A_857 = arith.constant 2 : i32
        %mul3A_858 = arith.muli %add3A_582, %mul3A_857 : i32
        %add3A_859 = arith.addi %mul3A_2, %mul3A_858 : i32
        %min3A_860 = arith.constant 7811 : i32
        %min3A_861 = arith.minsi %add3A_859, %min3A_860 : i32
        %mul3A_862 = arith.constant 128 : i32
        %mul3A_863 = arith.muli %min3A_861, %mul3A_862 : i32
        %dma_start3A_864 = arith.constant 0 : i32
        %dma_start3A_865 = arith.constant 0 : i32
        %dma_start3A_866 = tpu.memref_slice %arg8[%cond3A, %dma_start3A_864, %dma_start3A_865] : memref<4x64x256xf32, #tpu.memory_space<vmem>> -> memref<1x64x256xf32, #tpu.memory_space<vmem>>
        %dma_start3A_867 = tpu.memref_squeeze %dma_start3A_866 : memref<1x64x256xf32, #tpu.memory_space<vmem>> -> memref<64x256xf32, #tpu.memory_space<vmem>>
        %dma_start3A_868 = arith.constant 0 : i32
        %dma_start3A_869 = arith.constant 0 : i32
        %dma_start3A_870 = tpu.memref_slice %dma_start3A_867[%dma_start3A_868, %dma_start3A_869] : memref<64x256xf32, #tpu.memory_space<vmem>> -> memref<32x256xf32, #tpu.memory_space<vmem>>
        %dma_start3A_871 = arith.constant 0 : i32
        %dma_start3A_872 = tpu.memref_slice %arg3[%dma_start3A_871, %mul3A_863] : memref<64x1000001xf32, #tpu.memory_space<hbm>> -> memref<32x256xf32, #tpu.memory_space<hbm>>
        %dma_start3A_873 = arith.constant 0 : i32
        %dma_start3A_874 = arith.constant 0 : i32
        %dma_start3A_875 = tpu.memref_slice %arg8[%cond3A, %dma_start3A_873, %dma_start3A_874] : memref<4x64x256xf32, #tpu.memory_space<vmem>> -> memref<1x64x256xf32, #tpu.memory_space<vmem>>
        %dma_start3A_876 = tpu.memref_squeeze %dma_start3A_875 : memref<1x64x256xf32, #tpu.memory_space<vmem>> -> memref<64x256xf32, #tpu.memory_space<vmem>>
        %dma_start3A_877 = arith.constant 0 : i32
        %dma_start3A_878 = arith.constant 0 : i32
        %dma_start3A_879 = tpu.memref_slice %dma_start3A_876[%dma_start3A_877, %dma_start3A_878] : memref<64x256xf32, #tpu.memory_space<vmem>> -> memref<32x256xf32, #tpu.memory_space<vmem>>
        %dma_start3A_880 = arith.constant 0 : i32
        %dma_start3A_881 = tpu.memref_slice %arg3[%dma_start3A_880, %mul3A_863] : memref<64x1000001xf32, #tpu.memory_space<hbm>> -> memref<32x256xf32, #tpu.memory_space<hbm>>
        tpu.enqueue_dma source(%dma_start3A_881 : memref<32x256xf32, #tpu.memory_space<hbm>>) target(%dma_start3A_879 : memref<32x256xf32, #tpu.memory_space<vmem>>) target_semaphore(%arg13 : memref<!tpu.dma_semaphore, #tpu.memory_space<semaphore_mem>>)
        %dma_start3A_882 = arith.constant 0 : i32
        %dma_start3A_883 = arith.constant 0 : i32
        %dma_start3A_884 = tpu.memref_slice %arg8[%cond3A, %dma_start3A_882, %dma_start3A_883] : memref<4x64x256xf32, #tpu.memory_space<vmem>> -> memref<1x64x256xf32, #tpu.memory_space<vmem>>
        %dma_start3A_885 = tpu.memref_squeeze %dma_start3A_884 : memref<1x64x256xf32, #tpu.memory_space<vmem>> -> memref<64x256xf32, #tpu.memory_space<vmem>>
        %dma_start3A_886 = arith.constant 32 : i32
        %dma_start3A_887 = arith.constant 0 : i32
        %dma_start3A_888 = tpu.memref_slice %dma_start3A_885[%dma_start3A_886, %dma_start3A_887] : memref<64x256xf32, #tpu.memory_space<vmem>> -> memref<32x256xf32, #tpu.memory_space<vmem>>
        %dma_start3A_889 = arith.constant 32 : i32
        %dma_start3A_890 = tpu.memref_slice %arg3[%dma_start3A_889, %mul3A_863] : memref<64x1000001xf32, #tpu.memory_space<hbm>> -> memref<32x256xf32, #tpu.memory_space<hbm>>
        %dma_start3A_891 = arith.constant 0 : i32
        %dma_start3A_892 = arith.constant 0 : i32
        %dma_start3A_893 = tpu.memref_slice %arg8[%cond3A, %dma_start3A_891, %dma_start3A_892] : memref<4x64x256xf32, #tpu.memory_space<vmem>> -> memref<1x64x256xf32, #tpu.memory_space<vmem>>
        %dma_start3A_894 = tpu.memref_squeeze %dma_start3A_893 : memref<1x64x256xf32, #tpu.memory_space<vmem>> -> memref<64x256xf32, #tpu.memory_space<vmem>>
        %dma_start3A_895 = arith.constant 32 : i32
        %dma_start3A_896 = arith.constant 0 : i32
        %dma_start3A_897 = tpu.memref_slice %dma_start3A_894[%dma_start3A_895, %dma_start3A_896] : memref<64x256xf32, #tpu.memory_space<vmem>> -> memref<32x256xf32, #tpu.memory_space<vmem>>
        %dma_start3A_898 = arith.constant 32 : i32
        %dma_start3A_899 = tpu.memref_slice %arg3[%dma_start3A_898, %mul3A_863] : memref<64x1000001xf32, #tpu.memory_space<hbm>> -> memref<32x256xf32, #tpu.memory_space<hbm>>
        tpu.enqueue_dma source(%dma_start3A_899 : memref<32x256xf32, #tpu.memory_space<hbm>>) target(%dma_start3A_897 : memref<32x256xf32, #tpu.memory_space<vmem>>) target_semaphore(%arg13 : memref<!tpu.dma_semaphore, #tpu.memory_space<semaphore_mem>>)
      } else {
      }
      %mul3A_587 = arith.constant 4 : i32
      %mul3A_588 = arith.muli %mul3A_587, %scan3A_498 : i32
      %add3A_589 = arith.constant 1 : i32
      %add3A_590 = arith.addi %mul3A_588, %add3A_589 : i32
      %dma_wait3A_591 = arith.constant 1 : i32
      %dma_wait3A_592 = arith.constant 0 : i32
      %dma_wait3A_593 = arith.constant 0 : i32
      %dma_wait3A_594 = tpu.memref_slice %arg8[%dma_wait3A_591, %dma_wait3A_592, %dma_wait3A_593] : memref<4x64x256xf32, #tpu.memory_space<vmem>> -> memref<1x64x256xf32, #tpu.memory_space<vmem>>
      %dma_wait3A_595 = tpu.memref_squeeze %dma_wait3A_594 : memref<1x64x256xf32, #tpu.memory_space<vmem>> -> memref<64x256xf32, #tpu.memory_space<vmem>>
      %dma_wait3A_596 = arith.constant 0 : i32
      %dma_wait3A_597 = arith.constant 0 : i32
      %dma_wait3A_598 = tpu.memref_slice %arg3[%dma_wait3A_596, %dma_wait3A_597] : memref<64x1000001xf32, #tpu.memory_space<hbm>> -> memref<64x256xf32, #tpu.memory_space<hbm>>
      %dma_wait3A_599 = arith.constant 0 : i32
      %dma_wait3A_600 = arith.constant 0 : i32
      %dma_wait3A_601 = tpu.memref_slice %arg8[%dma_wait3A_591, %dma_wait3A_599, %dma_wait3A_600] : memref<4x64x256xf32, #tpu.memory_space<vmem>> -> memref<1x64x256xf32, #tpu.memory_space<vmem>>
      %dma_wait3A_602 = tpu.memref_squeeze %dma_wait3A_601 : memref<1x64x256xf32, #tpu.memory_space<vmem>> -> memref<64x256xf32, #tpu.memory_space<vmem>>
      %dma_wait3A_603 = arith.constant 0 : i32
      %dma_wait3A_604 = arith.constant 0 : i32
      %dma_wait3A_605 = tpu.memref_slice %arg3[%dma_wait3A_603, %dma_wait3A_604] : memref<64x1000001xf32, #tpu.memory_space<hbm>> -> memref<64x256xf32, #tpu.memory_space<hbm>>
      tpu.wait_dma2 semaphore(%arg14 : memref<!tpu.dma_semaphore, #tpu.memory_space<semaphore_mem>>) src(%dma_wait3A_605 : memref<64x256xf32, #tpu.memory_space<hbm>>) dst(%dma_wait3A_602 : memref<64x256xf32, #tpu.memory_space<vmem>>)
      %mul3A_606 = arith.constant 2 : i32
      %mul3A_607 = arith.muli %add3A_590, %mul3A_606 : i32
      %add3A_608 = arith.addi %mul3A_2, %mul3A_607 : i32
      %min3A_609 = arith.constant 7811 : i32
      %min3A_610 = arith.minsi %add3A_608, %min3A_609 : i32
      %mul3A_611 = arith.constant 128 : i32
      %mul3A_612 = arith.muli %min3A_610, %mul3A_611 : i32
      %shift_right_arithmetic3A_613 = arith.constant 4 : i32
      %shift_right_arithmetic3A_614 = arith.shrsi %add3A_590, %shift_right_arithmetic3A_613 : i32
      %get3A_615 = arith.index_cast %shift_right_arithmetic3A_614 : i32 to index
      %get3A_616 = memref.load %arg11[%get3A_615] : memref<8xi32, #tpu.memory_space<smem>>
      %get3A_617 = arith.index_cast %shift_right_arithmetic3A_614 : i32 to index
      %get3A_618 = memref.load %arg12[%get3A_617] : memref<8xi32, #tpu.memory_space<smem>>
      %add3A_619 = arith.constant 15 : i32
      %add3A_620 = arith.addi %get3A_618, %add3A_619 : i32
      %jit3A_621 = arith.constant 16 : i32
      %div3A_622 = arith.divsi %add3A_620, %jit3A_621 : i32
      %sign3A_623 = arith.constant 0 : i32
      %sign3A_624 = arith.cmpi sgt, %add3A_620, %sign3A_623 : i32
      %sign3A_625 = arith.extui %sign3A_624 : i1 to i32
      %sign3A_626 = arith.constant 0 : i32
      %sign3A_627 = arith.cmpi slt, %add3A_620, %sign3A_626 : i32
      %sign3A_628 = arith.extui %sign3A_627 : i1 to i32
      %sign3A_629 = arith.subi %sign3A_625, %sign3A_628 : i32
      %sign3A_630 = arith.constant 0 : i32
      %sign3A_631 = arith.cmpi sgt, %jit3A_621, %sign3A_630 : i32
      %sign3A_632 = arith.extui %sign3A_631 : i1 to i32
      %sign3A_633 = arith.constant 0 : i32
      %sign3A_634 = arith.cmpi slt, %jit3A_621, %sign3A_633 : i32
      %sign3A_635 = arith.extui %sign3A_634 : i1 to i32
      %sign3A_636 = arith.subi %sign3A_632, %sign3A_635 : i32
      %ne3A_637 = arith.cmpi ne, %sign3A_629, %sign3A_636 : i32
      %rem3A_638 = arith.remsi %add3A_620, %jit3A_621 : i32
      %ne3A_639 = arith.constant 0 : i32
      %ne3A_640 = arith.cmpi ne, %rem3A_638, %ne3A_639 : i32
      %and3A_641 = arith.andi %ne3A_637, %ne3A_640 : i1
      %sub3A_642 = arith.constant 1 : i32
      %sub3A_643 = arith.subi %div3A_622, %sub3A_642 : i32
      %select_n3A_644 = arith.select %and3A_641, %sub3A_643, %div3A_622 : i32
      %while3A_645 = arith.constant 0 : i32
      %while3A_646 = arith.constant 0 : i32
      %while3A_647 = arith.subi %select_n3A_644, %while3A_645 : i32
      %while3A_648 = arith.addi %while3A_645, %while3A_647 : i32
      %while3A_649 = arith.constant 1 : i32
      %while3A_650 = arith.divsi %while3A_647, %while3A_649 : i32
      %while3A_651 = arith.muli %while3A_650, %while3A_649 : i32
      %while3A_652 = arith.addi %while3A_645, %while3A_651 : i32
      %while3A_653 = arith.constant 1 : i32
      %while3A_654 = scf.for %while3A_857 = %while3A_645 to %while3A_652 step %while3A_653 iter_args(%while3A_858 = %while3A_646) -> (i32)  : i32 {
        %mul3A_859 = arith.constant 16 : i32
        %mul3A_860 = arith.muli %while3A_857, %mul3A_859 : i32
        %add3A_861 = vector.broadcast %mul3A_860 : i32 to vector<16xi32>
        %add3A_862 = arith.addi %add3A_861, %iota3A : vector<16xi32>
        %lt3A_863 = vector.broadcast %get3A_618 : i32 to vector<16xi32>
        %lt3A_864 = arith.cmpi slt, %add3A_862, %lt3A_863 : vector<16xi32>
        %mul3A_865 = arith.constant 16 : i32
        %mul3A_866 = arith.muli %while3A_857, %mul3A_865 : i32
        %add3A_867 = arith.addi %get3A_616, %mul3A_866 : i32
        %get3A_868 = arith.index_cast %add3A_867 : i32 to index
        %get3A_869 = tpu.vector_load %arg6[%get3A_868] {strides = array<i32>} : memref<16400xi32, #tpu.memory_space<vmem>>, vector<16xi32>,
        %gather3A = tpu.vector_load_idx %arg5[%get3A_869] masked %lt3A_864 : memref<16400xi32, #tpu.memory_space<vmem>>[vector<16xi32>], vector<16xi32>, vector<16xi1>
        %shift_right_logical3A = arith.constant 7 : i32
        %shift_right_logical3A_870 = vector.broadcast %shift_right_logical3A : i32 to vector<16xi32>
        %shift_right_logical3A_871 = arith.shrui %gather3A, %shift_right_logical3A_870 : vector<16xi32>
        %ge3A_872 = vector.broadcast %min3A_610 : i32 to vector<16xi32>
        %ge3A_873 = arith.cmpi sge, %shift_right_logical3A_871, %ge3A_872 : vector<16xi32>
        %and3A_874 = arith.andi %lt3A_864, %ge3A_873 : vector<16xi1>
        %add3A_875 = arith.constant 2 : i32
        %add3A_876 = arith.addi %min3A_610, %add3A_875 : i32
        %lt3A_877 = vector.broadcast %add3A_876 : i32 to vector<16xi32>
        %lt3A_878 = arith.cmpi slt, %shift_right_logical3A_871, %lt3A_877 : vector<16xi32>
        %and3A_879 = arith.andi %and3A_874, %lt3A_878 : vector<16xi1>
        %jit3A_880 = arith.constant 1 : i32
        %jit3A_881 = arith.constant 0 : i32
        %broadcast_in_dim3A_882 = vector.broadcast %jit3A_880 : i32 to vector<16xi32>
        %broadcast_in_dim3A_883 = vector.broadcast %jit3A_881 : i32 to vector<16xi32>
        %select_n3A_884 = arith.select %and3A_879, %broadcast_in_dim3A_882, %broadcast_in_dim3A_883 : vector<16xi1>, vector<16xi32>
        %broadcast_in_dim3A_885 = arith.constant true
        %broadcast_in_dim3A_886 = vector.broadcast %broadcast_in_dim3A_885 : i1 to vector<16xi1>
        %masked_cumsum3A = tpu.scan <sum>, %select_n3A_884 masked %broadcast_in_dim3A_886 : vector<16xi32>, vector<16xi1> -> vector<16xi32>
        %add3A_887 = vector.broadcast %while3A_858 : i32 to vector<16xi32>
        %add3A_888 = arith.addi %add3A_887, %masked_cumsum3A : vector<16xi32>
        %sub3A_889 = arith.constant 1 : i32
        %sub3A_890 = vector.broadcast %sub3A_889 : i32 to vector<16xi32>
        %sub3A_891 = arith.subi %add3A_888, %sub3A_890 : vector<16xi32>
        tpu.vector_store_idx %arg7[%sub3A_891], %get3A_869 masked %and3A_879 : memref<16400xi32, #tpu.memory_space<vmem>>[vector<16xi32>], vector<16xi32>, vector<16xi1>
        %slice3A = vector.extract_strided_slice %masked_cumsum3A {offsets = [15], sizes = [1], strides = [1]} : vector<16xi32> to vector<1xi32>
        %squeeze3A = vector.extract %slice3A[0] : i32 from vector<1xi32>
        %add3A_892 = arith.addi %while3A_858, %squeeze3A : i32
        scf.yield %add3A_892 : i32
      }
      %while3A_655 = arith.constant 1 : i32
      %while3A_656 = scf.for %while3A_857 = %while3A_652 to %while3A_648 step %while3A_655 iter_args(%while3A_858 = %while3A_654) -> (i32)  : i32 {
        %mul3A_859 = arith.constant 16 : i32
        %mul3A_860 = arith.muli %while3A_857, %mul3A_859 : i32
        %add3A_861 = vector.broadcast %mul3A_860 : i32 to vector<16xi32>
        %add3A_862 = arith.addi %add3A_861, %iota3A : vector<16xi32>
        %lt3A_863 = vector.broadcast %get3A_618 : i32 to vector<16xi32>
        %lt3A_864 = arith.cmpi slt, %add3A_862, %lt3A_863 : vector<16xi32>
        %mul3A_865 = arith.constant 16 : i32
        %mul3A_866 = arith.muli %while3A_857, %mul3A_865 : i32
        %add3A_867 = arith.addi %get3A_616, %mul3A_866 : i32
        %get3A_868 = arith.index_cast %add3A_867 : i32 to index
        %get3A_869 = tpu.vector_load %arg6[%get3A_868] {strides = array<i32>} : memref<16400xi32, #tpu.memory_space<vmem>>, vector<16xi32>,
        %gather3A = tpu.vector_load_idx %arg5[%get3A_869] masked %lt3A_864 : memref<16400xi32, #tpu.memory_space<vmem>>[vector<16xi32>], vector<16xi32>, vector<16xi1>
        %shift_right_logical3A = arith.constant 7 : i32
        %shift_right_logical3A_870 = vector.broadcast %shift_right_logical3A : i32 to vector<16xi32>
        %shift_right_logical3A_871 = arith.shrui %gather3A, %shift_right_logical3A_870 : vector<16xi32>
        %ge3A_872 = vector.broadcast %min3A_610 : i32 to vector<16xi32>
        %ge3A_873 = arith.cmpi sge, %shift_right_logical3A_871, %ge3A_872 : vector<16xi32>
        %and3A_874 = arith.andi %lt3A_864, %ge3A_873 : vector<16xi1>
        %add3A_875 = arith.constant 2 : i32
        %add3A_876 = arith.addi %min3A_610, %add3A_875 : i32
        %lt3A_877 = vector.broadcast %add3A_876 : i32 to vector<16xi32>
        %lt3A_878 = arith.cmpi slt, %shift_right_logical3A_871, %lt3A_877 : vector<16xi32>
        %and3A_879 = arith.andi %and3A_874, %lt3A_878 : vector<16xi1>
        %jit3A_880 = arith.constant 1 : i32
        %jit3A_881 = arith.constant 0 : i32
        %broadcast_in_dim3A_882 = vector.broadcast %jit3A_880 : i32 to vector<16xi32>
        %broadcast_in_dim3A_883 = vector.broadcast %jit3A_881 : i32 to vector<16xi32>
        %select_n3A_884 = arith.select %and3A_879, %broadcast_in_dim3A_882, %broadcast_in_dim3A_883 : vector<16xi1>, vector<16xi32>
        %broadcast_in_dim3A_885 = arith.constant true
        %broadcast_in_dim3A_886 = vector.broadcast %broadcast_in_dim3A_885 : i1 to vector<16xi1>
        %masked_cumsum3A = tpu.scan <sum>, %select_n3A_884 masked %broadcast_in_dim3A_886 : vector<16xi32>, vector<16xi1> -> vector<16xi32>
        %add3A_887 = vector.broadcast %while3A_858 : i32 to vector<16xi32>
        %add3A_888 = arith.addi %add3A_887, %masked_cumsum3A : vector<16xi32>
        %sub3A_889 = arith.constant 1 : i32
        %sub3A_890 = vector.broadcast %sub3A_889 : i32 to vector<16xi32>
        %sub3A_891 = arith.subi %add3A_888, %sub3A_890 : vector<16xi32>
        tpu.vector_store_idx %arg7[%sub3A_891], %get3A_869 masked %and3A_879 : memref<16400xi32, #tpu.memory_space<vmem>>[vector<16xi32>], vector<16xi32>, vector<16xi1>
        %slice3A = vector.extract_strided_slice %masked_cumsum3A {offsets = [15], sizes = [1], strides = [1]} : vector<16xi32> to vector<1xi32>
        %squeeze3A = vector.extract %slice3A[0] : i32 from vector<1xi32>
        %add3A_892 = arith.addi %while3A_858, %squeeze3A : i32
        scf.yield %add3A_892 : i32
      }
      %while3A_657 = arith.constant 1 : i32
      %while3A_658 = arith.constant 0 : i32
      %while3A_659 = arith.subi %while3A_656, %while3A_658 : i32
      %while3A_660 = arith.addi %while3A_658, %while3A_659 : i32
      %while3A_661 = arith.constant 1 : i32
      %while3A_662 = arith.divsi %while3A_659, %while3A_661 : i32
      %while3A_663 = arith.muli %while3A_662, %while3A_661 : i32
      %while3A_664 = arith.addi %while3A_658, %while3A_663 : i32
      %while3A_665 = arith.constant 1 : i32
      %while3A_666 = scf.for %while3A_857 = %while3A_658 to %while3A_664 step %while3A_665 iter_args(%while3A_858 = %while3A_580) -> (i32)  : i32 {
        %broadcast_in_dim3A_859 = vector.broadcast %while3A_857 : i32 to vector<16xi32>
        %gather3A = tpu.vector_load_idx %arg7[%broadcast_in_dim3A_859] : memref<16400xi32, #tpu.memory_space<vmem>>[vector<16xi32>], vector<16xi32>,
        %gather3A_860 = tpu.vector_load_idx %arg5[%gather3A] : memref<16400xi32, #tpu.memory_space<vmem>>[vector<16xi32>], vector<16xi32>,
        %sub3A_861 = vector.broadcast %mul3A_612 : i32 to vector<16xi32>
        %sub3A_862 = arith.subi %gather3A_860, %sub3A_861 : vector<16xi32>
        %jit3A_863 = arith.constant 32 : i32
        %div3A_864 = arith.divsi %while3A_858, %jit3A_863 : i32
        %sign3A_865 = arith.constant 0 : i32
        %sign3A_866 = arith.cmpi sgt, %while3A_858, %sign3A_865 : i32
        %sign3A_867 = arith.extui %sign3A_866 : i1 to i32
        %sign3A_868 = arith.constant 0 : i32
        %sign3A_869 = arith.cmpi slt, %while3A_858, %sign3A_868 : i32
        %sign3A_870 = arith.extui %sign3A_869 : i1 to i32
        %sign3A_871 = arith.subi %sign3A_867, %sign3A_870 : i32
        %sign3A_872 = arith.constant 0 : i32
        %sign3A_873 = arith.cmpi sgt, %jit3A_863, %sign3A_872 : i32
        %sign3A_874 = arith.extui %sign3A_873 : i1 to i32
        %sign3A_875 = arith.constant 0 : i32
        %sign3A_876 = arith.cmpi slt, %jit3A_863, %sign3A_875 : i32
        %sign3A_877 = arith.extui %sign3A_876 : i1 to i32
        %sign3A_878 = arith.subi %sign3A_874, %sign3A_877 : i32
        %ne3A_879 = arith.cmpi ne, %sign3A_871, %sign3A_878 : i32
        %rem3A_880 = arith.remsi %while3A_858, %jit3A_863 : i32
        %ne3A_881 = arith.constant 0 : i32
        %ne3A_882 = arith.cmpi ne, %rem3A_880, %ne3A_881 : i32
        %and3A_883 = arith.andi %ne3A_879, %ne3A_882 : i1
        %sub3A_884 = arith.constant 1 : i32
        %sub3A_885 = arith.subi %div3A_864, %sub3A_884 : i32
        %select_n3A_886 = arith.select %and3A_883, %sub3A_885, %div3A_864 : i32
        %jit3A_887 = arith.constant 2 : i32
        %eq3A_888 = arith.constant 0 : i32
        %eq3A_889 = arith.cmpi eq, %jit3A_887, %eq3A_888 : i32
        %jit3A_890 = arith.constant 1 : i32
        %select_n3A_891 = arith.select %eq3A_889, %jit3A_890, %jit3A_887 : i32
        %rem3A_892 = arith.remsi %select_n3A_886, %select_n3A_891 : i32
        %ne3A_893 = arith.constant 0 : i32
        %ne3A_894 = arith.cmpi ne, %rem3A_892, %ne3A_893 : i32
        %lt3A_895 = arith.constant 0 : i32
        %lt3A_896 = arith.cmpi slt, %rem3A_892, %lt3A_895 : i32
        %lt3A_897 = arith.constant 0 : i32
        %lt3A_898 = arith.cmpi slt, %select_n3A_891, %lt3A_897 : i32
        %ne3A_899 = arith.xori %lt3A_896, %lt3A_898 : i1
        %and3A_900 = arith.andi %ne3A_899, %ne3A_894 : i1
        %add3A_901 = arith.addi %rem3A_892, %select_n3A_891 : i32
        %select_n3A_902 = arith.select %and3A_900, %add3A_901, %rem3A_892 : i32
        %jit3A_903 = arith.constant 32 : i32
        %eq3A_904 = arith.constant 0 : i32
        %eq3A_905 = arith.cmpi eq, %jit3A_903, %eq3A_904 : i32
        %jit3A_906 = arith.constant 1 : i32
        %select_n3A_907 = arith.select %eq3A_905, %jit3A_906, %jit3A_903 : i32
        %rem3A_908 = arith.remsi %while3A_858, %select_n3A_907 : i32
        %ne3A_909 = arith.constant 0 : i32
        %ne3A_910 = arith.cmpi ne, %rem3A_908, %ne3A_909 : i32
        %lt3A_911 = arith.constant 0 : i32
        %lt3A_912 = arith.cmpi slt, %rem3A_908, %lt3A_911 : i32
        %lt3A_913 = arith.constant 0 : i32
        %lt3A_914 = arith.cmpi slt, %select_n3A_907, %lt3A_913 : i32
        %ne3A_915 = arith.xori %lt3A_912, %lt3A_914 : i1
        %and3A_916 = arith.andi %ne3A_915, %ne3A_910 : i1
        %add3A_917 = arith.addi %rem3A_908, %select_n3A_907 : i32
        %select_n3A_918 = arith.select %and3A_916, %add3A_917, %rem3A_908 : i32
        %add3A_919 = arith.constant 0 : i32
        %add3A_920 = vector.broadcast %add3A_919 : i32 to vector<16xi32>
        %add3A_921 = arith.addi %add3A_920, %iota3A : vector<16xi32>
        %gather3A_922 = arith.constant 0 : i32
        %gather3A_923 = arith.constant 0 : i32
        %gather3A_924 = tpu.memref_slice %arg8[%while3A_657, %gather3A_922, %gather3A_923] : memref<4x64x256xf32, #tpu.memory_space<vmem>> -> memref<1x64x256xf32, #tpu.memory_space<vmem>>
        %gather3A_925 = tpu.memref_squeeze %gather3A_924 : memref<1x64x256xf32, #tpu.memory_space<vmem>> -> memref<64x256xf32, #tpu.memory_space<vmem>>
        %gather3A_926 = tpu.vector_load_idx %gather3A_925[%add3A_921, %sub3A_862] : memref<64x256xf32, #tpu.memory_space<vmem>>[vector<16xi32>, vector<16xi32>], vector<16xf32>,
        %swap3A_927 = arith.index_cast %select_n3A_902 : i32 to index
        %swap3A_928 = arith.index_cast %select_n3A_918 : i32 to index
        %swap3A_929 = arith.constant 0 : index
        %swap3A_930 = tpu.vector_load %arg9[%swap3A_927, %swap3A_928, %swap3A_929] {strides = array<i32>} : memref<2x32x128xf32, #tpu.memory_space<vmem>>, vector<16xf32>,
        tpu.vector_store %arg9[%swap3A_927, %swap3A_928, %swap3A_929], %gather3A_926 {strides = array<i32>} : memref<2x32x128xf32, #tpu.memory_space<vmem>>, vector<16xf32>,
        %add3A_931 = arith.constant 16 : i32
        %add3A_932 = vector.broadcast %add3A_931 : i32 to vector<16xi32>
        %add3A_933 = arith.addi %add3A_932, %iota3A : vector<16xi32>
        %gather3A_934 = arith.constant 0 : i32
        %gather3A_935 = arith.constant 0 : i32
        %gather3A_936 = tpu.memref_slice %arg8[%while3A_657, %gather3A_934, %gather3A_935] : memref<4x64x256xf32, #tpu.memory_space<vmem>> -> memref<1x64x256xf32, #tpu.memory_space<vmem>>
        %gather3A_937 = tpu.memref_squeeze %gather3A_936 : memref<1x64x256xf32, #tpu.memory_space<vmem>> -> memref<64x256xf32, #tpu.memory_space<vmem>>
        %gather3A_938 = tpu.vector_load_idx %gather3A_937[%add3A_933, %sub3A_862] : memref<64x256xf32, #tpu.memory_space<vmem>>[vector<16xi32>, vector<16xi32>], vector<16xf32>,
        %swap3A_939 = arith.index_cast %select_n3A_902 : i32 to index
        %swap3A_940 = arith.index_cast %select_n3A_918 : i32 to index
        %swap3A_941 = arith.constant 16 : index
        %swap3A_942 = tpu.vector_load %arg9[%swap3A_939, %swap3A_940, %swap3A_941] {strides = array<i32>} : memref<2x32x128xf32, #tpu.memory_space<vmem>>, vector<16xf32>,
        tpu.vector_store %arg9[%swap3A_939, %swap3A_940, %swap3A_941], %gather3A_938 {strides = array<i32>} : memref<2x32x128xf32, #tpu.memory_space<vmem>>, vector<16xf32>,
        %add3A_943 = arith.constant 32 : i32
        %add3A_944 = vector.broadcast %add3A_943 : i32 to vector<16xi32>
        %add3A_945 = arith.addi %add3A_944, %iota3A : vector<16xi32>
        %gather3A_946 = arith.constant 0 : i32
        %gather3A_947 = arith.constant 0 : i32
        %gather3A_948 = tpu.memref_slice %arg8[%while3A_657, %gather3A_946, %gather3A_947] : memref<4x64x256xf32, #tpu.memory_space<vmem>> -> memref<1x64x256xf32, #tpu.memory_space<vmem>>
        %gather3A_949 = tpu.memref_squeeze %gather3A_948 : memref<1x64x256xf32, #tpu.memory_space<vmem>> -> memref<64x256xf32, #tpu.memory_space<vmem>>
        %gather3A_950 = tpu.vector_load_idx %gather3A_949[%add3A_945, %sub3A_862] : memref<64x256xf32, #tpu.memory_space<vmem>>[vector<16xi32>, vector<16xi32>], vector<16xf32>,
        %swap3A_951 = arith.index_cast %select_n3A_902 : i32 to index
        %swap3A_952 = arith.index_cast %select_n3A_918 : i32 to index
        %swap3A_953 = arith.constant 32 : index
        %swap3A_954 = tpu.vector_load %arg9[%swap3A_951, %swap3A_952, %swap3A_953] {strides = array<i32>} : memref<2x32x128xf32, #tpu.memory_space<vmem>>, vector<16xf32>,
        tpu.vector_store %arg9[%swap3A_951, %swap3A_952, %swap3A_953], %gather3A_950 {strides = array<i32>} : memref<2x32x128xf32, #tpu.memory_space<vmem>>, vector<16xf32>,
        %add3A_955 = arith.constant 48 : i32
        %add3A_956 = vector.broadcast %add3A_955 : i32 to vector<16xi32>
        %add3A_957 = arith.addi %add3A_956, %iota3A : vector<16xi32>
        %gather3A_958 = arith.constant 0 : i32
        %gather3A_959 = arith.constant 0 : i32
        %gather3A_960 = tpu.memref_slice %arg8[%while3A_657, %gather3A_958, %gather3A_959] : memref<4x64x256xf32, #tpu.memory_space<vmem>> -> memref<1x64x256xf32, #tpu.memory_space<vmem>>
        %gather3A_961 = tpu.memref_squeeze %gather3A_960 : memref<1x64x256xf32, #tpu.memory_space<vmem>> -> memref<64x256xf32, #tpu.memory_space<vmem>>
        %gather3A_962 = tpu.vector_load_idx %gather3A_961[%add3A_957, %sub3A_862] : memref<64x256xf32, #tpu.memory_space<vmem>>[vector<16xi32>, vector<16xi32>], vector<16xf32>,
        %swap3A_963 = arith.index_cast %select_n3A_902 : i32 to index
        %swap3A_964 = arith.index_cast %select_n3A_918 : i32 to index
        %swap3A_965 = arith.constant 48 : index
        %swap3A_966 = tpu.vector_load %arg9[%swap3A_963, %swap3A_964, %swap3A_965] {strides = array<i32>} : memref<2x32x128xf32, #tpu.memory_space<vmem>>, vector<16xf32>,
        tpu.vector_store %arg9[%swap3A_963, %swap3A_964, %swap3A_965], %gather3A_962 {strides = array<i32>} : memref<2x32x128xf32, #tpu.memory_space<vmem>>, vector<16xf32>,
        %broadcast_in_dim3A_967 = vector.broadcast %select_n3A_918 : i32 to vector<16xi32>
        %eq3A_968 = arith.constant 0 : i32
        %eq3A_969 = vector.broadcast %eq3A_968 : i32 to vector<16xi32>
        %eq3A_970 = arith.cmpi eq, %iota3A, %eq3A_969 : vector<16xi32>
        %scatter3A_971 = arith.constant 0 : i32
        %scatter3A_972 = tpu.memref_slice %arg10[%select_n3A_902, %scatter3A_971] : memref<2x32xi32, #tpu.memory_space<vmem>> -> memref<1x32xi32, #tpu.memory_space<vmem>>
        %scatter3A_973 = tpu.memref_squeeze %scatter3A_972 : memref<1x32xi32, #tpu.memory_space<vmem>> -> memref<32xi32, #tpu.memory_space<vmem>>
        tpu.vector_store_idx %scatter3A_973[%broadcast_in_dim3A_967], %gather3A masked %eq3A_970 : memref<32xi32, #tpu.memory_space<vmem>>[vector<16xi32>], vector<16xi32>, vector<16xi1>
        %add3A_974 = arith.constant 1 : i32
        %add3A_975 = arith.addi %while3A_858, %add3A_974 : i32
        %jit3A_976 = arith.constant 32 : i32
        %eq3A_977 = arith.constant 0 : i32
        %eq3A_978 = arith.cmpi eq, %jit3A_976, %eq3A_977 : i32
        %jit3A_979 = arith.constant 1 : i32
        %select_n3A_980 = arith.select %eq3A_978, %jit3A_979, %jit3A_976 : i32
        %rem3A_981 = arith.remsi %add3A_975, %select_n3A_980 : i32
        %ne3A_982 = arith.constant 0 : i32
        %ne3A_983 = arith.cmpi ne, %rem3A_981, %ne3A_982 : i32
        %lt3A_984 = arith.constant 0 : i32
        %lt3A_985 = arith.cmpi slt, %rem3A_981, %lt3A_984 : i32
        %lt3A_986 = arith.constant 0 : i32
        %lt3A_987 = arith.cmpi slt, %select_n3A_980, %lt3A_986 : i32
        %ne3A_988 = arith.xori %lt3A_985, %lt3A_987 : i1
        %and3A_989 = arith.andi %ne3A_988, %ne3A_983 : i1
        %add3A_990 = arith.addi %rem3A_981, %select_n3A_980 : i32
        %select_n3A_991 = arith.select %and3A_989, %add3A_990, %rem3A_981 : i32
        %eq3A_992 = arith.constant 0 : i32
        %eq3A_993 = arith.cmpi eq, %select_n3A_991, %eq3A_992 : i32
        %convert_element_type3A_994 = arith.extui %eq3A_993 : i1 to i32
        %cond3A_995 = arith.constant 0 : i32
        %cond3A_996 = arith.cmpi ne, %convert_element_type3A_994, %cond3A_995 : i32
        scf.if %cond3A_996 {
          %dma_start3A_997 = arith.constant 0 : i32
          %dma_start3A_998 = arith.constant 0 : i32
          %dma_start3A_999 = tpu.memref_slice %arg9[%select_n3A_902, %dma_start3A_997, %dma_start3A_998] : memref<2x32x128xf32, #tpu.memory_space<vmem>> -> memref<1x32x128xf32, #tpu.memory_space<vmem>>
          %dma_start3A_1000 = tpu.memref_squeeze %dma_start3A_999 : memref<1x32x128xf32, #tpu.memory_space<vmem>> -> memref<32x128xf32, #tpu.memory_space<vmem>>
          %dma_start3A_1001 = arith.constant 0 : i32
          %dma_start3A_1002 = tpu.memref_slice %arg10[%select_n3A_902, %dma_start3A_1001] : memref<2x32xi32, #tpu.memory_space<vmem>> -> memref<1x32xi32, #tpu.memory_space<vmem>>
          %dma_start3A_1003 = tpu.memref_squeeze %dma_start3A_1002 : memref<1x32xi32, #tpu.memory_space<vmem>> -> memref<32xi32, #tpu.memory_space<vmem>>
          %dma_start3A_1004 = arith.constant 0 : i32
          %dma_start3A_1005 = arith.constant 0 : i32
          %dma_start3A_1006 = tpu.memref_slice %arg4[%dma_start3A_1004, %dma_start3A_1005] : memref<16416x128xf32, #tpu.memory_space<hbm>> -> memref<16416x128xf32, #tpu.memory_space<hbm>>
          tpu.enqueue_indirect_dma source(%dma_start3A_1000 : memref<32x128xf32, #tpu.memory_space<vmem>>) target(%dma_start3A_1006 : memref<16416x128xf32, #tpu.memory_space<hbm>>) offsets(%dma_start3A_1003 : memref<32xi32, #tpu.memory_space<vmem>>) semaphore(%arg17 : memref<!tpu.dma_semaphore, #tpu.memory_space<semaphore_mem>>)
          %dma_wait3A_1007 = arith.constant 0 : i32
          %dma_wait3A_1008 = arith.constant 0 : i32
          %dma_wait3A_1009 = tpu.memref_slice %arg9[%select_n3A_902, %dma_wait3A_1007, %dma_wait3A_1008] : memref<2x32x128xf32, #tpu.memory_space<vmem>> -> memref<1x32x128xf32, #tpu.memory_space<vmem>>
          %dma_wait3A_1010 = tpu.memref_squeeze %dma_wait3A_1009 : memref<1x32x128xf32, #tpu.memory_space<vmem>> -> memref<32x128xf32, #tpu.memory_space<vmem>>
          %dma_wait3A_1011 = arith.constant 0 : i32
          %dma_wait3A_1012 = tpu.memref_slice %arg10[%select_n3A_902, %dma_wait3A_1011] : memref<2x32xi32, #tpu.memory_space<vmem>> -> memref<1x32xi32, #tpu.memory_space<vmem>>
          %dma_wait3A_1013 = tpu.memref_squeeze %dma_wait3A_1012 : memref<1x32xi32, #tpu.memory_space<vmem>> -> memref<32xi32, #tpu.memory_space<vmem>>
          %dma_wait3A_1014 = arith.constant 0 : i32
          %dma_wait3A_1015 = arith.constant 0 : i32
          %dma_wait3A_1016 = tpu.memref_slice %arg4[%dma_wait3A_1014, %dma_wait3A_1015] : memref<16416x128xf32, #tpu.memory_space<hbm>> -> memref<16416x128xf32, #tpu.memory_space<hbm>>
          tpu.wait_indirect_dma semaphore(%arg17 : memref<!tpu.dma_semaphore, #tpu.memory_space<semaphore_mem>>) src(%dma_wait3A_1010 : memref<32x128xf32, #tpu.memory_space<vmem>>) dst(%dma_wait3A_1016 : memref<16416x128xf32, #tpu.memory_space<hbm>>)
        } else {
        }
        scf.yield %add3A_975 : i32
      }
      %while3A_667 = arith.constant 1 : i32
      %while3A_668 = scf.for %while3A_857 = %while3A_664 to %while3A_660 step %while3A_667 iter_args(%while3A_858 = %while3A_666) -> (i32)  : i32 {
        %broadcast_in_dim3A_859 = vector.broadcast %while3A_857 : i32 to vector<16xi32>
        %gather3A = tpu.vector_load_idx %arg7[%broadcast_in_dim3A_859] : memref<16400xi32, #tpu.memory_space<vmem>>[vector<16xi32>], vector<16xi32>,
        %gather3A_860 = tpu.vector_load_idx %arg5[%gather3A] : memref<16400xi32, #tpu.memory_space<vmem>>[vector<16xi32>], vector<16xi32>,
        %sub3A_861 = vector.broadcast %mul3A_612 : i32 to vector<16xi32>
        %sub3A_862 = arith.subi %gather3A_860, %sub3A_861 : vector<16xi32>
        %jit3A_863 = arith.constant 32 : i32
        %div3A_864 = arith.divsi %while3A_858, %jit3A_863 : i32
        %sign3A_865 = arith.constant 0 : i32
        %sign3A_866 = arith.cmpi sgt, %while3A_858, %sign3A_865 : i32
        %sign3A_867 = arith.extui %sign3A_866 : i1 to i32
        %sign3A_868 = arith.constant 0 : i32
        %sign3A_869 = arith.cmpi slt, %while3A_858, %sign3A_868 : i32
        %sign3A_870 = arith.extui %sign3A_869 : i1 to i32
        %sign3A_871 = arith.subi %sign3A_867, %sign3A_870 : i32
        %sign3A_872 = arith.constant 0 : i32
        %sign3A_873 = arith.cmpi sgt, %jit3A_863, %sign3A_872 : i32
        %sign3A_874 = arith.extui %sign3A_873 : i1 to i32
        %sign3A_875 = arith.constant 0 : i32
        %sign3A_876 = arith.cmpi slt, %jit3A_863, %sign3A_875 : i32
        %sign3A_877 = arith.extui %sign3A_876 : i1 to i32
        %sign3A_878 = arith.subi %sign3A_874, %sign3A_877 : i32
        %ne3A_879 = arith.cmpi ne, %sign3A_871, %sign3A_878 : i32
        %rem3A_880 = arith.remsi %while3A_858, %jit3A_863 : i32
        %ne3A_881 = arith.constant 0 : i32
        %ne3A_882 = arith.cmpi ne, %rem3A_880, %ne3A_881 : i32
        %and3A_883 = arith.andi %ne3A_879, %ne3A_882 : i1
        %sub3A_884 = arith.constant 1 : i32
        %sub3A_885 = arith.subi %div3A_864, %sub3A_884 : i32
        %select_n3A_886 = arith.select %and3A_883, %sub3A_885, %div3A_864 : i32
        %jit3A_887 = arith.constant 2 : i32
        %eq3A_888 = arith.constant 0 : i32
        %eq3A_889 = arith.cmpi eq, %jit3A_887, %eq3A_888 : i32
        %jit3A_890 = arith.constant 1 : i32
        %select_n3A_891 = arith.select %eq3A_889, %jit3A_890, %jit3A_887 : i32
        %rem3A_892 = arith.remsi %select_n3A_886, %select_n3A_891 : i32
        %ne3A_893 = arith.constant 0 : i32
        %ne3A_894 = arith.cmpi ne, %rem3A_892, %ne3A_893 : i32
        %lt3A_895 = arith.constant 0 : i32
        %lt3A_896 = arith.cmpi slt, %rem3A_892, %lt3A_895 : i32
        %lt3A_897 = arith.constant 0 : i32
        %lt3A_898 = arith.cmpi slt, %select_n3A_891, %lt3A_897 : i32
        %ne3A_899 = arith.xori %lt3A_896, %lt3A_898 : i1
        %and3A_900 = arith.andi %ne3A_899, %ne3A_894 : i1
        %add3A_901 = arith.addi %rem3A_892, %select_n3A_891 : i32
        %select_n3A_902 = arith.select %and3A_900, %add3A_901, %rem3A_892 : i32
        %jit3A_903 = arith.constant 32 : i32
        %eq3A_904 = arith.constant 0 : i32
        %eq3A_905 = arith.cmpi eq, %jit3A_903, %eq3A_904 : i32
        %jit3A_906 = arith.constant 1 : i32
        %select_n3A_907 = arith.select %eq3A_905, %jit3A_906, %jit3A_903 : i32
        %rem3A_908 = arith.remsi %while3A_858, %select_n3A_907 : i32
        %ne3A_909 = arith.constant 0 : i32
        %ne3A_910 = arith.cmpi ne, %rem3A_908, %ne3A_909 : i32
        %lt3A_911 = arith.constant 0 : i32
        %lt3A_912 = arith.cmpi slt, %rem3A_908, %lt3A_911 : i32
        %lt3A_913 = arith.constant 0 : i32
        %lt3A_914 = arith.cmpi slt, %select_n3A_907, %lt3A_913 : i32
        %ne3A_915 = arith.xori %lt3A_912, %lt3A_914 : i1
        %and3A_916 = arith.andi %ne3A_915, %ne3A_910 : i1
        %add3A_917 = arith.addi %rem3A_908, %select_n3A_907 : i32
        %select_n3A_918 = arith.select %and3A_916, %add3A_917, %rem3A_908 : i32
        %add3A_919 = arith.constant 0 : i32
        %add3A_920 = vector.broadcast %add3A_919 : i32 to vector<16xi32>
        %add3A_921 = arith.addi %add3A_920, %iota3A : vector<16xi32>
        %gather3A_922 = arith.constant 0 : i32
        %gather3A_923 = arith.constant 0 : i32
        %gather3A_924 = tpu.memref_slice %arg8[%while3A_657, %gather3A_922, %gather3A_923] : memref<4x64x256xf32, #tpu.memory_space<vmem>> -> memref<1x64x256xf32, #tpu.memory_space<vmem>>
        %gather3A_925 = tpu.memref_squeeze %gather3A_924 : memref<1x64x256xf32, #tpu.memory_space<vmem>> -> memref<64x256xf32, #tpu.memory_space<vmem>>
        %gather3A_926 = tpu.vector_load_idx %gather3A_925[%add3A_921, %sub3A_862] : memref<64x256xf32, #tpu.memory_space<vmem>>[vector<16xi32>, vector<16xi32>], vector<16xf32>,
        %swap3A_927 = arith.index_cast %select_n3A_902 : i32 to index
        %swap3A_928 = arith.index_cast %select_n3A_918 : i32 to index
        %swap3A_929 = arith.constant 0 : index
        %swap3A_930 = tpu.vector_load %arg9[%swap3A_927, %swap3A_928, %swap3A_929] {strides = array<i32>} : memref<2x32x128xf32, #tpu.memory_space<vmem>>, vector<16xf32>,
        tpu.vector_store %arg9[%swap3A_927, %swap3A_928, %swap3A_929], %gather3A_926 {strides = array<i32>} : memref<2x32x128xf32, #tpu.memory_space<vmem>>, vector<16xf32>,
        %add3A_931 = arith.constant 16 : i32
        %add3A_932 = vector.broadcast %add3A_931 : i32 to vector<16xi32>
        %add3A_933 = arith.addi %add3A_932, %iota3A : vector<16xi32>
        %gather3A_934 = arith.constant 0 : i32
        %gather3A_935 = arith.constant 0 : i32
        %gather3A_936 = tpu.memref_slice %arg8[%while3A_657, %gather3A_934, %gather3A_935] : memref<4x64x256xf32, #tpu.memory_space<vmem>> -> memref<1x64x256xf32, #tpu.memory_space<vmem>>
        %gather3A_937 = tpu.memref_squeeze %gather3A_936 : memref<1x64x256xf32, #tpu.memory_space<vmem>> -> memref<64x256xf32, #tpu.memory_space<vmem>>
        %gather3A_938 = tpu.vector_load_idx %gather3A_937[%add3A_933, %sub3A_862] : memref<64x256xf32, #tpu.memory_space<vmem>>[vector<16xi32>, vector<16xi32>], vector<16xf32>,
        %swap3A_939 = arith.index_cast %select_n3A_902 : i32 to index
        %swap3A_940 = arith.index_cast %select_n3A_918 : i32 to index
        %swap3A_941 = arith.constant 16 : index
        %swap3A_942 = tpu.vector_load %arg9[%swap3A_939, %swap3A_940, %swap3A_941] {strides = array<i32>} : memref<2x32x128xf32, #tpu.memory_space<vmem>>, vector<16xf32>,
        tpu.vector_store %arg9[%swap3A_939, %swap3A_940, %swap3A_941], %gather3A_938 {strides = array<i32>} : memref<2x32x128xf32, #tpu.memory_space<vmem>>, vector<16xf32>,
        %add3A_943 = arith.constant 32 : i32
        %add3A_944 = vector.broadcast %add3A_943 : i32 to vector<16xi32>
        %add3A_945 = arith.addi %add3A_944, %iota3A : vector<16xi32>
        %gather3A_946 = arith.constant 0 : i32
        %gather3A_947 = arith.constant 0 : i32
        %gather3A_948 = tpu.memref_slice %arg8[%while3A_657, %gather3A_946, %gather3A_947] : memref<4x64x256xf32, #tpu.memory_space<vmem>> -> memref<1x64x256xf32, #tpu.memory_space<vmem>>
        %gather3A_949 = tpu.memref_squeeze %gather3A_948 : memref<1x64x256xf32, #tpu.memory_space<vmem>> -> memref<64x256xf32, #tpu.memory_space<vmem>>
        %gather3A_950 = tpu.vector_load_idx %gather3A_949[%add3A_945, %sub3A_862] : memref<64x256xf32, #tpu.memory_space<vmem>>[vector<16xi32>, vector<16xi32>], vector<16xf32>,
        %swap3A_951 = arith.index_cast %select_n3A_902 : i32 to index
        %swap3A_952 = arith.index_cast %select_n3A_918 : i32 to index
        %swap3A_953 = arith.constant 32 : index
        %swap3A_954 = tpu.vector_load %arg9[%swap3A_951, %swap3A_952, %swap3A_953] {strides = array<i32>} : memref<2x32x128xf32, #tpu.memory_space<vmem>>, vector<16xf32>,
        tpu.vector_store %arg9[%swap3A_951, %swap3A_952, %swap3A_953], %gather3A_950 {strides = array<i32>} : memref<2x32x128xf32, #tpu.memory_space<vmem>>, vector<16xf32>,
        %add3A_955 = arith.constant 48 : i32
        %add3A_956 = vector.broadcast %add3A_955 : i32 to vector<16xi32>
        %add3A_957 = arith.addi %add3A_956, %iota3A : vector<16xi32>
        %gather3A_958 = arith.constant 0 : i32
        %gather3A_959 = arith.constant 0 : i32
        %gather3A_960 = tpu.memref_slice %arg8[%while3A_657, %gather3A_958, %gather3A_959] : memref<4x64x256xf32, #tpu.memory_space<vmem>> -> memref<1x64x256xf32, #tpu.memory_space<vmem>>
        %gather3A_961 = tpu.memref_squeeze %gather3A_960 : memref<1x64x256xf32, #tpu.memory_space<vmem>> -> memref<64x256xf32, #tpu.memory_space<vmem>>
        %gather3A_962 = tpu.vector_load_idx %gather3A_961[%add3A_957, %sub3A_862] : memref<64x256xf32, #tpu.memory_space<vmem>>[vector<16xi32>, vector<16xi32>], vector<16xf32>,
        %swap3A_963 = arith.index_cast %select_n3A_902 : i32 to index
        %swap3A_964 = arith.index_cast %select_n3A_918 : i32 to index
        %swap3A_965 = arith.constant 48 : index
        %swap3A_966 = tpu.vector_load %arg9[%swap3A_963, %swap3A_964, %swap3A_965] {strides = array<i32>} : memref<2x32x128xf32, #tpu.memory_space<vmem>>, vector<16xf32>,
        tpu.vector_store %arg9[%swap3A_963, %swap3A_964, %swap3A_965], %gather3A_962 {strides = array<i32>} : memref<2x32x128xf32, #tpu.memory_space<vmem>>, vector<16xf32>,
        %broadcast_in_dim3A_967 = vector.broadcast %select_n3A_918 : i32 to vector<16xi32>
        %eq3A_968 = arith.constant 0 : i32
        %eq3A_969 = vector.broadcast %eq3A_968 : i32 to vector<16xi32>
        %eq3A_970 = arith.cmpi eq, %iota3A, %eq3A_969 : vector<16xi32>
        %scatter3A_971 = arith.constant 0 : i32
        %scatter3A_972 = tpu.memref_slice %arg10[%select_n3A_902, %scatter3A_971] : memref<2x32xi32, #tpu.memory_space<vmem>> -> memref<1x32xi32, #tpu.memory_space<vmem>>
        %scatter3A_973 = tpu.memref_squeeze %scatter3A_972 : memref<1x32xi32, #tpu.memory_space<vmem>> -> memref<32xi32, #tpu.memory_space<vmem>>
        tpu.vector_store_idx %scatter3A_973[%broadcast_in_dim3A_967], %gather3A masked %eq3A_970 : memref<32xi32, #tpu.memory_space<vmem>>[vector<16xi32>], vector<16xi32>, vector<16xi1>
        %add3A_974 = arith.constant 1 : i32
        %add3A_975 = arith.addi %while3A_858, %add3A_974 : i32
        %jit3A_976 = arith.constant 32 : i32
        %eq3A_977 = arith.constant 0 : i32
        %eq3A_978 = arith.cmpi eq, %jit3A_976, %eq3A_977 : i32
        %jit3A_979 = arith.constant 1 : i32
        %select_n3A_980 = arith.select %eq3A_978, %jit3A_979, %jit3A_976 : i32
        %rem3A_981 = arith.remsi %add3A_975, %select_n3A_980 : i32
        %ne3A_982 = arith.constant 0 : i32
        %ne3A_983 = arith.cmpi ne, %rem3A_981, %ne3A_982 : i32
        %lt3A_984 = arith.constant 0 : i32
        %lt3A_985 = arith.cmpi slt, %rem3A_981, %lt3A_984 : i32
        %lt3A_986 = arith.constant 0 : i32
        %lt3A_987 = arith.cmpi slt, %select_n3A_980, %lt3A_986 : i32
        %ne3A_988 = arith.xori %lt3A_985, %lt3A_987 : i1
        %and3A_989 = arith.andi %ne3A_988, %ne3A_983 : i1
        %add3A_990 = arith.addi %rem3A_981, %select_n3A_980 : i32
        %select_n3A_991 = arith.select %and3A_989, %add3A_990, %rem3A_981 : i32
        %eq3A_992 = arith.constant 0 : i32
        %eq3A_993 = arith.cmpi eq, %select_n3A_991, %eq3A_992 : i32
        %convert_element_type3A_994 = arith.extui %eq3A_993 : i1 to i32
        %cond3A_995 = arith.constant 0 : i32
        %cond3A_996 = arith.cmpi ne, %convert_element_type3A_994, %cond3A_995 : i32
        scf.if %cond3A_996 {
          %dma_start3A_997 = arith.constant 0 : i32
          %dma_start3A_998 = arith.constant 0 : i32
          %dma_start3A_999 = tpu.memref_slice %arg9[%select_n3A_902, %dma_start3A_997, %dma_start3A_998] : memref<2x32x128xf32, #tpu.memory_space<vmem>> -> memref<1x32x128xf32, #tpu.memory_space<vmem>>
          %dma_start3A_1000 = tpu.memref_squeeze %dma_start3A_999 : memref<1x32x128xf32, #tpu.memory_space<vmem>> -> memref<32x128xf32, #tpu.memory_space<vmem>>
          %dma_start3A_1001 = arith.constant 0 : i32
          %dma_start3A_1002 = tpu.memref_slice %arg10[%select_n3A_902, %dma_start3A_1001] : memref<2x32xi32, #tpu.memory_space<vmem>> -> memref<1x32xi32, #tpu.memory_space<vmem>>
          %dma_start3A_1003 = tpu.memref_squeeze %dma_start3A_1002 : memref<1x32xi32, #tpu.memory_space<vmem>> -> memref<32xi32, #tpu.memory_space<vmem>>
          %dma_start3A_1004 = arith.constant 0 : i32
          %dma_start3A_1005 = arith.constant 0 : i32
          %dma_start3A_1006 = tpu.memref_slice %arg4[%dma_start3A_1004, %dma_start3A_1005] : memref<16416x128xf32, #tpu.memory_space<hbm>> -> memref<16416x128xf32, #tpu.memory_space<hbm>>
          tpu.enqueue_indirect_dma source(%dma_start3A_1000 : memref<32x128xf32, #tpu.memory_space<vmem>>) target(%dma_start3A_1006 : memref<16416x128xf32, #tpu.memory_space<hbm>>) offsets(%dma_start3A_1003 : memref<32xi32, #tpu.memory_space<vmem>>) semaphore(%arg17 : memref<!tpu.dma_semaphore, #tpu.memory_space<semaphore_mem>>)
          %dma_wait3A_1007 = arith.constant 0 : i32
          %dma_wait3A_1008 = arith.constant 0 : i32
          %dma_wait3A_1009 = tpu.memref_slice %arg9[%select_n3A_902, %dma_wait3A_1007, %dma_wait3A_1008] : memref<2x32x128xf32, #tpu.memory_space<vmem>> -> memref<1x32x128xf32, #tpu.memory_space<vmem>>
          %dma_wait3A_1010 = tpu.memref_squeeze %dma_wait3A_1009 : memref<1x32x128xf32, #tpu.memory_space<vmem>> -> memref<32x128xf32, #tpu.memory_space<vmem>>
          %dma_wait3A_1011 = arith.constant 0 : i32
          %dma_wait3A_1012 = tpu.memref_slice %arg10[%select_n3A_902, %dma_wait3A_1011] : memref<2x32xi32, #tpu.memory_space<vmem>> -> memref<1x32xi32, #tpu.memory_space<vmem>>
          %dma_wait3A_1013 = tpu.memref_squeeze %dma_wait3A_1012 : memref<1x32xi32, #tpu.memory_space<vmem>> -> memref<32xi32, #tpu.memory_space<vmem>>
          %dma_wait3A_1014 = arith.constant 0 : i32
          %dma_wait3A_1015 = arith.constant 0 : i32
          %dma_wait3A_1016 = tpu.memref_slice %arg4[%dma_wait3A_1014, %dma_wait3A_1015] : memref<16416x128xf32, #tpu.memory_space<hbm>> -> memref<16416x128xf32, #tpu.memory_space<hbm>>
          tpu.wait_indirect_dma semaphore(%arg17 : memref<!tpu.dma_semaphore, #tpu.memory_space<semaphore_mem>>) src(%dma_wait3A_1010 : memref<32x128xf32, #tpu.memory_space<vmem>>) dst(%dma_wait3A_1016 : memref<16416x128xf32, #tpu.memory_space<hbm>>)
        } else {
        }
        scf.yield %add3A_975 : i32
      }
      %add3A_669 = arith.constant 4 : i32
      %add3A_670 = arith.addi %add3A_590, %add3A_669 : i32
      %lt3A_671 = arith.constant 124 : i32
      %lt3A_672 = arith.cmpi slt, %add3A_670, %lt3A_671 : i32
      %convert_element_type3A_673 = arith.extui %lt3A_672 : i1 to i32
      %cond3A_674 = arith.constant 1 : i32
      %cond3A_675 = arith.constant 0 : i32
      %cond3A_676 = arith.cmpi ne, %convert_element_type3A_673, %cond3A_675 : i32
      scf.if %cond3A_676 {
        %mul3A_857 = arith.constant 2 : i32
        %mul3A_858 = arith.muli %add3A_670, %mul3A_857 : i32
        %add3A_859 = arith.addi %mul3A_2, %mul3A_858 : i32
        %min3A_860 = arith.constant 7811 : i32
        %min3A_861 = arith.minsi %add3A_859, %min3A_860 : i32
        %mul3A_862 = arith.constant 128 : i32
        %mul3A_863 = arith.muli %min3A_861, %mul3A_862 : i32
        %dma_start3A_864 = arith.constant 0 : i32
        %dma_start3A_865 = arith.constant 0 : i32
        %dma_start3A_866 = tpu.memref_slice %arg8[%cond3A_674, %dma_start3A_864, %dma_start3A_865] : memref<4x64x256xf32, #tpu.memory_space<vmem>> -> memref<1x64x256xf32, #tpu.memory_space<vmem>>
        %dma_start3A_867 = tpu.memref_squeeze %dma_start3A_866 : memref<1x64x256xf32, #tpu.memory_space<vmem>> -> memref<64x256xf32, #tpu.memory_space<vmem>>
        %dma_start3A_868 = arith.constant 0 : i32
        %dma_start3A_869 = arith.constant 0 : i32
        %dma_start3A_870 = tpu.memref_slice %dma_start3A_867[%dma_start3A_868, %dma_start3A_869] : memref<64x256xf32, #tpu.memory_space<vmem>> -> memref<32x256xf32, #tpu.memory_space<vmem>>
        %dma_start3A_871 = arith.constant 0 : i32
        %dma_start3A_872 = tpu.memref_slice %arg3[%dma_start3A_871, %mul3A_863] : memref<64x1000001xf32, #tpu.memory_space<hbm>> -> memref<32x256xf32, #tpu.memory_space<hbm>>
        %dma_start3A_873 = arith.constant 0 : i32
        %dma_start3A_874 = arith.constant 0 : i32
        %dma_start3A_875 = tpu.memref_slice %arg8[%cond3A_674, %dma_start3A_873, %dma_start3A_874] : memref<4x64x256xf32, #tpu.memory_space<vmem>> -> memref<1x64x256xf32, #tpu.memory_space<vmem>>
        %dma_start3A_876 = tpu.memref_squeeze %dma_start3A_875 : memref<1x64x256xf32, #tpu.memory_space<vmem>> -> memref<64x256xf32, #tpu.memory_space<vmem>>
        %dma_start3A_877 = arith.constant 0 : i32
        %dma_start3A_878 = arith.constant 0 : i32
        %dma_start3A_879 = tpu.memref_slice %dma_start3A_876[%dma_start3A_877, %dma_start3A_878] : memref<64x256xf32, #tpu.memory_space<vmem>> -> memref<32x256xf32, #tpu.memory_space<vmem>>
        %dma_start3A_880 = arith.constant 0 : i32
        %dma_start3A_881 = tpu.memref_slice %arg3[%dma_start3A_880, %mul3A_863] : memref<64x1000001xf32, #tpu.memory_space<hbm>> -> memref<32x256xf32, #tpu.memory_space<hbm>>
        tpu.enqueue_dma source(%dma_start3A_881 : memref<32x256xf32, #tpu.memory_space<hbm>>) target(%dma_start3A_879 : memref<32x256xf32, #tpu.memory_space<vmem>>) target_semaphore(%arg14 : memref<!tpu.dma_semaphore, #tpu.memory_space<semaphore_mem>>)
        %dma_start3A_882 = arith.constant 0 : i32
        %dma_start3A_883 = arith.constant 0 : i32
        %dma_start3A_884 = tpu.memref_slice %arg8[%cond3A_674, %dma_start3A_882, %dma_start3A_883] : memref<4x64x256xf32, #tpu.memory_space<vmem>> -> memref<1x64x256xf32, #tpu.memory_space<vmem>>
        %dma_start3A_885 = tpu.memref_squeeze %dma_start3A_884 : memref<1x64x256xf32, #tpu.memory_space<vmem>> -> memref<64x256xf32, #tpu.memory_space<vmem>>
        %dma_start3A_886 = arith.constant 32 : i32
        %dma_start3A_887 = arith.constant 0 : i32
        %dma_start3A_888 = tpu.memref_slice %dma_start3A_885[%dma_start3A_886, %dma_start3A_887] : memref<64x256xf32, #tpu.memory_space<vmem>> -> memref<32x256xf32, #tpu.memory_space<vmem>>
        %dma_start3A_889 = arith.constant 32 : i32
        %dma_start3A_890 = tpu.memref_slice %arg3[%dma_start3A_889, %mul3A_863] : memref<64x1000001xf32, #tpu.memory_space<hbm>> -> memref<32x256xf32, #tpu.memory_space<hbm>>
        %dma_start3A_891 = arith.constant 0 : i32
        %dma_start3A_892 = arith.constant 0 : i32
        %dma_start3A_893 = tpu.memref_slice %arg8[%cond3A_674, %dma_start3A_891, %dma_start3A_892] : memref<4x64x256xf32, #tpu.memory_space<vmem>> -> memref<1x64x256xf32, #tpu.memory_space<vmem>>
        %dma_start3A_894 = tpu.memref_squeeze %dma_start3A_893 : memref<1x64x256xf32, #tpu.memory_space<vmem>> -> memref<64x256xf32, #tpu.memory_space<vmem>>
        %dma_start3A_895 = arith.constant 32 : i32
        %dma_start3A_896 = arith.constant 0 : i32
        %dma_start3A_897 = tpu.memref_slice %dma_start3A_894[%dma_start3A_895, %dma_start3A_896] : memref<64x256xf32, #tpu.memory_space<vmem>> -> memref<32x256xf32, #tpu.memory_space<vmem>>
        %dma_start3A_898 = arith.constant 32 : i32
        %dma_start3A_899 = tpu.memref_slice %arg3[%dma_start3A_898, %mul3A_863] : memref<64x1000001xf32, #tpu.memory_space<hbm>> -> memref<32x256xf32, #tpu.memory_space<hbm>>
        tpu.enqueue_dma source(%dma_start3A_899 : memref<32x256xf32, #tpu.memory_space<hbm>>) target(%dma_start3A_897 : memref<32x256xf32, #tpu.memory_space<vmem>>) target_semaphore(%arg14 : memref<!tpu.dma_semaphore, #tpu.memory_space<semaphore_mem>>)
      } else {
      }
      %mul3A_677 = arith.constant 4 : i32
      %mul3A_678 = arith.muli %mul3A_677, %scan3A_498 : i32
      %add3A_679 = arith.constant 2 : i32
      %add3A_680 = arith.addi %mul3A_678, %add3A_679 : i32
      %dma_wait3A_681 = arith.constant 2 : i32
      %dma_wait3A_682 = arith.constant 0 : i32
      %dma_wait3A_683 = arith.constant 0 : i32
      %dma_wait3A_684 = tpu.memref_slice %arg8[%dma_wait3A_681, %dma_wait3A_682, %dma_wait3A_683] : memref<4x64x256xf32, #tpu.memory_space<vmem>> -> memref<1x64x256xf32, #tpu.memory_space<vmem>>
      %dma_wait3A_685 = tpu.memref_squeeze %dma_wait3A_684 : memref<1x64x256xf32, #tpu.memory_space<vmem>> -> memref<64x256xf32, #tpu.memory_space<vmem>>
      %dma_wait3A_686 = arith.constant 0 : i32
      %dma_wait3A_687 = arith.constant 0 : i32
      %dma_wait3A_688 = tpu.memref_slice %arg3[%dma_wait3A_686, %dma_wait3A_687] : memref<64x1000001xf32, #tpu.memory_space<hbm>> -> memref<64x256xf32, #tpu.memory_space<hbm>>
      %dma_wait3A_689 = arith.constant 0 : i32
      %dma_wait3A_690 = arith.constant 0 : i32
      %dma_wait3A_691 = tpu.memref_slice %arg8[%dma_wait3A_681, %dma_wait3A_689, %dma_wait3A_690] : memref<4x64x256xf32, #tpu.memory_space<vmem>> -> memref<1x64x256xf32, #tpu.memory_space<vmem>>
      %dma_wait3A_692 = tpu.memref_squeeze %dma_wait3A_691 : memref<1x64x256xf32, #tpu.memory_space<vmem>> -> memref<64x256xf32, #tpu.memory_space<vmem>>
      %dma_wait3A_693 = arith.constant 0 : i32
      %dma_wait3A_694 = arith.constant 0 : i32
      %dma_wait3A_695 = tpu.memref_slice %arg3[%dma_wait3A_693, %dma_wait3A_694] : memref<64x1000001xf32, #tpu.memory_space<hbm>> -> memref<64x256xf32, #tpu.memory_space<hbm>>
      tpu.wait_dma2 semaphore(%arg15 : memref<!tpu.dma_semaphore, #tpu.memory_space<semaphore_mem>>) src(%dma_wait3A_695 : memref<64x256xf32, #tpu.memory_space<hbm>>) dst(%dma_wait3A_692 : memref<64x256xf32, #tpu.memory_space<vmem>>)
      %mul3A_696 = arith.constant 2 : i32
      %mul3A_697 = arith.muli %add3A_680, %mul3A_696 : i32
      %add3A_698 = arith.addi %mul3A_2, %mul3A_697 : i32
      %min3A_699 = arith.constant 7811 : i32
      %min3A_700 = arith.minsi %add3A_698, %min3A_699 : i32
      %mul3A_701 = arith.constant 128 : i32
      %mul3A_702 = arith.muli %min3A_700, %mul3A_701 : i32
      %shift_right_arithmetic3A_703 = arith.constant 4 : i32
      %shift_right_arithmetic3A_704 = arith.shrsi %add3A_680, %shift_right_arithmetic3A_703 : i32
      %get3A_705 = arith.index_cast %shift_right_arithmetic3A_704 : i32 to index
      %get3A_706 = memref.load %arg11[%get3A_705] : memref<8xi32, #tpu.memory_space<smem>>
      %get3A_707 = arith.index_cast %shift_right_arithmetic3A_704 : i32 to index
      %get3A_708 = memref.load %arg12[%get3A_707] : memref<8xi32, #tpu.memory_space<smem>>
      %add3A_709 = arith.constant 15 : i32
      %add3A_710 = arith.addi %get3A_708, %add3A_709 : i32
      %jit3A_711 = arith.constant 16 : i32
      %div3A_712 = arith.divsi %add3A_710, %jit3A_711 : i32
      %sign3A_713 = arith.constant 0 : i32
      %sign3A_714 = arith.cmpi sgt, %add3A_710, %sign3A_713 : i32
      %sign3A_715 = arith.extui %sign3A_714 : i1 to i32
      %sign3A_716 = arith.constant 0 : i32
      %sign3A_717 = arith.cmpi slt, %add3A_710, %sign3A_716 : i32
      %sign3A_718 = arith.extui %sign3A_717 : i1 to i32
      %sign3A_719 = arith.subi %sign3A_715, %sign3A_718 : i32
      %sign3A_720 = arith.constant 0 : i32
      %sign3A_721 = arith.cmpi sgt, %jit3A_711, %sign3A_720 : i32
      %sign3A_722 = arith.extui %sign3A_721 : i1 to i32
      %sign3A_723 = arith.constant 0 : i32
      %sign3A_724 = arith.cmpi slt, %jit3A_711, %sign3A_723 : i32
      %sign3A_725 = arith.extui %sign3A_724 : i1 to i32
      %sign3A_726 = arith.subi %sign3A_722, %sign3A_725 : i32
      %ne3A_727 = arith.cmpi ne, %sign3A_719, %sign3A_726 : i32
      %rem3A_728 = arith.remsi %add3A_710, %jit3A_711 : i32
      %ne3A_729 = arith.constant 0 : i32
      %ne3A_730 = arith.cmpi ne, %rem3A_728, %ne3A_729 : i32
      %and3A_731 = arith.andi %ne3A_727, %ne3A_730 : i1
      %sub3A_732 = arith.constant 1 : i32
      %sub3A_733 = arith.subi %div3A_712, %sub3A_732 : i32
      %select_n3A_734 = arith.select %and3A_731, %sub3A_733, %div3A_712 : i32
      %while3A_735 = arith.constant 0 : i32
      %while3A_736 = arith.constant 0 : i32
      %while3A_737 = arith.subi %select_n3A_734, %while3A_735 : i32
      %while3A_738 = arith.addi %while3A_735, %while3A_737 : i32
      %while3A_739 = arith.constant 1 : i32
      %while3A_740 = arith.divsi %while3A_737, %while3A_739 : i32
      %while3A_741 = arith.muli %while3A_740, %while3A_739 : i32
      %while3A_742 = arith.addi %while3A_735, %while3A_741 : i32
      %while3A_743 = arith.constant 1 : i32
      %while3A_744 = scf.for %while3A_857 = %while3A_735 to %while3A_742 step %while3A_743 iter_args(%while3A_858 = %while3A_736) -> (i32)  : i32 {
        %mul3A_859 = arith.constant 16 : i32
        %mul3A_860 = arith.muli %while3A_857, %mul3A_859 : i32
        %add3A_861 = vector.broadcast %mul3A_860 : i32 to vector<16xi32>
        %add3A_862 = arith.addi %add3A_861, %iota3A : vector<16xi32>
        %lt3A_863 = vector.broadcast %get3A_708 : i32 to vector<16xi32>
        %lt3A_864 = arith.cmpi slt, %add3A_862, %lt3A_863 : vector<16xi32>
        %mul3A_865 = arith.constant 16 : i32
        %mul3A_866 = arith.muli %while3A_857, %mul3A_865 : i32
        %add3A_867 = arith.addi %get3A_706, %mul3A_866 : i32
        %get3A_868 = arith.index_cast %add3A_867 : i32 to index
        %get3A_869 = tpu.vector_load %arg6[%get3A_868] {strides = array<i32>} : memref<16400xi32, #tpu.memory_space<vmem>>, vector<16xi32>,
        %gather3A = tpu.vector_load_idx %arg5[%get3A_869] masked %lt3A_864 : memref<16400xi32, #tpu.memory_space<vmem>>[vector<16xi32>], vector<16xi32>, vector<16xi1>
        %shift_right_logical3A = arith.constant 7 : i32
        %shift_right_logical3A_870 = vector.broadcast %shift_right_logical3A : i32 to vector<16xi32>
        %shift_right_logical3A_871 = arith.shrui %gather3A, %shift_right_logical3A_870 : vector<16xi32>
        %ge3A_872 = vector.broadcast %min3A_700 : i32 to vector<16xi32>
        %ge3A_873 = arith.cmpi sge, %shift_right_logical3A_871, %ge3A_872 : vector<16xi32>
        %and3A_874 = arith.andi %lt3A_864, %ge3A_873 : vector<16xi1>
        %add3A_875 = arith.constant 2 : i32
        %add3A_876 = arith.addi %min3A_700, %add3A_875 : i32
        %lt3A_877 = vector.broadcast %add3A_876 : i32 to vector<16xi32>
        %lt3A_878 = arith.cmpi slt, %shift_right_logical3A_871, %lt3A_877 : vector<16xi32>
        %and3A_879 = arith.andi %and3A_874, %lt3A_878 : vector<16xi1>
        %jit3A_880 = arith.constant 1 : i32
        %jit3A_881 = arith.constant 0 : i32
        %broadcast_in_dim3A_882 = vector.broadcast %jit3A_880 : i32 to vector<16xi32>
        %broadcast_in_dim3A_883 = vector.broadcast %jit3A_881 : i32 to vector<16xi32>
        %select_n3A_884 = arith.select %and3A_879, %broadcast_in_dim3A_882, %broadcast_in_dim3A_883 : vector<16xi1>, vector<16xi32>
        %broadcast_in_dim3A_885 = arith.constant true
        %broadcast_in_dim3A_886 = vector.broadcast %broadcast_in_dim3A_885 : i1 to vector<16xi1>
        %masked_cumsum3A = tpu.scan <sum>, %select_n3A_884 masked %broadcast_in_dim3A_886 : vector<16xi32>, vector<16xi1> -> vector<16xi32>
        %add3A_887 = vector.broadcast %while3A_858 : i32 to vector<16xi32>
        %add3A_888 = arith.addi %add3A_887, %masked_cumsum3A : vector<16xi32>
        %sub3A_889 = arith.constant 1 : i32
        %sub3A_890 = vector.broadcast %sub3A_889 : i32 to vector<16xi32>
        %sub3A_891 = arith.subi %add3A_888, %sub3A_890 : vector<16xi32>
        tpu.vector_store_idx %arg7[%sub3A_891], %get3A_869 masked %and3A_879 : memref<16400xi32, #tpu.memory_space<vmem>>[vector<16xi32>], vector<16xi32>, vector<16xi1>
        %slice3A = vector.extract_strided_slice %masked_cumsum3A {offsets = [15], sizes = [1], strides = [1]} : vector<16xi32> to vector<1xi32>
        %squeeze3A = vector.extract %slice3A[0] : i32 from vector<1xi32>
        %add3A_892 = arith.addi %while3A_858, %squeeze3A : i32
        scf.yield %add3A_892 : i32
      }
      %while3A_745 = arith.constant 1 : i32
      %while3A_746 = scf.for %while3A_857 = %while3A_742 to %while3A_738 step %while3A_745 iter_args(%while3A_858 = %while3A_744) -> (i32)  : i32 {
        %mul3A_859 = arith.constant 16 : i32
        %mul3A_860 = arith.muli %while3A_857, %mul3A_859 : i32
        %add3A_861 = vector.broadcast %mul3A_860 : i32 to vector<16xi32>
        %add3A_862 = arith.addi %add3A_861, %iota3A : vector<16xi32>
        %lt3A_863 = vector.broadcast %get3A_708 : i32 to vector<16xi32>
        %lt3A_864 = arith.cmpi slt, %add3A_862, %lt3A_863 : vector<16xi32>
        %mul3A_865 = arith.constant 16 : i32
        %mul3A_866 = arith.muli %while3A_857, %mul3A_865 : i32
        %add3A_867 = arith.addi %get3A_706, %mul3A_866 : i32
        %get3A_868 = arith.index_cast %add3A_867 : i32 to index
        %get3A_869 = tpu.vector_load %arg6[%get3A_868] {strides = array<i32>} : memref<16400xi32, #tpu.memory_space<vmem>>, vector<16xi32>,
        %gather3A = tpu.vector_load_idx %arg5[%get3A_869] masked %lt3A_864 : memref<16400xi32, #tpu.memory_space<vmem>>[vector<16xi32>], vector<16xi32>, vector<16xi1>
        %shift_right_logical3A = arith.constant 7 : i32
        %shift_right_logical3A_870 = vector.broadcast %shift_right_logical3A : i32 to vector<16xi32>
        %shift_right_logical3A_871 = arith.shrui %gather3A, %shift_right_logical3A_870 : vector<16xi32>
        %ge3A_872 = vector.broadcast %min3A_700 : i32 to vector<16xi32>
        %ge3A_873 = arith.cmpi sge, %shift_right_logical3A_871, %ge3A_872 : vector<16xi32>
        %and3A_874 = arith.andi %lt3A_864, %ge3A_873 : vector<16xi1>
        %add3A_875 = arith.constant 2 : i32
        %add3A_876 = arith.addi %min3A_700, %add3A_875 : i32
        %lt3A_877 = vector.broadcast %add3A_876 : i32 to vector<16xi32>
        %lt3A_878 = arith.cmpi slt, %shift_right_logical3A_871, %lt3A_877 : vector<16xi32>
        %and3A_879 = arith.andi %and3A_874, %lt3A_878 : vector<16xi1>
        %jit3A_880 = arith.constant 1 : i32
        %jit3A_881 = arith.constant 0 : i32
        %broadcast_in_dim3A_882 = vector.broadcast %jit3A_880 : i32 to vector<16xi32>
        %broadcast_in_dim3A_883 = vector.broadcast %jit3A_881 : i32 to vector<16xi32>
        %select_n3A_884 = arith.select %and3A_879, %broadcast_in_dim3A_882, %broadcast_in_dim3A_883 : vector<16xi1>, vector<16xi32>
        %broadcast_in_dim3A_885 = arith.constant true
        %broadcast_in_dim3A_886 = vector.broadcast %broadcast_in_dim3A_885 : i1 to vector<16xi1>
        %masked_cumsum3A = tpu.scan <sum>, %select_n3A_884 masked %broadcast_in_dim3A_886 : vector<16xi32>, vector<16xi1> -> vector<16xi32>
        %add3A_887 = vector.broadcast %while3A_858 : i32 to vector<16xi32>
        %add3A_888 = arith.addi %add3A_887, %masked_cumsum3A : vector<16xi32>
        %sub3A_889 = arith.constant 1 : i32
        %sub3A_890 = vector.broadcast %sub3A_889 : i32 to vector<16xi32>
        %sub3A_891 = arith.subi %add3A_888, %sub3A_890 : vector<16xi32>
        tpu.vector_store_idx %arg7[%sub3A_891], %get3A_869 masked %and3A_879 : memref<16400xi32, #tpu.memory_space<vmem>>[vector<16xi32>], vector<16xi32>, vector<16xi1>
        %slice3A = vector.extract_strided_slice %masked_cumsum3A {offsets = [15], sizes = [1], strides = [1]} : vector<16xi32> to vector<1xi32>
        %squeeze3A = vector.extract %slice3A[0] : i32 from vector<1xi32>
        %add3A_892 = arith.addi %while3A_858, %squeeze3A : i32
        scf.yield %add3A_892 : i32
      }
      %while3A_747 = arith.constant 2 : i32
      %while3A_748 = arith.constant 0 : i32
      %while3A_749 = arith.subi %while3A_746, %while3A_748 : i32
      %while3A_750 = arith.addi %while3A_748, %while3A_749 : i32
      %while3A_751 = arith.constant 1 : i32
      %while3A_752 = arith.divsi %while3A_749, %while3A_751 : i32
      %while3A_753 = arith.muli %while3A_752, %while3A_751 : i32
      %while3A_754 = arith.addi %while3A_748, %while3A_753 : i32
      %while3A_755 = arith.constant 1 : i32
      %while3A_756 = scf.for %while3A_857 = %while3A_748 to %while3A_754 step %while3A_755 iter_args(%while3A_858 = %while3A_668) -> (i32)  : i32 {
        %broadcast_in_dim3A_859 = vector.broadcast %while3A_857 : i32 to vector<16xi32>
        %gather3A = tpu.vector_load_idx %arg7[%broadcast_in_dim3A_859] : memref<16400xi32, #tpu.memory_space<vmem>>[vector<16xi32>], vector<16xi32>,
        %gather3A_860 = tpu.vector_load_idx %arg5[%gather3A] : memref<16400xi32, #tpu.memory_space<vmem>>[vector<16xi32>], vector<16xi32>,
        %sub3A_861 = vector.broadcast %mul3A_702 : i32 to vector<16xi32>
        %sub3A_862 = arith.subi %gather3A_860, %sub3A_861 : vector<16xi32>
        %jit3A_863 = arith.constant 32 : i32
        %div3A_864 = arith.divsi %while3A_858, %jit3A_863 : i32
        %sign3A_865 = arith.constant 0 : i32
        %sign3A_866 = arith.cmpi sgt, %while3A_858, %sign3A_865 : i32
        %sign3A_867 = arith.extui %sign3A_866 : i1 to i32
        %sign3A_868 = arith.constant 0 : i32
        %sign3A_869 = arith.cmpi slt, %while3A_858, %sign3A_868 : i32
        %sign3A_870 = arith.extui %sign3A_869 : i1 to i32
        %sign3A_871 = arith.subi %sign3A_867, %sign3A_870 : i32
        %sign3A_872 = arith.constant 0 : i32
        %sign3A_873 = arith.cmpi sgt, %jit3A_863, %sign3A_872 : i32
        %sign3A_874 = arith.extui %sign3A_873 : i1 to i32
        %sign3A_875 = arith.constant 0 : i32
        %sign3A_876 = arith.cmpi slt, %jit3A_863, %sign3A_875 : i32
        %sign3A_877 = arith.extui %sign3A_876 : i1 to i32
        %sign3A_878 = arith.subi %sign3A_874, %sign3A_877 : i32
        %ne3A_879 = arith.cmpi ne, %sign3A_871, %sign3A_878 : i32
        %rem3A_880 = arith.remsi %while3A_858, %jit3A_863 : i32
        %ne3A_881 = arith.constant 0 : i32
        %ne3A_882 = arith.cmpi ne, %rem3A_880, %ne3A_881 : i32
        %and3A_883 = arith.andi %ne3A_879, %ne3A_882 : i1
        %sub3A_884 = arith.constant 1 : i32
        %sub3A_885 = arith.subi %div3A_864, %sub3A_884 : i32
        %select_n3A_886 = arith.select %and3A_883, %sub3A_885, %div3A_864 : i32
        %jit3A_887 = arith.constant 2 : i32
        %eq3A_888 = arith.constant 0 : i32
        %eq3A_889 = arith.cmpi eq, %jit3A_887, %eq3A_888 : i32
        %jit3A_890 = arith.constant 1 : i32
        %select_n3A_891 = arith.select %eq3A_889, %jit3A_890, %jit3A_887 : i32
        %rem3A_892 = arith.remsi %select_n3A_886, %select_n3A_891 : i32
        %ne3A_893 = arith.constant 0 : i32
        %ne3A_894 = arith.cmpi ne, %rem3A_892, %ne3A_893 : i32
        %lt3A_895 = arith.constant 0 : i32
        %lt3A_896 = arith.cmpi slt, %rem3A_892, %lt3A_895 : i32
        %lt3A_897 = arith.constant 0 : i32
        %lt3A_898 = arith.cmpi slt, %select_n3A_891, %lt3A_897 : i32
        %ne3A_899 = arith.xori %lt3A_896, %lt3A_898 : i1
        %and3A_900 = arith.andi %ne3A_899, %ne3A_894 : i1
        %add3A_901 = arith.addi %rem3A_892, %select_n3A_891 : i32
        %select_n3A_902 = arith.select %and3A_900, %add3A_901, %rem3A_892 : i32
        %jit3A_903 = arith.constant 32 : i32
        %eq3A_904 = arith.constant 0 : i32
        %eq3A_905 = arith.cmpi eq, %jit3A_903, %eq3A_904 : i32
        %jit3A_906 = arith.constant 1 : i32
        %select_n3A_907 = arith.select %eq3A_905, %jit3A_906, %jit3A_903 : i32
        %rem3A_908 = arith.remsi %while3A_858, %select_n3A_907 : i32
        %ne3A_909 = arith.constant 0 : i32
        %ne3A_910 = arith.cmpi ne, %rem3A_908, %ne3A_909 : i32
        %lt3A_911 = arith.constant 0 : i32
        %lt3A_912 = arith.cmpi slt, %rem3A_908, %lt3A_911 : i32
        %lt3A_913 = arith.constant 0 : i32
        %lt3A_914 = arith.cmpi slt, %select_n3A_907, %lt3A_913 : i32
        %ne3A_915 = arith.xori %lt3A_912, %lt3A_914 : i1
        %and3A_916 = arith.andi %ne3A_915, %ne3A_910 : i1
        %add3A_917 = arith.addi %rem3A_908, %select_n3A_907 : i32
        %select_n3A_918 = arith.select %and3A_916, %add3A_917, %rem3A_908 : i32
        %add3A_919 = arith.constant 0 : i32
        %add3A_920 = vector.broadcast %add3A_919 : i32 to vector<16xi32>
        %add3A_921 = arith.addi %add3A_920, %iota3A : vector<16xi32>
        %gather3A_922 = arith.constant 0 : i32
        %gather3A_923 = arith.constant 0 : i32
        %gather3A_924 = tpu.memref_slice %arg8[%while3A_747, %gather3A_922, %gather3A_923] : memref<4x64x256xf32, #tpu.memory_space<vmem>> -> memref<1x64x256xf32, #tpu.memory_space<vmem>>
        %gather3A_925 = tpu.memref_squeeze %gather3A_924 : memref<1x64x256xf32, #tpu.memory_space<vmem>> -> memref<64x256xf32, #tpu.memory_space<vmem>>
        %gather3A_926 = tpu.vector_load_idx %gather3A_925[%add3A_921, %sub3A_862] : memref<64x256xf32, #tpu.memory_space<vmem>>[vector<16xi32>, vector<16xi32>], vector<16xf32>,
        %swap3A_927 = arith.index_cast %select_n3A_902 : i32 to index
        %swap3A_928 = arith.index_cast %select_n3A_918 : i32 to index
        %swap3A_929 = arith.constant 0 : index
        %swap3A_930 = tpu.vector_load %arg9[%swap3A_927, %swap3A_928, %swap3A_929] {strides = array<i32>} : memref<2x32x128xf32, #tpu.memory_space<vmem>>, vector<16xf32>,
        tpu.vector_store %arg9[%swap3A_927, %swap3A_928, %swap3A_929], %gather3A_926 {strides = array<i32>} : memref<2x32x128xf32, #tpu.memory_space<vmem>>, vector<16xf32>,
        %add3A_931 = arith.constant 16 : i32
        %add3A_932 = vector.broadcast %add3A_931 : i32 to vector<16xi32>
        %add3A_933 = arith.addi %add3A_932, %iota3A : vector<16xi32>
        %gather3A_934 = arith.constant 0 : i32
        %gather3A_935 = arith.constant 0 : i32
        %gather3A_936 = tpu.memref_slice %arg8[%while3A_747, %gather3A_934, %gather3A_935] : memref<4x64x256xf32, #tpu.memory_space<vmem>> -> memref<1x64x256xf32, #tpu.memory_space<vmem>>
        %gather3A_937 = tpu.memref_squeeze %gather3A_936 : memref<1x64x256xf32, #tpu.memory_space<vmem>> -> memref<64x256xf32, #tpu.memory_space<vmem>>
        %gather3A_938 = tpu.vector_load_idx %gather3A_937[%add3A_933, %sub3A_862] : memref<64x256xf32, #tpu.memory_space<vmem>>[vector<16xi32>, vector<16xi32>], vector<16xf32>,
        %swap3A_939 = arith.index_cast %select_n3A_902 : i32 to index
        %swap3A_940 = arith.index_cast %select_n3A_918 : i32 to index
        %swap3A_941 = arith.constant 16 : index
        %swap3A_942 = tpu.vector_load %arg9[%swap3A_939, %swap3A_940, %swap3A_941] {strides = array<i32>} : memref<2x32x128xf32, #tpu.memory_space<vmem>>, vector<16xf32>,
        tpu.vector_store %arg9[%swap3A_939, %swap3A_940, %swap3A_941], %gather3A_938 {strides = array<i32>} : memref<2x32x128xf32, #tpu.memory_space<vmem>>, vector<16xf32>,
        %add3A_943 = arith.constant 32 : i32
        %add3A_944 = vector.broadcast %add3A_943 : i32 to vector<16xi32>
        %add3A_945 = arith.addi %add3A_944, %iota3A : vector<16xi32>
        %gather3A_946 = arith.constant 0 : i32
        %gather3A_947 = arith.constant 0 : i32
        %gather3A_948 = tpu.memref_slice %arg8[%while3A_747, %gather3A_946, %gather3A_947] : memref<4x64x256xf32, #tpu.memory_space<vmem>> -> memref<1x64x256xf32, #tpu.memory_space<vmem>>
        %gather3A_949 = tpu.memref_squeeze %gather3A_948 : memref<1x64x256xf32, #tpu.memory_space<vmem>> -> memref<64x256xf32, #tpu.memory_space<vmem>>
        %gather3A_950 = tpu.vector_load_idx %gather3A_949[%add3A_945, %sub3A_862] : memref<64x256xf32, #tpu.memory_space<vmem>>[vector<16xi32>, vector<16xi32>], vector<16xf32>,
        %swap3A_951 = arith.index_cast %select_n3A_902 : i32 to index
        %swap3A_952 = arith.index_cast %select_n3A_918 : i32 to index
        %swap3A_953 = arith.constant 32 : index
        %swap3A_954 = tpu.vector_load %arg9[%swap3A_951, %swap3A_952, %swap3A_953] {strides = array<i32>} : memref<2x32x128xf32, #tpu.memory_space<vmem>>, vector<16xf32>,
        tpu.vector_store %arg9[%swap3A_951, %swap3A_952, %swap3A_953], %gather3A_950 {strides = array<i32>} : memref<2x32x128xf32, #tpu.memory_space<vmem>>, vector<16xf32>,
        %add3A_955 = arith.constant 48 : i32
        %add3A_956 = vector.broadcast %add3A_955 : i32 to vector<16xi32>
        %add3A_957 = arith.addi %add3A_956, %iota3A : vector<16xi32>
        %gather3A_958 = arith.constant 0 : i32
        %gather3A_959 = arith.constant 0 : i32
        %gather3A_960 = tpu.memref_slice %arg8[%while3A_747, %gather3A_958, %gather3A_959] : memref<4x64x256xf32, #tpu.memory_space<vmem>> -> memref<1x64x256xf32, #tpu.memory_space<vmem>>
        %gather3A_961 = tpu.memref_squeeze %gather3A_960 : memref<1x64x256xf32, #tpu.memory_space<vmem>> -> memref<64x256xf32, #tpu.memory_space<vmem>>
        %gather3A_962 = tpu.vector_load_idx %gather3A_961[%add3A_957, %sub3A_862] : memref<64x256xf32, #tpu.memory_space<vmem>>[vector<16xi32>, vector<16xi32>], vector<16xf32>,
        %swap3A_963 = arith.index_cast %select_n3A_902 : i32 to index
        %swap3A_964 = arith.index_cast %select_n3A_918 : i32 to index
        %swap3A_965 = arith.constant 48 : index
        %swap3A_966 = tpu.vector_load %arg9[%swap3A_963, %swap3A_964, %swap3A_965] {strides = array<i32>} : memref<2x32x128xf32, #tpu.memory_space<vmem>>, vector<16xf32>,
        tpu.vector_store %arg9[%swap3A_963, %swap3A_964, %swap3A_965], %gather3A_962 {strides = array<i32>} : memref<2x32x128xf32, #tpu.memory_space<vmem>>, vector<16xf32>,
        %broadcast_in_dim3A_967 = vector.broadcast %select_n3A_918 : i32 to vector<16xi32>
        %eq3A_968 = arith.constant 0 : i32
        %eq3A_969 = vector.broadcast %eq3A_968 : i32 to vector<16xi32>
        %eq3A_970 = arith.cmpi eq, %iota3A, %eq3A_969 : vector<16xi32>
        %scatter3A_971 = arith.constant 0 : i32
        %scatter3A_972 = tpu.memref_slice %arg10[%select_n3A_902, %scatter3A_971] : memref<2x32xi32, #tpu.memory_space<vmem>> -> memref<1x32xi32, #tpu.memory_space<vmem>>
        %scatter3A_973 = tpu.memref_squeeze %scatter3A_972 : memref<1x32xi32, #tpu.memory_space<vmem>> -> memref<32xi32, #tpu.memory_space<vmem>>
        tpu.vector_store_idx %scatter3A_973[%broadcast_in_dim3A_967], %gather3A masked %eq3A_970 : memref<32xi32, #tpu.memory_space<vmem>>[vector<16xi32>], vector<16xi32>, vector<16xi1>
        %add3A_974 = arith.constant 1 : i32
        %add3A_975 = arith.addi %while3A_858, %add3A_974 : i32
        %jit3A_976 = arith.constant 32 : i32
        %eq3A_977 = arith.constant 0 : i32
        %eq3A_978 = arith.cmpi eq, %jit3A_976, %eq3A_977 : i32
        %jit3A_979 = arith.constant 1 : i32
        %select_n3A_980 = arith.select %eq3A_978, %jit3A_979, %jit3A_976 : i32
        %rem3A_981 = arith.remsi %add3A_975, %select_n3A_980 : i32
        %ne3A_982 = arith.constant 0 : i32
        %ne3A_983 = arith.cmpi ne, %rem3A_981, %ne3A_982 : i32
        %lt3A_984 = arith.constant 0 : i32
        %lt3A_985 = arith.cmpi slt, %rem3A_981, %lt3A_984 : i32
        %lt3A_986 = arith.constant 0 : i32
        %lt3A_987 = arith.cmpi slt, %select_n3A_980, %lt3A_986 : i32
        %ne3A_988 = arith.xori %lt3A_985, %lt3A_987 : i1
        %and3A_989 = arith.andi %ne3A_988, %ne3A_983 : i1
        %add3A_990 = arith.addi %rem3A_981, %select_n3A_980 : i32
        %select_n3A_991 = arith.select %and3A_989, %add3A_990, %rem3A_981 : i32
        %eq3A_992 = arith.constant 0 : i32
        %eq3A_993 = arith.cmpi eq, %select_n3A_991, %eq3A_992 : i32
        %convert_element_type3A_994 = arith.extui %eq3A_993 : i1 to i32
        %cond3A_995 = arith.constant 0 : i32
        %cond3A_996 = arith.cmpi ne, %convert_element_type3A_994, %cond3A_995 : i32
        scf.if %cond3A_996 {
          %dma_start3A_997 = arith.constant 0 : i32
          %dma_start3A_998 = arith.constant 0 : i32
          %dma_start3A_999 = tpu.memref_slice %arg9[%select_n3A_902, %dma_start3A_997, %dma_start3A_998] : memref<2x32x128xf32, #tpu.memory_space<vmem>> -> memref<1x32x128xf32, #tpu.memory_space<vmem>>
          %dma_start3A_1000 = tpu.memref_squeeze %dma_start3A_999 : memref<1x32x128xf32, #tpu.memory_space<vmem>> -> memref<32x128xf32, #tpu.memory_space<vmem>>
          %dma_start3A_1001 = arith.constant 0 : i32
          %dma_start3A_1002 = tpu.memref_slice %arg10[%select_n3A_902, %dma_start3A_1001] : memref<2x32xi32, #tpu.memory_space<vmem>> -> memref<1x32xi32, #tpu.memory_space<vmem>>
          %dma_start3A_1003 = tpu.memref_squeeze %dma_start3A_1002 : memref<1x32xi32, #tpu.memory_space<vmem>> -> memref<32xi32, #tpu.memory_space<vmem>>
          %dma_start3A_1004 = arith.constant 0 : i32
          %dma_start3A_1005 = arith.constant 0 : i32
          %dma_start3A_1006 = tpu.memref_slice %arg4[%dma_start3A_1004, %dma_start3A_1005] : memref<16416x128xf32, #tpu.memory_space<hbm>> -> memref<16416x128xf32, #tpu.memory_space<hbm>>
          tpu.enqueue_indirect_dma source(%dma_start3A_1000 : memref<32x128xf32, #tpu.memory_space<vmem>>) target(%dma_start3A_1006 : memref<16416x128xf32, #tpu.memory_space<hbm>>) offsets(%dma_start3A_1003 : memref<32xi32, #tpu.memory_space<vmem>>) semaphore(%arg17 : memref<!tpu.dma_semaphore, #tpu.memory_space<semaphore_mem>>)
          %dma_wait3A_1007 = arith.constant 0 : i32
          %dma_wait3A_1008 = arith.constant 0 : i32
          %dma_wait3A_1009 = tpu.memref_slice %arg9[%select_n3A_902, %dma_wait3A_1007, %dma_wait3A_1008] : memref<2x32x128xf32, #tpu.memory_space<vmem>> -> memref<1x32x128xf32, #tpu.memory_space<vmem>>
          %dma_wait3A_1010 = tpu.memref_squeeze %dma_wait3A_1009 : memref<1x32x128xf32, #tpu.memory_space<vmem>> -> memref<32x128xf32, #tpu.memory_space<vmem>>
          %dma_wait3A_1011 = arith.constant 0 : i32
          %dma_wait3A_1012 = tpu.memref_slice %arg10[%select_n3A_902, %dma_wait3A_1011] : memref<2x32xi32, #tpu.memory_space<vmem>> -> memref<1x32xi32, #tpu.memory_space<vmem>>
          %dma_wait3A_1013 = tpu.memref_squeeze %dma_wait3A_1012 : memref<1x32xi32, #tpu.memory_space<vmem>> -> memref<32xi32, #tpu.memory_space<vmem>>
          %dma_wait3A_1014 = arith.constant 0 : i32
          %dma_wait3A_1015 = arith.constant 0 : i32
          %dma_wait3A_1016 = tpu.memref_slice %arg4[%dma_wait3A_1014, %dma_wait3A_1015] : memref<16416x128xf32, #tpu.memory_space<hbm>> -> memref<16416x128xf32, #tpu.memory_space<hbm>>
          tpu.wait_indirect_dma semaphore(%arg17 : memref<!tpu.dma_semaphore, #tpu.memory_space<semaphore_mem>>) src(%dma_wait3A_1010 : memref<32x128xf32, #tpu.memory_space<vmem>>) dst(%dma_wait3A_1016 : memref<16416x128xf32, #tpu.memory_space<hbm>>)
        } else {
        }
        scf.yield %add3A_975 : i32
      }
      %while3A_757 = arith.constant 1 : i32
      %while3A_758 = scf.for %while3A_857 = %while3A_754 to %while3A_750 step %while3A_757 iter_args(%while3A_858 = %while3A_756) -> (i32)  : i32 {
        %broadcast_in_dim3A_859 = vector.broadcast %while3A_857 : i32 to vector<16xi32>
        %gather3A = tpu.vector_load_idx %arg7[%broadcast_in_dim3A_859] : memref<16400xi32, #tpu.memory_space<vmem>>[vector<16xi32>], vector<16xi32>,
        %gather3A_860 = tpu.vector_load_idx %arg5[%gather3A] : memref<16400xi32, #tpu.memory_space<vmem>>[vector<16xi32>], vector<16xi32>,
        %sub3A_861 = vector.broadcast %mul3A_702 : i32 to vector<16xi32>
        %sub3A_862 = arith.subi %gather3A_860, %sub3A_861 : vector<16xi32>
        %jit3A_863 = arith.constant 32 : i32
        %div3A_864 = arith.divsi %while3A_858, %jit3A_863 : i32
        %sign3A_865 = arith.constant 0 : i32
        %sign3A_866 = arith.cmpi sgt, %while3A_858, %sign3A_865 : i32
        %sign3A_867 = arith.extui %sign3A_866 : i1 to i32
        %sign3A_868 = arith.constant 0 : i32
        %sign3A_869 = arith.cmpi slt, %while3A_858, %sign3A_868 : i32
        %sign3A_870 = arith.extui %sign3A_869 : i1 to i32
        %sign3A_871 = arith.subi %sign3A_867, %sign3A_870 : i32
        %sign3A_872 = arith.constant 0 : i32
        %sign3A_873 = arith.cmpi sgt, %jit3A_863, %sign3A_872 : i32
        %sign3A_874 = arith.extui %sign3A_873 : i1 to i32
        %sign3A_875 = arith.constant 0 : i32
        %sign3A_876 = arith.cmpi slt, %jit3A_863, %sign3A_875 : i32
        %sign3A_877 = arith.extui %sign3A_876 : i1 to i32
        %sign3A_878 = arith.subi %sign3A_874, %sign3A_877 : i32
        %ne3A_879 = arith.cmpi ne, %sign3A_871, %sign3A_878 : i32
        %rem3A_880 = arith.remsi %while3A_858, %jit3A_863 : i32
        %ne3A_881 = arith.constant 0 : i32
        %ne3A_882 = arith.cmpi ne, %rem3A_880, %ne3A_881 : i32
        %and3A_883 = arith.andi %ne3A_879, %ne3A_882 : i1
        %sub3A_884 = arith.constant 1 : i32
        %sub3A_885 = arith.subi %div3A_864, %sub3A_884 : i32
        %select_n3A_886 = arith.select %and3A_883, %sub3A_885, %div3A_864 : i32
        %jit3A_887 = arith.constant 2 : i32
        %eq3A_888 = arith.constant 0 : i32
        %eq3A_889 = arith.cmpi eq, %jit3A_887, %eq3A_888 : i32
        %jit3A_890 = arith.constant 1 : i32
        %select_n3A_891 = arith.select %eq3A_889, %jit3A_890, %jit3A_887 : i32
        %rem3A_892 = arith.remsi %select_n3A_886, %select_n3A_891 : i32
        %ne3A_893 = arith.constant 0 : i32
        %ne3A_894 = arith.cmpi ne, %rem3A_892, %ne3A_893 : i32
        %lt3A_895 = arith.constant 0 : i32
        %lt3A_896 = arith.cmpi slt, %rem3A_892, %lt3A_895 : i32
        %lt3A_897 = arith.constant 0 : i32
        %lt3A_898 = arith.cmpi slt, %select_n3A_891, %lt3A_897 : i32
        %ne3A_899 = arith.xori %lt3A_896, %lt3A_898 : i1
        %and3A_900 = arith.andi %ne3A_899, %ne3A_894 : i1
        %add3A_901 = arith.addi %rem3A_892, %select_n3A_891 : i32
        %select_n3A_902 = arith.select %and3A_900, %add3A_901, %rem3A_892 : i32
        %jit3A_903 = arith.constant 32 : i32
        %eq3A_904 = arith.constant 0 : i32
        %eq3A_905 = arith.cmpi eq, %jit3A_903, %eq3A_904 : i32
        %jit3A_906 = arith.constant 1 : i32
        %select_n3A_907 = arith.select %eq3A_905, %jit3A_906, %jit3A_903 : i32
        %rem3A_908 = arith.remsi %while3A_858, %select_n3A_907 : i32
        %ne3A_909 = arith.constant 0 : i32
        %ne3A_910 = arith.cmpi ne, %rem3A_908, %ne3A_909 : i32
        %lt3A_911 = arith.constant 0 : i32
        %lt3A_912 = arith.cmpi slt, %rem3A_908, %lt3A_911 : i32
        %lt3A_913 = arith.constant 0 : i32
        %lt3A_914 = arith.cmpi slt, %select_n3A_907, %lt3A_913 : i32
        %ne3A_915 = arith.xori %lt3A_912, %lt3A_914 : i1
        %and3A_916 = arith.andi %ne3A_915, %ne3A_910 : i1
        %add3A_917 = arith.addi %rem3A_908, %select_n3A_907 : i32
        %select_n3A_918 = arith.select %and3A_916, %add3A_917, %rem3A_908 : i32
        %add3A_919 = arith.constant 0 : i32
        %add3A_920 = vector.broadcast %add3A_919 : i32 to vector<16xi32>
        %add3A_921 = arith.addi %add3A_920, %iota3A : vector<16xi32>
        %gather3A_922 = arith.constant 0 : i32
        %gather3A_923 = arith.constant 0 : i32
        %gather3A_924 = tpu.memref_slice %arg8[%while3A_747, %gather3A_922, %gather3A_923] : memref<4x64x256xf32, #tpu.memory_space<vmem>> -> memref<1x64x256xf32, #tpu.memory_space<vmem>>
        %gather3A_925 = tpu.memref_squeeze %gather3A_924 : memref<1x64x256xf32, #tpu.memory_space<vmem>> -> memref<64x256xf32, #tpu.memory_space<vmem>>
        %gather3A_926 = tpu.vector_load_idx %gather3A_925[%add3A_921, %sub3A_862] : memref<64x256xf32, #tpu.memory_space<vmem>>[vector<16xi32>, vector<16xi32>], vector<16xf32>,
        %swap3A_927 = arith.index_cast %select_n3A_902 : i32 to index
        %swap3A_928 = arith.index_cast %select_n3A_918 : i32 to index
        %swap3A_929 = arith.constant 0 : index
        %swap3A_930 = tpu.vector_load %arg9[%swap3A_927, %swap3A_928, %swap3A_929] {strides = array<i32>} : memref<2x32x128xf32, #tpu.memory_space<vmem>>, vector<16xf32>,
        tpu.vector_store %arg9[%swap3A_927, %swap3A_928, %swap3A_929], %gather3A_926 {strides = array<i32>} : memref<2x32x128xf32, #tpu.memory_space<vmem>>, vector<16xf32>,
        %add3A_931 = arith.constant 16 : i32
        %add3A_932 = vector.broadcast %add3A_931 : i32 to vector<16xi32>
        %add3A_933 = arith.addi %add3A_932, %iota3A : vector<16xi32>
        %gather3A_934 = arith.constant 0 : i32
        %gather3A_935 = arith.constant 0 : i32
        %gather3A_936 = tpu.memref_slice %arg8[%while3A_747, %gather3A_934, %gather3A_935] : memref<4x64x256xf32, #tpu.memory_space<vmem>> -> memref<1x64x256xf32, #tpu.memory_space<vmem>>
        %gather3A_937 = tpu.memref_squeeze %gather3A_936 : memref<1x64x256xf32, #tpu.memory_space<vmem>> -> memref<64x256xf32, #tpu.memory_space<vmem>>
        %gather3A_938 = tpu.vector_load_idx %gather3A_937[%add3A_933, %sub3A_862] : memref<64x256xf32, #tpu.memory_space<vmem>>[vector<16xi32>, vector<16xi32>], vector<16xf32>,
        %swap3A_939 = arith.index_cast %select_n3A_902 : i32 to index
        %swap3A_940 = arith.index_cast %select_n3A_918 : i32 to index
        %swap3A_941 = arith.constant 16 : index
        %swap3A_942 = tpu.vector_load %arg9[%swap3A_939, %swap3A_940, %swap3A_941] {strides = array<i32>} : memref<2x32x128xf32, #tpu.memory_space<vmem>>, vector<16xf32>,
        tpu.vector_store %arg9[%swap3A_939, %swap3A_940, %swap3A_941], %gather3A_938 {strides = array<i32>} : memref<2x32x128xf32, #tpu.memory_space<vmem>>, vector<16xf32>,
        %add3A_943 = arith.constant 32 : i32
        %add3A_944 = vector.broadcast %add3A_943 : i32 to vector<16xi32>
        %add3A_945 = arith.addi %add3A_944, %iota3A : vector<16xi32>
        %gather3A_946 = arith.constant 0 : i32
        %gather3A_947 = arith.constant 0 : i32
        %gather3A_948 = tpu.memref_slice %arg8[%while3A_747, %gather3A_946, %gather3A_947] : memref<4x64x256xf32, #tpu.memory_space<vmem>> -> memref<1x64x256xf32, #tpu.memory_space<vmem>>
        %gather3A_949 = tpu.memref_squeeze %gather3A_948 : memref<1x64x256xf32, #tpu.memory_space<vmem>> -> memref<64x256xf32, #tpu.memory_space<vmem>>
        %gather3A_950 = tpu.vector_load_idx %gather3A_949[%add3A_945, %sub3A_862] : memref<64x256xf32, #tpu.memory_space<vmem>>[vector<16xi32>, vector<16xi32>], vector<16xf32>,
        %swap3A_951 = arith.index_cast %select_n3A_902 : i32 to index
        %swap3A_952 = arith.index_cast %select_n3A_918 : i32 to index
        %swap3A_953 = arith.constant 32 : index
        %swap3A_954 = tpu.vector_load %arg9[%swap3A_951, %swap3A_952, %swap3A_953] {strides = array<i32>} : memref<2x32x128xf32, #tpu.memory_space<vmem>>, vector<16xf32>,
        tpu.vector_store %arg9[%swap3A_951, %swap3A_952, %swap3A_953], %gather3A_950 {strides = array<i32>} : memref<2x32x128xf32, #tpu.memory_space<vmem>>, vector<16xf32>,
        %add3A_955 = arith.constant 48 : i32
        %add3A_956 = vector.broadcast %add3A_955 : i32 to vector<16xi32>
        %add3A_957 = arith.addi %add3A_956, %iota3A : vector<16xi32>
        %gather3A_958 = arith.constant 0 : i32
        %gather3A_959 = arith.constant 0 : i32
        %gather3A_960 = tpu.memref_slice %arg8[%while3A_747, %gather3A_958, %gather3A_959] : memref<4x64x256xf32, #tpu.memory_space<vmem>> -> memref<1x64x256xf32, #tpu.memory_space<vmem>>
        %gather3A_961 = tpu.memref_squeeze %gather3A_960 : memref<1x64x256xf32, #tpu.memory_space<vmem>> -> memref<64x256xf32, #tpu.memory_space<vmem>>
        %gather3A_962 = tpu.vector_load_idx %gather3A_961[%add3A_957, %sub3A_862] : memref<64x256xf32, #tpu.memory_space<vmem>>[vector<16xi32>, vector<16xi32>], vector<16xf32>,
        %swap3A_963 = arith.index_cast %select_n3A_902 : i32 to index
        %swap3A_964 = arith.index_cast %select_n3A_918 : i32 to index
        %swap3A_965 = arith.constant 48 : index
        %swap3A_966 = tpu.vector_load %arg9[%swap3A_963, %swap3A_964, %swap3A_965] {strides = array<i32>} : memref<2x32x128xf32, #tpu.memory_space<vmem>>, vector<16xf32>,
        tpu.vector_store %arg9[%swap3A_963, %swap3A_964, %swap3A_965], %gather3A_962 {strides = array<i32>} : memref<2x32x128xf32, #tpu.memory_space<vmem>>, vector<16xf32>,
        %broadcast_in_dim3A_967 = vector.broadcast %select_n3A_918 : i32 to vector<16xi32>
        %eq3A_968 = arith.constant 0 : i32
        %eq3A_969 = vector.broadcast %eq3A_968 : i32 to vector<16xi32>
        %eq3A_970 = arith.cmpi eq, %iota3A, %eq3A_969 : vector<16xi32>
        %scatter3A_971 = arith.constant 0 : i32
        %scatter3A_972 = tpu.memref_slice %arg10[%select_n3A_902, %scatter3A_971] : memref<2x32xi32, #tpu.memory_space<vmem>> -> memref<1x32xi32, #tpu.memory_space<vmem>>
        %scatter3A_973 = tpu.memref_squeeze %scatter3A_972 : memref<1x32xi32, #tpu.memory_space<vmem>> -> memref<32xi32, #tpu.memory_space<vmem>>
        tpu.vector_store_idx %scatter3A_973[%broadcast_in_dim3A_967], %gather3A masked %eq3A_970 : memref<32xi32, #tpu.memory_space<vmem>>[vector<16xi32>], vector<16xi32>, vector<16xi1>
        %add3A_974 = arith.constant 1 : i32
        %add3A_975 = arith.addi %while3A_858, %add3A_974 : i32
        %jit3A_976 = arith.constant 32 : i32
        %eq3A_977 = arith.constant 0 : i32
        %eq3A_978 = arith.cmpi eq, %jit3A_976, %eq3A_977 : i32
        %jit3A_979 = arith.constant 1 : i32
        %select_n3A_980 = arith.select %eq3A_978, %jit3A_979, %jit3A_976 : i32
        %rem3A_981 = arith.remsi %add3A_975, %select_n3A_980 : i32
        %ne3A_982 = arith.constant 0 : i32
        %ne3A_983 = arith.cmpi ne, %rem3A_981, %ne3A_982 : i32
        %lt3A_984 = arith.constant 0 : i32
        %lt3A_985 = arith.cmpi slt, %rem3A_981, %lt3A_984 : i32
        %lt3A_986 = arith.constant 0 : i32
        %lt3A_987 = arith.cmpi slt, %select_n3A_980, %lt3A_986 : i32
        %ne3A_988 = arith.xori %lt3A_985, %lt3A_987 : i1
        %and3A_989 = arith.andi %ne3A_988, %ne3A_983 : i1
        %add3A_990 = arith.addi %rem3A_981, %select_n3A_980 : i32
        %select_n3A_991 = arith.select %and3A_989, %add3A_990, %rem3A_981 : i32
        %eq3A_992 = arith.constant 0 : i32
        %eq3A_993 = arith.cmpi eq, %select_n3A_991, %eq3A_992 : i32
        %convert_element_type3A_994 = arith.extui %eq3A_993 : i1 to i32
        %cond3A_995 = arith.constant 0 : i32
        %cond3A_996 = arith.cmpi ne, %convert_element_type3A_994, %cond3A_995 : i32
        scf.if %cond3A_996 {
          %dma_start3A_997 = arith.constant 0 : i32
          %dma_start3A_998 = arith.constant 0 : i32
          %dma_start3A_999 = tpu.memref_slice %arg9[%select_n3A_902, %dma_start3A_997, %dma_start3A_998] : memref<2x32x128xf32, #tpu.memory_space<vmem>> -> memref<1x32x128xf32, #tpu.memory_space<vmem>>
          %dma_start3A_1000 = tpu.memref_squeeze %dma_start3A_999 : memref<1x32x128xf32, #tpu.memory_space<vmem>> -> memref<32x128xf32, #tpu.memory_space<vmem>>
          %dma_start3A_1001 = arith.constant 0 : i32
          %dma_start3A_1002 = tpu.memref_slice %arg10[%select_n3A_902, %dma_start3A_1001] : memref<2x32xi32, #tpu.memory_space<vmem>> -> memref<1x32xi32, #tpu.memory_space<vmem>>
          %dma_start3A_1003 = tpu.memref_squeeze %dma_start3A_1002 : memref<1x32xi32, #tpu.memory_space<vmem>> -> memref<32xi32, #tpu.memory_space<vmem>>
          %dma_start3A_1004 = arith.constant 0 : i32
          %dma_start3A_1005 = arith.constant 0 : i32
          %dma_start3A_1006 = tpu.memref_slice %arg4[%dma_start3A_1004, %dma_start3A_1005] : memref<16416x128xf32, #tpu.memory_space<hbm>> -> memref<16416x128xf32, #tpu.memory_space<hbm>>
          tpu.enqueue_indirect_dma source(%dma_start3A_1000 : memref<32x128xf32, #tpu.memory_space<vmem>>) target(%dma_start3A_1006 : memref<16416x128xf32, #tpu.memory_space<hbm>>) offsets(%dma_start3A_1003 : memref<32xi32, #tpu.memory_space<vmem>>) semaphore(%arg17 : memref<!tpu.dma_semaphore, #tpu.memory_space<semaphore_mem>>)
          %dma_wait3A_1007 = arith.constant 0 : i32
          %dma_wait3A_1008 = arith.constant 0 : i32
          %dma_wait3A_1009 = tpu.memref_slice %arg9[%select_n3A_902, %dma_wait3A_1007, %dma_wait3A_1008] : memref<2x32x128xf32, #tpu.memory_space<vmem>> -> memref<1x32x128xf32, #tpu.memory_space<vmem>>
          %dma_wait3A_1010 = tpu.memref_squeeze %dma_wait3A_1009 : memref<1x32x128xf32, #tpu.memory_space<vmem>> -> memref<32x128xf32, #tpu.memory_space<vmem>>
          %dma_wait3A_1011 = arith.constant 0 : i32
          %dma_wait3A_1012 = tpu.memref_slice %arg10[%select_n3A_902, %dma_wait3A_1011] : memref<2x32xi32, #tpu.memory_space<vmem>> -> memref<1x32xi32, #tpu.memory_space<vmem>>
          %dma_wait3A_1013 = tpu.memref_squeeze %dma_wait3A_1012 : memref<1x32xi32, #tpu.memory_space<vmem>> -> memref<32xi32, #tpu.memory_space<vmem>>
          %dma_wait3A_1014 = arith.constant 0 : i32
          %dma_wait3A_1015 = arith.constant 0 : i32
          %dma_wait3A_1016 = tpu.memref_slice %arg4[%dma_wait3A_1014, %dma_wait3A_1015] : memref<16416x128xf32, #tpu.memory_space<hbm>> -> memref<16416x128xf32, #tpu.memory_space<hbm>>
          tpu.wait_indirect_dma semaphore(%arg17 : memref<!tpu.dma_semaphore, #tpu.memory_space<semaphore_mem>>) src(%dma_wait3A_1010 : memref<32x128xf32, #tpu.memory_space<vmem>>) dst(%dma_wait3A_1016 : memref<16416x128xf32, #tpu.memory_space<hbm>>)
        } else {
        }
        scf.yield %add3A_975 : i32
      }
      %add3A_759 = arith.constant 4 : i32
      %add3A_760 = arith.addi %add3A_680, %add3A_759 : i32
      %lt3A_761 = arith.constant 124 : i32
      %lt3A_762 = arith.cmpi slt, %add3A_760, %lt3A_761 : i32
      %convert_element_type3A_763 = arith.extui %lt3A_762 : i1 to i32
      %cond3A_764 = arith.constant 2 : i32
      %cond3A_765 = arith.constant 0 : i32
      %cond3A_766 = arith.cmpi ne, %convert_element_type3A_763, %cond3A_765 : i32
      scf.if %cond3A_766 {
        %mul3A_857 = arith.constant 2 : i32
        %mul3A_858 = arith.muli %add3A_760, %mul3A_857 : i32
        %add3A_859 = arith.addi %mul3A_2, %mul3A_858 : i32
        %min3A_860 = arith.constant 7811 : i32
        %min3A_861 = arith.minsi %add3A_859, %min3A_860 : i32
        %mul3A_862 = arith.constant 128 : i32
        %mul3A_863 = arith.muli %min3A_861, %mul3A_862 : i32
        %dma_start3A_864 = arith.constant 0 : i32
        %dma_start3A_865 = arith.constant 0 : i32
        %dma_start3A_866 = tpu.memref_slice %arg8[%cond3A_764, %dma_start3A_864, %dma_start3A_865] : memref<4x64x256xf32, #tpu.memory_space<vmem>> -> memref<1x64x256xf32, #tpu.memory_space<vmem>>
        %dma_start3A_867 = tpu.memref_squeeze %dma_start3A_866 : memref<1x64x256xf32, #tpu.memory_space<vmem>> -> memref<64x256xf32, #tpu.memory_space<vmem>>
        %dma_start3A_868 = arith.constant 0 : i32
        %dma_start3A_869 = arith.constant 0 : i32
        %dma_start3A_870 = tpu.memref_slice %dma_start3A_867[%dma_start3A_868, %dma_start3A_869] : memref<64x256xf32, #tpu.memory_space<vmem>> -> memref<32x256xf32, #tpu.memory_space<vmem>>
        %dma_start3A_871 = arith.constant 0 : i32
        %dma_start3A_872 = tpu.memref_slice %arg3[%dma_start3A_871, %mul3A_863] : memref<64x1000001xf32, #tpu.memory_space<hbm>> -> memref<32x256xf32, #tpu.memory_space<hbm>>
        %dma_start3A_873 = arith.constant 0 : i32
        %dma_start3A_874 = arith.constant 0 : i32
        %dma_start3A_875 = tpu.memref_slice %arg8[%cond3A_764, %dma_start3A_873, %dma_start3A_874] : memref<4x64x256xf32, #tpu.memory_space<vmem>> -> memref<1x64x256xf32, #tpu.memory_space<vmem>>
        %dma_start3A_876 = tpu.memref_squeeze %dma_start3A_875 : memref<1x64x256xf32, #tpu.memory_space<vmem>> -> memref<64x256xf32, #tpu.memory_space<vmem>>
        %dma_start3A_877 = arith.constant 0 : i32
        %dma_start3A_878 = arith.constant 0 : i32
        %dma_start3A_879 = tpu.memref_slice %dma_start3A_876[%dma_start3A_877, %dma_start3A_878] : memref<64x256xf32, #tpu.memory_space<vmem>> -> memref<32x256xf32, #tpu.memory_space<vmem>>
        %dma_start3A_880 = arith.constant 0 : i32
        %dma_start3A_881 = tpu.memref_slice %arg3[%dma_start3A_880, %mul3A_863] : memref<64x1000001xf32, #tpu.memory_space<hbm>> -> memref<32x256xf32, #tpu.memory_space<hbm>>
        tpu.enqueue_dma source(%dma_start3A_881 : memref<32x256xf32, #tpu.memory_space<hbm>>) target(%dma_start3A_879 : memref<32x256xf32, #tpu.memory_space<vmem>>) target_semaphore(%arg15 : memref<!tpu.dma_semaphore, #tpu.memory_space<semaphore_mem>>)
        %dma_start3A_882 = arith.constant 0 : i32
        %dma_start3A_883 = arith.constant 0 : i32
        %dma_start3A_884 = tpu.memref_slice %arg8[%cond3A_764, %dma_start3A_882, %dma_start3A_883] : memref<4x64x256xf32, #tpu.memory_space<vmem>> -> memref<1x64x256xf32, #tpu.memory_space<vmem>>
        %dma_start3A_885 = tpu.memref_squeeze %dma_start3A_884 : memref<1x64x256xf32, #tpu.memory_space<vmem>> -> memref<64x256xf32, #tpu.memory_space<vmem>>
        %dma_start3A_886 = arith.constant 32 : i32
        %dma_start3A_887 = arith.constant 0 : i32
        %dma_start3A_888 = tpu.memref_slice %dma_start3A_885[%dma_start3A_886, %dma_start3A_887] : memref<64x256xf32, #tpu.memory_space<vmem>> -> memref<32x256xf32, #tpu.memory_space<vmem>>
        %dma_start3A_889 = arith.constant 32 : i32
        %dma_start3A_890 = tpu.memref_slice %arg3[%dma_start3A_889, %mul3A_863] : memref<64x1000001xf32, #tpu.memory_space<hbm>> -> memref<32x256xf32, #tpu.memory_space<hbm>>
        %dma_start3A_891 = arith.constant 0 : i32
        %dma_start3A_892 = arith.constant 0 : i32
        %dma_start3A_893 = tpu.memref_slice %arg8[%cond3A_764, %dma_start3A_891, %dma_start3A_892] : memref<4x64x256xf32, #tpu.memory_space<vmem>> -> memref<1x64x256xf32, #tpu.memory_space<vmem>>
        %dma_start3A_894 = tpu.memref_squeeze %dma_start3A_893 : memref<1x64x256xf32, #tpu.memory_space<vmem>> -> memref<64x256xf32, #tpu.memory_space<vmem>>
        %dma_start3A_895 = arith.constant 32 : i32
        %dma_start3A_896 = arith.constant 0 : i32
        %dma_start3A_897 = tpu.memref_slice %dma_start3A_894[%dma_start3A_895, %dma_start3A_896] : memref<64x256xf32, #tpu.memory_space<vmem>> -> memref<32x256xf32, #tpu.memory_space<vmem>>
        %dma_start3A_898 = arith.constant 32 : i32
        %dma_start3A_899 = tpu.memref_slice %arg3[%dma_start3A_898, %mul3A_863] : memref<64x1000001xf32, #tpu.memory_space<hbm>> -> memref<32x256xf32, #tpu.memory_space<hbm>>
        tpu.enqueue_dma source(%dma_start3A_899 : memref<32x256xf32, #tpu.memory_space<hbm>>) target(%dma_start3A_897 : memref<32x256xf32, #tpu.memory_space<vmem>>) target_semaphore(%arg15 : memref<!tpu.dma_semaphore, #tpu.memory_space<semaphore_mem>>)
      } else {
      }
      %mul3A_767 = arith.constant 4 : i32
      %mul3A_768 = arith.muli %mul3A_767, %scan3A_498 : i32
      %add3A_769 = arith.constant 3 : i32
      %add3A_770 = arith.addi %mul3A_768, %add3A_769 : i32
      %dma_wait3A_771 = arith.constant 3 : i32
      %dma_wait3A_772 = arith.constant 0 : i32
      %dma_wait3A_773 = arith.constant 0 : i32
      %dma_wait3A_774 = tpu.memref_slice %arg8[%dma_wait3A_771, %dma_wait3A_772, %dma_wait3A_773] : memref<4x64x256xf32, #tpu.memory_space<vmem>> -> memref<1x64x256xf32, #tpu.memory_space<vmem>>
      %dma_wait3A_775 = tpu.memref_squeeze %dma_wait3A_774 : memref<1x64x256xf32, #tpu.memory_space<vmem>> -> memref<64x256xf32, #tpu.memory_space<vmem>>
      %dma_wait3A_776 = arith.constant 0 : i32
      %dma_wait3A_777 = arith.constant 0 : i32
      %dma_wait3A_778 = tpu.memref_slice %arg3[%dma_wait3A_776, %dma_wait3A_777] : memref<64x1000001xf32, #tpu.memory_space<hbm>> -> memref<64x256xf32, #tpu.memory_space<hbm>>
      %dma_wait3A_779 = arith.constant 0 : i32
      %dma_wait3A_780 = arith.constant 0 : i32
      %dma_wait3A_781 = tpu.memref_slice %arg8[%dma_wait3A_771, %dma_wait3A_779, %dma_wait3A_780] : memref<4x64x256xf32, #tpu.memory_space<vmem>> -> memref<1x64x256xf32, #tpu.memory_space<vmem>>
      %dma_wait3A_782 = tpu.memref_squeeze %dma_wait3A_781 : memref<1x64x256xf32, #tpu.memory_space<vmem>> -> memref<64x256xf32, #tpu.memory_space<vmem>>
      %dma_wait3A_783 = arith.constant 0 : i32
      %dma_wait3A_784 = arith.constant 0 : i32
      %dma_wait3A_785 = tpu.memref_slice %arg3[%dma_wait3A_783, %dma_wait3A_784] : memref<64x1000001xf32, #tpu.memory_space<hbm>> -> memref<64x256xf32, #tpu.memory_space<hbm>>
      tpu.wait_dma2 semaphore(%arg16 : memref<!tpu.dma_semaphore, #tpu.memory_space<semaphore_mem>>) src(%dma_wait3A_785 : memref<64x256xf32, #tpu.memory_space<hbm>>) dst(%dma_wait3A_782 : memref<64x256xf32, #tpu.memory_space<vmem>>)
      %mul3A_786 = arith.constant 2 : i32
      %mul3A_787 = arith.muli %add3A_770, %mul3A_786 : i32
      %add3A_788 = arith.addi %mul3A_2, %mul3A_787 : i32
      %min3A_789 = arith.constant 7811 : i32
      %min3A_790 = arith.minsi %add3A_788, %min3A_789 : i32
      %mul3A_791 = arith.constant 128 : i32
      %mul3A_792 = arith.muli %min3A_790, %mul3A_791 : i32
      %shift_right_arithmetic3A_793 = arith.constant 4 : i32
      %shift_right_arithmetic3A_794 = arith.shrsi %add3A_770, %shift_right_arithmetic3A_793 : i32
      %get3A_795 = arith.index_cast %shift_right_arithmetic3A_794 : i32 to index
      %get3A_796 = memref.load %arg11[%get3A_795] : memref<8xi32, #tpu.memory_space<smem>>
      %get3A_797 = arith.index_cast %shift_right_arithmetic3A_794 : i32 to index
      %get3A_798 = memref.load %arg12[%get3A_797] : memref<8xi32, #tpu.memory_space<smem>>
      %add3A_799 = arith.constant 15 : i32
      %add3A_800 = arith.addi %get3A_798, %add3A_799 : i32
      %jit3A_801 = arith.constant 16 : i32
      %div3A_802 = arith.divsi %add3A_800, %jit3A_801 : i32
      %sign3A_803 = arith.constant 0 : i32
      %sign3A_804 = arith.cmpi sgt, %add3A_800, %sign3A_803 : i32
      %sign3A_805 = arith.extui %sign3A_804 : i1 to i32
      %sign3A_806 = arith.constant 0 : i32
      %sign3A_807 = arith.cmpi slt, %add3A_800, %sign3A_806 : i32
      %sign3A_808 = arith.extui %sign3A_807 : i1 to i32
      %sign3A_809 = arith.subi %sign3A_805, %sign3A_808 : i32
      %sign3A_810 = arith.constant 0 : i32
      %sign3A_811 = arith.cmpi sgt, %jit3A_801, %sign3A_810 : i32
      %sign3A_812 = arith.extui %sign3A_811 : i1 to i32
      %sign3A_813 = arith.constant 0 : i32
      %sign3A_814 = arith.cmpi slt, %jit3A_801, %sign3A_813 : i32
      %sign3A_815 = arith.extui %sign3A_814 : i1 to i32
      %sign3A_816 = arith.subi %sign3A_812, %sign3A_815 : i32
      %ne3A_817 = arith.cmpi ne, %sign3A_809, %sign3A_816 : i32
      %rem3A_818 = arith.remsi %add3A_800, %jit3A_801 : i32
      %ne3A_819 = arith.constant 0 : i32
      %ne3A_820 = arith.cmpi ne, %rem3A_818, %ne3A_819 : i32
      %and3A_821 = arith.andi %ne3A_817, %ne3A_820 : i1
      %sub3A_822 = arith.constant 1 : i32
      %sub3A_823 = arith.subi %div3A_802, %sub3A_822 : i32
      %select_n3A_824 = arith.select %and3A_821, %sub3A_823, %div3A_802 : i32
      %while3A_825 = arith.constant 0 : i32
      %while3A_826 = arith.constant 0 : i32
      %while3A_827 = arith.subi %select_n3A_824, %while3A_825 : i32
      %while3A_828 = arith.addi %while3A_825, %while3A_827 : i32
      %while3A_829 = arith.constant 1 : i32
      %while3A_830 = arith.divsi %while3A_827, %while3A_829 : i32
      %while3A_831 = arith.muli %while3A_830, %while3A_829 : i32
      %while3A_832 = arith.addi %while3A_825, %while3A_831 : i32
      %while3A_833 = arith.constant 1 : i32
      %while3A_834 = scf.for %while3A_857 = %while3A_825 to %while3A_832 step %while3A_833 iter_args(%while3A_858 = %while3A_826) -> (i32)  : i32 {
        %mul3A_859 = arith.constant 16 : i32
        %mul3A_860 = arith.muli %while3A_857, %mul3A_859 : i32
        %add3A_861 = vector.broadcast %mul3A_860 : i32 to vector<16xi32>
        %add3A_862 = arith.addi %add3A_861, %iota3A : vector<16xi32>
        %lt3A_863 = vector.broadcast %get3A_798 : i32 to vector<16xi32>
        %lt3A_864 = arith.cmpi slt, %add3A_862, %lt3A_863 : vector<16xi32>
        %mul3A_865 = arith.constant 16 : i32
        %mul3A_866 = arith.muli %while3A_857, %mul3A_865 : i32
        %add3A_867 = arith.addi %get3A_796, %mul3A_866 : i32
        %get3A_868 = arith.index_cast %add3A_867 : i32 to index
        %get3A_869 = tpu.vector_load %arg6[%get3A_868] {strides = array<i32>} : memref<16400xi32, #tpu.memory_space<vmem>>, vector<16xi32>,
        %gather3A = tpu.vector_load_idx %arg5[%get3A_869] masked %lt3A_864 : memref<16400xi32, #tpu.memory_space<vmem>>[vector<16xi32>], vector<16xi32>, vector<16xi1>
        %shift_right_logical3A = arith.constant 7 : i32
        %shift_right_logical3A_870 = vector.broadcast %shift_right_logical3A : i32 to vector<16xi32>
        %shift_right_logical3A_871 = arith.shrui %gather3A, %shift_right_logical3A_870 : vector<16xi32>
        %ge3A_872 = vector.broadcast %min3A_790 : i32 to vector<16xi32>
        %ge3A_873 = arith.cmpi sge, %shift_right_logical3A_871, %ge3A_872 : vector<16xi32>
        %and3A_874 = arith.andi %lt3A_864, %ge3A_873 : vector<16xi1>
        %add3A_875 = arith.constant 2 : i32
        %add3A_876 = arith.addi %min3A_790, %add3A_875 : i32
        %lt3A_877 = vector.broadcast %add3A_876 : i32 to vector<16xi32>
        %lt3A_878 = arith.cmpi slt, %shift_right_logical3A_871, %lt3A_877 : vector<16xi32>
        %and3A_879 = arith.andi %and3A_874, %lt3A_878 : vector<16xi1>
        %jit3A_880 = arith.constant 1 : i32
        %jit3A_881 = arith.constant 0 : i32
        %broadcast_in_dim3A_882 = vector.broadcast %jit3A_880 : i32 to vector<16xi32>
        %broadcast_in_dim3A_883 = vector.broadcast %jit3A_881 : i32 to vector<16xi32>
        %select_n3A_884 = arith.select %and3A_879, %broadcast_in_dim3A_882, %broadcast_in_dim3A_883 : vector<16xi1>, vector<16xi32>
        %broadcast_in_dim3A_885 = arith.constant true
        %broadcast_in_dim3A_886 = vector.broadcast %broadcast_in_dim3A_885 : i1 to vector<16xi1>
        %masked_cumsum3A = tpu.scan <sum>, %select_n3A_884 masked %broadcast_in_dim3A_886 : vector<16xi32>, vector<16xi1> -> vector<16xi32>
        %add3A_887 = vector.broadcast %while3A_858 : i32 to vector<16xi32>
        %add3A_888 = arith.addi %add3A_887, %masked_cumsum3A : vector<16xi32>
        %sub3A_889 = arith.constant 1 : i32
        %sub3A_890 = vector.broadcast %sub3A_889 : i32 to vector<16xi32>
        %sub3A_891 = arith.subi %add3A_888, %sub3A_890 : vector<16xi32>
        tpu.vector_store_idx %arg7[%sub3A_891], %get3A_869 masked %and3A_879 : memref<16400xi32, #tpu.memory_space<vmem>>[vector<16xi32>], vector<16xi32>, vector<16xi1>
        %slice3A = vector.extract_strided_slice %masked_cumsum3A {offsets = [15], sizes = [1], strides = [1]} : vector<16xi32> to vector<1xi32>
        %squeeze3A = vector.extract %slice3A[0] : i32 from vector<1xi32>
        %add3A_892 = arith.addi %while3A_858, %squeeze3A : i32
        scf.yield %add3A_892 : i32
      }
      %while3A_835 = arith.constant 1 : i32
      %while3A_836 = scf.for %while3A_857 = %while3A_832 to %while3A_828 step %while3A_835 iter_args(%while3A_858 = %while3A_834) -> (i32)  : i32 {
        %mul3A_859 = arith.constant 16 : i32
        %mul3A_860 = arith.muli %while3A_857, %mul3A_859 : i32
        %add3A_861 = vector.broadcast %mul3A_860 : i32 to vector<16xi32>
        %add3A_862 = arith.addi %add3A_861, %iota3A : vector<16xi32>
        %lt3A_863 = vector.broadcast %get3A_798 : i32 to vector<16xi32>
        %lt3A_864 = arith.cmpi slt, %add3A_862, %lt3A_863 : vector<16xi32>
        %mul3A_865 = arith.constant 16 : i32
        %mul3A_866 = arith.muli %while3A_857, %mul3A_865 : i32
        %add3A_867 = arith.addi %get3A_796, %mul3A_866 : i32
        %get3A_868 = arith.index_cast %add3A_867 : i32 to index
        %get3A_869 = tpu.vector_load %arg6[%get3A_868] {strides = array<i32>} : memref<16400xi32, #tpu.memory_space<vmem>>, vector<16xi32>,
        %gather3A = tpu.vector_load_idx %arg5[%get3A_869] masked %lt3A_864 : memref<16400xi32, #tpu.memory_space<vmem>>[vector<16xi32>], vector<16xi32>, vector<16xi1>
        %shift_right_logical3A = arith.constant 7 : i32
        %shift_right_logical3A_870 = vector.broadcast %shift_right_logical3A : i32 to vector<16xi32>
        %shift_right_logical3A_871 = arith.shrui %gather3A, %shift_right_logical3A_870 : vector<16xi32>
        %ge3A_872 = vector.broadcast %min3A_790 : i32 to vector<16xi32>
        %ge3A_873 = arith.cmpi sge, %shift_right_logical3A_871, %ge3A_872 : vector<16xi32>
        %and3A_874 = arith.andi %lt3A_864, %ge3A_873 : vector<16xi1>
        %add3A_875 = arith.constant 2 : i32
        %add3A_876 = arith.addi %min3A_790, %add3A_875 : i32
        %lt3A_877 = vector.broadcast %add3A_876 : i32 to vector<16xi32>
        %lt3A_878 = arith.cmpi slt, %shift_right_logical3A_871, %lt3A_877 : vector<16xi32>
        %and3A_879 = arith.andi %and3A_874, %lt3A_878 : vector<16xi1>
        %jit3A_880 = arith.constant 1 : i32
        %jit3A_881 = arith.constant 0 : i32
        %broadcast_in_dim3A_882 = vector.broadcast %jit3A_880 : i32 to vector<16xi32>
        %broadcast_in_dim3A_883 = vector.broadcast %jit3A_881 : i32 to vector<16xi32>
        %select_n3A_884 = arith.select %and3A_879, %broadcast_in_dim3A_882, %broadcast_in_dim3A_883 : vector<16xi1>, vector<16xi32>
        %broadcast_in_dim3A_885 = arith.constant true
        %broadcast_in_dim3A_886 = vector.broadcast %broadcast_in_dim3A_885 : i1 to vector<16xi1>
        %masked_cumsum3A = tpu.scan <sum>, %select_n3A_884 masked %broadcast_in_dim3A_886 : vector<16xi32>, vector<16xi1> -> vector<16xi32>
        %add3A_887 = vector.broadcast %while3A_858 : i32 to vector<16xi32>
        %add3A_888 = arith.addi %add3A_887, %masked_cumsum3A : vector<16xi32>
        %sub3A_889 = arith.constant 1 : i32
        %sub3A_890 = vector.broadcast %sub3A_889 : i32 to vector<16xi32>
        %sub3A_891 = arith.subi %add3A_888, %sub3A_890 : vector<16xi32>
        tpu.vector_store_idx %arg7[%sub3A_891], %get3A_869 masked %and3A_879 : memref<16400xi32, #tpu.memory_space<vmem>>[vector<16xi32>], vector<16xi32>, vector<16xi1>
        %slice3A = vector.extract_strided_slice %masked_cumsum3A {offsets = [15], sizes = [1], strides = [1]} : vector<16xi32> to vector<1xi32>
        %squeeze3A = vector.extract %slice3A[0] : i32 from vector<1xi32>
        %add3A_892 = arith.addi %while3A_858, %squeeze3A : i32
        scf.yield %add3A_892 : i32
      }
      %while3A_837 = arith.constant 3 : i32
      %while3A_838 = arith.constant 0 : i32
      %while3A_839 = arith.subi %while3A_836, %while3A_838 : i32
      %while3A_840 = arith.addi %while3A_838, %while3A_839 : i32
      %while3A_841 = arith.constant 1 : i32
      %while3A_842 = arith.divsi %while3A_839, %while3A_841 : i32
      %while3A_843 = arith.muli %while3A_842, %while3A_841 : i32
      %while3A_844 = arith.addi %while3A_838, %while3A_843 : i32
      %while3A_845 = arith.constant 1 : i32
      %while3A_846 = scf.for %while3A_857 = %while3A_838 to %while3A_844 step %while3A_845 iter_args(%while3A_858 = %while3A_758) -> (i32)  : i32 {
        %broadcast_in_dim3A_859 = vector.broadcast %while3A_857 : i32 to vector<16xi32>
        %gather3A = tpu.vector_load_idx %arg7[%broadcast_in_dim3A_859] : memref<16400xi32, #tpu.memory_space<vmem>>[vector<16xi32>], vector<16xi32>,
        %gather3A_860 = tpu.vector_load_idx %arg5[%gather3A] : memref<16400xi32, #tpu.memory_space<vmem>>[vector<16xi32>], vector<16xi32>,
        %sub3A_861 = vector.broadcast %mul3A_792 : i32 to vector<16xi32>
        %sub3A_862 = arith.subi %gather3A_860, %sub3A_861 : vector<16xi32>
        %jit3A_863 = arith.constant 32 : i32
        %div3A_864 = arith.divsi %while3A_858, %jit3A_863 : i32
        %sign3A_865 = arith.constant 0 : i32
        %sign3A_866 = arith.cmpi sgt, %while3A_858, %sign3A_865 : i32
        %sign3A_867 = arith.extui %sign3A_866 : i1 to i32
        %sign3A_868 = arith.constant 0 : i32
        %sign3A_869 = arith.cmpi slt, %while3A_858, %sign3A_868 : i32
        %sign3A_870 = arith.extui %sign3A_869 : i1 to i32
        %sign3A_871 = arith.subi %sign3A_867, %sign3A_870 : i32
        %sign3A_872 = arith.constant 0 : i32
        %sign3A_873 = arith.cmpi sgt, %jit3A_863, %sign3A_872 : i32
        %sign3A_874 = arith.extui %sign3A_873 : i1 to i32
        %sign3A_875 = arith.constant 0 : i32
        %sign3A_876 = arith.cmpi slt, %jit3A_863, %sign3A_875 : i32
        %sign3A_877 = arith.extui %sign3A_876 : i1 to i32
        %sign3A_878 = arith.subi %sign3A_874, %sign3A_877 : i32
        %ne3A_879 = arith.cmpi ne, %sign3A_871, %sign3A_878 : i32
        %rem3A_880 = arith.remsi %while3A_858, %jit3A_863 : i32
        %ne3A_881 = arith.constant 0 : i32
        %ne3A_882 = arith.cmpi ne, %rem3A_880, %ne3A_881 : i32
        %and3A_883 = arith.andi %ne3A_879, %ne3A_882 : i1
        %sub3A_884 = arith.constant 1 : i32
        %sub3A_885 = arith.subi %div3A_864, %sub3A_884 : i32
        %select_n3A_886 = arith.select %and3A_883, %sub3A_885, %div3A_864 : i32
        %jit3A_887 = arith.constant 2 : i32
        %eq3A_888 = arith.constant 0 : i32
        %eq3A_889 = arith.cmpi eq, %jit3A_887, %eq3A_888 : i32
        %jit3A_890 = arith.constant 1 : i32
        %select_n3A_891 = arith.select %eq3A_889, %jit3A_890, %jit3A_887 : i32
        %rem3A_892 = arith.remsi %select_n3A_886, %select_n3A_891 : i32
        %ne3A_893 = arith.constant 0 : i32
        %ne3A_894 = arith.cmpi ne, %rem3A_892, %ne3A_893 : i32
        %lt3A_895 = arith.constant 0 : i32
        %lt3A_896 = arith.cmpi slt, %rem3A_892, %lt3A_895 : i32
        %lt3A_897 = arith.constant 0 : i32
        %lt3A_898 = arith.cmpi slt, %select_n3A_891, %lt3A_897 : i32
        %ne3A_899 = arith.xori %lt3A_896, %lt3A_898 : i1
        %and3A_900 = arith.andi %ne3A_899, %ne3A_894 : i1
        %add3A_901 = arith.addi %rem3A_892, %select_n3A_891 : i32
        %select_n3A_902 = arith.select %and3A_900, %add3A_901, %rem3A_892 : i32
        %jit3A_903 = arith.constant 32 : i32
        %eq3A_904 = arith.constant 0 : i32
        %eq3A_905 = arith.cmpi eq, %jit3A_903, %eq3A_904 : i32
        %jit3A_906 = arith.constant 1 : i32
        %select_n3A_907 = arith.select %eq3A_905, %jit3A_906, %jit3A_903 : i32
        %rem3A_908 = arith.remsi %while3A_858, %select_n3A_907 : i32
        %ne3A_909 = arith.constant 0 : i32
        %ne3A_910 = arith.cmpi ne, %rem3A_908, %ne3A_909 : i32
        %lt3A_911 = arith.constant 0 : i32
        %lt3A_912 = arith.cmpi slt, %rem3A_908, %lt3A_911 : i32
        %lt3A_913 = arith.constant 0 : i32
        %lt3A_914 = arith.cmpi slt, %select_n3A_907, %lt3A_913 : i32
        %ne3A_915 = arith.xori %lt3A_912, %lt3A_914 : i1
        %and3A_916 = arith.andi %ne3A_915, %ne3A_910 : i1
        %add3A_917 = arith.addi %rem3A_908, %select_n3A_907 : i32
        %select_n3A_918 = arith.select %and3A_916, %add3A_917, %rem3A_908 : i32
        %add3A_919 = arith.constant 0 : i32
        %add3A_920 = vector.broadcast %add3A_919 : i32 to vector<16xi32>
        %add3A_921 = arith.addi %add3A_920, %iota3A : vector<16xi32>
        %gather3A_922 = arith.constant 0 : i32
        %gather3A_923 = arith.constant 0 : i32
        %gather3A_924 = tpu.memref_slice %arg8[%while3A_837, %gather3A_922, %gather3A_923] : memref<4x64x256xf32, #tpu.memory_space<vmem>> -> memref<1x64x256xf32, #tpu.memory_space<vmem>>
        %gather3A_925 = tpu.memref_squeeze %gather3A_924 : memref<1x64x256xf32, #tpu.memory_space<vmem>> -> memref<64x256xf32, #tpu.memory_space<vmem>>
        %gather3A_926 = tpu.vector_load_idx %gather3A_925[%add3A_921, %sub3A_862] : memref<64x256xf32, #tpu.memory_space<vmem>>[vector<16xi32>, vector<16xi32>], vector<16xf32>,
        %swap3A_927 = arith.index_cast %select_n3A_902 : i32 to index
        %swap3A_928 = arith.index_cast %select_n3A_918 : i32 to index
        %swap3A_929 = arith.constant 0 : index
        %swap3A_930 = tpu.vector_load %arg9[%swap3A_927, %swap3A_928, %swap3A_929] {strides = array<i32>} : memref<2x32x128xf32, #tpu.memory_space<vmem>>, vector<16xf32>,
        tpu.vector_store %arg9[%swap3A_927, %swap3A_928, %swap3A_929], %gather3A_926 {strides = array<i32>} : memref<2x32x128xf32, #tpu.memory_space<vmem>>, vector<16xf32>,
        %add3A_931 = arith.constant 16 : i32
        %add3A_932 = vector.broadcast %add3A_931 : i32 to vector<16xi32>
        %add3A_933 = arith.addi %add3A_932, %iota3A : vector<16xi32>
        %gather3A_934 = arith.constant 0 : i32
        %gather3A_935 = arith.constant 0 : i32
        %gather3A_936 = tpu.memref_slice %arg8[%while3A_837, %gather3A_934, %gather3A_935] : memref<4x64x256xf32, #tpu.memory_space<vmem>> -> memref<1x64x256xf32, #tpu.memory_space<vmem>>
        %gather3A_937 = tpu.memref_squeeze %gather3A_936 : memref<1x64x256xf32, #tpu.memory_space<vmem>> -> memref<64x256xf32, #tpu.memory_space<vmem>>
        %gather3A_938 = tpu.vector_load_idx %gather3A_937[%add3A_933, %sub3A_862] : memref<64x256xf32, #tpu.memory_space<vmem>>[vector<16xi32>, vector<16xi32>], vector<16xf32>,
        %swap3A_939 = arith.index_cast %select_n3A_902 : i32 to index
        %swap3A_940 = arith.index_cast %select_n3A_918 : i32 to index
        %swap3A_941 = arith.constant 16 : index
        %swap3A_942 = tpu.vector_load %arg9[%swap3A_939, %swap3A_940, %swap3A_941] {strides = array<i32>} : memref<2x32x128xf32, #tpu.memory_space<vmem>>, vector<16xf32>,
        tpu.vector_store %arg9[%swap3A_939, %swap3A_940, %swap3A_941], %gather3A_938 {strides = array<i32>} : memref<2x32x128xf32, #tpu.memory_space<vmem>>, vector<16xf32>,
        %add3A_943 = arith.constant 32 : i32
        %add3A_944 = vector.broadcast %add3A_943 : i32 to vector<16xi32>
        %add3A_945 = arith.addi %add3A_944, %iota3A : vector<16xi32>
        %gather3A_946 = arith.constant 0 : i32
        %gather3A_947 = arith.constant 0 : i32
        %gather3A_948 = tpu.memref_slice %arg8[%while3A_837, %gather3A_946, %gather3A_947] : memref<4x64x256xf32, #tpu.memory_space<vmem>> -> memref<1x64x256xf32, #tpu.memory_space<vmem>>
        %gather3A_949 = tpu.memref_squeeze %gather3A_948 : memref<1x64x256xf32, #tpu.memory_space<vmem>> -> memref<64x256xf32, #tpu.memory_space<vmem>>
        %gather3A_950 = tpu.vector_load_idx %gather3A_949[%add3A_945, %sub3A_862] : memref<64x256xf32, #tpu.memory_space<vmem>>[vector<16xi32>, vector<16xi32>], vector<16xf32>,
        %swap3A_951 = arith.index_cast %select_n3A_902 : i32 to index
        %swap3A_952 = arith.index_cast %select_n3A_918 : i32 to index
        %swap3A_953 = arith.constant 32 : index
        %swap3A_954 = tpu.vector_load %arg9[%swap3A_951, %swap3A_952, %swap3A_953] {strides = array<i32>} : memref<2x32x128xf32, #tpu.memory_space<vmem>>, vector<16xf32>,
        tpu.vector_store %arg9[%swap3A_951, %swap3A_952, %swap3A_953], %gather3A_950 {strides = array<i32>} : memref<2x32x128xf32, #tpu.memory_space<vmem>>, vector<16xf32>,
        %add3A_955 = arith.constant 48 : i32
        %add3A_956 = vector.broadcast %add3A_955 : i32 to vector<16xi32>
        %add3A_957 = arith.addi %add3A_956, %iota3A : vector<16xi32>
        %gather3A_958 = arith.constant 0 : i32
        %gather3A_959 = arith.constant 0 : i32
        %gather3A_960 = tpu.memref_slice %arg8[%while3A_837, %gather3A_958, %gather3A_959] : memref<4x64x256xf32, #tpu.memory_space<vmem>> -> memref<1x64x256xf32, #tpu.memory_space<vmem>>
        %gather3A_961 = tpu.memref_squeeze %gather3A_960 : memref<1x64x256xf32, #tpu.memory_space<vmem>> -> memref<64x256xf32, #tpu.memory_space<vmem>>
        %gather3A_962 = tpu.vector_load_idx %gather3A_961[%add3A_957, %sub3A_862] : memref<64x256xf32, #tpu.memory_space<vmem>>[vector<16xi32>, vector<16xi32>], vector<16xf32>,
        %swap3A_963 = arith.index_cast %select_n3A_902 : i32 to index
        %swap3A_964 = arith.index_cast %select_n3A_918 : i32 to index
        %swap3A_965 = arith.constant 48 : index
        %swap3A_966 = tpu.vector_load %arg9[%swap3A_963, %swap3A_964, %swap3A_965] {strides = array<i32>} : memref<2x32x128xf32, #tpu.memory_space<vmem>>, vector<16xf32>,
        tpu.vector_store %arg9[%swap3A_963, %swap3A_964, %swap3A_965], %gather3A_962 {strides = array<i32>} : memref<2x32x128xf32, #tpu.memory_space<vmem>>, vector<16xf32>,
        %broadcast_in_dim3A_967 = vector.broadcast %select_n3A_918 : i32 to vector<16xi32>
        %eq3A_968 = arith.constant 0 : i32
        %eq3A_969 = vector.broadcast %eq3A_968 : i32 to vector<16xi32>
        %eq3A_970 = arith.cmpi eq, %iota3A, %eq3A_969 : vector<16xi32>
        %scatter3A_971 = arith.constant 0 : i32
        %scatter3A_972 = tpu.memref_slice %arg10[%select_n3A_902, %scatter3A_971] : memref<2x32xi32, #tpu.memory_space<vmem>> -> memref<1x32xi32, #tpu.memory_space<vmem>>
        %scatter3A_973 = tpu.memref_squeeze %scatter3A_972 : memref<1x32xi32, #tpu.memory_space<vmem>> -> memref<32xi32, #tpu.memory_space<vmem>>
        tpu.vector_store_idx %scatter3A_973[%broadcast_in_dim3A_967], %gather3A masked %eq3A_970 : memref<32xi32, #tpu.memory_space<vmem>>[vector<16xi32>], vector<16xi32>, vector<16xi1>
        %add3A_974 = arith.constant 1 : i32
        %add3A_975 = arith.addi %while3A_858, %add3A_974 : i32
        %jit3A_976 = arith.constant 32 : i32
        %eq3A_977 = arith.constant 0 : i32
        %eq3A_978 = arith.cmpi eq, %jit3A_976, %eq3A_977 : i32
        %jit3A_979 = arith.constant 1 : i32
        %select_n3A_980 = arith.select %eq3A_978, %jit3A_979, %jit3A_976 : i32
        %rem3A_981 = arith.remsi %add3A_975, %select_n3A_980 : i32
        %ne3A_982 = arith.constant 0 : i32
        %ne3A_983 = arith.cmpi ne, %rem3A_981, %ne3A_982 : i32
        %lt3A_984 = arith.constant 0 : i32
        %lt3A_985 = arith.cmpi slt, %rem3A_981, %lt3A_984 : i32
        %lt3A_986 = arith.constant 0 : i32
        %lt3A_987 = arith.cmpi slt, %select_n3A_980, %lt3A_986 : i32
        %ne3A_988 = arith.xori %lt3A_985, %lt3A_987 : i1
        %and3A_989 = arith.andi %ne3A_988, %ne3A_983 : i1
        %add3A_990 = arith.addi %rem3A_981, %select_n3A_980 : i32
        %select_n3A_991 = arith.select %and3A_989, %add3A_990, %rem3A_981 : i32
        %eq3A_992 = arith.constant 0 : i32
        %eq3A_993 = arith.cmpi eq, %select_n3A_991, %eq3A_992 : i32
        %convert_element_type3A_994 = arith.extui %eq3A_993 : i1 to i32
        %cond3A_995 = arith.constant 0 : i32
        %cond3A_996 = arith.cmpi ne, %convert_element_type3A_994, %cond3A_995 : i32
        scf.if %cond3A_996 {
          %dma_start3A_997 = arith.constant 0 : i32
          %dma_start3A_998 = arith.constant 0 : i32
          %dma_start3A_999 = tpu.memref_slice %arg9[%select_n3A_902, %dma_start3A_997, %dma_start3A_998] : memref<2x32x128xf32, #tpu.memory_space<vmem>> -> memref<1x32x128xf32, #tpu.memory_space<vmem>>
          %dma_start3A_1000 = tpu.memref_squeeze %dma_start3A_999 : memref<1x32x128xf32, #tpu.memory_space<vmem>> -> memref<32x128xf32, #tpu.memory_space<vmem>>
          %dma_start3A_1001 = arith.constant 0 : i32
          %dma_start3A_1002 = tpu.memref_slice %arg10[%select_n3A_902, %dma_start3A_1001] : memref<2x32xi32, #tpu.memory_space<vmem>> -> memref<1x32xi32, #tpu.memory_space<vmem>>
          %dma_start3A_1003 = tpu.memref_squeeze %dma_start3A_1002 : memref<1x32xi32, #tpu.memory_space<vmem>> -> memref<32xi32, #tpu.memory_space<vmem>>
          %dma_start3A_1004 = arith.constant 0 : i32
          %dma_start3A_1005 = arith.constant 0 : i32
          %dma_start3A_1006 = tpu.memref_slice %arg4[%dma_start3A_1004, %dma_start3A_1005] : memref<16416x128xf32, #tpu.memory_space<hbm>> -> memref<16416x128xf32, #tpu.memory_space<hbm>>
          tpu.enqueue_indirect_dma source(%dma_start3A_1000 : memref<32x128xf32, #tpu.memory_space<vmem>>) target(%dma_start3A_1006 : memref<16416x128xf32, #tpu.memory_space<hbm>>) offsets(%dma_start3A_1003 : memref<32xi32, #tpu.memory_space<vmem>>) semaphore(%arg17 : memref<!tpu.dma_semaphore, #tpu.memory_space<semaphore_mem>>)
          %dma_wait3A_1007 = arith.constant 0 : i32
          %dma_wait3A_1008 = arith.constant 0 : i32
          %dma_wait3A_1009 = tpu.memref_slice %arg9[%select_n3A_902, %dma_wait3A_1007, %dma_wait3A_1008] : memref<2x32x128xf32, #tpu.memory_space<vmem>> -> memref<1x32x128xf32, #tpu.memory_space<vmem>>
          %dma_wait3A_1010 = tpu.memref_squeeze %dma_wait3A_1009 : memref<1x32x128xf32, #tpu.memory_space<vmem>> -> memref<32x128xf32, #tpu.memory_space<vmem>>
          %dma_wait3A_1011 = arith.constant 0 : i32
          %dma_wait3A_1012 = tpu.memref_slice %arg10[%select_n3A_902, %dma_wait3A_1011] : memref<2x32xi32, #tpu.memory_space<vmem>> -> memref<1x32xi32, #tpu.memory_space<vmem>>
          %dma_wait3A_1013 = tpu.memref_squeeze %dma_wait3A_1012 : memref<1x32xi32, #tpu.memory_space<vmem>> -> memref<32xi32, #tpu.memory_space<vmem>>
          %dma_wait3A_1014 = arith.constant 0 : i32
          %dma_wait3A_1015 = arith.constant 0 : i32
          %dma_wait3A_1016 = tpu.memref_slice %arg4[%dma_wait3A_1014, %dma_wait3A_1015] : memref<16416x128xf32, #tpu.memory_space<hbm>> -> memref<16416x128xf32, #tpu.memory_space<hbm>>
          tpu.wait_indirect_dma semaphore(%arg17 : memref<!tpu.dma_semaphore, #tpu.memory_space<semaphore_mem>>) src(%dma_wait3A_1010 : memref<32x128xf32, #tpu.memory_space<vmem>>) dst(%dma_wait3A_1016 : memref<16416x128xf32, #tpu.memory_space<hbm>>)
        } else {
        }
        scf.yield %add3A_975 : i32
      }
      %while3A_847 = arith.constant 1 : i32
      %while3A_848 = scf.for %while3A_857 = %while3A_844 to %while3A_840 step %while3A_847 iter_args(%while3A_858 = %while3A_846) -> (i32)  : i32 {
        %broadcast_in_dim3A_859 = vector.broadcast %while3A_857 : i32 to vector<16xi32>
        %gather3A = tpu.vector_load_idx %arg7[%broadcast_in_dim3A_859] : memref<16400xi32, #tpu.memory_space<vmem>>[vector<16xi32>], vector<16xi32>,
        %gather3A_860 = tpu.vector_load_idx %arg5[%gather3A] : memref<16400xi32, #tpu.memory_space<vmem>>[vector<16xi32>], vector<16xi32>,
        %sub3A_861 = vector.broadcast %mul3A_792 : i32 to vector<16xi32>
        %sub3A_862 = arith.subi %gather3A_860, %sub3A_861 : vector<16xi32>
        %jit3A_863 = arith.constant 32 : i32
        %div3A_864 = arith.divsi %while3A_858, %jit3A_863 : i32
        %sign3A_865 = arith.constant 0 : i32
        %sign3A_866 = arith.cmpi sgt, %while3A_858, %sign3A_865 : i32
        %sign3A_867 = arith.extui %sign3A_866 : i1 to i32
        %sign3A_868 = arith.constant 0 : i32
        %sign3A_869 = arith.cmpi slt, %while3A_858, %sign3A_868 : i32
        %sign3A_870 = arith.extui %sign3A_869 : i1 to i32
        %sign3A_871 = arith.subi %sign3A_867, %sign3A_870 : i32
        %sign3A_872 = arith.constant 0 : i32
        %sign3A_873 = arith.cmpi sgt, %jit3A_863, %sign3A_872 : i32
        %sign3A_874 = arith.extui %sign3A_873 : i1 to i32
        %sign3A_875 = arith.constant 0 : i32
        %sign3A_876 = arith.cmpi slt, %jit3A_863, %sign3A_875 : i32
        %sign3A_877 = arith.extui %sign3A_876 : i1 to i32
        %sign3A_878 = arith.subi %sign3A_874, %sign3A_877 : i32
        %ne3A_879 = arith.cmpi ne, %sign3A_871, %sign3A_878 : i32
        %rem3A_880 = arith.remsi %while3A_858, %jit3A_863 : i32
        %ne3A_881 = arith.constant 0 : i32
        %ne3A_882 = arith.cmpi ne, %rem3A_880, %ne3A_881 : i32
        %and3A_883 = arith.andi %ne3A_879, %ne3A_882 : i1
        %sub3A_884 = arith.constant 1 : i32
        %sub3A_885 = arith.subi %div3A_864, %sub3A_884 : i32
        %select_n3A_886 = arith.select %and3A_883, %sub3A_885, %div3A_864 : i32
        %jit3A_887 = arith.constant 2 : i32
        %eq3A_888 = arith.constant 0 : i32
        %eq3A_889 = arith.cmpi eq, %jit3A_887, %eq3A_888 : i32
        %jit3A_890 = arith.constant 1 : i32
        %select_n3A_891 = arith.select %eq3A_889, %jit3A_890, %jit3A_887 : i32
        %rem3A_892 = arith.remsi %select_n3A_886, %select_n3A_891 : i32
        %ne3A_893 = arith.constant 0 : i32
        %ne3A_894 = arith.cmpi ne, %rem3A_892, %ne3A_893 : i32
        %lt3A_895 = arith.constant 0 : i32
        %lt3A_896 = arith.cmpi slt, %rem3A_892, %lt3A_895 : i32
        %lt3A_897 = arith.constant 0 : i32
        %lt3A_898 = arith.cmpi slt, %select_n3A_891, %lt3A_897 : i32
        %ne3A_899 = arith.xori %lt3A_896, %lt3A_898 : i1
        %and3A_900 = arith.andi %ne3A_899, %ne3A_894 : i1
        %add3A_901 = arith.addi %rem3A_892, %select_n3A_891 : i32
        %select_n3A_902 = arith.select %and3A_900, %add3A_901, %rem3A_892 : i32
        %jit3A_903 = arith.constant 32 : i32
        %eq3A_904 = arith.constant 0 : i32
        %eq3A_905 = arith.cmpi eq, %jit3A_903, %eq3A_904 : i32
        %jit3A_906 = arith.constant 1 : i32
        %select_n3A_907 = arith.select %eq3A_905, %jit3A_906, %jit3A_903 : i32
        %rem3A_908 = arith.remsi %while3A_858, %select_n3A_907 : i32
        %ne3A_909 = arith.constant 0 : i32
        %ne3A_910 = arith.cmpi ne, %rem3A_908, %ne3A_909 : i32
        %lt3A_911 = arith.constant 0 : i32
        %lt3A_912 = arith.cmpi slt, %rem3A_908, %lt3A_911 : i32
        %lt3A_913 = arith.constant 0 : i32
        %lt3A_914 = arith.cmpi slt, %select_n3A_907, %lt3A_913 : i32
        %ne3A_915 = arith.xori %lt3A_912, %lt3A_914 : i1
        %and3A_916 = arith.andi %ne3A_915, %ne3A_910 : i1
        %add3A_917 = arith.addi %rem3A_908, %select_n3A_907 : i32
        %select_n3A_918 = arith.select %and3A_916, %add3A_917, %rem3A_908 : i32
        %add3A_919 = arith.constant 0 : i32
        %add3A_920 = vector.broadcast %add3A_919 : i32 to vector<16xi32>
        %add3A_921 = arith.addi %add3A_920, %iota3A : vector<16xi32>
        %gather3A_922 = arith.constant 0 : i32
        %gather3A_923 = arith.constant 0 : i32
        %gather3A_924 = tpu.memref_slice %arg8[%while3A_837, %gather3A_922, %gather3A_923] : memref<4x64x256xf32, #tpu.memory_space<vmem>> -> memref<1x64x256xf32, #tpu.memory_space<vmem>>
        %gather3A_925 = tpu.memref_squeeze %gather3A_924 : memref<1x64x256xf32, #tpu.memory_space<vmem>> -> memref<64x256xf32, #tpu.memory_space<vmem>>
        %gather3A_926 = tpu.vector_load_idx %gather3A_925[%add3A_921, %sub3A_862] : memref<64x256xf32, #tpu.memory_space<vmem>>[vector<16xi32>, vector<16xi32>], vector<16xf32>,
        %swap3A_927 = arith.index_cast %select_n3A_902 : i32 to index
        %swap3A_928 = arith.index_cast %select_n3A_918 : i32 to index
        %swap3A_929 = arith.constant 0 : index
        %swap3A_930 = tpu.vector_load %arg9[%swap3A_927, %swap3A_928, %swap3A_929] {strides = array<i32>} : memref<2x32x128xf32, #tpu.memory_space<vmem>>, vector<16xf32>,
        tpu.vector_store %arg9[%swap3A_927, %swap3A_928, %swap3A_929], %gather3A_926 {strides = array<i32>} : memref<2x32x128xf32, #tpu.memory_space<vmem>>, vector<16xf32>,
        %add3A_931 = arith.constant 16 : i32
        %add3A_932 = vector.broadcast %add3A_931 : i32 to vector<16xi32>
        %add3A_933 = arith.addi %add3A_932, %iota3A : vector<16xi32>
        %gather3A_934 = arith.constant 0 : i32
        %gather3A_935 = arith.constant 0 : i32
        %gather3A_936 = tpu.memref_slice %arg8[%while3A_837, %gather3A_934, %gather3A_935] : memref<4x64x256xf32, #tpu.memory_space<vmem>> -> memref<1x64x256xf32, #tpu.memory_space<vmem>>
        %gather3A_937 = tpu.memref_squeeze %gather3A_936 : memref<1x64x256xf32, #tpu.memory_space<vmem>> -> memref<64x256xf32, #tpu.memory_space<vmem>>
        %gather3A_938 = tpu.vector_load_idx %gather3A_937[%add3A_933, %sub3A_862] : memref<64x256xf32, #tpu.memory_space<vmem>>[vector<16xi32>, vector<16xi32>], vector<16xf32>,
        %swap3A_939 = arith.index_cast %select_n3A_902 : i32 to index
        %swap3A_940 = arith.index_cast %select_n3A_918 : i32 to index
        %swap3A_941 = arith.constant 16 : index
        %swap3A_942 = tpu.vector_load %arg9[%swap3A_939, %swap3A_940, %swap3A_941] {strides = array<i32>} : memref<2x32x128xf32, #tpu.memory_space<vmem>>, vector<16xf32>,
        tpu.vector_store %arg9[%swap3A_939, %swap3A_940, %swap3A_941], %gather3A_938 {strides = array<i32>} : memref<2x32x128xf32, #tpu.memory_space<vmem>>, vector<16xf32>,
        %add3A_943 = arith.constant 32 : i32
        %add3A_944 = vector.broadcast %add3A_943 : i32 to vector<16xi32>
        %add3A_945 = arith.addi %add3A_944, %iota3A : vector<16xi32>
        %gather3A_946 = arith.constant 0 : i32
        %gather3A_947 = arith.constant 0 : i32
        %gather3A_948 = tpu.memref_slice %arg8[%while3A_837, %gather3A_946, %gather3A_947] : memref<4x64x256xf32, #tpu.memory_space<vmem>> -> memref<1x64x256xf32, #tpu.memory_space<vmem>>
        %gather3A_949 = tpu.memref_squeeze %gather3A_948 : memref<1x64x256xf32, #tpu.memory_space<vmem>> -> memref<64x256xf32, #tpu.memory_space<vmem>>
        %gather3A_950 = tpu.vector_load_idx %gather3A_949[%add3A_945, %sub3A_862] : memref<64x256xf32, #tpu.memory_space<vmem>>[vector<16xi32>, vector<16xi32>], vector<16xf32>,
        %swap3A_951 = arith.index_cast %select_n3A_902 : i32 to index
        %swap3A_952 = arith.index_cast %select_n3A_918 : i32 to index
        %swap3A_953 = arith.constant 32 : index
        %swap3A_954 = tpu.vector_load %arg9[%swap3A_951, %swap3A_952, %swap3A_953] {strides = array<i32>} : memref<2x32x128xf32, #tpu.memory_space<vmem>>, vector<16xf32>,
        tpu.vector_store %arg9[%swap3A_951, %swap3A_952, %swap3A_953], %gather3A_950 {strides = array<i32>} : memref<2x32x128xf32, #tpu.memory_space<vmem>>, vector<16xf32>,
        %add3A_955 = arith.constant 48 : i32
        %add3A_956 = vector.broadcast %add3A_955 : i32 to vector<16xi32>
        %add3A_957 = arith.addi %add3A_956, %iota3A : vector<16xi32>
        %gather3A_958 = arith.constant 0 : i32
        %gather3A_959 = arith.constant 0 : i32
        %gather3A_960 = tpu.memref_slice %arg8[%while3A_837, %gather3A_958, %gather3A_959] : memref<4x64x256xf32, #tpu.memory_space<vmem>> -> memref<1x64x256xf32, #tpu.memory_space<vmem>>
        %gather3A_961 = tpu.memref_squeeze %gather3A_960 : memref<1x64x256xf32, #tpu.memory_space<vmem>> -> memref<64x256xf32, #tpu.memory_space<vmem>>
        %gather3A_962 = tpu.vector_load_idx %gather3A_961[%add3A_957, %sub3A_862] : memref<64x256xf32, #tpu.memory_space<vmem>>[vector<16xi32>, vector<16xi32>], vector<16xf32>,
        %swap3A_963 = arith.index_cast %select_n3A_902 : i32 to index
        %swap3A_964 = arith.index_cast %select_n3A_918 : i32 to index
        %swap3A_965 = arith.constant 48 : index
        %swap3A_966 = tpu.vector_load %arg9[%swap3A_963, %swap3A_964, %swap3A_965] {strides = array<i32>} : memref<2x32x128xf32, #tpu.memory_space<vmem>>, vector<16xf32>,
        tpu.vector_store %arg9[%swap3A_963, %swap3A_964, %swap3A_965], %gather3A_962 {strides = array<i32>} : memref<2x32x128xf32, #tpu.memory_space<vmem>>, vector<16xf32>,
        %broadcast_in_dim3A_967 = vector.broadcast %select_n3A_918 : i32 to vector<16xi32>
        %eq3A_968 = arith.constant 0 : i32
        %eq3A_969 = vector.broadcast %eq3A_968 : i32 to vector<16xi32>
        %eq3A_970 = arith.cmpi eq, %iota3A, %eq3A_969 : vector<16xi32>
        %scatter3A_971 = arith.constant 0 : i32
        %scatter3A_972 = tpu.memref_slice %arg10[%select_n3A_902, %scatter3A_971] : memref<2x32xi32, #tpu.memory_space<vmem>> -> memref<1x32xi32, #tpu.memory_space<vmem>>
        %scatter3A_973 = tpu.memref_squeeze %scatter3A_972 : memref<1x32xi32, #tpu.memory_space<vmem>> -> memref<32xi32, #tpu.memory_space<vmem>>
        tpu.vector_store_idx %scatter3A_973[%broadcast_in_dim3A_967], %gather3A masked %eq3A_970 : memref<32xi32, #tpu.memory_space<vmem>>[vector<16xi32>], vector<16xi32>, vector<16xi1>
        %add3A_974 = arith.constant 1 : i32
        %add3A_975 = arith.addi %while3A_858, %add3A_974 : i32
        %jit3A_976 = arith.constant 32 : i32
        %eq3A_977 = arith.constant 0 : i32
        %eq3A_978 = arith.cmpi eq, %jit3A_976, %eq3A_977 : i32
        %jit3A_979 = arith.constant 1 : i32
        %select_n3A_980 = arith.select %eq3A_978, %jit3A_979, %jit3A_976 : i32
        %rem3A_981 = arith.remsi %add3A_975, %select_n3A_980 : i32
        %ne3A_982 = arith.constant 0 : i32
        %ne3A_983 = arith.cmpi ne, %rem3A_981, %ne3A_982 : i32
        %lt3A_984 = arith.constant 0 : i32
        %lt3A_985 = arith.cmpi slt, %rem3A_981, %lt3A_984 : i32
        %lt3A_986 = arith.constant 0 : i32
        %lt3A_987 = arith.cmpi slt, %select_n3A_980, %lt3A_986 : i32
        %ne3A_988 = arith.xori %lt3A_985, %lt3A_987 : i1
        %and3A_989 = arith.andi %ne3A_988, %ne3A_983 : i1
        %add3A_990 = arith.addi %rem3A_981, %select_n3A_980 : i32
        %select_n3A_991 = arith.select %and3A_989, %add3A_990, %rem3A_981 : i32
        %eq3A_992 = arith.constant 0 : i32
        %eq3A_993 = arith.cmpi eq, %select_n3A_991, %eq3A_992 : i32
        %convert_element_type3A_994 = arith.extui %eq3A_993 : i1 to i32
        %cond3A_995 = arith.constant 0 : i32
        %cond3A_996 = arith.cmpi ne, %convert_element_type3A_994, %cond3A_995 : i32
        scf.if %cond3A_996 {
          %dma_start3A_997 = arith.constant 0 : i32
          %dma_start3A_998 = arith.constant 0 : i32
          %dma_start3A_999 = tpu.memref_slice %arg9[%select_n3A_902, %dma_start3A_997, %dma_start3A_998] : memref<2x32x128xf32, #tpu.memory_space<vmem>> -> memref<1x32x128xf32, #tpu.memory_space<vmem>>
          %dma_start3A_1000 = tpu.memref_squeeze %dma_start3A_999 : memref<1x32x128xf32, #tpu.memory_space<vmem>> -> memref<32x128xf32, #tpu.memory_space<vmem>>
          %dma_start3A_1001 = arith.constant 0 : i32
          %dma_start3A_1002 = tpu.memref_slice %arg10[%select_n3A_902, %dma_start3A_1001] : memref<2x32xi32, #tpu.memory_space<vmem>> -> memref<1x32xi32, #tpu.memory_space<vmem>>
          %dma_start3A_1003 = tpu.memref_squeeze %dma_start3A_1002 : memref<1x32xi32, #tpu.memory_space<vmem>> -> memref<32xi32, #tpu.memory_space<vmem>>
          %dma_start3A_1004 = arith.constant 0 : i32
          %dma_start3A_1005 = arith.constant 0 : i32
          %dma_start3A_1006 = tpu.memref_slice %arg4[%dma_start3A_1004, %dma_start3A_1005] : memref<16416x128xf32, #tpu.memory_space<hbm>> -> memref<16416x128xf32, #tpu.memory_space<hbm>>
          tpu.enqueue_indirect_dma source(%dma_start3A_1000 : memref<32x128xf32, #tpu.memory_space<vmem>>) target(%dma_start3A_1006 : memref<16416x128xf32, #tpu.memory_space<hbm>>) offsets(%dma_start3A_1003 : memref<32xi32, #tpu.memory_space<vmem>>) semaphore(%arg17 : memref<!tpu.dma_semaphore, #tpu.memory_space<semaphore_mem>>)
          %dma_wait3A_1007 = arith.constant 0 : i32
          %dma_wait3A_1008 = arith.constant 0 : i32
          %dma_wait3A_1009 = tpu.memref_slice %arg9[%select_n3A_902, %dma_wait3A_1007, %dma_wait3A_1008] : memref<2x32x128xf32, #tpu.memory_space<vmem>> -> memref<1x32x128xf32, #tpu.memory_space<vmem>>
          %dma_wait3A_1010 = tpu.memref_squeeze %dma_wait3A_1009 : memref<1x32x128xf32, #tpu.memory_space<vmem>> -> memref<32x128xf32, #tpu.memory_space<vmem>>
          %dma_wait3A_1011 = arith.constant 0 : i32
          %dma_wait3A_1012 = tpu.memref_slice %arg10[%select_n3A_902, %dma_wait3A_1011] : memref<2x32xi32, #tpu.memory_space<vmem>> -> memref<1x32xi32, #tpu.memory_space<vmem>>
          %dma_wait3A_1013 = tpu.memref_squeeze %dma_wait3A_1012 : memref<1x32xi32, #tpu.memory_space<vmem>> -> memref<32xi32, #tpu.memory_space<vmem>>
          %dma_wait3A_1014 = arith.constant 0 : i32
          %dma_wait3A_1015 = arith.constant 0 : i32
          %dma_wait3A_1016 = tpu.memref_slice %arg4[%dma_wait3A_1014, %dma_wait3A_1015] : memref<16416x128xf32, #tpu.memory_space<hbm>> -> memref<16416x128xf32, #tpu.memory_space<hbm>>
          tpu.wait_indirect_dma semaphore(%arg17 : memref<!tpu.dma_semaphore, #tpu.memory_space<semaphore_mem>>) src(%dma_wait3A_1010 : memref<32x128xf32, #tpu.memory_space<vmem>>) dst(%dma_wait3A_1016 : memref<16416x128xf32, #tpu.memory_space<hbm>>)
        } else {
        }
        scf.yield %add3A_975 : i32
      }
      %add3A_849 = arith.constant 4 : i32
      %add3A_850 = arith.addi %add3A_770, %add3A_849 : i32
      %lt3A_851 = arith.constant 124 : i32
      %lt3A_852 = arith.cmpi slt, %add3A_850, %lt3A_851 : i32
      %convert_element_type3A_853 = arith.extui %lt3A_852 : i1 to i32
      %cond3A_854 = arith.constant 3 : i32
      %cond3A_855 = arith.constant 0 : i32
      %cond3A_856 = arith.cmpi ne, %convert_element_type3A_853, %cond3A_855 : i32
      scf.if %cond3A_856 {
        %mul3A_857 = arith.constant 2 : i32
        %mul3A_858 = arith.muli %add3A_850, %mul3A_857 : i32
        %add3A_859 = arith.addi %mul3A_2, %mul3A_858 : i32
        %min3A_860 = arith.constant 7811 : i32
        %min3A_861 = arith.minsi %add3A_859, %min3A_860 : i32
        %mul3A_862 = arith.constant 128 : i32
        %mul3A_863 = arith.muli %min3A_861, %mul3A_862 : i32
        %dma_start3A_864 = arith.constant 0 : i32
        %dma_start3A_865 = arith.constant 0 : i32
        %dma_start3A_866 = tpu.memref_slice %arg8[%cond3A_854, %dma_start3A_864, %dma_start3A_865] : memref<4x64x256xf32, #tpu.memory_space<vmem>> -> memref<1x64x256xf32, #tpu.memory_space<vmem>>
        %dma_start3A_867 = tpu.memref_squeeze %dma_start3A_866 : memref<1x64x256xf32, #tpu.memory_space<vmem>> -> memref<64x256xf32, #tpu.memory_space<vmem>>
        %dma_start3A_868 = arith.constant 0 : i32
        %dma_start3A_869 = arith.constant 0 : i32
        %dma_start3A_870 = tpu.memref_slice %dma_start3A_867[%dma_start3A_868, %dma_start3A_869] : memref<64x256xf32, #tpu.memory_space<vmem>> -> memref<32x256xf32, #tpu.memory_space<vmem>>
        %dma_start3A_871 = arith.constant 0 : i32
        %dma_start3A_872 = tpu.memref_slice %arg3[%dma_start3A_871, %mul3A_863] : memref<64x1000001xf32, #tpu.memory_space<hbm>> -> memref<32x256xf32, #tpu.memory_space<hbm>>
        %dma_start3A_873 = arith.constant 0 : i32
        %dma_start3A_874 = arith.constant 0 : i32
        %dma_start3A_875 = tpu.memref_slice %arg8[%cond3A_854, %dma_start3A_873, %dma_start3A_874] : memref<4x64x256xf32, #tpu.memory_space<vmem>> -> memref<1x64x256xf32, #tpu.memory_space<vmem>>
        %dma_start3A_876 = tpu.memref_squeeze %dma_start3A_875 : memref<1x64x256xf32, #tpu.memory_space<vmem>> -> memref<64x256xf32, #tpu.memory_space<vmem>>
        %dma_start3A_877 = arith.constant 0 : i32
        %dma_start3A_878 = arith.constant 0 : i32
        %dma_start3A_879 = tpu.memref_slice %dma_start3A_876[%dma_start3A_877, %dma_start3A_878] : memref<64x256xf32, #tpu.memory_space<vmem>> -> memref<32x256xf32, #tpu.memory_space<vmem>>
        %dma_start3A_880 = arith.constant 0 : i32
        %dma_start3A_881 = tpu.memref_slice %arg3[%dma_start3A_880, %mul3A_863] : memref<64x1000001xf32, #tpu.memory_space<hbm>> -> memref<32x256xf32, #tpu.memory_space<hbm>>
        tpu.enqueue_dma source(%dma_start3A_881 : memref<32x256xf32, #tpu.memory_space<hbm>>) target(%dma_start3A_879 : memref<32x256xf32, #tpu.memory_space<vmem>>) target_semaphore(%arg16 : memref<!tpu.dma_semaphore, #tpu.memory_space<semaphore_mem>>)
        %dma_start3A_882 = arith.constant 0 : i32
        %dma_start3A_883 = arith.constant 0 : i32
        %dma_start3A_884 = tpu.memref_slice %arg8[%cond3A_854, %dma_start3A_882, %dma_start3A_883] : memref<4x64x256xf32, #tpu.memory_space<vmem>> -> memref<1x64x256xf32, #tpu.memory_space<vmem>>
        %dma_start3A_885 = tpu.memref_squeeze %dma_start3A_884 : memref<1x64x256xf32, #tpu.memory_space<vmem>> -> memref<64x256xf32, #tpu.memory_space<vmem>>
        %dma_start3A_886 = arith.constant 32 : i32
        %dma_start3A_887 = arith.constant 0 : i32
        %dma_start3A_888 = tpu.memref_slice %dma_start3A_885[%dma_start3A_886, %dma_start3A_887] : memref<64x256xf32, #tpu.memory_space<vmem>> -> memref<32x256xf32, #tpu.memory_space<vmem>>
        %dma_start3A_889 = arith.constant 32 : i32
        %dma_start3A_890 = tpu.memref_slice %arg3[%dma_start3A_889, %mul3A_863] : memref<64x1000001xf32, #tpu.memory_space<hbm>> -> memref<32x256xf32, #tpu.memory_space<hbm>>
        %dma_start3A_891 = arith.constant 0 : i32
        %dma_start3A_892 = arith.constant 0 : i32
        %dma_start3A_893 = tpu.memref_slice %arg8[%cond3A_854, %dma_start3A_891, %dma_start3A_892] : memref<4x64x256xf32, #tpu.memory_space<vmem>> -> memref<1x64x256xf32, #tpu.memory_space<vmem>>
        %dma_start3A_894 = tpu.memref_squeeze %dma_start3A_893 : memref<1x64x256xf32, #tpu.memory_space<vmem>> -> memref<64x256xf32, #tpu.memory_space<vmem>>
        %dma_start3A_895 = arith.constant 32 : i32
        %dma_start3A_896 = arith.constant 0 : i32
        %dma_start3A_897 = tpu.memref_slice %dma_start3A_894[%dma_start3A_895, %dma_start3A_896] : memref<64x256xf32, #tpu.memory_space<vmem>> -> memref<32x256xf32, #tpu.memory_space<vmem>>
        %dma_start3A_898 = arith.constant 32 : i32
        %dma_start3A_899 = tpu.memref_slice %arg3[%dma_start3A_898, %mul3A_863] : memref<64x1000001xf32, #tpu.memory_space<hbm>> -> memref<32x256xf32, #tpu.memory_space<hbm>>
        tpu.enqueue_dma source(%dma_start3A_899 : memref<32x256xf32, #tpu.memory_space<hbm>>) target(%dma_start3A_897 : memref<32x256xf32, #tpu.memory_space<vmem>>) target_semaphore(%arg16 : memref<!tpu.dma_semaphore, #tpu.memory_space<semaphore_mem>>)
      } else {
      }
      scf.yield %while3A_848 : i32
    }
    %scan3A_378 = arith.constant 31 : i32
    %jit3A_379 = arith.constant 32 : i32
    %div3A_380 = arith.divsi %scan3A_377, %jit3A_379 : i32
    %sign3A_381 = arith.constant 0 : i32
    %sign3A_382 = arith.cmpi sgt, %scan3A_377, %sign3A_381 : i32
    %sign3A_383 = arith.extui %sign3A_382 : i1 to i32
    %sign3A_384 = arith.constant 0 : i32
    %sign3A_385 = arith.cmpi slt, %scan3A_377, %sign3A_384 : i32
    %sign3A_386 = arith.extui %sign3A_385 : i1 to i32
    %sign3A_387 = arith.subi %sign3A_383, %sign3A_386 : i32
    %sign3A_388 = arith.constant 0 : i32
    %sign3A_389 = arith.cmpi sgt, %jit3A_379, %sign3A_388 : i32
    %sign3A_390 = arith.extui %sign3A_389 : i1 to i32
    %sign3A_391 = arith.constant 0 : i32
    %sign3A_392 = arith.cmpi slt, %jit3A_379, %sign3A_391 : i32
    %sign3A_393 = arith.extui %sign3A_392 : i1 to i32
    %sign3A_394 = arith.subi %sign3A_390, %sign3A_393 : i32
    %ne3A_395 = arith.cmpi ne, %sign3A_387, %sign3A_394 : i32
    %rem3A_396 = arith.remsi %scan3A_377, %jit3A_379 : i32
    %ne3A_397 = arith.constant 0 : i32
    %ne3A_398 = arith.cmpi ne, %rem3A_396, %ne3A_397 : i32
    %and3A_399 = arith.andi %ne3A_395, %ne3A_398 : i1
    %sub3A_400 = arith.constant 1 : i32
    %sub3A_401 = arith.subi %div3A_380, %sub3A_400 : i32
    %select_n3A_402 = arith.select %and3A_399, %sub3A_401, %div3A_380 : i32
    %jit3A_403 = arith.constant 2 : i32
    %eq3A = arith.constant 0 : i32
    %eq3A_404 = arith.cmpi eq, %jit3A_403, %eq3A : i32
    %jit3A_405 = arith.constant 1 : i32
    %select_n3A_406 = arith.select %eq3A_404, %jit3A_405, %jit3A_403 : i32
    %rem3A_407 = arith.remsi %select_n3A_402, %select_n3A_406 : i32
    %ne3A_408 = arith.constant 0 : i32
    %ne3A_409 = arith.cmpi ne, %rem3A_407, %ne3A_408 : i32
    %lt3A = arith.constant 0 : i32
    %lt3A_410 = arith.cmpi slt, %rem3A_407, %lt3A : i32
    %lt3A_411 = arith.constant 0 : i32
    %lt3A_412 = arith.cmpi slt, %select_n3A_406, %lt3A_411 : i32
    %ne3A_413 = arith.xori %lt3A_410, %lt3A_412 : i1
    %and3A_414 = arith.andi %ne3A_413, %ne3A_409 : i1
    %add3A_415 = arith.addi %rem3A_407, %select_n3A_406 : i32
    %select_n3A_416 = arith.select %and3A_414, %add3A_415, %rem3A_407 : i32
    %jit3A_417 = arith.constant 32 : i32
    %eq3A_418 = arith.constant 0 : i32
    %eq3A_419 = arith.cmpi eq, %jit3A_417, %eq3A_418 : i32
    %jit3A_420 = arith.constant 1 : i32
    %select_n3A_421 = arith.select %eq3A_419, %jit3A_420, %jit3A_417 : i32
    %rem3A_422 = arith.remsi %scan3A_377, %select_n3A_421 : i32
    %ne3A_423 = arith.constant 0 : i32
    %ne3A_424 = arith.cmpi ne, %rem3A_422, %ne3A_423 : i32
    %lt3A_425 = arith.constant 0 : i32
    %lt3A_426 = arith.cmpi slt, %rem3A_422, %lt3A_425 : i32
    %lt3A_427 = arith.constant 0 : i32
    %lt3A_428 = arith.cmpi slt, %select_n3A_421, %lt3A_427 : i32
    %ne3A_429 = arith.xori %lt3A_426, %lt3A_428 : i1
    %and3A_430 = arith.andi %ne3A_429, %ne3A_424 : i1
    %add3A_431 = arith.addi %rem3A_422, %select_n3A_421 : i32
    %select_n3A_432 = arith.select %and3A_430, %add3A_431, %rem3A_422 : i32
    %broadcast_in_dim3A = vector.broadcast %add3A : i32 to vector<16xi32>
    %add3A_433 = arith.addi %broadcast_in_dim3A, %iota3A : vector<16xi32>
    %jit3A_434 = arith.constant 32 : i32
    %eq3A_435 = arith.constant 0 : i32
    %eq3A_436 = arith.cmpi eq, %jit3A_434, %eq3A_435 : i32
    %jit3A_437 = arith.constant 1 : i32
    %select_n3A_438 = arith.select %eq3A_436, %jit3A_437, %jit3A_434 : i32
    %rem3A_439 = vector.broadcast %select_n3A_438 : i32 to vector<16xi32>
    %rem3A_440 = arith.remsi %add3A_433, %rem3A_439 : vector<16xi32>
    %ne3A_441 = arith.constant 0 : i32
    %ne3A_442 = vector.broadcast %ne3A_441 : i32 to vector<16xi32>
    %ne3A_443 = arith.cmpi ne, %rem3A_440, %ne3A_442 : vector<16xi32>
    %lt3A_444 = arith.constant 0 : i32
    %lt3A_445 = vector.broadcast %lt3A_444 : i32 to vector<16xi32>
    %lt3A_446 = arith.cmpi slt, %rem3A_440, %lt3A_445 : vector<16xi32>
    %lt3A_447 = arith.constant 0 : i32
    %lt3A_448 = arith.cmpi slt, %select_n3A_438, %lt3A_447 : i32
    %ne3A_449 = vector.broadcast %lt3A_448 : i1 to vector<16xi1>
    %ne3A_450 = vector.broadcast %ne3A_449 : vector<16xi1> to vector<16xi1>
    %ne3A_451 = arith.xori %lt3A_446, %ne3A_450 : vector<16xi1>
    %and3A_452 = arith.andi %ne3A_451, %ne3A_443 : vector<16xi1>
    %add3A_453 = vector.broadcast %select_n3A_438 : i32 to vector<16xi32>
    %add3A_454 = arith.addi %rem3A_440, %add3A_453 : vector<16xi32>
    %select_n3A_455 = arith.select %and3A_452, %add3A_454, %rem3A_440 : vector<16xi1>, vector<16xi32>
    %add3A_456 = arith.constant 16384 : i32
    %add3A_457 = vector.broadcast %add3A_456 : i32 to vector<16xi32>
    %add3A_458 = arith.addi %add3A_457, %select_n3A_455 : vector<16xi32>
    %add3A_459 = arith.constant 0 : i32
    %add3A_460 = vector.broadcast %add3A_459 : i32 to vector<16xi32>
    %add3A_461 = arith.addi %iota3A, %add3A_460 : vector<16xi32>
    %add3A_462 = arith.constant 0 : i32
    %add3A_463 = vector.broadcast %add3A_462 : i32 to vector<16xi32>
    %add3A_464 = arith.addi %iota3A, %add3A_463 : vector<16xi32>
    %ge3A = vector.broadcast %select_n3A_432 : i32 to vector<16xi32>
    %ge3A_465 = arith.cmpi sge, %add3A_464, %ge3A : vector<16xi32>
    %scatter3A = arith.constant 0 : i32
    %scatter3A_466 = tpu.memref_slice %arg10[%select_n3A_416, %scatter3A] : memref<2x32xi32, #tpu.memory_space<vmem>> -> memref<1x32xi32, #tpu.memory_space<vmem>>
    %scatter3A_467 = tpu.memref_squeeze %scatter3A_466 : memref<1x32xi32, #tpu.memory_space<vmem>> -> memref<32xi32, #tpu.memory_space<vmem>>
    tpu.vector_store_idx %scatter3A_467[%add3A_461], %add3A_458 masked %ge3A_465 : memref<32xi32, #tpu.memory_space<vmem>>[vector<16xi32>], vector<16xi32>, vector<16xi1>
    %add3A_468 = arith.constant 16 : i32
    %add3A_469 = vector.broadcast %add3A_468 : i32 to vector<16xi32>
    %add3A_470 = arith.addi %iota3A, %add3A_469 : vector<16xi32>
    %add3A_471 = arith.constant 16 : i32
    %add3A_472 = vector.broadcast %add3A_471 : i32 to vector<16xi32>
    %add3A_473 = arith.addi %iota3A, %add3A_472 : vector<16xi32>
    %ge3A_474 = vector.broadcast %select_n3A_432 : i32 to vector<16xi32>
    %ge3A_475 = arith.cmpi sge, %add3A_473, %ge3A_474 : vector<16xi32>
    %scatter3A_476 = arith.constant 0 : i32
    %scatter3A_477 = tpu.memref_slice %arg10[%select_n3A_416, %scatter3A_476] : memref<2x32xi32, #tpu.memory_space<vmem>> -> memref<1x32xi32, #tpu.memory_space<vmem>>
    %scatter3A_478 = tpu.memref_squeeze %scatter3A_477 : memref<1x32xi32, #tpu.memory_space<vmem>> -> memref<32xi32, #tpu.memory_space<vmem>>
    tpu.vector_store_idx %scatter3A_478[%add3A_470], %add3A_458 masked %ge3A_475 : memref<32xi32, #tpu.memory_space<vmem>>[vector<16xi32>], vector<16xi32>, vector<16xi1>
    %dma_start3A_479 = arith.constant 0 : i32
    %dma_start3A_480 = arith.constant 0 : i32
    %dma_start3A_481 = tpu.memref_slice %arg9[%select_n3A_416, %dma_start3A_479, %dma_start3A_480] : memref<2x32x128xf32, #tpu.memory_space<vmem>> -> memref<1x32x128xf32, #tpu.memory_space<vmem>>
    %dma_start3A_482 = tpu.memref_squeeze %dma_start3A_481 : memref<1x32x128xf32, #tpu.memory_space<vmem>> -> memref<32x128xf32, #tpu.memory_space<vmem>>
    %dma_start3A_483 = arith.constant 0 : i32
    %dma_start3A_484 = tpu.memref_slice %arg10[%select_n3A_416, %dma_start3A_483] : memref<2x32xi32, #tpu.memory_space<vmem>> -> memref<1x32xi32, #tpu.memory_space<vmem>>
    %dma_start3A_485 = tpu.memref_squeeze %dma_start3A_484 : memref<1x32xi32, #tpu.memory_space<vmem>> -> memref<32xi32, #tpu.memory_space<vmem>>
    %dma_start3A_486 = arith.constant 0 : i32
    %dma_start3A_487 = arith.constant 0 : i32
    %dma_start3A_488 = tpu.memref_slice %arg4[%dma_start3A_486, %dma_start3A_487] : memref<16416x128xf32, #tpu.memory_space<hbm>> -> memref<16416x128xf32, #tpu.memory_space<hbm>>
    tpu.enqueue_indirect_dma source(%dma_start3A_482 : memref<32x128xf32, #tpu.memory_space<vmem>>) target(%dma_start3A_488 : memref<16416x128xf32, #tpu.memory_space<hbm>>) offsets(%dma_start3A_485 : memref<32xi32, #tpu.memory_space<vmem>>) semaphore(%arg17 : memref<!tpu.dma_semaphore, #tpu.memory_space<semaphore_mem>>)
    %dma_wait3A = arith.constant 0 : i32
    %dma_wait3A_489 = arith.constant 0 : i32
    %dma_wait3A_490 = tpu.memref_slice %arg9[%select_n3A_416, %dma_wait3A, %dma_wait3A_489] : memref<2x32x128xf32, #tpu.memory_space<vmem>> -> memref<1x32x128xf32, #tpu.memory_space<vmem>>
    %dma_wait3A_491 = tpu.memref_squeeze %dma_wait3A_490 : memref<1x32x128xf32, #tpu.memory_space<vmem>> -> memref<32x128xf32, #tpu.memory_space<vmem>>
    %dma_wait3A_492 = arith.constant 0 : i32
    %dma_wait3A_493 = tpu.memref_slice %arg10[%select_n3A_416, %dma_wait3A_492] : memref<2x32xi32, #tpu.memory_space<vmem>> -> memref<1x32xi32, #tpu.memory_space<vmem>>
    %dma_wait3A_494 = tpu.memref_squeeze %dma_wait3A_493 : memref<1x32xi32, #tpu.memory_space<vmem>> -> memref<32xi32, #tpu.memory_space<vmem>>
    %dma_wait3A_495 = arith.constant 0 : i32
    %dma_wait3A_496 = arith.constant 0 : i32
    %dma_wait3A_497 = tpu.memref_slice %arg4[%dma_wait3A_495, %dma_wait3A_496] : memref<16416x128xf32, #tpu.memory_space<hbm>> -> memref<16416x128xf32, #tpu.memory_space<hbm>>
    tpu.wait_indirect_dma semaphore(%arg17 : memref<!tpu.dma_semaphore, #tpu.memory_space<semaphore_mem>>) src(%dma_wait3A_491 : memref<32x128xf32, #tpu.memory_space<vmem>>) dst(%dma_wait3A_497 : memref<16416x128xf32, #tpu.memory_space<hbm>>)
    return
  }
}

</mosaic_0001>

<sc_bundles>
// kernel: kernel.3.cloned.1.call-start
scs
__scs_entry_jumppad:
0x0: {  	(pc) =	sbr.rel $0x88, $3  }
0x1: {  	(tag) =	ssettag $0x0;
	lr =	simm.s32 $0x1  }
0x2: {  	[smem:$0x3F9F] =	sst lr;
	_ =	strace $0xD0000000  }
0x3: {  	_ = 	snop  }
0x4: {  	_ = 	snop  }
0x5: {  	_ = 	snop  }
0x6: {  	_ = 	snop  }
0x7: {  	_ = 	snop  }
__scs_overlays_trampoline_lowered:
0x8: {  	[smem:$0x3FAE] =	sst s0  }
0x9: {  	[smem:$0x3FAF] =	sst s1  }
0xa: {  	[smem:$0x3FB0] =	sst s2  }
0xb: {  	[smem:$0x3FB1] =	sst s3  }
0xc: {  	[smem:$0x3FB2] =	sst s4  }
0xd: {  	[smem:$0x3FB3] =	sst s5  }
0xe: {  	[smem:$0x3FB4] =	sst s6  }
0xf: {  	[smem:$0x3FB5] =	sst s7  }
0x10: {  	[smem:$0x3FB6] =	sst s8  }
0x11: {  	[smem:$0x3FB7] =	sst s9;
	s0 =	simm.s32 @!p0 $0x0  }
0x12: {  	s1 =	sld [smem:$0x3F9D];
	s0 =	simm.s32 @p0 $0x1  }
0x13: {  	[smem:$0x3FB8] =	sst s0;
	s0 =	simm.s32 @!p1 $0x0  }
0x14: {  	s2 =	sld [smem:$0x3F9C];
	s0 =	simm.s32 @p1 $0x1  }
0x15: {  	[smem:$0x3FB9] =	sst s0;
	s0 =	simm.s32 @!p2 $0x0  }
0x16: {  	s3 =	sld [smem:$0x3FDB];
	s0 =	simm.s32 @p2 $0x1  }
0x17: {  	s4 =	simm.s32 $0x1BF5;
	[smem:$0x3FBB] =	sst s0  }
0x18: {  	s0 =	sld [smem:$0x3F9E];
	_ =	swait.ge [sflag:s4], $0x0  }
0x19: {  	s7 =	sld [smem:$0x3F9F]  }
0x1a: {  	s8 =	sadd.s32 $0xFFFFE003, lr  }
0x1b: {  	s9 =	sadd.s32 $0xFFFFFEF7, lr;
	s5 =	simm.s32 $0xFFFFFFFF;
	p2 =	slt.u32 s8, $0xFFFFF086  }
0x1c: {  	p1 =	slt.u32 s9, $0xF7A;
	s5 =	simm.s32 @!p2 $0x0  }
0x1d: {  	s5 =	simm.s32 @p1 $0x1;
	p0 =	seq.s32 s7, s2  }
0x1e: {  	s7 =	smul.u32 @!p0 $0xF7A, s2;
	p2 =	seq.s32 @!p0 s5, $0x0  }
0x1f: {  	s9 =	smul.u32 $0xF7A, s1;
	s8 =	simm.s32 @!p0 $0x1BF5;
	p2 =	por !p2, p0  }
0x20: {  	[sflag:s8] =	ssyncset.s32 @!p0 $0xFFFFF086;
	s6 =	sadd.s32 @!p0 s3, s7;
	s7 =	simm.s32 @!p0 $0x108  }
0x21: {  	s3 =	sadd.s32 s3, s9;
	s6 =	sadd.s32 @!p0 $0x88, s6;
	s7 =	simm.s32 @p2 $0x1082  }
0x22: {  	[simem:s7], [sflag:s8] =	dma.local @!p0 [hbm:s6], $0xF7A  }
0x23: {  	s9 =	sor.u32 $0xD0000000, s2;
	s6 =	simm.s32 $0x108;
	_ =	swait.ge @!p0 [sflag:s8], $0x0  }
0x24: {  	s3 =	sadd.s32 $0x88, s3;
	s6 =	simm.s32 @!p1 $0x1082;
	[sflag:s4] =	ssyncset.s32 $0xFFFFF086  }
0x25: {  	[simem:s6], [sflag:s4] =	dma.local [hbm:s3], $0xF7A  }
0x26: {  	[smem:$0x3F9F] =	sst s1;
	(tag) =	ssettag s2;
	_ =	strace s9  }
0x27: {  	s1 =	sld [smem:$0x3FAF]  }
0x28: {  	s2 =	sld [smem:$0x3FB0]  }
0x29: {  	s4 =	sld [smem:$0x3FB2]  }
0x2a: {  	p0 =	seq.s32 s5, $0x0;
	s5 =	sld [smem:$0x3FB3]  }
0x2b: {  	s6 =	sld [smem:$0x3FB4]  }
0x2c: {  	s7 =	sld [smem:$0x3FB5]  }
0x2d: {  	s3 =	simm.s32 $0x108;
	s8 =	sld [smem:$0x3FB6]  }
0x2e: {  	s3 =	simm.s32 @!p0 $0x1082;
	s9 =	sld [smem:$0x3FB7]  }
0x2f: {  	lr =	sadd.s32 s0, s3;
	s0 =	sld [smem:$0x3FAE]  }
0x30: {  	s3 =	sld [smem:$0x3FB1]  }
0x31: {  	[smem:$0x3FBA] =	sst s10  }
0x32: {  	s10 =	sld [smem:$0x3FB8];
	_ =	sdelay $0x3  }
0x33: {  	p0 =	seq.s32 s10, $0x1;
	s10 =	sld [smem:$0x3FBA];
	_ =	sdelay $0x3  }
0x34: {  	[smem:$0x3FBA] =	sst s10  }
0x35: {  	s10 =	sld [smem:$0x3FB9];
	_ =	sdelay $0x3  }
0x36: {  	p1 =	seq.s32 s10, $0x1;
	s10 =	sld [smem:$0x3FBA];
	_ =	sdelay $0x3  }
0x37: {  	[smem:$0x3FBA] =	sst s10  }
0x38: {  	s10 =	sld [smem:$0x3FBB]  }
0x39: {  	_ = 	snop;
	(pc) =	sbr.ind lr, $3  }
0x3a: {  	_ = 	snop  }
0x3b: {  	_ = 	snop  }
0x3c: {  	p2 =	seq.s32 s10, $0x1;
	s10 =	sld [smem:$0x3FBA]  }
0x3d: {  	_ =	shalt  }
0x3e: {  	_ =	shalt  }
0x3f: {  	_ =	shalt  }
0x40: {  	_ =	shalt  }
0x41: {  	_ =	shalt  }
0x42: {  	_ =	shalt  }
0x43: {  	_ =	shalt  }
0x44: {  	_ =	shalt  }
0x45: {  	_ =	shalt  }
0x46: {  	_ =	shalt  }
0x47: {  	_ =	shalt  }
0x48: {  	_ =	shalt  }
0x49: {  	_ =	shalt  }
0x4a: {  	_ =	shalt  }
0x4b: {  	_ =	shalt  }
0x4c: {  	_ =	shalt  }
0x4d: {  	_ =	shalt  }
0x4e: {  	_ =	shalt  }
0x4f: {  	_ =	shalt  }
0x50: {  	_ =	shalt  }
0x51: {  	_ =	shalt  }
0x52: {  	_ =	shalt  }
0x53: {  	_ =	shalt  }
0x54: {  	_ =	shalt  }
0x55: {  	_ =	shalt  }
0x56: {  	_ =	shalt  }
0x57: {  	_ =	shalt  }
0x58: {  	_ =	shalt  }
0x59: {  	_ =	shalt  }
0x5a: {  	_ =	shalt  }
0x5b: {  	_ =	shalt  }
0x5c: {  	_ =	shalt  }
0x5d: {  	_ =	shalt  }
0x5e: {  	_ =	shalt  }
0x5f: {  	_ =	shalt  }
0x60: {  	_ =	shalt  }
0x61: {  	_ =	shalt  }
0x62: {  	_ =	shalt  }
0x63: {  	_ =	shalt  }
0x64: {  	_ =	shalt  }
0x65: {  	_ =	shalt  }
0x66: {  	_ =	shalt  }
0x67: {  	_ =	shalt  }
0x68: {  	_ =	shalt  }
0x69: {  	_ =	shalt  }
0x6a: {  	_ =	shalt  }
0x6b: {  	_ =	shalt  }
0x6c: {  	_ =	shalt  }
0x6d: {  	_ =	shalt  }
0x6e: {  	_ =	shalt  }
0x6f: {  	_ =	shalt  }
0x70: {  	_ =	shalt  }
0x71: {  	_ =	shalt  }
0x72: {  	_ =	shalt  }
0x73: {  	_ =	shalt  }
0x74: {  	_ =	shalt  }
0x75: {  	_ =	shalt  }
0x76: {  	_ =	shalt  }
0x77: {  	_ =	shalt  }
0x78: {  	_ =	shalt  }
0x79: {  	_ =	shalt  }
0x7a: {  	_ =	shalt  }
0x7b: {  	_ =	shalt  }
0x7c: {  	_ =	shalt  }
0x7d: {  	_ =	shalt  }
0x7e: {  	_ =	shalt  }
0x7f: {  	_ =	shalt  }
0x80: {  	_ =	shalt  }
0x81: {  	_ =	shalt  }
0x82: {  	_ =	shalt  }
0x83: {  	_ =	shalt  }
0x84: {  	_ =	shalt  }
0x85: {  	_ =	shalt  }
0x86: {  	_ =	shalt  }
0x87: {  	_ =	shalt  }
.Lfunc_end0:
.L_simem_size_0:
called_computation_lowered:
.L_overlay_start_0:
0x88: {  	s2 =	sld [smem:$0x3FD9]  }
0x89: {  	s3 =	sld [smem:$0x3FFE];
	_ =	sdelay $0x1  }
0x8a: {  	s1 =	srdreg.scid  }
0x8b: {  	s0 =	sand.u32 $0x1, s1  }
0x8c: {  	s17 =	sshll.u32 s0, $0xA;
	s2 =	sadd.s32 s3, s2  }
0x8d: {  	s2 =	sadd.s32 s2, s17  }
0x8e: {  	[smem:$0x3FC6] =	sst s2  }
0x8f: {  	_ = 	snop  }
0x90: {  	s2 =	sld [smem:$0x3FC9]  }
0x91: {  	s18 =	sld [smem:$0x3FC8];
	(tm) =	ssettm $0x1  }
0x92: {  	s4 =	sld [smem:$0x3FFB];
	_ =	sdelay $0x3  }
0x93: {  	_ =	strace s4  }
0x94: {  	s4 =	sld [smem:$0x3FFC];
	_ =	sdelay $0x3  }
0x95: {  	_ =	strace s4  }
0x96: {  	s4 =	sld [smem:$0x3FFD];
	_ =	sdelay $0x3  }
0x97: {  	_ =	strace s4  }
0x98: {  	_ =	strace $0x8FFFFFFF  }
0x99: {  	s19 =	sld [smem:$0x3FDB];
	_ =	sdelay $0x1  }
0x9a: {  	s5 =	simm.s32 $_scs_section_size  }
0x9b: {  	s6 =	simm.s32 $_size__tile_overlayer_lowered;
	s7 =	simm.s32 $_tile_overlayer_lowered  }
0x9c: {  	s22 =	simm.s32 $0x1BFF;
	s21 =	sshll.u32 s7, $0x1;
	s4 =	sadd.s32 s5, s19  }
0x9d: {  	s8 =	simm.s32 $0x0;
	s20 =	sshll.u32 s6, $0x1;
	s6 =	sadd.s32 s21, s4  }
0x9e: {  	[timem:s8], [sflag:s22] =	dma.local [hbm:s6], s20  }
0x9f: {  	_ =	swait.ge [sflag:s22], s20  }
0xa0: {  	s5 =	ssub.s32 $0x0, s20;
	[sflag:s22] =	ssyncset.done $0x0  }
0xa1: {  	[sflag:s22] =	ssyncadd.s32 s5;
	_ =	sdelay $0x1  }
0xa2: {  	s23 =	simm.s32 $0x1B8B  }
0xa3: {  	_ =	swait.ge [sflag:s23], $0x1  }
0xa4: {  	[sflag:s23] =	ssyncset.done $0x0  }
0xa5: {  	s25 =	simm.s32 $0x1B8E;
	s24 =	sld [smem:$0x3FFE];
	[sflag:s23] =	ssyncadd.s32 $0xFFFFFFFF  }
0xa6: {  	s26 =	simm.s32 $execute0_lowered;
	[smem:$0x3FD2] =	sst s25  }
0xa7: {  	s6 =	sshll.u32 s26, $0x1;
	_ =	strace $0x80000046;
	[dreg:$0x1] =	wrdreg $0xFFFFFFFF  }
0xa8: {  	s28 =	simm.s32 $_size_execute0_lowered;
	s4 =	sadd.s32 s4, s6;
	[dreg:$0x0] =	wrdreg $0x0  }
0xa9: {  	s6 =	sshll.u32 s28, $0x1;
	[dreg:$0x2] =	wrdreg s4  }
0xaa: {  	[dreg:$0x3] =	wrdreg s6  }
0xab: {  	[dreg:$0x4] =	wrdreg $0xC0  }
0xac: {  	_ =	task [dreg:s8], $0x5FFFF  }
0xad: {  	[dreg:$0x1] =	wrdreg $0xFFFFFFFF  }
0xae: {  	[dreg:$0x0] =	wrdreg $0x60  }
0xaf: {  	[dreg:$0x2] =	wrdreg s2  }
0xb0: {  	[dreg:$0x3] =	wrdreg s18  }
0xb1: {  	[dreg:$0x4] =	wrdreg s24  }
0xb2: {  	[dreg:$0x5] =	wrdreg $0x9  }
0xb3: {  	_ =	task.clear_ibuf [dreg:s8], $0x6FFFF;
	_ =	strace $0x90000046  }
0xb4: {  	s29 =	simm.s32 $0x9;
	_ =	strace $0x80000048  }
0xb5: {  	_ =	swait.ge [sflag:s29], $0x1  }
0xb6: {  	[sflag:s29] =	ssyncadd.s32 $0xFFFFFFFF  }
0xb7: {  	_ =	strace $0x90000048  }
0xb8: {  	_ =	sfence  }
0xb9: {  	s30 =	sld [smem:$0x0];
	_ =	sdelay $0x2  }
0xba: {  	s31 =	sshll.u32 s1, $0xD;
	s1 =	sshrl.u32 s1, $0x2  }
0xbb: {  	s3 =	sand.u32 $0x4000, s31;
	s1 =	sadd.s32 s1, s30  }
0xbc: {  	s0 =	sor.u32 s3, s0;
	s1 =	sshll.u32 s1, $0x11  }
0xbd: {  	s0 =	sor.u32 s1, s0  }
0xbe: {  	s0 =	sadd.s32 $0x8F2B, s0  }
0xbf: {  	[sflag:s0] =	ssyncadd.remote.s32 $0x1  }
0xc0: {  	_ =	sfence.sel $0xFFFF  }
0xc1: {  	[dreg:$0x0] =	wrdreg $0xFFFFFFFF;
	(pc) =	sbr.abs _section_cstart, $3  }
0xc2: {  	[dreg:$0x1] =	wrdreg $0xFFFFFFFF  }
0xc3: {  	_ =	task.clear_ibuf [dreg:s8], $0x2FFFF;
	_ =	strace $0x9FFFFFFF  }
0xc4: {  	(tm) =	ssettm $0x7FFFFFFF  }
0xc5: {  	_ =	shalt  }
tec
execute0_lowered:
.L_overlay_start_1:
0x0: {  	(tag) =	ssettag $0x1  }
0x1: {  	v0 =	vimm.s32 $0xB80;
	vm14 =	vcmask $0x300  }
0x2: {  	vm13 =	vcmask $0x704;
	vm12 =	vcmask $0xB08;
	vm11 =	vcmask $0xF0C  }
0x3: {  	vm10 =	vcmask $0x1310;
	vm9 =	vcmask $0x1714;
	vm8 =	vcmask $0x1B18  }
0x4: {  	vm7 =	vcmask $0x1F1C;
	vm5 =	vcmask $0x2320;
	vm6 =	vcmask $0x2724  }
0x5: {  	vm4 =	vcmask $0x2B28;
	vm3 =	vcmask $0x2F2C;
	vm2 =	vcmask $0x3330  }
0x6: {  	vm1 =	vcmask $0x3734;
	vm0 =	vcmask $0x3B38;
	v6 =	vimm.s32 $0x1B80  }
0x7: {  	v7 =	vimm.s32 $0x2B80;
	v8 =	vimm.s32 $0x3B80;
	v0 =	vsel vm14, $0x0, v0  }
0x8: {  	v6 =	vsel vm14, $0x1000, v6;
	v7 =	vsel vm14, $0x2000, v7;
	v8 =	vsel vm14, $0x3000, v8  }
0x9: {  	s0 =	srdreg.scid;
	s3 =	rddreg [dreg:$0x1];
	v0 =	vsel vm13, $0x80, v0;
	v6 =	vsel vm13, $0x1080, v6;
	v7 =	vsel vm13, $0x2080, v7  }
0xa: {  	s1 =	stileid.u32;
	s15 =	rddreg [dreg:$0x2];
	v8 =	vsel vm13, $0x3080, v8;
	v0 =	vsel vm12, $0x100, v0;
	v6 =	vsel vm12, $0x1100, v6  }
0xb: {  	s5 =	simm.s32 $0x0;
	s10 =	simm.s32 $0x800;
	s29 =	simm.s32 $0x10180;
	v7 =	vsel vm12, $0x2100, v7;
	v8 =	vsel vm12, $0x3100, v8;
	v0 =	vsel vm11, $0x180, v0  }
0xc: {  	s31 =	simm.s32 $0x14180;
	s30 =	simm.s32 $0x8100;
	s11 =	simm.s32 $0x4;
	v6 =	vsel vm11, $0x1180, v6;
	v7 =	vsel vm11, $0x2180, v7;
	v8 =	vsel vm11, $0x3180, v8  }
0xd: {  	s0 =	sand.u32 $0x1, s0;
	s1 =	sshll.u32 s1, $0x1;
	[smem:$0x7FF] =	sst s5;
	v0 =	vsel vm10, $0x200, v0;
	v6 =	vsel vm10, $0x1200, v6;
	v7 =	vsel vm10, $0x2200, v7  }
0xe: {  	s6 =	sadd.s32 $0x400, s15;
	s1 =	sor.u32 s0, s1;
	s0 =	ssub.s32 $0x2, s0;
	v8 =	vsel vm10, $0x3200, v8;
	v0 =	vsel vm9, $0x280, v0;
	v6 =	vsel vm9, $0x1280, v6  }
0xf: {  	s7 =	sadd.s32 $0x3D0A00, s3;
	s8 =	smul.u32 $0xF5, s1;
	s16 =	sshrl.u32 s0, $0x1;
	v7 =	vsel vm9, $0x2280, v7;
	v8 =	vsel vm9, $0x3280, v8;
	v0 =	vsel vm8, $0x300, v0  }
0x10: {  	_ =	strace $0x80000047;
	s4 =	smul.u32 $0x3D400, s1;
	s0 =	ssub.s32 s0, s16;
	v6 =	vsel vm8, $0x1300, v6;
	v7 =	vsel vm8, $0x2300, v7;
	v8 =	vsel vm8, $0x3300, v8  }
0x11: {  	s2 =	smin.u32 s8, $0x1D90;
	s25 =	sadd.s32 $0x2, s8;
	[dreg:$0x4] =	wrdreg s8;
	v0 =	vsel vm7, $0x380, v0;
	v6 =	vsel vm7, $0x1380, v6;
	v7 =	vsel vm7, $0x2380, v7  }
0x12: {  	s4 =	sshrl.u32 s4, $0x3;
	s26 =	sadd.s32 $0x4, s8;
	[dreg:$0xd] =	wrdreg s25;
	v8 =	vsel vm7, $0x3380, v8;
	v1 =	vsel vm5, $0x800, v0;
	v0 =	vmov s8  }
0x13: {  	s28 =	sadd.s32 $0x6, s8;
	s2 =	sadd.s32 $0xF5, s2;
	[dreg:$0xe] =	wrdreg s26;
	v6 =	vsel vm5, $0x1800, v6;
	v7 =	vsel vm5, $0x2800, v7;
	v8 =	vsel vm5, $0x3800, v8  }
0x14: {  	s0 =	smax.u32 s0, $0x1;
	s17 =	sadd.s32 s3, s4;
	[dreg:$0xf] =	wrdreg s28;
	v2 =	vsel vm6, $0x880, v1;
	v1 =	vmov s2;
	v6 =	vsel vm6, $0x1880, v6  }
0x15: {  	s9 =	sadd.s32 $0xE, s8;
	[dreg:$0x10] =	wrdreg s0;
	s19 =	sadd.s32 $0x3D0B00, s17;
	v7 =	vsel vm6, $0x2880, v7;
	v8 =	vsel vm6, $0x3880, v8;
	v3 =	vsel vm4, $0x900, v2  }
0x16: {  	s25 =	sadd.s32 $0xA, s8;
	s20 =	sadd.s32 $0x100, s17;
	[dreg:$0x7] =	wrdreg s19;
	v2 =	vlaneseq.u32;
	v6 =	vsel vm4, $0x1900, v6;
	v7 =	vsel vm4, $0x2900, v7  }
0x17: {  	s4 =	sadd.s32 $0xC, s8;
	s21 =	sadd.s32 $0x200, s17;
	[dreg:$0x8] =	wrdreg s20;
	v8 =	vsel vm4, $0x3900, v8;
	v3 =	vsel vm3, $0x980, v3;
	v4 =	vadd.s32 s1, v2  }
0x18: {  	s22 =	sadd.s32 $0x3D0C00, s17;
	[dreg:$0x9] =	wrdreg s21;
	s1 =	smul.u32 $0x7A80, s1;
	v6 =	vsel vm3, $0x1980, v6;
	v7 =	vsel vm3, $0x2980, v7;
	v8 =	vsel vm3, $0x3980, v8  }
.Ltmp0:
0x19: {  	s23 =	sadd.s32 $0x300, s17;
	[dreg:$0xa] =	wrdreg s22;
	v3 =	vsel vm2, $0xA00, v3;
	v4 =	vand.u32 $0x1F, v4;
	v6 =	vsel vm2, $0x1A00, v6;
	(pc) =	sbr.rel .LBB2_1-.Ltmp0, $4  }
0x1a: {  	s26 =	simm.s32 $0xC180;
	s24 =	sadd.s32 $0x3D0D00, s17;
	[dreg:$0xb] =	wrdreg s23;
	v7 =	vsel vm2, $0x2A00, v7;
	v8 =	vsel vm2, $0x3A00, v8;
	v5 =	vsel vm1, $0xA80, v3  }
0x1b: {  	s0 =	simm.s32 $0x18180;
	[dreg:$0xc] =	wrdreg s24;
	v3 =	vor.u32 $0x4000, v4;
	v4 =	vimm.s32 $0x0;
	s18 =	sadd.s32 s3, s1;
	v6 =	vsel vm1, $0x1A80, v6  }
0x1c: {  	s24 =	sadd.s32 $0x8, s8;
	s1 =	sadd.s32 s1, s7;
	v7 =	vsel vm1, $0x2A80, v7;
	v8 =	vsel vm1, $0x3A80, v8;
	v5 =	vsel vm0, $0xB00, v5;
	[dreg:$0x5] =	wrdreg s18  }
0x1d: {  	s20 =	simm.s32 $0x0;
	s8 =	simm.s32 $0x4080;
	[dreg:$0x6] =	wrdreg s1;
	v6 =	vsel vm0, $0x1B00, v6;
	v7 =	vsel vm0, $0x2B00, v7;
	v8 =	vsel vm0, $0x3B00, v8  }
.LBB2_108:
0x1e: {  	s1 =	sshra.s32 s14, $0x1F  }
0x1f: {  	s2 =	sand.u32 $0x1F, s14;
	s1 =	sshrl.u32 s1, $0x1B  }
0x20: {  	v10 =	vadd.s32 $0x1, v2;
	v9 =	vmov s2;
	s1 =	sadd.s32 s1, s14  }
0x21: {  	vm0 =	vlt.u32 v9, v10;
	v10 =	vadd.s32 $0x11, v2;
	s21 =	sshrl.u32 s1, $0x5;
	s1 =	sand.u32 $0xFFFFFFE0, s1  }
0x22: {  	p0 =	slt.s32 s14, $0x1;
	vm1 =	vlt.u32 v9, v10;
	p1 =	sne.s32 s14, s1;
	s22 =	sand.u32 $0x1, s21  }
0x23: {  	v9 =	vor.u32 $0x10, v2;
	p0 =	por !p0, !p1;
	p1 =	seq.s32 s22, $0x1  }
0x24: {  	p0 =	por !p0, !p0;
	p2 =	por !p1, !p1  }
0x25: {  	s1 =	simm.s32 $0x1E200;
	p2 =	por @!p0 p1, p1  }
0x26: {  	s1 =	simm.s32 @!p2 $0x1E180  }
0x27: {  	s2 =	simm.s32 $0x1D180;
	[tilespmem:v2+s1+$0x0] =	vst.idx.msk vm0, v3  }
0x28: {  	s12 =	simm.s32 $0x20;
	s23 =	simm.s32 $0x5;
	s2 =	simm.s32 @!p2 $0x1C180;
	[tilespmem:v9+s1+$0x0] =	vst.idx.msk vm1, v3  }
0x29: {  	[hbm4b:s6+s12] =	stream.indirect.scatter [tilespmem:s2], [sflag:$0x5], $0x80, s1, s12, $0xb8;
	[tilespmem:$0x1E280] =	vst v63  }
0x2a: {  	_ =	swait.ge [sflag:s23], $0x1000  }
0x2b: {  	s20 =	rddreg [dreg:$0x11]  }
0x2c: {  	s28 =	rddreg [dreg:$0x10];
	s20 =	sadd.s32 $0x1, s20  }
0x2d: {  	p0 =	sne.s32 s20, s28  }
.Ltmp1:
0x2e: {  	_ = 	snop;
	(pc) =	sbr.rel @!p0 .LBB2_109-.Ltmp1, $3  }
0x2f: {  	_ =	sdelay $0x1  }
0x30: {  	[sflag:s23] =	ssyncset.done $0x0  }
0x31: {  	[sflag:s23] =	ssyncadd.s32 $0xFFFFF000  }
.LBB2_1:
0x32: {  	s1 =	rddreg [dreg:$0x5];
	s2 =	simm.s32 $0x7A1400  }
0x33: {  	[tilespmem:s26], [sflag:$0x1] =	stream.strided.gather [hbm4b:s1+s10], $0x2000, s2, s10, $0x38;
	[tilespmem:$0x1E280] =	vst v63  }
0x34: {  	s28 =	rddreg [dreg:$0x6];
	s12 =	simm.s32 $0xE180  }
0x35: {  	[tilespmem:s12], [sflag:$0x1] =	stream.strided.gather [hbm4b:s28+s10], $0x2000, s2, s10, $0x38;
	[tilespmem:$0x1E280] =	vst v63  }
0x36: {  	s13 =	rddreg [dreg:$0x8]  }
0x37: {  	[tilespmem:s29], [sflag:$0x2] =	stream.strided.gather [hbm4b:s13+s10], $0x2000, s2, s10, $0x38;
	[tilespmem:$0x1E280] =	vst v63  }
0x38: {  	s14 =	rddreg [dreg:$0x7];
	s15 =	simm.s32 $0x12180  }
0x39: {  	[tilespmem:s15], [sflag:$0x2] =	stream.strided.gather [hbm4b:s14+s10], $0x2000, s2, s10, $0x38;
	[tilespmem:$0x1E280] =	vst v63  }
0x3a: {  	s16 =	rddreg [dreg:$0x9]  }
0x3b: {  	[tilespmem:s31], [sflag:$0x3] =	stream.strided.gather [hbm4b:s16+s10], $0x2000, s2, s10, $0x38;
	[tilespmem:$0x1E280] =	vst v63  }
0x3c: {  	s17 =	rddreg [dreg:$0xa];
	s18 =	simm.s32 $0x16180  }
0x3d: {  	[tilespmem:s18], [sflag:$0x3] =	stream.strided.gather [hbm4b:s17+s10], $0x2000, s2, s10, $0x38;
	[tilespmem:$0x1E280] =	vst v63  }
0x3e: {  	s19 =	rddreg [dreg:$0xb]  }
0x3f: {  	[tilespmem:s0], [sflag:$0x4] =	stream.strided.gather [hbm4b:s19+s10], $0x2000, s2, s10, $0x38;
	[tilespmem:$0x1E280] =	vst v63  }
0x40: {  	s21 =	rddreg [dreg:$0xc];
	s22 =	simm.s32 $0x1A180  }
0x41: {  	[tilespmem:s22], [sflag:$0x4] =	stream.strided.gather [hbm4b:s21+s10], $0x2000, s2, s10, $0x38;
	[tilespmem:$0x1E280] =	vst v63  }
0x42: {  	s23 =	rddreg [dreg:$0x0];
	s28 =	simm.s32 $0x6  }
0x43: {  	[tilespmem:s5], [sflag:$0x6] =	stream.linear.gather [hbm4b:s23+s5], $0x4000, $0x38;
	[tilespmem:$0x1E280] =	vst v63  }
0x44: {  	_ =	swait.ge [sflag:s28], $0x4000  }
0x45: {  	[sflag:s28] =	ssyncset.done $0x0  }
0x46: {  	[sflag:s28] =	ssyncadd.s32 $0xFFFFC000  }
0x47: {  	v9 =	vld [tilespmem:s5+$0x0];
	_ =	sdelay $0x4  }
0x48: {  	v9 =	vshrl.u32 v9, $0x7  }
0x49: {  	vm0 =	vge.u32 v9, v0;
	vm1 =	vlt.u32 v9, v1  }
0x4a: {  	vm0 =	vmand vm0, vm1  }
0x4b: {  	v9 =	vsel vm0, $0x1, v4  }
0x4c: {  	(xrf0) =	vadd.scan.msk.s32 $0xffff, v9;
	_ =	sdelay $0x2  }
0x4d: {  	v9 =	vmov s5  }
0x4e: {  	v9 =	vadd.s32 $0xFFFFFFFF, v9  }
0x4f: {  	v9 =	vbroadcast v9, $0x0  }
0x50: {  	v10, _, _ =	vpop (xrf0)  }
0x51: {  	v9 =	vadd.s32 v10, v9;
	(v2sf) =	vpush v10, $0xF;
	_ =	sdelay $0x3  }
0x52: {  	v11 =	vor.u32 s5, v2  }
0x53: {  	s1 =	simm.s32 $0x10;
	[tilespmem:v9+s30+$0x0] =	vst.idx.msk vm0, v11  }
0x54: {  	s12 =	simm.s32 $0x20;
	s13 =	simm.s32 $0x10;
	s2 =	simm.s32 $0x0;
	v9 =	vld [tilespmem:s1+$0x0]  }
.LBB2_2:
0x55: {  	p0 =	sne.s32 s12, $0x3FF0;
	_ =	sdelay $0x3  }
0x56: {  	v9 =	vshrl.u32 v9, $0x7  }
0x57: {  	vm0 =	vge.u32 v9, v0;
	vm1 =	vlt.u32 v9, v1  }
0x58: {  	vm0 =	vmand vm0, vm1  }
0x59: {  	v9 =	vsel vm0, $0x1, v4  }
0x5a: {  	(xrf0) =	vadd.scan.msk.s32 $0xffff, v9;
	s14 =	spop (v2sf)  }
0x5b: {  	s2 =	sadd.s32 s2, s14  }
0x5c: {  	v9 =	vmov s2  }
0x5d: {  	v9 =	vadd.s32 $0xFFFFFFFF, v9  }
0x5e: {  	v9 =	vbroadcast v9, $0x0;
	_ =	sdelay $0x1  }
0x5f: {  	v10, _, _ =	vpop (xrf0)  }
0x60: {  	v9 =	vadd.s32 v10, v9;
	(v2sf) =	vpush v10, $0xF;
	_ =	sdelay $0x1  }
.Ltmp2:
0x61: {  	(pc) =	sbr.rel @p0 .LBB2_2-.Ltmp2, $4  }
0x62: {  	_ = 	snop  }
0x63: {  	v10 =	vor.u32 s1, v2;
	s1 =	smov.u32 s12  }
0x64: {  	s13 =	sadd.s32 $0x10, s13;
	[tilespmem:v9+s30+$0x0] =	vst.idx.msk vm0, v10  }
0x65: {  	s12 =	sadd.s32 $0x10, s12;
	v9 =	vld [tilespmem:s13+$0x0]  }
0x66: {  	_ =	sdelay $0x3  }
0x67: {  	v9 =	vshrl.u32 v9, $0x7  }
0x68: {  	vm0 =	vge.u32 v9, v0;
	vm1 =	vlt.u32 v9, v1  }
0x69: {  	vm0 =	vmand vm0, vm1  }
0x6a: {  	v9 =	vsel vm0, $0x1, v4  }
0x6b: {  	(xrf0) =	vadd.scan.msk.s32 $0xffff, v9;
	_ =	sdelay $0x5  }
0x6c: {  	v9, _, _ =	vpop (xrf0)  }
0x6d: {  	(v2sf) =	vpush v9, $0xF;
	_ =	sdelay $0xd  }
0x6e: {  	s12 =	spop (v2sf)  }
0x6f: {  	s2 =	sadd.s32 s2, s12;
	s23 =	spop (v2sf)  }
0x70: {  	s12 =	sadd.s32 s2, s23  }
0x71: {  	v10 =	vmov s2;
	s2 =	sadd.s32 $0xF, s12  }
0x72: {  	s13 =	sand.u32 $0xF, s2  }
0x73: {  	s28 =	sshra.s32 s2, $0x1F;
	p1 =	slt.s32 s2, $0x1;
	p0 =	sne.s32 s13, $0x0  }
0x74: {  	s13 =	sshrl.u32 s28, $0x1C;
	p0 =	por !p1, !p0  }
0x75: {  	v10 =	vadd.s32 $0xFFFFFFFF, v10;
	s2 =	sadd.s32 s13, s2;
	s13 =	simm.s32 $0x1;
	p0 =	por !p0, !p0  }
0x76: {  	v10 =	vbroadcast v10, $0x0;
	s2 =	sshra.s32 s2, $0x4;
	s13 =	simm.s32 @!p0 $0x0  }
0x77: {  	s13 =	ssub.s32 s2, s13  }
0x78: {  	v9 =	vadd.s32 v9, v10;
	p0 =	slt.s32 s13, $0x1  }
.Ltmp3:
0x79: {  	_ = 	snop;
	(pc) =	sbr.rel @p0 .LBB2_110-.Ltmp3, $3  }
0x7a: {  	_ =	sdelay $0x1  }
0x7b: {  	[smem:$0x0] =	sst s5;
	v10 =	vor.u32 s1, v2  }
0x7c: {  	[dreg:$0x11] =	wrdreg s20;
	[tilespmem:v9+s30+$0x0] =	vst.idx.msk vm0, v10  }
0x7d: {  	p0 =	sne.s32 s13, $0x1  }
.Ltmp4:
0x7e: {  	_ = 	snop;
	(pc) =	sbr.rel @!p0 .LBB2_5-.Ltmp4, $3  }
0x7f: {  	_ =	sdelay $0x1  }
0x80: {  	s2 =	simm.s32 $0x8100  }
0x81: {  	v9 =	vmov s12;
	s1 =	simm.s32 $0x0;
	s12 =	sadd.s32 $0xFFFFFFFF, s13;
	p1 =	por $0x0, $0x0;
	v10 =	vld [tilespmem:s2+$0x0]  }
0x82: {  	_ = 	snop  }
0x83: {  	v11 =	vor.u32 s1, v2  }
0x84: {  	vm0 =	vlt.s32 v11, v9;
	_ =	sdelay $0x5  }
0x85: {  	v11 =	vld.idx.msk [tilespmem:v10+s5+$0x0], vm0;
	_ =	sdelay $0x4  }
0x86: {  	v11 =	vshrl.u32 v11, $0x7  }
0x87: {  	v11 =	vsub.s32 v11, v0  }
0x88: {  	vm1 =	vlt.u32 v11, $0x20  }
0x89: {  	vm0 =	vmand vm0, vm1  }
0x8a: {  	v11 =	vsel vm0, $0x1, v4  }
0x8b: {  	(xrf0) =	vadd.scan.msk.s32 $0xffff, v11;
	_ =	sdelay $0x2  }
0x8c: {  	v11 =	vmov s1  }
0x8d: {  	v11 =	vadd.s32 $0xFFFFFFFF, v11  }
0x8e: {  	v11 =	vbroadcast v11, $0x0  }
0x8f: {  	v12, _, _ =	vpop (xrf0)  }
0x90: {  	v11 =	vadd.s32 v12, v11;
	(v2sf) =	vpush v12, $0xF  }
0x91: {  	p3 =	sne.s32 s12, $0x1  }
.Ltmp5:
0x92: {  	_ = 	snop;
	(pc) =	sbr.rel @!p3 .LBB2_7-.Ltmp5, $3  }
0x93: {  	_ =	sdelay $0x1  }
0x94: {  	s16 =	simm.s32 $0x8110;
	s17 =	sadd.s32 $0xFFFFFFFF, s12;
	[tilespmem:v11+s8+$0x0] =	vst.idx.msk vm0, v10  }
0x95: {  	s15 =	simm.s32 $0x10;
	p2 =	por $0x1, $0x1;
	s14 =	simm.s32 $0x0;
	v10 =	vld [tilespmem:s16+$0x0]  }
.LBB2_8:
0x96: {  	p3 =	sne.s32 s17, $0x1;
	v11 =	vor.u32 s15, v2  }
0x97: {  	vm0 =	vlt.s32 v11, v9;
	_ =	sdelay $0x5  }
0x98: {  	v11 =	vld.idx.msk [tilespmem:v10+s5+$0x0], vm0  }
0x99: {  	s18 =	spop (v2sf)  }
0x9a: {  	s14 =	sadd.s32 s14, s18  }
0x9b: {  	v12 =	vmov s14  }
0x9c: {  	v12 =	vadd.s32 $0xFFFFFFFF, v12  }
0x9d: {  	v12 =	vbroadcast v12, $0x0  }
0x9e: {  	v11 =	vshrl.u32 v11, $0x7  }
0x9f: {  	v11 =	vsub.s32 v11, v0  }
0xa0: {  	vm1 =	vlt.u32 v11, $0x20  }
0xa1: {  	vm0 =	vmand vm0, vm1  }
0xa2: {  	v11 =	vsel vm0, $0x1, v4  }
0xa3: {  	(xrf0) =	vadd.scan.msk.s32 $0xffff, v11;
	_ =	sdelay $0x5  }
0xa4: {  	v11, _, _ =	vpop (xrf0)  }
0xa5: {  	v12 =	vadd.s32 v11, v12;
	(v2sf) =	vpush v11, $0xF;
	_ =	sdelay $0x1  }
.Ltmp6:
0xa6: {  	(pc) =	sbr.rel @p3 .LBB2_8-.Ltmp6, $3  }
0xa7: {  	_ =	sdelay $0x1  }
0xa8: {  	s16 =	sadd.s32 $0x10, s16;
	[tilespmem:v12+s8+$0x0] =	vst.idx.msk vm0, v10  }
0xa9: {  	s17 =	sadd.s32 $0xFFFFFFFF, s17;
	s15 =	sadd.s32 $0x10, s15;
	v10 =	vld [tilespmem:s16+$0x0]  }
.LBB2_9:
0xaa: {  	_ = 	snop  }
0xab: {  	v11 =	vor.u32 s15, v2  }
0xac: {  	vm0 =	vlt.s32 v11, v9;
	_ =	sdelay $0x5  }
0xad: {  	v11 =	vld.idx.msk [tilespmem:v10+s5+$0x0], vm0;
	_ =	sdelay $0x4  }
0xae: {  	v11 =	vshrl.u32 v11, $0x7  }
0xaf: {  	v11 =	vsub.s32 v11, v0  }
0xb0: {  	vm1 =	vlt.u32 v11, $0x20  }
0xb1: {  	vm0 =	vmand vm0, vm1  }
0xb2: {  	v11 =	vsel vm0, $0x1, v4  }
0xb3: {  	(xrf0) =	vadd.scan.msk.s32 $0xffff, v11;
	_ =	sdelay $0x5  }
0xb4: {  	v11, _, _ =	vpop (xrf0)  }
0xb5: {  	(v2sf) =	vpush v11, $0xF;
	_ =	sdelay $0x4  }
0xb6: {  	s15 =	spop @p2 (v2sf)  }
0xb7: {  	s14 =	sadd.s32 @p2 s14, s15;
	s15 =	simm.s32 $0x0  }
0xb8: {  	s15 =	smov.u32 @p2 s14  }
0xb9: {  	v12 =	vmov s15  }
0xba: {  	v12 =	vadd.s32 $0xFFFFFFFF, v12  }
0xbb: {  	v12 =	vbroadcast v12, $0x0;
	_ =	sdelay $0x1  }
0xbc: {  	v11 =	vadd.s32 v11, v12;
	_ =	sdelay $0x1  }
.Ltmp7:
0xbd: {  	_ = 	snop;
	(pc) =	sbr.rel @!p0 .LBB2_10-.Ltmp7, $4  }
0xbe: {  	s28 =	spop (v2sf)  }
0xbf: {  	s15 =	sadd.s32 s15, s28  }
0xc0: {  	[tilespmem:v11+s8+$0x0] =	vst.idx.msk vm0, v10;
	[smem:$0x80] =	sst s15  }
0xc1: {  	v10 =	vld [tilespmem:s2+$0x0];
	[smem:$0x1] =	sst s15  }
0xc2: {  	_ = 	snop  }
0xc3: {  	v11 =	vor.u32 s1, v2  }
0xc4: {  	vm0 =	vlt.s32 v11, v9;
	_ =	sdelay $0x5  }
0xc5: {  	v11 =	vld.idx.msk [tilespmem:v10+s5+$0x0], vm0;
	_ =	sdelay $0x4  }
0xc6: {  	v11 =	vshrl.u32 v11, $0x7  }
0xc7: {  	v11 =	vsub.s32 v11, v0  }
0xc8: {  	v11 =	vand.u32 $0xFFFFFFE0, v11  }
0xc9: {  	vm1 =	veq.s32 v11, $0x20  }
0xca: {  	vm0 =	vmand vm0, vm1  }
0xcb: {  	v11 =	vsel vm0, $0x1, v4  }
0xcc: {  	(xrf0) =	vadd.scan.msk.s32 $0xffff, v11;
	_ =	sdelay $0x2  }
0xcd: {  	v11 =	vmov s15  }
0xce: {  	v11 =	vadd.s32 $0xFFFFFFFF, v11  }
0xcf: {  	v11 =	vbroadcast v11, $0x0  }
0xd0: {  	v12, _, _ =	vpop (xrf0)  }
0xd1: {  	v11 =	vadd.s32 v12, v11;
	(v2sf) =	vpush v12, $0xF  }
0xd2: {  	p2 =	sne.s32 s12, $0x1  }
.Ltmp8:
0xd3: {  	_ = 	snop;
	(pc) =	sbr.rel @!p2 .LBB2_12-.Ltmp8, $3  }
0xd4: {  	_ =	sdelay $0x1  }
0xd5: {  	s14 =	simm.s32 $0x8110;
	s16 =	sadd.s32 $0xFFFFFFFF, s12;
	[tilespmem:v11+s8+$0x0] =	vst.idx.msk vm0, v10  }
0xd6: {  	s1 =	simm.s32 $0x10;
	p1 =	por $0x1, $0x1;
	s2 =	smov.u32 s15;
	v10 =	vld [tilespmem:s14+$0x0]  }
.LBB2_13:
0xd7: {  	p2 =	sne.s32 s16, $0x1;
	v11 =	vor.u32 s1, v2  }
0xd8: {  	vm0 =	vlt.s32 v11, v9;
	_ =	sdelay $0x5  }
0xd9: {  	v11 =	vld.idx.msk [tilespmem:v10+s5+$0x0], vm0  }
0xda: {  	s17 =	spop (v2sf)  }
0xdb: {  	s2 =	sadd.s32 s2, s17  }
0xdc: {  	v12 =	vmov s2  }
0xdd: {  	v12 =	vadd.s32 $0xFFFFFFFF, v12  }
0xde: {  	v12 =	vbroadcast v12, $0x0  }
0xdf: {  	v11 =	vshrl.u32 v11, $0x7  }
0xe0: {  	v11 =	vsub.s32 v11, v0  }
0xe1: {  	v11 =	vand.u32 $0xFFFFFFE0, v11  }
0xe2: {  	vm1 =	veq.s32 v11, $0x20  }
0xe3: {  	vm0 =	vmand vm0, vm1  }
0xe4: {  	v11 =	vsel vm0, $0x1, v4  }
0xe5: {  	(xrf0) =	vadd.scan.msk.s32 $0xffff, v11;
	_ =	sdelay $0x5  }
0xe6: {  	v11, _, _ =	vpop (xrf0)  }
0xe7: {  	v12 =	vadd.s32 v11, v12;
	(v2sf) =	vpush v11, $0xF;
	_ =	sdelay $0x1  }
.Ltmp9:
0xe8: {  	(pc) =	sbr.rel @p2 .LBB2_13-.Ltmp9, $3  }
0xe9: {  	_ =	sdelay $0x1  }
0xea: {  	s14 =	sadd.s32 $0x10, s14;
	[tilespmem:v12+s8+$0x0] =	vst.idx.msk vm0, v10  }
0xeb: {  	s16 =	sadd.s32 $0xFFFFFFFF, s16;
	s1 =	sadd.s32 $0x10, s1;
	v10 =	vld [tilespmem:s14+$0x0]  }
.LBB2_14:
0xec: {  	_ = 	snop  }
0xed: {  	v11 =	vor.u32 s1, v2  }
0xee: {  	vm0 =	vlt.s32 v11, v9;
	_ =	sdelay $0x5  }
0xef: {  	v11 =	vld.idx.msk [tilespmem:v10+s5+$0x0], vm0;
	_ =	sdelay $0x4  }
0xf0: {  	v11 =	vshrl.u32 v11, $0x7  }
0xf1: {  	v11 =	vsub.s32 v11, v0  }
0xf2: {  	v11 =	vand.u32 $0xFFFFFFE0, v11  }
0xf3: {  	vm1 =	veq.s32 v11, $0x20  }
0xf4: {  	vm0 =	vmand vm0, vm1  }
0xf5: {  	v11 =	vsel vm0, $0x1, v4  }
0xf6: {  	(xrf0) =	vadd.scan.msk.s32 $0xffff, v11;
	_ =	sdelay $0x5  }
0xf7: {  	v11, _, _ =	vpop (xrf0)  }
0xf8: {  	(v2sf) =	vpush v11, $0xF;
	_ =	sdelay $0x5  }
0xf9: {  	s1 =	spop @p1 (v2sf)  }
0xfa: {  	s1 =	sadd.s32 @p1 s2, s1;
	s2 =	smov.u32 s15  }
0xfb: {  	s2 =	smov.u32 @p1 s1  }
0xfc: {  	v12 =	vmov s2  }
0xfd: {  	v12 =	vadd.s32 $0xFFFFFFFF, v12  }
0xfe: {  	v12 =	vbroadcast v12, $0x0;
	_ =	sdelay $0x1  }
0xff: {  	v11 =	vadd.s32 v11, v12;
	_ =	sdelay $0x1  }
.Ltmp10:
0x100: {  	s28 =	spop (v2sf);
	(pc) =	sbr.rel @!p0 .LBB2_15-.Ltmp10, $4  }
0x101: {  	s14 =	sadd.s32 s2, s28  }
0x102: {  	s1 =	ssub.s32 s14, s15  }
0x103: {  	[tilespmem:v11+s8+$0x0] =	vst.idx.msk vm0, v10;
	s2 =	simm.s32 $0x8100;
	[smem:$0x81] =	sst s1  }
0x104: {  	p1 =	por $0x0, $0x0;
	v10 =	vld [tilespmem:s2+$0x0];
	s1 =	simm.s32 $0x0;
	[smem:$0x2] =	sst s14  }
0x105: {  	_ = 	snop  }
0x106: {  	v11 =	vor.u32 s1, v2  }
0x107: {  	vm0 =	vlt.s32 v11, v9;
	_ =	sdelay $0x5  }
0x108: {  	v11 =	vld.idx.msk [tilespmem:v10+s5+$0x0], vm0;
	_ =	sdelay $0x4  }
0x109: {  	v11 =	vshrl.u32 v11, $0x7  }
0x10a: {  	v11 =	vsub.s32 v11, v0  }
0x10b: {  	v11 =	vand.u32 $0xFFFFFFE0, v11  }
0x10c: {  	vm1 =	veq.s32 v11, $0x40  }
0x10d: {  	vm0 =	vmand vm0, vm1  }
0x10e: {  	v11 =	vsel vm0, $0x1, v4  }
0x10f: {  	(xrf0) =	vadd.scan.msk.s32 $0xffff, v11;
	_ =	sdelay $0x2  }
0x110: {  	v11 =	vmov s14  }
0x111: {  	v11 =	vadd.s32 $0xFFFFFFFF, v11  }
0x112: {  	v11 =	vbroadcast v11, $0x0  }
0x113: {  	v12, _, _ =	vpop (xrf0)  }
0x114: {  	v11 =	vadd.s32 v12, v11;
	(v2sf) =	vpush v12, $0xF  }
0x115: {  	p3 =	sne.s32 s12, $0x1  }
.Ltmp11:
0x116: {  	_ = 	snop;
	(pc) =	sbr.rel @!p3 .LBB2_17-.Ltmp11, $3  }
0x117: {  	_ =	sdelay $0x1  }
0x118: {  	s19 =	simm.s32 $0x8110;
	s16 =	sadd.s32 $0xFFFFFFFF, s12;
	[tilespmem:v11+s8+$0x0] =	vst.idx.msk vm0, v10  }
0x119: {  	s17 =	simm.s32 $0x10;
	p2 =	por $0x1, $0x1;
	s15 =	smov.u32 s14;
	v10 =	vld [tilespmem:s19+$0x0]  }
.LBB2_18:
0x11a: {  	p3 =	sne.s32 s16, $0x1;
	v11 =	vor.u32 s17, v2  }
0x11b: {  	vm0 =	vlt.s32 v11, v9;
	_ =	sdelay $0x5  }
0x11c: {  	v11 =	vld.idx.msk [tilespmem:v10+s5+$0x0], vm0  }
0x11d: {  	s18 =	spop (v2sf)  }
0x11e: {  	s15 =	sadd.s32 s15, s18  }
0x11f: {  	v12 =	vmov s15  }
0x120: {  	v12 =	vadd.s32 $0xFFFFFFFF, v12  }
0x121: {  	v12 =	vbroadcast v12, $0x0  }
0x122: {  	v11 =	vshrl.u32 v11, $0x7  }
0x123: {  	v11 =	vsub.s32 v11, v0  }
0x124: {  	v11 =	vand.u32 $0xFFFFFFE0, v11  }
0x125: {  	vm1 =	veq.s32 v11, $0x40  }
0x126: {  	vm0 =	vmand vm0, vm1  }
0x127: {  	v11 =	vsel vm0, $0x1, v4  }
0x128: {  	(xrf0) =	vadd.scan.msk.s32 $0xffff, v11;
	_ =	sdelay $0x5  }
0x129: {  	v11, _, _ =	vpop (xrf0)  }
0x12a: {  	v12 =	vadd.s32 v11, v12;
	(v2sf) =	vpush v11, $0xF;
	_ =	sdelay $0x1  }
.Ltmp12:
0x12b: {  	(pc) =	sbr.rel @p3 .LBB2_18-.Ltmp12, $3  }
0x12c: {  	_ =	sdelay $0x1  }
0x12d: {  	s19 =	sadd.s32 $0x10, s19;
	[tilespmem:v12+s8+$0x0] =	vst.idx.msk vm0, v10  }
0x12e: {  	s16 =	sadd.s32 $0xFFFFFFFF, s16;
	s17 =	sadd.s32 $0x10, s17;
	v10 =	vld [tilespmem:s19+$0x0]  }
.LBB2_19:
0x12f: {  	_ = 	snop  }
0x130: {  	v11 =	vor.u32 s17, v2  }
0x131: {  	vm0 =	vlt.s32 v11, v9;
	_ =	sdelay $0x5  }
0x132: {  	v11 =	vld.idx.msk [tilespmem:v10+s5+$0x0], vm0;
	_ =	sdelay $0x4  }
0x133: {  	v11 =	vshrl.u32 v11, $0x7  }
0x134: {  	v11 =	vsub.s32 v11, v0  }
0x135: {  	v11 =	vand.u32 $0xFFFFFFE0, v11  }
0x136: {  	vm1 =	veq.s32 v11, $0x40  }
0x137: {  	vm0 =	vmand vm0, vm1  }
0x138: {  	v11 =	vsel vm0, $0x1, v4  }
0x139: {  	(xrf0) =	vadd.scan.msk.s32 $0xffff, v11;
	_ =	sdelay $0x5  }
0x13a: {  	v11, _, _ =	vpop (xrf0)  }
0x13b: {  	(v2sf) =	vpush v11, $0xF;
	_ =	sdelay $0x5  }
0x13c: {  	s16 =	spop @p2 (v2sf)  }
0x13d: {  	s15 =	sadd.s32 @p2 s15, s16;
	s16 =	smov.u32 s14  }
0x13e: {  	s16 =	smov.u32 @p2 s15  }
0x13f: {  	v12 =	vmov s16  }
0x140: {  	v12 =	vadd.s32 $0xFFFFFFFF, v12  }
0x141: {  	v12 =	vbroadcast v12, $0x0;
	_ =	sdelay $0x1  }
0x142: {  	v11 =	vadd.s32 v11, v12;
	_ =	sdelay $0x1  }
.Ltmp13:
0x143: {  	s23 =	spop (v2sf);
	(pc) =	sbr.rel @!p0 .LBB2_20-.Ltmp13, $4  }
0x144: {  	s15 =	sadd.s32 s16, s23  }
0x145: {  	s28 =	ssub.s32 s15, s14  }
0x146: {  	[tilespmem:v11+s8+$0x0] =	vst.idx.msk vm0, v10;
	[smem:$0x82] =	sst s28  }
0x147: {  	v10 =	vld [tilespmem:s2+$0x0];
	[smem:$0x3] =	sst s15  }
0x148: {  	_ = 	snop  }
0x149: {  	v11 =	vor.u32 s1, v2  }
0x14a: {  	vm0 =	vlt.s32 v11, v9;
	_ =	sdelay $0x5  }
0x14b: {  	v11 =	vld.idx.msk [tilespmem:v10+s5+$0x0], vm0;
	_ =	sdelay $0x4  }
0x14c: {  	v11 =	vshrl.u32 v11, $0x7  }
0x14d: {  	v11 =	vsub.s32 v11, v0  }
0x14e: {  	v11 =	vand.u32 $0xFFFFFFE0, v11  }
0x14f: {  	vm1 =	veq.s32 v11, $0x60  }
0x150: {  	vm0 =	vmand vm0, vm1  }
0x151: {  	v11 =	vsel vm0, $0x1, v4  }
0x152: {  	(xrf0) =	vadd.scan.msk.s32 $0xffff, v11;
	_ =	sdelay $0x2  }
0x153: {  	v11 =	vmov s15  }
0x154: {  	v11 =	vadd.s32 $0xFFFFFFFF, v11  }
0x155: {  	v11 =	vbroadcast v11, $0x0  }
0x156: {  	v12, _, _ =	vpop (xrf0)  }
0x157: {  	v11 =	vadd.s32 v12, v11;
	(v2sf) =	vpush v12, $0xF  }
0x158: {  	p2 =	sne.s32 s12, $0x1  }
.Ltmp14:
0x159: {  	_ = 	snop;
	(pc) =	sbr.rel @!p2 .LBB2_22-.Ltmp14, $3  }
0x15a: {  	_ =	sdelay $0x1  }
0x15b: {  	s14 =	simm.s32 $0x8110;
	s16 =	sadd.s32 $0xFFFFFFFF, s12;
	[tilespmem:v11+s8+$0x0] =	vst.idx.msk vm0, v10  }
0x15c: {  	s1 =	simm.s32 $0x10;
	p1 =	por $0x1, $0x1;
	s2 =	smov.u32 s15;
	v10 =	vld [tilespmem:s14+$0x0]  }
.LBB2_23:
0x15d: {  	p2 =	sne.s32 s16, $0x1;
	v11 =	vor.u32 s1, v2  }
0x15e: {  	vm0 =	vlt.s32 v11, v9;
	_ =	sdelay $0x5  }
0x15f: {  	v11 =	vld.idx.msk [tilespmem:v10+s5+$0x0], vm0  }
0x160: {  	s17 =	spop (v2sf)  }
0x161: {  	s2 =	sadd.s32 s2, s17  }
0x162: {  	v12 =	vmov s2  }
0x163: {  	v12 =	vadd.s32 $0xFFFFFFFF, v12  }
0x164: {  	v12 =	vbroadcast v12, $0x0  }
0x165: {  	v11 =	vshrl.u32 v11, $0x7  }
0x166: {  	v11 =	vsub.s32 v11, v0  }
0x167: {  	v11 =	vand.u32 $0xFFFFFFE0, v11  }
0x168: {  	vm1 =	veq.s32 v11, $0x60  }
0x169: {  	vm0 =	vmand vm0, vm1  }
0x16a: {  	v11 =	vsel vm0, $0x1, v4  }
0x16b: {  	(xrf0) =	vadd.scan.msk.s32 $0xffff, v11;
	_ =	sdelay $0x5  }
0x16c: {  	v11, _, _ =	vpop (xrf0)  }
0x16d: {  	v12 =	vadd.s32 v11, v12;
	(v2sf) =	vpush v11, $0xF;
	_ =	sdelay $0x1  }
.Ltmp15:
0x16e: {  	(pc) =	sbr.rel @p2 .LBB2_23-.Ltmp15, $3  }
0x16f: {  	_ =	sdelay $0x1  }
0x170: {  	s14 =	sadd.s32 $0x10, s14;
	[tilespmem:v12+s8+$0x0] =	vst.idx.msk vm0, v10  }
0x171: {  	s16 =	sadd.s32 $0xFFFFFFFF, s16;
	s1 =	sadd.s32 $0x10, s1;
	v10 =	vld [tilespmem:s14+$0x0]  }
.LBB2_24:
0x172: {  	_ = 	snop  }
0x173: {  	v11 =	vor.u32 s1, v2  }
0x174: {  	vm0 =	vlt.s32 v11, v9;
	_ =	sdelay $0x5  }
0x175: {  	v11 =	vld.idx.msk [tilespmem:v10+s5+$0x0], vm0;
	_ =	sdelay $0x4  }
0x176: {  	v11 =	vshrl.u32 v11, $0x7  }
0x177: {  	v11 =	vsub.s32 v11, v0  }
0x178: {  	v11 =	vand.u32 $0xFFFFFFE0, v11  }
0x179: {  	vm1 =	veq.s32 v11, $0x60  }
0x17a: {  	vm0 =	vmand vm0, vm1  }
0x17b: {  	v11 =	vsel vm0, $0x1, v4  }
0x17c: {  	(xrf0) =	vadd.scan.msk.s32 $0xffff, v11;
	_ =	sdelay $0x5  }
0x17d: {  	v11, _, _ =	vpop (xrf0)  }
0x17e: {  	(v2sf) =	vpush v11, $0xF;
	_ =	sdelay $0x5  }
0x17f: {  	s1 =	spop @p1 (v2sf)  }
0x180: {  	s1 =	sadd.s32 @p1 s2, s1;
	s2 =	smov.u32 s15  }
0x181: {  	s2 =	smov.u32 @p1 s1  }
0x182: {  	v12 =	vmov s2  }
0x183: {  	v12 =	vadd.s32 $0xFFFFFFFF, v12  }
0x184: {  	v12 =	vbroadcast v12, $0x0;
	_ =	sdelay $0x1  }
0x185: {  	v11 =	vadd.s32 v11, v12;
	_ =	sdelay $0x1  }
.Ltmp16:
0x186: {  	s28 =	spop (v2sf);
	(pc) =	sbr.rel @!p0 .LBB2_25-.Ltmp16, $4  }
0x187: {  	s14 =	sadd.s32 s2, s28  }
0x188: {  	s1 =	ssub.s32 s14, s15  }
0x189: {  	[tilespmem:v11+s8+$0x0] =	vst.idx.msk vm0, v10;
	s2 =	simm.s32 $0x8100;
	[smem:$0x83] =	sst s1  }
0x18a: {  	p1 =	por $0x0, $0x0;
	v10 =	vld [tilespmem:s2+$0x0];
	s1 =	simm.s32 $0x0;
	[smem:$0x4] =	sst s14  }
0x18b: {  	_ = 	snop  }
0x18c: {  	v11 =	vor.u32 s1, v2  }
0x18d: {  	vm0 =	vlt.s32 v11, v9;
	_ =	sdelay $0x5  }
0x18e: {  	v11 =	vld.idx.msk [tilespmem:v10+s5+$0x0], vm0;
	_ =	sdelay $0x4  }
0x18f: {  	v11 =	vshrl.u32 v11, $0x7  }
0x190: {  	v11 =	vsub.s32 v11, v0  }
0x191: {  	v11 =	vand.u32 $0xFFFFFFE0, v11  }
0x192: {  	vm1 =	veq.s32 v11, $0x80  }
0x193: {  	vm0 =	vmand vm0, vm1  }
0x194: {  	v11 =	vsel vm0, $0x1, v4  }
0x195: {  	(xrf0) =	vadd.scan.msk.s32 $0xffff, v11;
	_ =	sdelay $0x2  }
0x196: {  	v11 =	vmov s14  }
0x197: {  	v11 =	vadd.s32 $0xFFFFFFFF, v11  }
0x198: {  	v11 =	vbroadcast v11, $0x0  }
0x199: {  	v12, _, _ =	vpop (xrf0)  }
0x19a: {  	v11 =	vadd.s32 v12, v11;
	(v2sf) =	vpush v12, $0xF  }
0x19b: {  	p3 =	sne.s32 s12, $0x1  }
.Ltmp17:
0x19c: {  	_ = 	snop;
	(pc) =	sbr.rel @!p3 .LBB2_27-.Ltmp17, $3  }
0x19d: {  	_ =	sdelay $0x1  }
0x19e: {  	s19 =	simm.s32 $0x8110;
	s16 =	sadd.s32 $0xFFFFFFFF, s12;
	[tilespmem:v11+s8+$0x0] =	vst.idx.msk vm0, v10  }
0x19f: {  	s17 =	simm.s32 $0x10;
	p2 =	por $0x1, $0x1;
	s15 =	smov.u32 s14;
	v10 =	vld [tilespmem:s19+$0x0]  }
.LBB2_28:
0x1a0: {  	p3 =	sne.s32 s16, $0x1;
	v11 =	vor.u32 s17, v2  }
0x1a1: {  	vm0 =	vlt.s32 v11, v9;
	_ =	sdelay $0x5  }
0x1a2: {  	v11 =	vld.idx.msk [tilespmem:v10+s5+$0x0], vm0  }
0x1a3: {  	s18 =	spop (v2sf)  }
0x1a4: {  	s15 =	sadd.s32 s15, s18  }
0x1a5: {  	v12 =	vmov s15  }
0x1a6: {  	v12 =	vadd.s32 $0xFFFFFFFF, v12  }
0x1a7: {  	v12 =	vbroadcast v12, $0x0  }
0x1a8: {  	v11 =	vshrl.u32 v11, $0x7  }
0x1a9: {  	v11 =	vsub.s32 v11, v0  }
0x1aa: {  	v11 =	vand.u32 $0xFFFFFFE0, v11  }
0x1ab: {  	vm1 =	veq.s32 v11, $0x80  }
0x1ac: {  	vm0 =	vmand vm0, vm1  }
0x1ad: {  	v11 =	vsel vm0, $0x1, v4  }
0x1ae: {  	(xrf0) =	vadd.scan.msk.s32 $0xffff, v11;
	_ =	sdelay $0x5  }
0x1af: {  	v11, _, _ =	vpop (xrf0)  }
0x1b0: {  	v12 =	vadd.s32 v11, v12;
	(v2sf) =	vpush v11, $0xF;
	_ =	sdelay $0x1  }
.Ltmp18:
0x1b1: {  	(pc) =	sbr.rel @p3 .LBB2_28-.Ltmp18, $3  }
0x1b2: {  	_ =	sdelay $0x1  }
0x1b3: {  	s19 =	sadd.s32 $0x10, s19;
	[tilespmem:v12+s8+$0x0] =	vst.idx.msk vm0, v10  }
0x1b4: {  	s16 =	sadd.s32 $0xFFFFFFFF, s16;
	s17 =	sadd.s32 $0x10, s17;
	v10 =	vld [tilespmem:s19+$0x0]  }
.LBB2_29:
0x1b5: {  	_ = 	snop  }
0x1b6: {  	v11 =	vor.u32 s17, v2  }
0x1b7: {  	vm0 =	vlt.s32 v11, v9;
	_ =	sdelay $0x5  }
0x1b8: {  	v11 =	vld.idx.msk [tilespmem:v10+s5+$0x0], vm0;
	_ =	sdelay $0x4  }
0x1b9: {  	v11 =	vshrl.u32 v11, $0x7  }
0x1ba: {  	v11 =	vsub.s32 v11, v0  }
0x1bb: {  	v11 =	vand.u32 $0xFFFFFFE0, v11  }
0x1bc: {  	vm1 =	veq.s32 v11, $0x80  }
0x1bd: {  	vm0 =	vmand vm0, vm1  }
0x1be: {  	v11 =	vsel vm0, $0x1, v4  }
0x1bf: {  	(xrf0) =	vadd.scan.msk.s32 $0xffff, v11;
	_ =	sdelay $0x5  }
0x1c0: {  	v11, _, _ =	vpop (xrf0)  }
0x1c1: {  	(v2sf) =	vpush v11, $0xF;
	_ =	sdelay $0x5  }
0x1c2: {  	s16 =	spop @p2 (v2sf)  }
0x1c3: {  	s15 =	sadd.s32 @p2 s15, s16;
	s16 =	smov.u32 s14  }
0x1c4: {  	s16 =	smov.u32 @p2 s15  }
0x1c5: {  	v12 =	vmov s16  }
0x1c6: {  	v12 =	vadd.s32 $0xFFFFFFFF, v12  }
0x1c7: {  	v12 =	vbroadcast v12, $0x0;
	_ =	sdelay $0x1  }
0x1c8: {  	v11 =	vadd.s32 v11, v12;
	_ =	sdelay $0x1  }
.Ltmp19:
0x1c9: {  	s23 =	spop (v2sf);
	(pc) =	sbr.rel @!p0 .LBB2_30-.Ltmp19, $4  }
0x1ca: {  	s15 =	sadd.s32 s16, s23  }
0x1cb: {  	s28 =	ssub.s32 s15, s14  }
0x1cc: {  	[tilespmem:v11+s8+$0x0] =	vst.idx.msk vm0, v10;
	[smem:$0x84] =	sst s28  }
0x1cd: {  	v10 =	vld [tilespmem:s2+$0x0];
	[smem:$0x5] =	sst s15  }
0x1ce: {  	_ = 	snop  }
0x1cf: {  	v11 =	vor.u32 s1, v2  }
0x1d0: {  	vm0 =	vlt.s32 v11, v9;
	_ =	sdelay $0x5  }
0x1d1: {  	v11 =	vld.idx.msk [tilespmem:v10+s5+$0x0], vm0;
	_ =	sdelay $0x4  }
0x1d2: {  	v11 =	vshrl.u32 v11, $0x7  }
0x1d3: {  	v11 =	vsub.s32 v11, v0  }
0x1d4: {  	v11 =	vand.u32 $0xFFFFFFE0, v11  }
0x1d5: {  	vm1 =	veq.s32 v11, $0xA0  }
0x1d6: {  	vm0 =	vmand vm0, vm1  }
0x1d7: {  	v11 =	vsel vm0, $0x1, v4  }
0x1d8: {  	(xrf0) =	vadd.scan.msk.s32 $0xffff, v11;
	_ =	sdelay $0x2  }
0x1d9: {  	v11 =	vmov s15  }
0x1da: {  	v11 =	vadd.s32 $0xFFFFFFFF, v11  }
0x1db: {  	v11 =	vbroadcast v11, $0x0  }
0x1dc: {  	v12, _, _ =	vpop (xrf0)  }
0x1dd: {  	v11 =	vadd.s32 v12, v11;
	(v2sf) =	vpush v12, $0xF  }
0x1de: {  	p2 =	sne.s32 s12, $0x1  }
.Ltmp20:
0x1df: {  	_ = 	snop;
	(pc) =	sbr.rel @!p2 .LBB2_32-.Ltmp20, $3  }
0x1e0: {  	_ =	sdelay $0x1  }
0x1e1: {  	s14 =	simm.s32 $0x8110;
	s16 =	sadd.s32 $0xFFFFFFFF, s12;
	[tilespmem:v11+s8+$0x0] =	vst.idx.msk vm0, v10  }
0x1e2: {  	s1 =	simm.s32 $0x10;
	p1 =	por $0x1, $0x1;
	s2 =	smov.u32 s15;
	v10 =	vld [tilespmem:s14+$0x0]  }
.LBB2_33:
0x1e3: {  	p2 =	sne.s32 s16, $0x1;
	v11 =	vor.u32 s1, v2  }
0x1e4: {  	vm0 =	vlt.s32 v11, v9;
	_ =	sdelay $0x5  }
0x1e5: {  	v11 =	vld.idx.msk [tilespmem:v10+s5+$0x0], vm0  }
0x1e6: {  	s17 =	spop (v2sf)  }
0x1e7: {  	s2 =	sadd.s32 s2, s17  }
0x1e8: {  	v12 =	vmov s2  }
0x1e9: {  	v12 =	vadd.s32 $0xFFFFFFFF, v12  }
0x1ea: {  	v12 =	vbroadcast v12, $0x0  }
0x1eb: {  	v11 =	vshrl.u32 v11, $0x7  }
0x1ec: {  	v11 =	vsub.s32 v11, v0  }
0x1ed: {  	v11 =	vand.u32 $0xFFFFFFE0, v11  }
0x1ee: {  	vm1 =	veq.s32 v11, $0xA0  }
0x1ef: {  	vm0 =	vmand vm0, vm1  }
0x1f0: {  	v11 =	vsel vm0, $0x1, v4  }
0x1f1: {  	(xrf0) =	vadd.scan.msk.s32 $0xffff, v11;
	_ =	sdelay $0x5  }
0x1f2: {  	v11, _, _ =	vpop (xrf0)  }
0x1f3: {  	v12 =	vadd.s32 v11, v12;
	(v2sf) =	vpush v11, $0xF;
	_ =	sdelay $0x1  }
.Ltmp21:
0x1f4: {  	(pc) =	sbr.rel @p2 .LBB2_33-.Ltmp21, $3  }
0x1f5: {  	_ =	sdelay $0x1  }
0x1f6: {  	s14 =	sadd.s32 $0x10, s14;
	[tilespmem:v12+s8+$0x0] =	vst.idx.msk vm0, v10  }
0x1f7: {  	s16 =	sadd.s32 $0xFFFFFFFF, s16;
	s1 =	sadd.s32 $0x10, s1;
	v10 =	vld [tilespmem:s14+$0x0]  }
.LBB2_34:
0x1f8: {  	_ = 	snop  }
0x1f9: {  	v11 =	vor.u32 s1, v2  }
0x1fa: {  	vm0 =	vlt.s32 v11, v9;
	_ =	sdelay $0x5  }
0x1fb: {  	v11 =	vld.idx.msk [tilespmem:v10+s5+$0x0], vm0;
	_ =	sdelay $0x4  }
0x1fc: {  	v11 =	vshrl.u32 v11, $0x7  }
0x1fd: {  	v11 =	vsub.s32 v11, v0  }
0x1fe: {  	v11 =	vand.u32 $0xFFFFFFE0, v11  }
0x1ff: {  	vm1 =	veq.s32 v11, $0xA0  }
0x200: {  	vm0 =	vmand vm0, vm1  }
0x201: {  	v11 =	vsel vm0, $0x1, v4  }
0x202: {  	(xrf0) =	vadd.scan.msk.s32 $0xffff, v11;
	_ =	sdelay $0x5  }
0x203: {  	v11, _, _ =	vpop (xrf0)  }
0x204: {  	(v2sf) =	vpush v11, $0xF;
	_ =	sdelay $0x5  }
0x205: {  	s1 =	spop @p1 (v2sf)  }
0x206: {  	s1 =	sadd.s32 @p1 s2, s1;
	s2 =	smov.u32 s15  }
0x207: {  	s2 =	smov.u32 @p1 s1  }
0x208: {  	v12 =	vmov s2  }
0x209: {  	v12 =	vadd.s32 $0xFFFFFFFF, v12  }
0x20a: {  	v12 =	vbroadcast v12, $0x0;
	_ =	sdelay $0x1  }
0x20b: {  	v11 =	vadd.s32 v11, v12  }
0x20c: {  	p2 =	seq.s32 s13, $0x1  }
.Ltmp22:
0x20d: {  	s23 =	spop (v2sf);
	(pc) =	sbr.rel @p2 .LBB2_35-.Ltmp22, $4  }
0x20e: {  	s1 =	sadd.s32 s2, s23  }
0x20f: {  	s2 =	ssub.s32 s1, s15  }
0x210: {  	s28 =	simm.s32 $0x8100;
	[tilespmem:v11+s8+$0x0] =	vst.idx.msk vm0, v10;
	[smem:$0x85] =	sst s2  }
0x211: {  	s13 =	simm.s32 $0x0;
	p1 =	por $0x0, $0x0;
	v10 =	vld [tilespmem:s28+$0x0];
	[smem:$0x6] =	sst s1  }
0x212: {  	_ = 	snop  }
0x213: {  	v11 =	vor.u32 s13, v2  }
0x214: {  	vm0 =	vlt.s32 v11, v9;
	_ =	sdelay $0x5  }
0x215: {  	v11 =	vld.idx.msk [tilespmem:v10+s5+$0x0], vm0;
	_ =	sdelay $0x4  }
0x216: {  	v11 =	vshrl.u32 v11, $0x7  }
0x217: {  	v11 =	vsub.s32 v11, v0  }
0x218: {  	v11 =	vand.u32 $0xFFFFFFE0, v11  }
0x219: {  	vm1 =	veq.s32 v11, $0xC0  }
0x21a: {  	vm0 =	vmand vm0, vm1  }
0x21b: {  	v11 =	vsel vm0, $0x1, v4  }
0x21c: {  	(xrf0) =	vadd.scan.msk.s32 $0xffff, v11;
	_ =	sdelay $0x2  }
0x21d: {  	v11 =	vmov s1  }
0x21e: {  	v11 =	vadd.s32 $0xFFFFFFFF, v11  }
0x21f: {  	v11 =	vbroadcast v11, $0x0  }
0x220: {  	v12, _, _ =	vpop (xrf0)  }
0x221: {  	v11 =	vadd.s32 v12, v11;
	(v2sf) =	vpush v12, $0xF  }
0x222: {  	p2 =	seq.s32 s12, $0x1  }
.Ltmp23:
0x223: {  	_ = 	snop;
	(pc) =	sbr.rel @p2 .LBB2_37-.Ltmp23, $3  }
0x224: {  	_ =	sdelay $0x1  }
0x225: {  	s14 =	simm.s32 $0x8110;
	s15 =	sadd.s32 $0xFFFFFFFF, s12;
	[tilespmem:v11+s8+$0x0] =	vst.idx.msk vm0, v10  }
0x226: {  	s13 =	simm.s32 $0x10;
	p1 =	por $0x1, $0x1;
	s2 =	smov.u32 s1;
	v10 =	vld [tilespmem:s14+$0x0]  }
.LBB2_38:
0x227: {  	p2 =	seq.s32 s15, $0x1;
	v11 =	vor.u32 s13, v2  }
0x228: {  	vm0 =	vlt.s32 v11, v9;
	_ =	sdelay $0x5  }
0x229: {  	v11 =	vld.idx.msk [tilespmem:v10+s5+$0x0], vm0  }
0x22a: {  	s16 =	spop (v2sf)  }
0x22b: {  	s2 =	sadd.s32 s2, s16  }
0x22c: {  	v12 =	vmov s2  }
0x22d: {  	v12 =	vadd.s32 $0xFFFFFFFF, v12  }
0x22e: {  	v12 =	vbroadcast v12, $0x0  }
0x22f: {  	v11 =	vshrl.u32 v11, $0x7  }
0x230: {  	v11 =	vsub.s32 v11, v0  }
0x231: {  	v11 =	vand.u32 $0xFFFFFFE0, v11  }
0x232: {  	vm1 =	veq.s32 v11, $0xC0  }
0x233: {  	vm0 =	vmand vm0, vm1  }
0x234: {  	v11 =	vsel vm0, $0x1, v4  }
0x235: {  	(xrf0) =	vadd.scan.msk.s32 $0xffff, v11;
	_ =	sdelay $0x5  }
0x236: {  	v11, _, _ =	vpop (xrf0)  }
0x237: {  	v12 =	vadd.s32 v11, v12;
	(v2sf) =	vpush v11, $0xF;
	_ =	sdelay $0x1  }
.Ltmp24:
0x238: {  	(pc) =	sbr.rel @!p2 .LBB2_38-.Ltmp24, $3  }
0x239: {  	_ =	sdelay $0x1  }
0x23a: {  	s14 =	sadd.s32 $0x10, s14;
	[tilespmem:v12+s8+$0x0] =	vst.idx.msk vm0, v10  }
0x23b: {  	s15 =	sadd.s32 $0xFFFFFFFF, s15;
	s13 =	sadd.s32 $0x10, s13;
	v10 =	vld [tilespmem:s14+$0x0]  }
.LBB2_39:
0x23c: {  	_ = 	snop  }
0x23d: {  	v11 =	vor.u32 s13, v2  }
0x23e: {  	vm0 =	vlt.s32 v11, v9;
	_ =	sdelay $0x5  }
0x23f: {  	v11 =	vld.idx.msk [tilespmem:v10+s5+$0x0], vm0;
	_ =	sdelay $0x4  }
0x240: {  	v11 =	vshrl.u32 v11, $0x7  }
0x241: {  	v11 =	vsub.s32 v11, v0  }
0x242: {  	v11 =	vand.u32 $0xFFFFFFE0, v11  }
0x243: {  	vm1 =	veq.s32 v11, $0xC0  }
0x244: {  	vm0 =	vmand vm0, vm1  }
0x245: {  	v11 =	vsel vm0, $0x1, v4  }
0x246: {  	(xrf0) =	vadd.scan.msk.s32 $0xffff, v11;
	_ =	sdelay $0x5  }
0x247: {  	v11, _, _ =	vpop (xrf0)  }
0x248: {  	(v2sf) =	vpush v11, $0xF;
	_ =	sdelay $0x5  }
0x249: {  	s13 =	spop @p1 (v2sf)  }
0x24a: {  	s2 =	sadd.s32 @p1 s2, s13;
	s13 =	smov.u32 s1  }
0x24b: {  	s13 =	smov.u32 @p1 s2  }
0x24c: {  	v12 =	vmov s13  }
0x24d: {  	v12 =	vadd.s32 $0xFFFFFFFF, v12  }
0x24e: {  	v12 =	vbroadcast v12, $0x0;
	_ =	sdelay $0x1  }
0x24f: {  	v11 =	vadd.s32 v11, v12;
	_ =	sdelay $0x1  }
.Ltmp25:
0x250: {  	s22 =	spop (v2sf);
	(pc) =	sbr.rel @!p0 .LBB2_40-.Ltmp25, $4  }
0x251: {  	s2 =	sadd.s32 s13, s22  }
0x252: {  	s23 =	ssub.s32 s2, s1  }
0x253: {  	s28 =	simm.s32 $0x8100;
	[tilespmem:v11+s8+$0x0] =	vst.idx.msk vm0, v10;
	[smem:$0x86] =	sst s23  }
0x254: {  	p1 =	por $0x0, $0x0;
	v10 =	vld [tilespmem:s28+$0x0];
	s13 =	simm.s32 $0x0;
	[smem:$0x7] =	sst s2  }
0x255: {  	_ = 	snop  }
0x256: {  	v11 =	vor.u32 s13, v2  }
0x257: {  	vm0 =	vlt.s32 v11, v9;
	_ =	sdelay $0x5  }
0x258: {  	v11 =	vld.idx.msk [tilespmem:v10+s5+$0x0], vm0;
	_ =	sdelay $0x4  }
0x259: {  	v11 =	vshrl.u32 v11, $0x7  }
0x25a: {  	v11 =	vsub.s32 v11, v0  }
0x25b: {  	v11 =	vand.u32 $0xFFFFFFE0, v11  }
0x25c: {  	vm1 =	veq.s32 v11, $0xE0  }
0x25d: {  	vm0 =	vmand vm0, vm1  }
0x25e: {  	v11 =	vsel vm0, $0x1, v4  }
0x25f: {  	(xrf0) =	vadd.scan.msk.s32 $0xffff, v11;
	_ =	sdelay $0x2  }
0x260: {  	v11 =	vmov s2  }
0x261: {  	v11 =	vadd.s32 $0xFFFFFFFF, v11  }
0x262: {  	v11 =	vbroadcast v11, $0x0  }
0x263: {  	v12, _, _ =	vpop (xrf0)  }
0x264: {  	v11 =	vadd.s32 v12, v11;
	(v2sf) =	vpush v12, $0xF  }
0x265: {  	p0 =	sne.s32 s12, $0x1  }
.Ltmp26:
0x266: {  	_ = 	snop;
	(pc) =	sbr.rel @!p0 .LBB2_42-.Ltmp26, $3  }
0x267: {  	_ =	sdelay $0x1  }
0x268: {  	s14 =	simm.s32 $0x8110;
	s12 =	sadd.s32 $0xFFFFFFFF, s12;
	[tilespmem:v11+s8+$0x0] =	vst.idx.msk vm0, v10  }
0x269: {  	s13 =	simm.s32 $0x10;
	p1 =	por $0x1, $0x1;
	s1 =	smov.u32 s2;
	v10 =	vld [tilespmem:s14+$0x0]  }
.LBB2_43:
0x26a: {  	p0 =	sne.s32 s12, $0x1;
	v11 =	vor.u32 s13, v2  }
0x26b: {  	vm0 =	vlt.s32 v11, v9;
	_ =	sdelay $0x5  }
0x26c: {  	v11 =	vld.idx.msk [tilespmem:v10+s5+$0x0], vm0  }
0x26d: {  	s15 =	spop (v2sf)  }
0x26e: {  	s1 =	sadd.s32 s1, s15  }
0x26f: {  	v12 =	vmov s1  }
0x270: {  	v12 =	vadd.s32 $0xFFFFFFFF, v12  }
0x271: {  	v12 =	vbroadcast v12, $0x0  }
0x272: {  	v11 =	vshrl.u32 v11, $0x7  }
0x273: {  	v11 =	vsub.s32 v11, v0  }
0x274: {  	v11 =	vand.u32 $0xFFFFFFE0, v11  }
0x275: {  	vm1 =	veq.s32 v11, $0xE0  }
0x276: {  	vm0 =	vmand vm0, vm1  }
0x277: {  	v11 =	vsel vm0, $0x1, v4  }
0x278: {  	(xrf0) =	vadd.scan.msk.s32 $0xffff, v11;
	_ =	sdelay $0x5  }
0x279: {  	v11, _, _ =	vpop (xrf0)  }
0x27a: {  	v12 =	vadd.s32 v11, v12;
	(v2sf) =	vpush v11, $0xF;
	_ =	sdelay $0x1  }
.Ltmp27:
0x27b: {  	(pc) =	sbr.rel @p0 .LBB2_43-.Ltmp27, $3  }
0x27c: {  	_ =	sdelay $0x1  }
0x27d: {  	s14 =	sadd.s32 $0x10, s14;
	[tilespmem:v12+s8+$0x0] =	vst.idx.msk vm0, v10  }
0x27e: {  	s12 =	sadd.s32 $0xFFFFFFFF, s12;
	s13 =	sadd.s32 $0x10, s13;
	v10 =	vld [tilespmem:s14+$0x0]  }
.LBB2_44:
0x27f: {  	_ = 	snop  }
0x280: {  	v11 =	vor.u32 s13, v2  }
0x281: {  	vm0 =	vlt.s32 v11, v9;
	_ =	sdelay $0x5  }
0x282: {  	v9 =	vld.idx.msk [tilespmem:v10+s5+$0x0], vm0;
	_ =	sdelay $0x4  }
0x283: {  	v9 =	vshrl.u32 v9, $0x7  }
0x284: {  	v9 =	vsub.s32 v9, v0  }
0x285: {  	v9 =	vand.u32 $0xFFFFFFE0, v9  }
0x286: {  	vm1 =	veq.s32 v9, $0xE0  }
0x287: {  	vm0 =	vmand vm0, vm1  }
0x288: {  	v9 =	vsel vm0, $0x1, v4  }
0x289: {  	(xrf0) =	vadd.scan.msk.s32 $0xffff, v9;
	_ =	sdelay $0x5  }
0x28a: {  	v9, _, _ =	vpop (xrf0)  }
0x28b: {  	(v2sf) =	vpush v9, $0xF;
	_ =	sdelay $0x4  }
0x28c: {  	s12 =	spop @p1 (v2sf)  }
0x28d: {  	s1 =	sadd.s32 @p1 s1, s12;
	s12 =	smov.u32 s2  }
0x28e: {  	s12 =	smov.u32 @p1 s1  }
0x28f: {  	v11 =	vmov s12  }
0x290: {  	v11 =	vadd.s32 $0xFFFFFFFF, v11  }
0x291: {  	v11 =	vbroadcast v11, $0x0;
	_ =	sdelay $0x1  }
0x292: {  	v9 =	vadd.s32 v9, v11  }
.Ltmp28:
0x293: {  	_ = 	snop;
	(pc) =	sbr.rel .LBB2_45-.Ltmp28, $4  }
0x294: {  	_ = 	snop  }
0x295: {  	s28 =	spop (v2sf)  }
0x296: {  	s1 =	sadd.s32 s12, s28  }
0x297: {  	[tilespmem:v9+s8+$0x0] =	vst.idx.msk vm0, v10;
	s1 =	ssub.s32 s1, s2  }
.LBB2_110:
0x298: {  	s1 =	simm.s32 $0x0  }
0x299: {  	[smem:$0x80] =	sst s1  }
0x29a: {  	[smem:$0x1] =	sst s1  }
0x29b: {  	[smem:$0x81] =	sst s1  }
0x29c: {  	[smem:$0x2] =	sst s1  }
0x29d: {  	[smem:$0x82] =	sst s1  }
0x29e: {  	[smem:$0x3] =	sst s1  }
0x29f: {  	[smem:$0x83] =	sst s1  }
0x2a0: {  	[smem:$0x4] =	sst s1  }
0x2a1: {  	[smem:$0x84] =	sst s1  }
0x2a2: {  	[smem:$0x5] =	sst s1  }
0x2a3: {  	[smem:$0x85] =	sst s1  }
0x2a4: {  	[smem:$0x6] =	sst s1  }
0x2a5: {  	[smem:$0x86] =	sst s1  }
0x2a6: {  	[smem:$0x7] =	sst s1  }
.LBB2_45:
0x2a7: {  	[smem:$0x87] =	sst s1;
	s14 =	simm.s32 $0x0;
	s15 =	simm.s32 $0x0  }
.LBB2_46:
0x2a8: {  	s1 =	simm.s32 $0x1  }
0x2a9: {  	_ =	swait.ge [sflag:s1], $0x4000  }
0x2aa: {  	[sflag:s1] =	ssyncset.done $0x0  }
0x2ab: {  	s21 =	sshrl.u32 s15, $0x2;
	[sflag:s1] =	ssyncadd.s32 $0xFFFFC000  }
0x2ac: {  	s2 =	sld [smem:s21+$0x80];
	_ =	sdelay $0x2  }
0x2ad: {  	s12 =	sadd.s32 $0xF, s2  }
0x2ae: {  	s13 =	sand.u32 $0xF, s12  }
0x2af: {  	s16 =	sshra.s32 s12, $0x1F;
	p0 =	slt.s32 s12, $0x1;
	p1 =	sne.s32 s13, $0x0  }
0x2b0: {  	s22 =	sshrl.u32 s16, $0x1C;
	p0 =	por !p0, !p1  }
0x2b1: {  	s16 =	simm.s32 $0x1;
	s12 =	sadd.s32 s22, s12;
	p0 =	por !p0, !p0  }
0x2b2: {  	s23 =	sshra.s32 s12, $0x4;
	s16 =	simm.s32 @!p0 $0x0  }
0x2b3: {  	s12 =	ssub.s32 s23, s16  }
0x2b4: {  	p0 =	slt.s32 s12, $0x1  }
.Ltmp29:
0x2b5: {  	_ = 	snop;
	(pc) =	sbr.rel @p0 .LBB2_61-.Ltmp29, $2  }
0x2b6: {  	s13 =	sld [smem:s21+$0x0];
	_ =	sdelay $0x2  }
0x2b7: {  	v9 =	vmov s2;
	s28 =	sadd.s32 $0x4080, s13;
	s23 =	sshll.u32 s15, $0x3  }
0x2b8: {  	p2 =	seq.s32 s12, $0x1  }
.Ltmp30:
0x2b9: {  	s1 =	rddreg [dreg:$0x4];
	(pc) =	sbr.rel @p2 .LBB2_48-.Ltmp30, $4  }
0x2ba: {  	s1 =	sadd.s32 s1, s23  }
0x2bb: {  	s1 =	smin.u32 s1, $0x1E83  }
0x2bc: {  	s16 =	sadd.s32 $0x4080, s13;
	p1 =	por $0x0, $0x0;
	s17 =	sadd.s32 $0x2, s1  }
0x2bd: {  	v10 =	vld [tilespmem:s16+$0x0];
	s2 =	sshll.u32 s1, $0x7;
	v11 =	vmov s1;
	s1 =	simm.s32 $0x0;
	v12 =	vmov s17;
	s17 =	sadd.s32 $0xFFFFFFFF, s12  }
0x2be: {  	_ = 	snop  }
0x2bf: {  	v13 =	vor.u32 s1, v2  }
0x2c0: {  	vm0 =	vlt.s32 v13, v9;
	_ =	sdelay $0x5  }
0x2c1: {  	v13 =	vld.idx.msk [tilespmem:v10+s5+$0x0], vm0;
	_ =	sdelay $0x4  }
0x2c2: {  	v13 =	vshrl.u32 v13, $0x7  }
0x2c3: {  	vm1 =	vge.u32 v13, v11;
	vm2 =	vlt.u32 v13, v12  }
0x2c4: {  	vm1 =	vmand vm1, vm2  }
0x2c5: {  	vm0 =	vmand vm0, vm1  }
0x2c6: {  	v13 =	vsel vm0, $0x1, v4  }
0x2c7: {  	(xrf0) =	vadd.scan.msk.s32 $0xffff, v13;
	_ =	sdelay $0x2  }
0x2c8: {  	v13 =	vmov s1  }
0x2c9: {  	v13 =	vadd.s32 $0xFFFFFFFF, v13  }
0x2ca: {  	v13 =	vbroadcast v13, $0x0  }
0x2cb: {  	v14, _, _ =	vpop (xrf0)  }
0x2cc: {  	v13 =	vadd.s32 v14, v13;
	(v2sf) =	vpush v14, $0xF  }
0x2cd: {  	p2 =	seq.s32 s17, $0x1  }
.Ltmp31:
0x2ce: {  	_ = 	snop;
	(pc) =	sbr.rel @p2 .LBB2_53-.Ltmp31, $3  }
0x2cf: {  	_ =	sdelay $0x1  }
0x2d0: {  	s21 =	sadd.s32 $0x10, s16;
	s16 =	sadd.s32 $0xFFFFFFFF, s17;
	[tilespmem:v13+s30+$0x0] =	vst.idx.msk vm0, v10  }
0x2d1: {  	s19 =	simm.s32 $0x10;
	p1 =	por $0x1, $0x1;
	s17 =	simm.s32 $0x0;
	v10 =	vld [tilespmem:s21+$0x0]  }
.LBB2_54:
0x2d2: {  	p2 =	seq.s32 s16, $0x1;
	v13 =	vor.u32 s19, v2  }
0x2d3: {  	vm0 =	vlt.s32 v13, v9;
	_ =	sdelay $0x5  }
0x2d4: {  	v13 =	vld.idx.msk [tilespmem:v10+s5+$0x0], vm0  }
0x2d5: {  	s18 =	spop (v2sf)  }
0x2d6: {  	s17 =	sadd.s32 s17, s18  }
0x2d7: {  	v14 =	vmov s17  }
0x2d8: {  	v14 =	vadd.s32 $0xFFFFFFFF, v14  }
0x2d9: {  	v14 =	vbroadcast v14, $0x0  }
0x2da: {  	v13 =	vshrl.u32 v13, $0x7  }
0x2db: {  	vm1 =	vge.u32 v13, v11;
	vm2 =	vlt.u32 v13, v12  }
0x2dc: {  	vm1 =	vmand vm1, vm2  }
0x2dd: {  	vm0 =	vmand vm0, vm1  }
0x2de: {  	v13 =	vsel vm0, $0x1, v4  }
0x2df: {  	(xrf0) =	vadd.scan.msk.s32 $0xffff, v13;
	_ =	sdelay $0x5  }
0x2e0: {  	v13, _, _ =	vpop (xrf0)  }
0x2e1: {  	v14 =	vadd.s32 v13, v14;
	(v2sf) =	vpush v13, $0xF;
	_ =	sdelay $0x1  }
.Ltmp32:
0x2e2: {  	(pc) =	sbr.rel @!p2 .LBB2_54-.Ltmp32, $3  }
0x2e3: {  	_ =	sdelay $0x1  }
0x2e4: {  	s21 =	sadd.s32 $0x10, s21;
	[tilespmem:v14+s30+$0x0] =	vst.idx.msk vm0, v10  }
0x2e5: {  	s16 =	sadd.s32 $0xFFFFFFFF, s16;
	s19 =	sadd.s32 $0x10, s19;
	v10 =	vld [tilespmem:s21+$0x0]  }
.LBB2_55:
0x2e6: {  	_ = 	snop  }
0x2e7: {  	v13 =	vor.u32 s19, v2  }
0x2e8: {  	vm0 =	vlt.s32 v13, v9;
	_ =	sdelay $0x5  }
0x2e9: {  	v13 =	vld.idx.msk [tilespmem:v10+s5+$0x0], vm0;
	_ =	sdelay $0x4  }
0x2ea: {  	v13 =	vshrl.u32 v13, $0x7  }
0x2eb: {  	vm1 =	vge.u32 v13, v11;
	vm2 =	vlt.u32 v13, v12  }
0x2ec: {  	vm1 =	vmand vm1, vm2  }
0x2ed: {  	vm0 =	vmand vm0, vm1  }
0x2ee: {  	v11 =	vsel vm0, $0x1, v4  }
0x2ef: {  	(xrf0) =	vadd.scan.msk.s32 $0xffff, v11;
	_ =	sdelay $0x5  }
0x2f0: {  	v11, _, _ =	vpop (xrf0)  }
0x2f1: {  	(v2sf) =	vpush v11, $0xF;
	_ =	sdelay $0x3  }
0x2f2: {  	s16 =	spop @p1 (v2sf)  }
0x2f3: {  	s16 =	sadd.s32 @p1 s17, s16  }
0x2f4: {  	s1 =	smov.u32 @p1 s16  }
0x2f5: {  	v63 =	vmov s1  }
0x2f6: {  	v12 =	vadd.s32 $0xFFFFFFFF, v63  }
0x2f7: {  	v12 =	vbroadcast v12, $0x0;
	_ =	sdelay $0x1  }
0x2f8: {  	v11 =	vadd.s32 v11, v12;
	_ =	sdelay $0x3  }
0x2f9: {  	s22 =	spop (v2sf)  }
0x2fa: {  	[tilespmem:v11+s30+$0x0] =	vst.idx.msk vm0, v10;
	s1 =	sadd.s32 s1, s22  }
0x2fb: {  	p1 =	slt.s32 s1, $0x1  }
.Ltmp33:
0x2fc: {  	_ = 	snop;
	(pc) =	sbr.rel @p1 .LBB2_61-.Ltmp33, $1  }
0x2fd: {  	_ =	sdelay $0x3  }
0x2fe: {  	p2 =	sne.s32 s1, $0x1  }
.Ltmp34:
0x2ff: {  	_ = 	snop;
	(pc) =	sbr.rel @!p2 .LBB2_51-.Ltmp34, $3  }
0x300: {  	_ =	sdelay $0x1  }
0x301: {  	s18 =	simm.s32 $0x0  }
0x302: {  	v10 =	vmov s2;
	s17 =	simm.s32 $0x1;
	p1 =	por $0x0, $0x0;
	v11 =	vmov s18  }
0x303: {  	_ =	sdelay $0x3  }
0x304: {  	v11 =	vld.idx.msk [tilespmem:v11+s30+$0x0], $0xffff;
	_ =	sdelay $0x7  }
0x305: {  	v12 =	vld.idx.msk [tilespmem:v11+s5+$0x0], $0xffff;
	_ =	sdelay $0x4  }
0x306: {  	v13 =	vsub.s32 v12, v10  }
0x307: {  	v13 =	vshll.u32 v13, $0x3  }
0x308: {  	v12 =	vand.u32 $0x7F, v12;
	v13 =	vand.u32 $0xFFFFFC00, v13  }
0x309: {  	s2 =	sadd.s32 $0x0, s14;
	v12 =	vor.u32 v12, v13  }
0x30a: {  	s16 =	sshra.s32 s2, $0x1F;
	v13 =	vadd.s32 v5, v12  }
0x30b: {  	s16 =	sshrl.u32 s16, $0x1B  }
0x30c: {  	s16 =	sadd.s32 s16, s2  }
0x30d: {  	s18 =	sshrl.u32 s16, $0x5;
	s16 =	sand.u32 $0xFFFFFFE0, s16  }
0x30e: {  	p1 =	slt.s32 s2, $0x1;
	p2 =	sne.s32 s2, s16;
	s21 =	sand.u32 $0x1, s18  }
0x30f: {  	p1 =	por !p1, !p2;
	p2 =	seq.s32 s21, $0x1;
	v13 =	vld.idx.msk [tilespmem:v13+s26+$0x0], $0xffff  }
0x310: {  	p3 =	por !p1, !p1;
	p1 =	por !p2, !p2;
	v14 =	vadd.s32 v6, v12  }
0x311: {  	s22 =	sand.u32 $0x1F, s2;
	s18 =	simm.s32 $0x1D180;
	p1 =	por @!p3 p2, p2  }
0x312: {  	s19 =	sshll.u32 s22, $0x7;
	s18 =	simm.s32 @!p1 $0x1C180  }
0x313: {  	s19 =	sadd.s32 s19, s18  }
0x314: {  	[tilespmem:s19+$0x0] =	vst v13  }
0x315: {  	v13 =	vld.idx.msk [tilespmem:v14+s26+$0x0], $0xffff  }
0x316: {  	v62 =	vadd.s32 v7, v12;
	_ =	sdelay $0x3  }
0x317: {  	[tilespmem:s19+$0x10] =	vst v13  }
0x318: {  	v13 =	vld.idx.msk [tilespmem:v62+s26+$0x0], $0xffff  }
0x319: {  	v12 =	vadd.s32 v8, v12;
	_ =	sdelay $0x3  }
0x31a: {  	[tilespmem:s19+$0x20] =	vst v13  }
0x31b: {  	v12 =	vld.idx.msk [tilespmem:v12+s26+$0x0], $0xffff  }
0x31c: {  	v63 =	vmov s22;
	_ =	sdelay $0x1  }
0x31d: {  	s2 =	sadd.s32 $0x1, s2  }
0x31e: {  	s2 =	sand.u32 $0x1F, s2;
	s21 =	simm.s32 $0x1E200;
	p2 =	sne.s32 s1, $0x2  }
.Ltmp35:
0x31f: {  	p3 =	sne.s32 s2, $0x0;
	s21 =	simm.s32 @!p1 $0x1E180;
	[tilespmem:s19+$0x30] =	vst v12;
	(pc) =	sbr.rel @!p2 .LBB2_57-.Ltmp35, $4  }
0x320: {  	s2 =	simm.s32 @!p3 $0x20;
	s16 =	simm.s32 @!p3 $0x5;
	[tilespmem:v63+s21+$0x0] =	vst.idx.msk $0x1, v11;
	v11 =	vmov s17  }
0x321: {  	[hbm4b:s6+s2] =	stream.indirect.scatter @!p3 [tilespmem:s18], [sflag:$0x5], $0x80, s21, s2, $0xb8;
	[tilespmem:$0x1E280] =	vst v63  }
0x322: {  	_ =	swait.ge @!p3 [sflag:s16], $0x1000  }
0x323: {  	p1 =	por $0x1, $0x1;
	s2 =	simm.s32 $0x2;
	[sflag:s16] =	ssyncset.done @!p3 $0x0  }
.LBB2_58:
0x324: {  	[sflag:s16] =	ssyncadd.s32 @!p3 $0xFFFFF000;
	s16 =	smov.u32 s2;
	s2 =	sadd.s32 $0x1, s2  }
0x325: {  	p2 =	sne.s32 s1, s2;
	v12 =	vld.idx.msk [tilespmem:v11+s30+$0x0], $0xffff;
	_ =	sdelay $0x7  }
0x326: {  	v11 =	vld.idx.msk [tilespmem:v12+s5+$0x0], $0xffff;
	_ =	sdelay $0x5  }
0x327: {  	v13 =	vsub.s32 v11, v10  }
0x328: {  	v13 =	vshll.u32 v13, $0x3  }
0x329: {  	v11 =	vand.u32 $0x7F, v11;
	v13 =	vand.u32 $0xFFFFFC00, v13  }
0x32a: {  	v11 =	vor.u32 v11, v13  }
0x32b: {  	s18 =	sadd.s32 s17, s14;
	s17 =	smov.u32 s16;
	v13 =	vadd.s32 v5, v11  }
0x32c: {  	s16 =	sshra.s32 s18, $0x1F;
	s19 =	sand.u32 $0x1F, s18;
	s21 =	sadd.s32 $0x1, s18  }
0x32d: {  	s16 =	sshrl.u32 s16, $0x1B;
	s21 =	sand.u32 $0x1F, s21  }
0x32e: {  	s16 =	sadd.s32 s16, s18  }
0x32f: {  	s22 =	sshrl.u32 s16, $0x5;
	s16 =	sand.u32 $0xFFFFFFE0, s16  }
0x330: {  	p3 =	slt.s32 s18, $0x1;
	p4 =	sne.s32 s18, s16;
	s16 =	sand.u32 $0x1, s22;
	v13 =	vld.idx.msk [tilespmem:v13+s26+$0x0], $0xffff  }
0x331: {  	p3 =	por !p3, !p4;
	p4 =	seq.s32 s16, $0x1  }
0x332: {  	p5 =	por !p3, !p3;
	p3 =	por !p4, !p4;
	v14 =	vadd.s32 v6, v11  }
0x333: {  	s18 =	simm.s32 $0x1D180;
	p3 =	por @!p5 p4, p4  }
0x334: {  	s16 =	sshll.u32 s19, $0x7;
	s18 =	simm.s32 @!p3 $0x1C180  }
0x335: {  	s16 =	sadd.s32 s16, s18  }
0x336: {  	[tilespmem:s16+$0x0] =	vst v13  }
0x337: {  	v13 =	vld.idx.msk [tilespmem:v14+s26+$0x0], $0xffff;
	_ =	sdelay $0x1  }
0x338: {  	v14 =	vadd.s32 v7, v11;
	_ =	sdelay $0x3  }
0x339: {  	[tilespmem:s16+$0x10] =	vst v13  }
0x33a: {  	v13 =	vld.idx.msk [tilespmem:v14+s26+$0x0], $0xffff;
	_ =	sdelay $0x1  }
0x33b: {  	v11 =	vadd.s32 v8, v11;
	_ =	sdelay $0x3  }
0x33c: {  	[tilespmem:s16+$0x20] =	vst v13  }
0x33d: {  	v11 =	vld.idx.msk [tilespmem:v11+s26+$0x0], $0xffff;
	_ =	sdelay $0x1  }
0x33e: {  	v13 =	vmov s19;
	_ =	sdelay $0x2  }
0x33f: {  	s19 =	simm.s32 $0x1E200  }
.Ltmp36:
0x340: {  	s19 =	simm.s32 @!p3 $0x1E180;
	p3 =	sne.s32 s21, $0x0;
	[tilespmem:s16+$0x30] =	vst v11;
	(pc) =	sbr.rel @p2 .LBB2_58-.Ltmp36, $4  }
0x341: {  	s21 =	simm.s32 @!p3 $0x20;
	v11 =	vmov s17;
	s16 =	simm.s32 @!p3 $0x5;
	[tilespmem:v13+s19+$0x0] =	vst.idx.msk $0x1, v12  }
0x342: {  	[hbm4b:s6+s21] =	stream.indirect.scatter @!p3 [tilespmem:s18], [sflag:$0x5], $0x80, s19, s21, $0xb8;
	[tilespmem:$0x1E280] =	vst v63  }
0x343: {  	_ =	swait.ge @!p3 [sflag:s16], $0x1000  }
0x344: {  	[sflag:s16] =	ssyncset.done @!p3 $0x0  }
0x345: {  	s18 =	smov.u32 s17  }
.LBB2_60:
0x346: {  	_ =	sdelay $0x1  }
0x347: {  	p1 =	por p3, !p1  }
0x348: {  	[sflag:s16] =	ssyncadd.s32 @!p1 $0xFFFFF000  }
0x349: {  	v11 =	vld.idx.msk [tilespmem:v11+s30+$0x0], $0xffff;
	_ =	sdelay $0x7  }
0x34a: {  	v12 =	vld.idx.msk [tilespmem:v11+s5+$0x0], $0xffff;
	_ =	sdelay $0x4  }
0x34b: {  	v10 =	vsub.s32 v12, v10  }
0x34c: {  	v10 =	vshll.u32 v10, $0x3  }
0x34d: {  	v12 =	vand.u32 $0x7F, v12;
	v10 =	vand.u32 $0xFFFFFC00, v10  }
0x34e: {  	s1 =	sadd.s32 s18, s14;
	v10 =	vor.u32 v12, v10  }
0x34f: {  	s19 =	sshra.s32 s1, $0x1F;
	v12 =	vadd.s32 v5, v10  }
0x350: {  	s16 =	sshrl.u32 s19, $0x1B  }
0x351: {  	s16 =	sadd.s32 s16, s1  }
0x352: {  	s17 =	sshrl.u32 s16, $0x5;
	s16 =	sand.u32 $0xFFFFFFE0, s16  }
0x353: {  	p6 =	slt.s32 s1, $0x1;
	p2 =	sne.s32 s1, s16;
	s20 =	sand.u32 $0x1, s17  }
0x354: {  	p1 =	por !p6, !p2;
	p2 =	seq.s32 s20, $0x1;
	v12 =	vld.idx.msk [tilespmem:v12+s26+$0x0], $0xffff  }
0x355: {  	p3 =	por !p1, !p1;
	p1 =	por !p2, !p2;
	v13 =	vadd.s32 v6, v10  }
0x356: {  	s21 =	sand.u32 $0x1F, s1;
	s17 =	simm.s32 $0x1D180;
	p1 =	por @!p3 p2, p2  }
0x357: {  	s22 =	sshll.u32 s21, $0x7;
	s17 =	simm.s32 @!p1 $0x1C180  }
0x358: {  	s18 =	sadd.s32 s22, s17  }
0x359: {  	[tilespmem:s18+$0x0] =	vst v12  }
0x35a: {  	v12 =	vld.idx.msk [tilespmem:v13+s26+$0x0], $0xffff  }
0x35b: {  	v62 =	vadd.s32 v7, v10;
	_ =	sdelay $0x3  }
0x35c: {  	[tilespmem:s18+$0x10] =	vst v12  }
0x35d: {  	v12 =	vld.idx.msk [tilespmem:v62+s26+$0x0], $0xffff  }
0x35e: {  	v10 =	vadd.s32 v8, v10;
	_ =	sdelay $0x3  }
0x35f: {  	[tilespmem:s18+$0x20] =	vst v12  }
0x360: {  	v10 =	vld.idx.msk [tilespmem:v10+s26+$0x0], $0xffff  }
0x361: {  	v63 =	vmov s21;
	_ =	sdelay $0x1  }
0x362: {  	s1 =	sadd.s32 $0x1, s1  }
0x363: {  	s16 =	simm.s32 $0x1E200;
	s1 =	sand.u32 $0x1F, s1  }
0x364: {  	s16 =	simm.s32 @!p1 $0x1E180;
	p1 =	sne.s32 s1, $0x0;
	[tilespmem:s18+$0x30] =	vst v10  }
0x365: {  	s1 =	simm.s32 @!p1 $0x20;
	s18 =	simm.s32 @!p1 $0x5;
	[tilespmem:v63+s16+$0x0] =	vst.idx.msk $0x1, v11  }
0x366: {  	[hbm4b:s6+s1] =	stream.indirect.scatter @!p1 [tilespmem:s17], [sflag:$0x5], $0x80, s16, s1, $0xb8;
	[tilespmem:$0x1E280] =	vst v63  }
0x367: {  	_ =	swait.ge @!p1 [sflag:s18], $0x1000  }
0x368: {  	[sflag:s18] =	ssyncset.done @!p1 $0x0  }
0x369: {  	s14 =	sadd.s32 s2, s14;
	[sflag:s18] =	ssyncadd.s32 @!p1 $0xFFFFF000  }
.LBB2_61:
0x36a: {  	p1 =	seq.s32 s15, $0x1E  }
0x36b: {  	s1 =	sadd.s32 @!p1 s23, s24  }
0x36c: {  	s1 =	smin.u32 @!p1 s1, $0x1E83  }
0x36d: {  	s22 =	simm.s32 $0x2;
	s2 =	simm.s32 @!p1 $0x800;
	s16 =	sshll.u32 @!p1 s1, $0x7  }
0x36e: {  	s18 =	simm.s32 @!p1 $0xC180;
	s1 =	simm.s32 @!p1 $0x7A1400;
	s17 =	sadd.s32 @!p1 s3, s16  }
0x36f: {  	[tilespmem:s18], [sflag:$0x1] =	stream.strided.gather @!p1 [hbm4b:s17+s2], $0x2000, s1, s2, $0x38;
	[tilespmem:$0x1E280] =	vst v63  }
.Ltmp37:
0x370: {  	s16 =	sadd.s32 @!p1 s16, s7;
	s17 =	simm.s32 @!p1 $0xE180;
	(pc) =	sbr.rel @p0 .LBB2_76-.Ltmp37, $4  }
0x371: {  	[tilespmem:s17], [sflag:$0x1] =	stream.strided.gather @!p1 [hbm4b:s16+s2], $0x2000, s1, s2, $0x38;
	[tilespmem:$0x1E280] =	vst v63  }
0x372: {  	_ =	swait.ge [sflag:s22], $0x4000  }
0x373: {  	[sflag:s22] =	ssyncset.done $0x0  }
0x374: {  	[sflag:s22] =	ssyncadd.s32 $0xFFFFC000  }
0x375: {  	p3 =	seq.s32 s12, $0x1  }
.Ltmp38:
0x376: {  	s16 =	rddreg [dreg:$0xd];
	(pc) =	sbr.rel @p3 .LBB2_63-.Ltmp38, $4  }
0x377: {  	s16 =	sadd.s32 s23, s16  }
0x378: {  	s17 =	smin.u32 s16, $0x1E83  }
0x379: {  	p2 =	por $0x0, $0x0;
	s16 =	sadd.s32 $0x4080, s13;
	s18 =	sadd.s32 $0x2, s17  }
0x37a: {  	s19 =	sshll.u32 s17, $0x7;
	v11 =	vmov s17;
	s17 =	simm.s32 $0x0;
	v10 =	vld [tilespmem:s16+$0x0];
	v12 =	vmov s18;
	s18 =	sadd.s32 $0xFFFFFFFF, s12  }
0x37b: {  	_ = 	snop  }
0x37c: {  	v13 =	vor.u32 s17, v2  }
0x37d: {  	vm0 =	vlt.s32 v13, v9;
	_ =	sdelay $0x5  }
0x37e: {  	v13 =	vld.idx.msk [tilespmem:v10+s5+$0x0], vm0;
	_ =	sdelay $0x4  }
0x37f: {  	v13 =	vshrl.u32 v13, $0x7  }
0x380: {  	vm1 =	vge.u32 v13, v11;
	vm2 =	vlt.u32 v13, v12  }
0x381: {  	vm1 =	vmand vm1, vm2  }
0x382: {  	vm0 =	vmand vm0, vm1  }
0x383: {  	v13 =	vsel vm0, $0x1, v4  }
0x384: {  	(xrf0) =	vadd.scan.msk.s32 $0xffff, v13;
	_ =	sdelay $0x2  }
0x385: {  	v13 =	vmov s17  }
0x386: {  	v13 =	vadd.s32 $0xFFFFFFFF, v13  }
0x387: {  	v13 =	vbroadcast v13, $0x0  }
0x388: {  	v14, _, _ =	vpop (xrf0)  }
0x389: {  	v13 =	vadd.s32 v14, v13;
	(v2sf) =	vpush v14, $0xF  }
0x38a: {  	p3 =	seq.s32 s18, $0x1  }
.Ltmp39:
0x38b: {  	_ = 	snop;
	(pc) =	sbr.rel @p3 .LBB2_68-.Ltmp39, $3  }
0x38c: {  	_ =	sdelay $0x1  }
0x38d: {  	s16 =	sadd.s32 $0x10, s16;
	s18 =	sadd.s32 $0xFFFFFFFF, s18;
	[tilespmem:v13+s30+$0x0] =	vst.idx.msk vm0, v10  }
0x38e: {  	s22 =	simm.s32 $0x10;
	p2 =	por $0x1, $0x1;
	s21 =	simm.s32 $0x0;
	v10 =	vld [tilespmem:s16+$0x0]  }
.LBB2_69:
0x38f: {  	p3 =	seq.s32 s18, $0x1;
	v13 =	vor.u32 s22, v2  }
0x390: {  	vm0 =	vlt.s32 v13, v9;
	_ =	sdelay $0x5  }
0x391: {  	v13 =	vld.idx.msk [tilespmem:v10+s5+$0x0], vm0  }
0x392: {  	s20 =	spop (v2sf)  }
0x393: {  	s21 =	sadd.s32 s21, s20  }
0x394: {  	v14 =	vmov s21  }
0x395: {  	v14 =	vadd.s32 $0xFFFFFFFF, v14  }
0x396: {  	v14 =	vbroadcast v14, $0x0  }
0x397: {  	v13 =	vshrl.u32 v13, $0x7  }
0x398: {  	vm1 =	vge.u32 v13, v11;
	vm2 =	vlt.u32 v13, v12  }
0x399: {  	vm1 =	vmand vm1, vm2  }
0x39a: {  	vm0 =	vmand vm0, vm1  }
0x39b: {  	v13 =	vsel vm0, $0x1, v4  }
0x39c: {  	(xrf0) =	vadd.scan.msk.s32 $0xffff, v13;
	_ =	sdelay $0x5  }
0x39d: {  	v13, _, _ =	vpop (xrf0)  }
0x39e: {  	v14 =	vadd.s32 v13, v14;
	(v2sf) =	vpush v13, $0xF;
	_ =	sdelay $0x1  }
.Ltmp40:
0x39f: {  	(pc) =	sbr.rel @!p3 .LBB2_69-.Ltmp40, $3  }
0x3a0: {  	_ =	sdelay $0x1  }
0x3a1: {  	s16 =	sadd.s32 $0x10, s16;
	[tilespmem:v14+s30+$0x0] =	vst.idx.msk vm0, v10  }
0x3a2: {  	s18 =	sadd.s32 $0xFFFFFFFF, s18;
	s22 =	sadd.s32 $0x10, s22;
	v10 =	vld [tilespmem:s16+$0x0]  }
.LBB2_70:
0x3a3: {  	_ = 	snop  }
0x3a4: {  	v13 =	vor.u32 s22, v2  }
0x3a5: {  	vm0 =	vlt.s32 v13, v9;
	_ =	sdelay $0x5  }
0x3a6: {  	v13 =	vld.idx.msk [tilespmem:v10+s5+$0x0], vm0;
	_ =	sdelay $0x4  }
0x3a7: {  	v13 =	vshrl.u32 v13, $0x7  }
0x3a8: {  	vm1 =	vge.u32 v13, v11;
	vm2 =	vlt.u32 v13, v12  }
0x3a9: {  	vm1 =	vmand vm1, vm2  }
0x3aa: {  	vm0 =	vmand vm0, vm1  }
0x3ab: {  	v11 =	vsel vm0, $0x1, v4  }
0x3ac: {  	(xrf0) =	vadd.scan.msk.s32 $0xffff, v11;
	_ =	sdelay $0x5  }
0x3ad: {  	v11, _, _ =	vpop (xrf0)  }
0x3ae: {  	(v2sf) =	vpush v11, $0xF;
	_ =	sdelay $0x3  }
0x3af: {  	s16 =	spop @p2 (v2sf)  }
0x3b0: {  	s16 =	sadd.s32 @p2 s21, s16  }
0x3b1: {  	s17 =	smov.u32 @p2 s16  }
0x3b2: {  	v63 =	vmov s17  }
0x3b3: {  	v12 =	vadd.s32 $0xFFFFFFFF, v63  }
0x3b4: {  	v12 =	vbroadcast v12, $0x0;
	_ =	sdelay $0x1  }
0x3b5: {  	v11 =	vadd.s32 v11, v12;
	_ =	sdelay $0x3  }
0x3b6: {  	s22 =	spop (v2sf)  }
0x3b7: {  	[tilespmem:v11+s30+$0x0] =	vst.idx.msk vm0, v10;
	s17 =	sadd.s32 s17, s22  }
0x3b8: {  	p2 =	slt.s32 s17, $0x1  }
.Ltmp41:
0x3b9: {  	_ = 	snop;
	(pc) =	sbr.rel @p2 .LBB2_76-.Ltmp41, $1  }
0x3ba: {  	_ =	sdelay $0x3  }
0x3bb: {  	p3 =	sne.s32 s17, $0x1  }
.Ltmp42:
0x3bc: {  	_ = 	snop;
	(pc) =	sbr.rel @!p3 .LBB2_66-.Ltmp42, $3  }
0x3bd: {  	_ =	sdelay $0x1  }
0x3be: {  	s18 =	simm.s32 $0x0  }
0x3bf: {  	v10 =	vmov s19;
	s21 =	simm.s32 $0x1;
	p2 =	por $0x0, $0x0;
	v11 =	vmov s18  }
0x3c0: {  	_ =	sdelay $0x3  }
0x3c1: {  	v11 =	vld.idx.msk [tilespmem:v11+s30+$0x0], $0xffff;
	_ =	sdelay $0x7  }
0x3c2: {  	v12 =	vld.idx.msk [tilespmem:v11+s5+$0x0], $0xffff;
	_ =	sdelay $0x4  }
0x3c3: {  	v13 =	vsub.s32 v12, v10  }
0x3c4: {  	v13 =	vshll.u32 v13, $0x3  }
0x3c5: {  	v12 =	vand.u32 $0x7F, v12;
	v13 =	vand.u32 $0xFFFFFC00, v13  }
0x3c6: {  	s16 =	sadd.s32 $0x0, s14;
	v12 =	vor.u32 v12, v13  }
0x3c7: {  	s18 =	sshra.s32 s16, $0x1F;
	v13 =	vadd.s32 v5, v12  }
0x3c8: {  	s18 =	sshrl.u32 s18, $0x1B  }
0x3c9: {  	s10 =	smov.u32 s9;
	s18 =	sadd.s32 s18, s16  }
0x3ca: {  	s9 =	smov.u32 s4;
	s19 =	sshrl.u32 s18, $0x5;
	s18 =	sand.u32 $0xFFFFFFE0, s18  }
0x3cb: {  	p2 =	slt.s32 s16, $0x1;
	p3 =	sne.s32 s16, s18;
	s22 =	sand.u32 $0x1, s19  }
0x3cc: {  	s4 =	smov.u32 s25;
	p2 =	por !p2, !p3;
	p3 =	seq.s32 s22, $0x1;
	v13 =	vld.idx.msk [tilespmem:v13+s29+$0x0], $0xffff  }
0x3cd: {  	s25 =	smov.u32 s24;
	p4 =	por !p2, !p2;
	p2 =	por !p3, !p3;
	v14 =	vadd.s32 v6, v12  }
0x3ce: {  	s24 =	sand.u32 $0x1F, s16;
	s19 =	simm.s32 $0x1D180;
	p2 =	por @!p4 p3, p3  }
0x3cf: {  	s20 =	sshll.u32 s24, $0x7;
	s19 =	simm.s32 @!p2 $0x1C180  }
0x3d0: {  	s20 =	sadd.s32 s20, s19  }
0x3d1: {  	[tilespmem:s20+$0x0] =	vst v13  }
0x3d2: {  	v13 =	vld.idx.msk [tilespmem:v14+s29+$0x0], $0xffff  }
0x3d3: {  	v62 =	vadd.s32 v7, v12;
	_ =	sdelay $0x3  }
0x3d4: {  	[tilespmem:s20+$0x10] =	vst v13  }
0x3d5: {  	v13 =	vld.idx.msk [tilespmem:v62+s29+$0x0], $0xffff  }
0x3d6: {  	v12 =	vadd.s32 v8, v12;
	_ =	sdelay $0x3  }
0x3d7: {  	[tilespmem:s20+$0x20] =	vst v13  }
0x3d8: {  	v12 =	vld.idx.msk [tilespmem:v12+s29+$0x0], $0xffff  }
0x3d9: {  	v63 =	vmov s24;
	_ =	sdelay $0x1  }
0x3da: {  	s16 =	sadd.s32 $0x1, s16  }
0x3db: {  	s18 =	simm.s32 $0x1E200;
	s16 =	sand.u32 $0x1F, s16;
	p3 =	sne.s32 s17, $0x2  }
.Ltmp43:
0x3dc: {  	p4 =	sne.s32 s16, $0x0;
	s18 =	simm.s32 @!p2 $0x1E180;
	[tilespmem:s20+$0x30] =	vst v12;
	(pc) =	sbr.rel @!p3 .LBB2_72-.Ltmp43, $4  }
0x3dd: {  	s16 =	simm.s32 @!p4 $0x5;
	s20 =	simm.s32 @!p4 $0x20;
	[tilespmem:v63+s18+$0x0] =	vst.idx.msk $0x1, v11;
	v11 =	vmov s21  }
0x3de: {  	[hbm4b:s6+s20] =	stream.indirect.scatter @!p4 [tilespmem:s19], [sflag:$0x5], $0x80, s18, s20, $0xb8;
	[tilespmem:$0x1E280] =	vst v63  }
0x3df: {  	_ =	swait.ge @!p4 [sflag:s16], $0x1000  }
0x3e0: {  	p2 =	por $0x1, $0x1;
	s19 =	simm.s32 $0x2;
	[sflag:s16] =	ssyncset.done @!p4 $0x0  }
.LBB2_73:
0x3e1: {  	[sflag:s16] =	ssyncadd.s32 @!p4 $0xFFFFF000;
	s16 =	smov.u32 s19;
	s19 =	sadd.s32 $0x1, s19  }
0x3e2: {  	p3 =	sne.s32 s17, s19;
	v12 =	vld.idx.msk [tilespmem:v11+s30+$0x0], $0xffff;
	_ =	sdelay $0x7  }
0x3e3: {  	v11 =	vld.idx.msk [tilespmem:v12+s5+$0x0], $0xffff;
	_ =	sdelay $0x5  }
0x3e4: {  	v13 =	vsub.s32 v11, v10  }
0x3e5: {  	v13 =	vshll.u32 v13, $0x3  }
0x3e6: {  	v11 =	vand.u32 $0x7F, v11;
	v13 =	vand.u32 $0xFFFFFC00, v13  }
0x3e7: {  	v11 =	vor.u32 v11, v13  }
0x3e8: {  	s18 =	sadd.s32 s21, s14;
	s21 =	smov.u32 s16;
	v13 =	vadd.s32 v5, v11  }
0x3e9: {  	s16 =	sshra.s32 s18, $0x1F;
	s20 =	sand.u32 $0x1F, s18;
	s22 =	sadd.s32 $0x1, s18  }
0x3ea: {  	s16 =	sshrl.u32 s16, $0x1B;
	s22 =	sand.u32 $0x1F, s22  }
0x3eb: {  	s16 =	sadd.s32 s16, s18  }
0x3ec: {  	s24 =	sshrl.u32 s16, $0x5;
	s16 =	sand.u32 $0xFFFFFFE0, s16  }
0x3ed: {  	p4 =	slt.s32 s18, $0x1;
	p5 =	sne.s32 s18, s16;
	s16 =	sand.u32 $0x1, s24;
	v13 =	vld.idx.msk [tilespmem:v13+s29+$0x0], $0xffff  }
0x3ee: {  	p4 =	por !p4, !p5;
	p5 =	seq.s32 s16, $0x1  }
0x3ef: {  	p6 =	por !p4, !p4;
	p4 =	por !p5, !p5;
	v14 =	vadd.s32 v6, v11  }
0x3f0: {  	s18 =	simm.s32 $0x1D180;
	p4 =	por @!p6 p5, p5  }
0x3f1: {  	s16 =	sshll.u32 s20, $0x7;
	s18 =	simm.s32 @!p4 $0x1C180  }
0x3f2: {  	s16 =	sadd.s32 s16, s18  }
0x3f3: {  	[tilespmem:s16+$0x0] =	vst v13  }
0x3f4: {  	v13 =	vld.idx.msk [tilespmem:v14+s29+$0x0], $0xffff;
	_ =	sdelay $0x1  }
0x3f5: {  	v14 =	vadd.s32 v7, v11;
	_ =	sdelay $0x3  }
0x3f6: {  	[tilespmem:s16+$0x10] =	vst v13  }
0x3f7: {  	v13 =	vld.idx.msk [tilespmem:v14+s29+$0x0], $0xffff;
	_ =	sdelay $0x1  }
0x3f8: {  	v11 =	vadd.s32 v8, v11;
	_ =	sdelay $0x3  }
0x3f9: {  	[tilespmem:s16+$0x20] =	vst v13  }
0x3fa: {  	v11 =	vld.idx.msk [tilespmem:v11+s29+$0x0], $0xffff;
	_ =	sdelay $0x1  }
0x3fb: {  	v13 =	vmov s20;
	_ =	sdelay $0x2  }
0x3fc: {  	s20 =	simm.s32 $0x1E200  }
.Ltmp44:
0x3fd: {  	s20 =	simm.s32 @!p4 $0x1E180;
	p4 =	sne.s32 s22, $0x0;
	[tilespmem:s16+$0x30] =	vst v11;
	(pc) =	sbr.rel @p3 .LBB2_73-.Ltmp44, $4  }
0x3fe: {  	s22 =	simm.s32 @!p4 $0x20;
	v11 =	vmov s21;
	s16 =	simm.s32 @!p4 $0x5;
	[tilespmem:v13+s20+$0x0] =	vst.idx.msk $0x1, v12  }
0x3ff: {  	[hbm4b:s6+s22] =	stream.indirect.scatter @!p4 [tilespmem:s18], [sflag:$0x5], $0x80, s20, s22, $0xb8;
	[tilespmem:$0x1E280] =	vst v63  }
0x400: {  	_ =	swait.ge @!p4 [sflag:s16], $0x1000  }
0x401: {  	[sflag:s16] =	ssyncset.done @!p4 $0x0  }
0x402: {  	s18 =	smov.u32 s21;
	s24 =	smov.u32 s25;
	s25 =	smov.u32 s4  }
0x403: {  	s4 =	smov.u32 s9;
	s9 =	smov.u32 s10;
	s10 =	simm.s32 $0x800  }
.LBB2_75:
0x404: {  	_ =	sdelay $0x1  }
0x405: {  	p2 =	por p4, !p2  }
0x406: {  	[sflag:s16] =	ssyncadd.s32 @!p2 $0xFFFFF000  }
0x407: {  	v11 =	vld.idx.msk [tilespmem:v11+s30+$0x0], $0xffff;
	_ =	sdelay $0x7  }
0x408: {  	v12 =	vld.idx.msk [tilespmem:v11+s5+$0x0], $0xffff;
	_ =	sdelay $0x4  }
0x409: {  	v10 =	vsub.s32 v12, v10  }
0x40a: {  	v10 =	vshll.u32 v10, $0x3  }
0x40b: {  	v12 =	vand.u32 $0x7F, v12;
	v10 =	vand.u32 $0xFFFFFC00, v10  }
0x40c: {  	s16 =	sadd.s32 s18, s14;
	v10 =	vor.u32 v12, v10  }
0x40d: {  	s17 =	sshra.s32 s16, $0x1F;
	v12 =	vadd.s32 v5, v10  }
0x40e: {  	s17 =	sshrl.u32 s17, $0x1B  }
0x40f: {  	s17 =	sadd.s32 s17, s16  }
0x410: {  	s20 =	sshrl.u32 s17, $0x5;
	s17 =	sand.u32 $0xFFFFFFE0, s17  }
0x411: {  	p6 =	slt.s32 s16, $0x1;
	p3 =	sne.s32 s16, s17;
	s21 =	sand.u32 $0x1, s20  }
0x412: {  	p2 =	por !p6, !p3;
	p3 =	seq.s32 s21, $0x1;
	v12 =	vld.idx.msk [tilespmem:v12+s29+$0x0], $0xffff  }
0x413: {  	p4 =	por !p2, !p2;
	p2 =	por !p3, !p3;
	v13 =	vadd.s32 v6, v10  }
0x414: {  	s18 =	simm.s32 $0x1D180;
	s22 =	sand.u32 $0x1F, s16;
	p2 =	por @!p4 p3, p3  }
0x415: {  	s20 =	sshll.u32 s22, $0x7;
	s18 =	simm.s32 @!p2 $0x1C180  }
0x416: {  	s20 =	sadd.s32 s20, s18  }
0x417: {  	[tilespmem:s20+$0x0] =	vst v12  }
0x418: {  	v12 =	vld.idx.msk [tilespmem:v13+s29+$0x0], $0xffff  }
0x419: {  	v62 =	vadd.s32 v7, v10;
	_ =	sdelay $0x3  }
0x41a: {  	[tilespmem:s20+$0x10] =	vst v12  }
0x41b: {  	v12 =	vld.idx.msk [tilespmem:v62+s29+$0x0], $0xffff  }
0x41c: {  	v10 =	vadd.s32 v8, v10;
	_ =	sdelay $0x3  }
0x41d: {  	[tilespmem:s20+$0x20] =	vst v12  }
0x41e: {  	v10 =	vld.idx.msk [tilespmem:v10+s29+$0x0], $0xffff  }
0x41f: {  	v63 =	vmov s22;
	_ =	sdelay $0x1  }
0x420: {  	s16 =	sadd.s32 $0x1, s16  }
0x421: {  	s17 =	simm.s32 $0x1E200;
	s16 =	sand.u32 $0x1F, s16  }
0x422: {  	s17 =	simm.s32 @!p2 $0x1E180;
	p2 =	sne.s32 s16, $0x0;
	[tilespmem:s20+$0x30] =	vst v10  }
0x423: {  	s16 =	simm.s32 @!p2 $0x20;
	s20 =	simm.s32 @!p2 $0x5;
	[tilespmem:v63+s17+$0x0] =	vst.idx.msk $0x1, v11  }
0x424: {  	[hbm4b:s6+s16] =	stream.indirect.scatter @!p2 [tilespmem:s18], [sflag:$0x5], $0x80, s17, s16, $0xb8;
	[tilespmem:$0x1E280] =	vst v63  }
0x425: {  	_ =	swait.ge @!p2 [sflag:s20], $0x1000  }
0x426: {  	[sflag:s20] =	ssyncset.done @!p2 $0x0  }
0x427: {  	s14 =	sadd.s32 s19, s14;
	[sflag:s20] =	ssyncadd.s32 @!p2 $0xFFFFF000  }
.LBB2_76:
0x428: {  	s16 =	sadd.s32 @!p1 s23, s25  }
0x429: {  	s16 =	smin.u32 @!p1 s16, $0x1E83  }
0x42a: {  	s16 =	sshll.u32 @!p1 s16, $0x7  }
0x42b: {  	s18 =	simm.s32 @!p1 $0x10180;
	s22 =	simm.s32 $0x3;
	s17 =	sadd.s32 @!p1 s3, s16  }
0x42c: {  	[tilespmem:s18], [sflag:$0x2] =	stream.strided.gather @!p1 [hbm4b:s17+s2], $0x2000, s1, s2, $0x38;
	[tilespmem:$0x1E280] =	vst v63  }
.Ltmp45:
0x42d: {  	s16 =	sadd.s32 @!p1 s16, s7;
	s17 =	simm.s32 @!p1 $0x12180;
	(pc) =	sbr.rel @p0 .LBB2_91-.Ltmp45, $4  }
0x42e: {  	[tilespmem:s17], [sflag:$0x2] =	stream.strided.gather @!p1 [hbm4b:s16+s2], $0x2000, s1, s2, $0x38;
	[tilespmem:$0x1E280] =	vst v63  }
0x42f: {  	_ =	swait.ge [sflag:s22], $0x4000  }
0x430: {  	[sflag:s22] =	ssyncset.done $0x0  }
0x431: {  	[sflag:s22] =	ssyncadd.s32 $0xFFFFC000  }
0x432: {  	p3 =	seq.s32 s12, $0x1  }
.Ltmp46:
0x433: {  	s1 =	rddreg [dreg:$0xe];
	(pc) =	sbr.rel @p3 .LBB2_78-.Ltmp46, $4  }
0x434: {  	s1 =	sadd.s32 s23, s1  }
0x435: {  	s1 =	smin.u32 s1, $0x1E83  }
0x436: {  	s13 =	sadd.s32 $0x4080, s13;
	s17 =	sadd.s32 $0xFFFFFFFF, s12;
	s16 =	sadd.s32 $0x2, s1  }
0x437: {  	p2 =	por $0x0, $0x0;
	v10 =	vld [tilespmem:s13+$0x0];
	s2 =	sshll.u32 s1, $0x7;
	v11 =	vmov s1;
	s1 =	simm.s32 $0x0;
	v12 =	vmov s16  }
0x438: {  	_ = 	snop  }
0x439: {  	v13 =	vor.u32 s1, v2  }
0x43a: {  	vm0 =	vlt.s32 v13, v9;
	_ =	sdelay $0x5  }
0x43b: {  	v13 =	vld.idx.msk [tilespmem:v10+s5+$0x0], vm0;
	_ =	sdelay $0x4  }
0x43c: {  	v13 =	vshrl.u32 v13, $0x7  }
0x43d: {  	vm1 =	vge.u32 v13, v11;
	vm2 =	vlt.u32 v13, v12  }
0x43e: {  	vm1 =	vmand vm1, vm2  }
0x43f: {  	vm0 =	vmand vm0, vm1  }
0x440: {  	v13 =	vsel vm0, $0x1, v4  }
0x441: {  	(xrf0) =	vadd.scan.msk.s32 $0xffff, v13;
	_ =	sdelay $0x2  }
0x442: {  	v13 =	vmov s1  }
0x443: {  	v13 =	vadd.s32 $0xFFFFFFFF, v13  }
0x444: {  	v13 =	vbroadcast v13, $0x0  }
0x445: {  	v14, _, _ =	vpop (xrf0)  }
0x446: {  	v13 =	vadd.s32 v14, v13;
	(v2sf) =	vpush v14, $0xF  }
0x447: {  	p3 =	seq.s32 s17, $0x1  }
.Ltmp47:
0x448: {  	_ = 	snop;
	(pc) =	sbr.rel @p3 .LBB2_83-.Ltmp47, $3  }
0x449: {  	_ =	sdelay $0x1  }
0x44a: {  	s16 =	sadd.s32 $0x10, s13;
	s18 =	sadd.s32 $0xFFFFFFFF, s17;
	[tilespmem:v13+s30+$0x0] =	vst.idx.msk vm0, v10  }
0x44b: {  	s17 =	simm.s32 $0x10;
	p2 =	por $0x1, $0x1;
	s13 =	simm.s32 $0x0;
	v10 =	vld [tilespmem:s16+$0x0]  }
.LBB2_84:
0x44c: {  	p3 =	seq.s32 s18, $0x1;
	v13 =	vor.u32 s17, v2  }
0x44d: {  	vm0 =	vlt.s32 v13, v9;
	_ =	sdelay $0x5  }
0x44e: {  	v13 =	vld.idx.msk [tilespmem:v10+s5+$0x0], vm0  }
0x44f: {  	s19 =	spop (v2sf)  }
0x450: {  	s13 =	sadd.s32 s13, s19  }
0x451: {  	v14 =	vmov s13  }
0x452: {  	v14 =	vadd.s32 $0xFFFFFFFF, v14  }
0x453: {  	v14 =	vbroadcast v14, $0x0  }
0x454: {  	v13 =	vshrl.u32 v13, $0x7  }
0x455: {  	vm1 =	vge.u32 v13, v11;
	vm2 =	vlt.u32 v13, v12  }
0x456: {  	vm1 =	vmand vm1, vm2  }
0x457: {  	vm0 =	vmand vm0, vm1  }
0x458: {  	v13 =	vsel vm0, $0x1, v4  }
0x459: {  	(xrf0) =	vadd.scan.msk.s32 $0xffff, v13;
	_ =	sdelay $0x5  }
0x45a: {  	v13, _, _ =	vpop (xrf0)  }
0x45b: {  	v14 =	vadd.s32 v13, v14;
	(v2sf) =	vpush v13, $0xF;
	_ =	sdelay $0x1  }
.Ltmp48:
0x45c: {  	(pc) =	sbr.rel @!p3 .LBB2_84-.Ltmp48, $3  }
0x45d: {  	_ =	sdelay $0x1  }
0x45e: {  	s16 =	sadd.s32 $0x10, s16;
	[tilespmem:v14+s30+$0x0] =	vst.idx.msk vm0, v10  }
0x45f: {  	s18 =	sadd.s32 $0xFFFFFFFF, s18;
	s17 =	sadd.s32 $0x10, s17;
	v10 =	vld [tilespmem:s16+$0x0]  }
.LBB2_85:
0x460: {  	_ = 	snop  }
0x461: {  	v13 =	vor.u32 s17, v2  }
0x462: {  	vm0 =	vlt.s32 v13, v9;
	_ =	sdelay $0x5  }
0x463: {  	v13 =	vld.idx.msk [tilespmem:v10+s5+$0x0], vm0;
	_ =	sdelay $0x4  }
0x464: {  	v13 =	vshrl.u32 v13, $0x7  }
0x465: {  	vm1 =	vge.u32 v13, v11;
	vm2 =	vlt.u32 v13, v12  }
0x466: {  	vm1 =	vmand vm1, vm2  }
0x467: {  	vm0 =	vmand vm0, vm1  }
0x468: {  	v11 =	vsel vm0, $0x1, v4  }
0x469: {  	(xrf0) =	vadd.scan.msk.s32 $0xffff, v11;
	_ =	sdelay $0x5  }
0x46a: {  	v11, _, _ =	vpop (xrf0)  }
0x46b: {  	(v2sf) =	vpush v11, $0xF;
	_ =	sdelay $0x3  }
0x46c: {  	s16 =	spop @p2 (v2sf)  }
0x46d: {  	s13 =	sadd.s32 @p2 s13, s16  }
0x46e: {  	s1 =	smov.u32 @p2 s13  }
0x46f: {  	v63 =	vmov s1  }
0x470: {  	v12 =	vadd.s32 $0xFFFFFFFF, v63  }
0x471: {  	v12 =	vbroadcast v12, $0x0;
	_ =	sdelay $0x1  }
0x472: {  	v11 =	vadd.s32 v11, v12;
	_ =	sdelay $0x3  }
0x473: {  	s22 =	spop (v2sf)  }
0x474: {  	[tilespmem:v11+s30+$0x0] =	vst.idx.msk vm0, v10;
	s1 =	sadd.s32 s1, s22  }
0x475: {  	p2 =	slt.s32 s1, $0x1  }
.Ltmp49:
0x476: {  	_ = 	snop;
	(pc) =	sbr.rel @p2 .LBB2_91-.Ltmp49, $1  }
0x477: {  	_ =	sdelay $0x3  }
0x478: {  	p3 =	sne.s32 s1, $0x1  }
.Ltmp50:
0x479: {  	_ = 	snop;
	(pc) =	sbr.rel @!p3 .LBB2_81-.Ltmp50, $3  }
0x47a: {  	_ =	sdelay $0x1  }
0x47b: {  	s17 =	simm.s32 $0x0  }
0x47c: {  	v10 =	vmov s2;
	s13 =	simm.s32 $0x1;
	p2 =	por $0x0, $0x0;
	v11 =	vmov s17  }
0x47d: {  	_ =	sdelay $0x3  }
0x47e: {  	v11 =	vld.idx.msk [tilespmem:v11+s30+$0x0], $0xffff;
	_ =	sdelay $0x7  }
0x47f: {  	v12 =	vld.idx.msk [tilespmem:v11+s5+$0x0], $0xffff;
	_ =	sdelay $0x4  }
0x480: {  	v13 =	vsub.s32 v12, v10  }
0x481: {  	v13 =	vshll.u32 v13, $0x3  }
0x482: {  	v12 =	vand.u32 $0x7F, v12;
	v13 =	vand.u32 $0xFFFFFC00, v13  }
0x483: {  	s2 =	sadd.s32 $0x0, s14;
	v12 =	vor.u32 v12, v13  }
0x484: {  	s16 =	sshra.s32 s2, $0x1F;
	v13 =	vadd.s32 v5, v12  }
0x485: {  	s16 =	sshrl.u32 s16, $0x1B  }
0x486: {  	s16 =	sadd.s32 s16, s2  }
0x487: {  	s17 =	sshrl.u32 s16, $0x5;
	s16 =	sand.u32 $0xFFFFFFE0, s16  }
0x488: {  	p2 =	slt.s32 s2, $0x1;
	p3 =	sne.s32 s2, s16;
	s21 =	sand.u32 $0x1, s17  }
0x489: {  	p2 =	por !p2, !p3;
	p3 =	seq.s32 s21, $0x1;
	v13 =	vld.idx.msk [tilespmem:v13+s31+$0x0], $0xffff  }
0x48a: {  	p4 =	por !p2, !p2;
	p2 =	por !p3, !p3;
	v14 =	vadd.s32 v6, v12  }
0x48b: {  	s22 =	sand.u32 $0x1F, s2;
	s17 =	simm.s32 $0x1D180;
	p2 =	por @!p4 p3, p3  }
0x48c: {  	s18 =	sshll.u32 s22, $0x7;
	s17 =	simm.s32 @!p2 $0x1C180  }
0x48d: {  	s18 =	sadd.s32 s18, s17  }
0x48e: {  	[tilespmem:s18+$0x0] =	vst v13  }
0x48f: {  	v13 =	vld.idx.msk [tilespmem:v14+s31+$0x0], $0xffff  }
0x490: {  	v62 =	vadd.s32 v7, v12;
	_ =	sdelay $0x3  }
0x491: {  	[tilespmem:s18+$0x10] =	vst v13  }
0x492: {  	v13 =	vld.idx.msk [tilespmem:v62+s31+$0x0], $0xffff  }
0x493: {  	v12 =	vadd.s32 v8, v12;
	_ =	sdelay $0x3  }
0x494: {  	[tilespmem:s18+$0x20] =	vst v13  }
0x495: {  	v12 =	vld.idx.msk [tilespmem:v12+s31+$0x0], $0xffff  }
0x496: {  	v63 =	vmov s22;
	_ =	sdelay $0x1  }
0x497: {  	s2 =	sadd.s32 $0x1, s2  }
0x498: {  	s19 =	simm.s32 $0x1E200;
	s2 =	sand.u32 $0x1F, s2;
	p3 =	sne.s32 s1, $0x2  }
.Ltmp51:
0x499: {  	p4 =	sne.s32 s2, $0x0;
	s19 =	simm.s32 @!p2 $0x1E180;
	[tilespmem:s18+$0x30] =	vst v12;
	(pc) =	sbr.rel @!p3 .LBB2_87-.Ltmp51, $4  }
0x49a: {  	s2 =	simm.s32 @!p4 $0x20;
	s16 =	simm.s32 @!p4 $0x5;
	[tilespmem:v63+s19+$0x0] =	vst.idx.msk $0x1, v11;
	v11 =	vmov s13  }
0x49b: {  	[hbm4b:s6+s2] =	stream.indirect.scatter @!p4 [tilespmem:s17], [sflag:$0x5], $0x80, s19, s2, $0xb8;
	[tilespmem:$0x1E280] =	vst v63  }
0x49c: {  	_ =	swait.ge @!p4 [sflag:s16], $0x1000  }
0x49d: {  	p2 =	por $0x1, $0x1;
	s2 =	simm.s32 $0x2;
	[sflag:s16] =	ssyncset.done @!p4 $0x0  }
.LBB2_88:
0x49e: {  	[sflag:s16] =	ssyncadd.s32 @!p4 $0xFFFFF000;
	s16 =	smov.u32 s2;
	s2 =	sadd.s32 $0x1, s2  }
0x49f: {  	p3 =	sne.s32 s1, s2;
	v12 =	vld.idx.msk [tilespmem:v11+s30+$0x0], $0xffff;
	_ =	sdelay $0x7  }
0x4a0: {  	v11 =	vld.idx.msk [tilespmem:v12+s5+$0x0], $0xffff;
	_ =	sdelay $0x5  }
0x4a1: {  	v13 =	vsub.s32 v11, v10  }
0x4a2: {  	v13 =	vshll.u32 v13, $0x3  }
0x4a3: {  	v11 =	vand.u32 $0x7F, v11;
	v13 =	vand.u32 $0xFFFFFC00, v13  }
0x4a4: {  	v11 =	vor.u32 v11, v13  }
0x4a5: {  	s17 =	sadd.s32 s13, s14;
	s13 =	smov.u32 s16;
	v13 =	vadd.s32 v5, v11  }
0x4a6: {  	s16 =	sshra.s32 s17, $0x1F;
	s18 =	sand.u32 $0x1F, s17;
	s19 =	sadd.s32 $0x1, s17  }
0x4a7: {  	s16 =	sshrl.u32 s16, $0x1B;
	s19 =	sand.u32 $0x1F, s19  }
0x4a8: {  	s16 =	sadd.s32 s16, s17  }
0x4a9: {  	s20 =	sshrl.u32 s16, $0x5;
	s16 =	sand.u32 $0xFFFFFFE0, s16  }
0x4aa: {  	p4 =	slt.s32 s17, $0x1;
	p5 =	sne.s32 s17, s16;
	s16 =	sand.u32 $0x1, s20;
	v13 =	vld.idx.msk [tilespmem:v13+s31+$0x0], $0xffff  }
0x4ab: {  	p4 =	por !p4, !p5;
	p5 =	seq.s32 s16, $0x1  }
0x4ac: {  	p6 =	por !p4, !p4;
	p4 =	por !p5, !p5;
	v14 =	vadd.s32 v6, v11  }
0x4ad: {  	s17 =	simm.s32 $0x1D180;
	p4 =	por @!p6 p5, p5  }
0x4ae: {  	s16 =	sshll.u32 s18, $0x7;
	s17 =	simm.s32 @!p4 $0x1C180  }
0x4af: {  	s16 =	sadd.s32 s16, s17  }
0x4b0: {  	[tilespmem:s16+$0x0] =	vst v13  }
0x4b1: {  	v13 =	vld.idx.msk [tilespmem:v14+s31+$0x0], $0xffff;
	_ =	sdelay $0x1  }
0x4b2: {  	v14 =	vadd.s32 v7, v11;
	_ =	sdelay $0x3  }
0x4b3: {  	[tilespmem:s16+$0x10] =	vst v13  }
0x4b4: {  	v13 =	vld.idx.msk [tilespmem:v14+s31+$0x0], $0xffff;
	_ =	sdelay $0x1  }
0x4b5: {  	v11 =	vadd.s32 v8, v11;
	_ =	sdelay $0x3  }
0x4b6: {  	[tilespmem:s16+$0x20] =	vst v13  }
0x4b7: {  	v11 =	vld.idx.msk [tilespmem:v11+s31+$0x0], $0xffff;
	_ =	sdelay $0x1  }
0x4b8: {  	v13 =	vmov s18;
	_ =	sdelay $0x2  }
0x4b9: {  	s18 =	simm.s32 $0x1E200  }
.Ltmp52:
0x4ba: {  	s18 =	simm.s32 @!p4 $0x1E180;
	p4 =	sne.s32 s19, $0x0;
	[tilespmem:s16+$0x30] =	vst v11;
	(pc) =	sbr.rel @p3 .LBB2_88-.Ltmp52, $4  }
0x4bb: {  	s19 =	simm.s32 @!p4 $0x20;
	v11 =	vmov s13;
	s16 =	simm.s32 @!p4 $0x5;
	[tilespmem:v13+s18+$0x0] =	vst.idx.msk $0x1, v12  }
0x4bc: {  	[hbm4b:s6+s19] =	stream.indirect.scatter @!p4 [tilespmem:s17], [sflag:$0x5], $0x80, s18, s19, $0xb8;
	[tilespmem:$0x1E280] =	vst v63  }
0x4bd: {  	_ =	swait.ge @!p4 [sflag:s16], $0x1000  }
0x4be: {  	[sflag:s16] =	ssyncset.done @!p4 $0x0  }
0x4bf: {  	s17 =	smov.u32 s13  }
.LBB2_90:
0x4c0: {  	_ =	sdelay $0x1  }
0x4c1: {  	p2 =	por p4, !p2  }
0x4c2: {  	[sflag:s16] =	ssyncadd.s32 @!p2 $0xFFFFF000  }
0x4c3: {  	v11 =	vld.idx.msk [tilespmem:v11+s30+$0x0], $0xffff;
	_ =	sdelay $0x7  }
0x4c4: {  	v12 =	vld.idx.msk [tilespmem:v11+s5+$0x0], $0xffff;
	_ =	sdelay $0x4  }
0x4c5: {  	v10 =	vsub.s32 v12, v10  }
0x4c6: {  	v10 =	vshll.u32 v10, $0x3  }
0x4c7: {  	v12 =	vand.u32 $0x7F, v12;
	v10 =	vand.u32 $0xFFFFFC00, v10  }
0x4c8: {  	s1 =	sadd.s32 s17, s14;
	v10 =	vor.u32 v12, v10  }
0x4c9: {  	s13 =	sshra.s32 s1, $0x1F;
	v12 =	vadd.s32 v5, v10  }
0x4ca: {  	s13 =	sshrl.u32 s13, $0x1B  }
0x4cb: {  	s13 =	sadd.s32 s13, s1  }
0x4cc: {  	s19 =	sshrl.u32 s13, $0x5;
	s13 =	sand.u32 $0xFFFFFFE0, s13  }
0x4cd: {  	p6 =	slt.s32 s1, $0x1;
	p3 =	sne.s32 s1, s13;
	s20 =	sand.u32 $0x1, s19  }
0x4ce: {  	p2 =	por !p6, !p3;
	p3 =	seq.s32 s20, $0x1;
	v12 =	vld.idx.msk [tilespmem:v12+s31+$0x0], $0xffff  }
0x4cf: {  	p4 =	por !p2, !p2;
	p2 =	por !p3, !p3;
	v13 =	vadd.s32 v6, v10  }
0x4d0: {  	s21 =	sand.u32 $0x1F, s1;
	s16 =	simm.s32 $0x1D180;
	p2 =	por @!p4 p3, p3  }
0x4d1: {  	s22 =	sshll.u32 s21, $0x7;
	s16 =	simm.s32 @!p2 $0x1C180  }
0x4d2: {  	s17 =	sadd.s32 s22, s16  }
0x4d3: {  	[tilespmem:s17+$0x0] =	vst v12  }
0x4d4: {  	v12 =	vld.idx.msk [tilespmem:v13+s31+$0x0], $0xffff  }
0x4d5: {  	v62 =	vadd.s32 v7, v10;
	_ =	sdelay $0x3  }
0x4d6: {  	[tilespmem:s17+$0x10] =	vst v12  }
0x4d7: {  	v12 =	vld.idx.msk [tilespmem:v62+s31+$0x0], $0xffff  }
0x4d8: {  	v10 =	vadd.s32 v8, v10;
	_ =	sdelay $0x3  }
0x4d9: {  	[tilespmem:s17+$0x20] =	vst v12  }
0x4da: {  	v10 =	vld.idx.msk [tilespmem:v10+s31+$0x0], $0xffff  }
0x4db: {  	v63 =	vmov s21;
	_ =	sdelay $0x1  }
0x4dc: {  	s1 =	sadd.s32 $0x1, s1  }
0x4dd: {  	s13 =	simm.s32 $0x1E200;
	s1 =	sand.u32 $0x1F, s1  }
0x4de: {  	s13 =	simm.s32 @!p2 $0x1E180;
	p2 =	sne.s32 s1, $0x0;
	[tilespmem:s17+$0x30] =	vst v10  }
0x4df: {  	s1 =	simm.s32 @!p2 $0x20;
	s17 =	simm.s32 @!p2 $0x5;
	[tilespmem:v63+s13+$0x0] =	vst.idx.msk $0x1, v11  }
0x4e0: {  	[hbm4b:s6+s1] =	stream.indirect.scatter @!p2 [tilespmem:s16], [sflag:$0x5], $0x80, s13, s1, $0xb8;
	[tilespmem:$0x1E280] =	vst v63  }
0x4e1: {  	_ =	swait.ge @!p2 [sflag:s17], $0x1000  }
0x4e2: {  	[sflag:s17] =	ssyncset.done @!p2 $0x0  }
0x4e3: {  	s14 =	sadd.s32 s2, s14;
	[sflag:s17] =	ssyncadd.s32 @!p2 $0xFFFFF000  }
.LBB2_91:
0x4e4: {  	s1 =	sadd.s32 @!p1 s23, s4  }
0x4e5: {  	s1 =	smin.u32 @!p1 s1, $0x1E83  }
0x4e6: {  	s13 =	simm.s32 @!p1 $0x800;
	s1 =	sshll.u32 @!p1 s1, $0x7  }
0x4e7: {  	s16 =	simm.s32 @!p1 $0x7A1400;
	s17 =	simm.s32 @!p1 $0x14180;
	s2 =	sadd.s32 @!p1 s3, s1  }
0x4e8: {  	[tilespmem:s17], [sflag:$0x3] =	stream.strided.gather @!p1 [hbm4b:s2+s13], $0x2000, s16, s13, $0x38;
	[tilespmem:$0x1E280] =	vst v63  }
.Ltmp53:
0x4e9: {  	s1 =	sadd.s32 @!p1 s1, s7;
	s2 =	simm.s32 @!p1 $0x16180;
	(pc) =	sbr.rel @p0 .LBB2_106-.Ltmp53, $4  }
0x4ea: {  	[tilespmem:s2], [sflag:$0x3] =	stream.strided.gather @!p1 [hbm4b:s1+s13], $0x2000, s16, s13, $0x38;
	[tilespmem:$0x1E280] =	vst v63  }
0x4eb: {  	_ =	swait.ge [sflag:s11], $0x4000  }
0x4ec: {  	[sflag:s11] =	ssyncset.done $0x0  }
0x4ed: {  	[sflag:s11] =	ssyncadd.s32 $0xFFFFC000  }
0x4ee: {  	p2 =	seq.s32 s12, $0x1  }
.Ltmp54:
0x4ef: {  	s1 =	rddreg [dreg:$0xf];
	(pc) =	sbr.rel @p2 .LBB2_93-.Ltmp54, $4  }
0x4f0: {  	s1 =	sadd.s32 s23, s1  }
0x4f1: {  	s1 =	smin.u32 s1, $0x1E83  }
0x4f2: {  	s12 =	sadd.s32 $0xFFFFFFFF, s12;
	s13 =	sadd.s32 $0x2, s1  }
0x4f3: {  	v10 =	vld [tilespmem:s28+$0x0];
	p0 =	por $0x0, $0x0;
	s2 =	sshll.u32 s1, $0x7;
	v11 =	vmov s1;
	s1 =	simm.s32 $0x0;
	v12 =	vmov s13  }
0x4f4: {  	_ = 	snop  }
0x4f5: {  	v13 =	vor.u32 s1, v2  }
0x4f6: {  	vm0 =	vlt.s32 v13, v9;
	_ =	sdelay $0x5  }
0x4f7: {  	v13 =	vld.idx.msk [tilespmem:v10+s5+$0x0], vm0;
	_ =	sdelay $0x4  }
0x4f8: {  	v13 =	vshrl.u32 v13, $0x7  }
0x4f9: {  	vm1 =	vge.u32 v13, v11;
	vm2 =	vlt.u32 v13, v12  }
0x4fa: {  	vm1 =	vmand vm1, vm2  }
0x4fb: {  	vm0 =	vmand vm0, vm1  }
0x4fc: {  	v13 =	vsel vm0, $0x1, v4  }
0x4fd: {  	(xrf0) =	vadd.scan.msk.s32 $0xffff, v13;
	_ =	sdelay $0x2  }
0x4fe: {  	v13 =	vmov s1  }
0x4ff: {  	v13 =	vadd.s32 $0xFFFFFFFF, v13  }
0x500: {  	v13 =	vbroadcast v13, $0x0  }
0x501: {  	v14, _, _ =	vpop (xrf0)  }
0x502: {  	v13 =	vadd.s32 v14, v13;
	(v2sf) =	vpush v14, $0xF  }
0x503: {  	p2 =	seq.s32 s12, $0x1  }
.Ltmp55:
0x504: {  	_ = 	snop;
	(pc) =	sbr.rel @p2 .LBB2_98-.Ltmp55, $3  }
0x505: {  	_ =	sdelay $0x1  }
0x506: {  	s16 =	sadd.s32 $0x10, s28;
	s17 =	sadd.s32 $0xFFFFFFFF, s12;
	[tilespmem:v13+s30+$0x0] =	vst.idx.msk vm0, v10  }
0x507: {  	s13 =	simm.s32 $0x10;
	p0 =	por $0x1, $0x1;
	s12 =	simm.s32 $0x0;
	v10 =	vld [tilespmem:s16+$0x0]  }
.LBB2_99:
0x508: {  	p2 =	seq.s32 s17, $0x1;
	v13 =	vor.u32 s13, v2  }
0x509: {  	vm0 =	vlt.s32 v13, v9;
	_ =	sdelay $0x5  }
0x50a: {  	v13 =	vld.idx.msk [tilespmem:v10+s5+$0x0], vm0  }
0x50b: {  	s18 =	spop (v2sf)  }
0x50c: {  	s12 =	sadd.s32 s12, s18  }
0x50d: {  	v14 =	vmov s12  }
0x50e: {  	v14 =	vadd.s32 $0xFFFFFFFF, v14  }
0x50f: {  	v14 =	vbroadcast v14, $0x0  }
0x510: {  	v13 =	vshrl.u32 v13, $0x7  }
0x511: {  	vm1 =	vge.u32 v13, v11;
	vm2 =	vlt.u32 v13, v12  }
0x512: {  	vm1 =	vmand vm1, vm2  }
0x513: {  	vm0 =	vmand vm0, vm1  }
0x514: {  	v13 =	vsel vm0, $0x1, v4  }
0x515: {  	(xrf0) =	vadd.scan.msk.s32 $0xffff, v13;
	_ =	sdelay $0x5  }
0x516: {  	v13, _, _ =	vpop (xrf0)  }
0x517: {  	v14 =	vadd.s32 v13, v14;
	(v2sf) =	vpush v13, $0xF;
	_ =	sdelay $0x1  }
.Ltmp56:
0x518: {  	(pc) =	sbr.rel @!p2 .LBB2_99-.Ltmp56, $3  }
0x519: {  	_ =	sdelay $0x1  }
0x51a: {  	s16 =	sadd.s32 $0x10, s16;
	[tilespmem:v14+s30+$0x0] =	vst.idx.msk vm0, v10  }
0x51b: {  	s17 =	sadd.s32 $0xFFFFFFFF, s17;
	s13 =	sadd.s32 $0x10, s13;
	v10 =	vld [tilespmem:s16+$0x0]  }
.LBB2_100:
0x51c: {  	_ = 	snop  }
0x51d: {  	v13 =	vor.u32 s13, v2  }
0x51e: {  	vm0 =	vlt.s32 v13, v9;
	_ =	sdelay $0x5  }
0x51f: {  	v9 =	vld.idx.msk [tilespmem:v10+s5+$0x0], vm0;
	_ =	sdelay $0x4  }
0x520: {  	v9 =	vshrl.u32 v9, $0x7  }
0x521: {  	vm1 =	vge.u32 v9, v11;
	vm2 =	vlt.u32 v9, v12  }
0x522: {  	vm1 =	vmand vm1, vm2  }
0x523: {  	vm0 =	vmand vm0, vm1  }
0x524: {  	v9 =	vsel vm0, $0x1, v4  }
0x525: {  	(xrf0) =	vadd.scan.msk.s32 $0xffff, v9;
	_ =	sdelay $0x5  }
0x526: {  	v9, _, _ =	vpop (xrf0)  }
0x527: {  	(v2sf) =	vpush v9, $0xF;
	_ =	sdelay $0x3  }
0x528: {  	s13 =	spop @p0 (v2sf)  }
0x529: {  	s12 =	sadd.s32 @p0 s12, s13  }
0x52a: {  	s1 =	smov.u32 @p0 s12  }
0x52b: {  	v11 =	vmov s1  }
0x52c: {  	v11 =	vadd.s32 $0xFFFFFFFF, v11  }
0x52d: {  	v11 =	vbroadcast v11, $0x0;
	_ =	sdelay $0x1  }
0x52e: {  	v9 =	vadd.s32 v9, v11;
	_ =	sdelay $0x3  }
0x52f: {  	s28 =	spop (v2sf)  }
0x530: {  	[tilespmem:v9+s30+$0x0] =	vst.idx.msk vm0, v10;
	s1 =	sadd.s32 s1, s28  }
0x531: {  	p0 =	slt.s32 s1, $0x1  }
.Ltmp57:
0x532: {  	_ = 	snop;
	(pc) =	sbr.rel @p0 .LBB2_106-.Ltmp57, $1  }
0x533: {  	_ =	sdelay $0x3  }
0x534: {  	p2 =	sne.s32 s1, $0x1  }
.Ltmp58:
0x535: {  	_ = 	snop;
	(pc) =	sbr.rel @!p2 .LBB2_96-.Ltmp58, $3  }
0x536: {  	_ =	sdelay $0x1  }
0x537: {  	s16 =	simm.s32 $0x0  }
0x538: {  	v9 =	vmov s2;
	s12 =	simm.s32 $0x1;
	p0 =	por $0x0, $0x0;
	v10 =	vmov s16  }
0x539: {  	_ =	sdelay $0x3  }
0x53a: {  	v10 =	vld.idx.msk [tilespmem:v10+s30+$0x0], $0xffff;
	_ =	sdelay $0x7  }
0x53b: {  	v11 =	vld.idx.msk [tilespmem:v10+s5+$0x0], $0xffff;
	_ =	sdelay $0x4  }
0x53c: {  	v12 =	vsub.s32 v11, v9  }
0x53d: {  	v12 =	vshll.u32 v12, $0x3  }
0x53e: {  	v11 =	vand.u32 $0x7F, v11;
	v12 =	vand.u32 $0xFFFFFC00, v12  }
0x53f: {  	s2 =	sadd.s32 $0x0, s14;
	v11 =	vor.u32 v11, v12  }
0x540: {  	s13 =	sshra.s32 s2, $0x1F;
	v12 =	vadd.s32 v5, v11  }
0x541: {  	s13 =	sshrl.u32 s13, $0x1B  }
0x542: {  	s13 =	sadd.s32 s13, s2  }
0x543: {  	s16 =	sshrl.u32 s13, $0x5;
	s13 =	sand.u32 $0xFFFFFFE0, s13  }
0x544: {  	p0 =	slt.s32 s2, $0x1;
	p2 =	sne.s32 s2, s13;
	s22 =	sand.u32 $0x1, s16  }
0x545: {  	p0 =	por !p0, !p2;
	p2 =	seq.s32 s22, $0x1;
	v12 =	vld.idx.msk [tilespmem:v12+s0+$0x0], $0xffff  }
0x546: {  	p3 =	por !p0, !p0;
	p0 =	por !p2, !p2;
	v13 =	vadd.s32 v6, v11  }
0x547: {  	s28 =	sand.u32 $0x1F, s2;
	s16 =	simm.s32 $0x1D180;
	p0 =	por @!p3 p2, p2  }
0x548: {  	s17 =	sshll.u32 s28, $0x7;
	s16 =	simm.s32 @!p0 $0x1C180  }
0x549: {  	s17 =	sadd.s32 s17, s16  }
0x54a: {  	[tilespmem:s17+$0x0] =	vst v12  }
0x54b: {  	v12 =	vld.idx.msk [tilespmem:v13+s0+$0x0], $0xffff  }
0x54c: {  	v62 =	vadd.s32 v7, v11;
	_ =	sdelay $0x3  }
0x54d: {  	[tilespmem:s17+$0x10] =	vst v12  }
0x54e: {  	v12 =	vld.idx.msk [tilespmem:v62+s0+$0x0], $0xffff  }
0x54f: {  	v11 =	vadd.s32 v8, v11;
	_ =	sdelay $0x3  }
0x550: {  	[tilespmem:s17+$0x20] =	vst v12  }
0x551: {  	v11 =	vld.idx.msk [tilespmem:v11+s0+$0x0], $0xffff  }
0x552: {  	v63 =	vmov s28;
	_ =	sdelay $0x1  }
0x553: {  	s2 =	sadd.s32 $0x1, s2  }
0x554: {  	s18 =	simm.s32 $0x1E200;
	s2 =	sand.u32 $0x1F, s2;
	p2 =	sne.s32 s1, $0x2  }
.Ltmp59:
0x555: {  	p3 =	sne.s32 s2, $0x0;
	s18 =	simm.s32 @!p0 $0x1E180;
	[tilespmem:s17+$0x30] =	vst v11;
	(pc) =	sbr.rel @!p2 .LBB2_102-.Ltmp59, $4  }
0x556: {  	s2 =	simm.s32 @!p3 $0x20;
	s13 =	simm.s32 @!p3 $0x5;
	[tilespmem:v63+s18+$0x0] =	vst.idx.msk $0x1, v10;
	v10 =	vmov s12  }
0x557: {  	[hbm4b:s6+s2] =	stream.indirect.scatter @!p3 [tilespmem:s16], [sflag:$0x5], $0x80, s18, s2, $0xb8;
	[tilespmem:$0x1E280] =	vst v63  }
0x558: {  	_ =	swait.ge @!p3 [sflag:s13], $0x1000  }
0x559: {  	p0 =	por $0x1, $0x1;
	s2 =	simm.s32 $0x2;
	[sflag:s13] =	ssyncset.done @!p3 $0x0  }
.LBB2_103:
0x55a: {  	[sflag:s13] =	ssyncadd.s32 @!p3 $0xFFFFF000;
	s13 =	smov.u32 s2;
	s2 =	sadd.s32 $0x1, s2  }
0x55b: {  	p2 =	sne.s32 s1, s2;
	v11 =	vld.idx.msk [tilespmem:v10+s30+$0x0], $0xffff;
	_ =	sdelay $0x7  }
0x55c: {  	v10 =	vld.idx.msk [tilespmem:v11+s5+$0x0], $0xffff;
	_ =	sdelay $0x5  }
0x55d: {  	v12 =	vsub.s32 v10, v9  }
0x55e: {  	v12 =	vshll.u32 v12, $0x3  }
0x55f: {  	v10 =	vand.u32 $0x7F, v10;
	v12 =	vand.u32 $0xFFFFFC00, v12  }
0x560: {  	v10 =	vor.u32 v10, v12  }
0x561: {  	s16 =	sadd.s32 s12, s14;
	s12 =	smov.u32 s13;
	v12 =	vadd.s32 v5, v10  }
0x562: {  	s13 =	sshra.s32 s16, $0x1F;
	s17 =	sand.u32 $0x1F, s16;
	s18 =	sadd.s32 $0x1, s16  }
0x563: {  	s13 =	sshrl.u32 s13, $0x1B;
	s18 =	sand.u32 $0x1F, s18  }
0x564: {  	s13 =	sadd.s32 s13, s16  }
0x565: {  	s19 =	sshrl.u32 s13, $0x5;
	s13 =	sand.u32 $0xFFFFFFE0, s13  }
0x566: {  	p3 =	slt.s32 s16, $0x1;
	p4 =	sne.s32 s16, s13;
	s13 =	sand.u32 $0x1, s19;
	v12 =	vld.idx.msk [tilespmem:v12+s0+$0x0], $0xffff  }
0x567: {  	p3 =	por !p3, !p4;
	p4 =	seq.s32 s13, $0x1  }
0x568: {  	p5 =	por !p3, !p3;
	p3 =	por !p4, !p4;
	v13 =	vadd.s32 v6, v10  }
0x569: {  	s16 =	simm.s32 $0x1D180;
	p3 =	por @!p5 p4, p4  }
0x56a: {  	s13 =	sshll.u32 s17, $0x7;
	s16 =	simm.s32 @!p3 $0x1C180  }
0x56b: {  	s13 =	sadd.s32 s13, s16  }
0x56c: {  	[tilespmem:s13+$0x0] =	vst v12  }
0x56d: {  	v12 =	vld.idx.msk [tilespmem:v13+s0+$0x0], $0xffff;
	_ =	sdelay $0x1  }
0x56e: {  	v13 =	vadd.s32 v7, v10;
	_ =	sdelay $0x3  }
0x56f: {  	[tilespmem:s13+$0x10] =	vst v12  }
0x570: {  	v12 =	vld.idx.msk [tilespmem:v13+s0+$0x0], $0xffff;
	_ =	sdelay $0x1  }
0x571: {  	v10 =	vadd.s32 v8, v10;
	_ =	sdelay $0x3  }
0x572: {  	[tilespmem:s13+$0x20] =	vst v12  }
0x573: {  	v10 =	vld.idx.msk [tilespmem:v10+s0+$0x0], $0xffff;
	_ =	sdelay $0x1  }
0x574: {  	v12 =	vmov s17;
	_ =	sdelay $0x2  }
0x575: {  	s17 =	simm.s32 $0x1E200  }
.Ltmp60:
0x576: {  	s17 =	simm.s32 @!p3 $0x1E180;
	p3 =	sne.s32 s18, $0x0;
	[tilespmem:s13+$0x30] =	vst v10;
	(pc) =	sbr.rel @p2 .LBB2_103-.Ltmp60, $4  }
0x577: {  	s18 =	simm.s32 @!p3 $0x20;
	v10 =	vmov s12;
	s13 =	simm.s32 @!p3 $0x5;
	[tilespmem:v12+s17+$0x0] =	vst.idx.msk $0x1, v11  }
0x578: {  	[hbm4b:s6+s18] =	stream.indirect.scatter @!p3 [tilespmem:s16], [sflag:$0x5], $0x80, s17, s18, $0xb8;
	[tilespmem:$0x1E280] =	vst v63  }
0x579: {  	_ =	swait.ge @!p3 [sflag:s13], $0x1000  }
0x57a: {  	[sflag:s13] =	ssyncset.done @!p3 $0x0  }
0x57b: {  	s16 =	smov.u32 s12  }
.LBB2_105:
0x57c: {  	_ =	sdelay $0x1  }
0x57d: {  	p0 =	por p3, !p0  }
0x57e: {  	[sflag:s13] =	ssyncadd.s32 @!p0 $0xFFFFF000  }
0x57f: {  	v10 =	vld.idx.msk [tilespmem:v10+s30+$0x0], $0xffff;
	_ =	sdelay $0x7  }
0x580: {  	v11 =	vld.idx.msk [tilespmem:v10+s5+$0x0], $0xffff;
	_ =	sdelay $0x4  }
0x581: {  	v9 =	vsub.s32 v11, v9  }
0x582: {  	v9 =	vshll.u32 v9, $0x3  }
0x583: {  	v11 =	vand.u32 $0x7F, v11;
	v9 =	vand.u32 $0xFFFFFC00, v9  }
0x584: {  	s1 =	sadd.s32 s16, s14;
	v9 =	vor.u32 v11, v9  }
0x585: {  	s12 =	sshra.s32 s1, $0x1F;
	v11 =	vadd.s32 v5, v9  }
0x586: {  	s12 =	sshrl.u32 s12, $0x1B  }
0x587: {  	s12 =	sadd.s32 s12, s1  }
0x588: {  	s20 =	sshrl.u32 s12, $0x5;
	s12 =	sand.u32 $0xFFFFFFE0, s12  }
0x589: {  	p6 =	slt.s32 s1, $0x1;
	p2 =	sne.s32 s1, s12;
	s21 =	sand.u32 $0x1, s20  }
0x58a: {  	p0 =	por !p6, !p2;
	p2 =	seq.s32 s21, $0x1;
	v11 =	vld.idx.msk [tilespmem:v11+s0+$0x0], $0xffff  }
0x58b: {  	p3 =	por !p0, !p0;
	p0 =	por !p2, !p2;
	v12 =	vadd.s32 v6, v9  }
0x58c: {  	s22 =	sand.u32 $0x1F, s1;
	s13 =	simm.s32 $0x1D180;
	p0 =	por @!p3 p2, p2  }
0x58d: {  	s28 =	sshll.u32 s22, $0x7;
	s13 =	simm.s32 @!p0 $0x1C180  }
0x58e: {  	s16 =	sadd.s32 s28, s13  }
0x58f: {  	[tilespmem:s16+$0x0] =	vst v11  }
0x590: {  	v11 =	vld.idx.msk [tilespmem:v12+s0+$0x0], $0xffff  }
0x591: {  	v63 =	vadd.s32 v7, v9;
	_ =	sdelay $0x3  }
0x592: {  	[tilespmem:s16+$0x10] =	vst v11  }
0x593: {  	v11 =	vld.idx.msk [tilespmem:v63+s0+$0x0], $0xffff  }
0x594: {  	v9 =	vadd.s32 v8, v9;
	_ =	sdelay $0x3  }
0x595: {  	[tilespmem:s16+$0x20] =	vst v11  }
0x596: {  	v9 =	vld.idx.msk [tilespmem:v9+s0+$0x0], $0xffff  }
0x597: {  	v11 =	vmov s22;
	_ =	sdelay $0x1  }
0x598: {  	s1 =	sadd.s32 $0x1, s1  }
0x599: {  	s12 =	simm.s32 $0x1E200;
	s1 =	sand.u32 $0x1F, s1  }
0x59a: {  	s12 =	simm.s32 @!p0 $0x1E180;
	p0 =	sne.s32 s1, $0x0;
	[tilespmem:s16+$0x30] =	vst v9  }
0x59b: {  	s1 =	simm.s32 @!p0 $0x20;
	s16 =	simm.s32 @!p0 $0x5;
	[tilespmem:v11+s12+$0x0] =	vst.idx.msk $0x1, v10  }
0x59c: {  	[hbm4b:s6+s1] =	stream.indirect.scatter @!p0 [tilespmem:s13], [sflag:$0x5], $0x80, s12, s1, $0xb8;
	[tilespmem:$0x1E280] =	vst v63  }
0x59d: {  	_ =	swait.ge @!p0 [sflag:s16], $0x1000  }
0x59e: {  	[sflag:s16] =	ssyncset.done @!p0 $0x0  }
0x59f: {  	s14 =	sadd.s32 s2, s14;
	[sflag:s16] =	ssyncadd.s32 @!p0 $0xFFFFF000  }
.LBB2_106:
.Ltmp61:
0x5a0: {  	(pc) =	sbr.rel @p1 .LBB2_108-.Ltmp61, $1  }
0x5a1: {  	_ =	sdelay $0x3  }
0x5a2: {  	s1 =	sadd.s32 s23, s9  }
0x5a3: {  	s1 =	smin.u32 s1, $0x1E83  }
.Ltmp62:
0x5a4: {  	s1 =	sshll.u32 s1, $0x7;
	(pc) =	sbr.rel .LBB2_46-.Ltmp62, $4  }
0x5a5: {  	s12 =	simm.s32 $0x7A1400;
	s2 =	sadd.s32 s3, s1  }
0x5a6: {  	[tilespmem:s0], [sflag:$0x4] =	stream.strided.gather [hbm4b:s2+s10], $0x2000, s12, s10, $0x38;
	[tilespmem:$0x1E280] =	vst v63  }
0x5a7: {  	s28 =	simm.s32 $0x1A180;
	s15 =	sadd.s32 $0x1, s15;
	s1 =	sadd.s32 s1, s7  }
0x5a8: {  	[tilespmem:s28], [sflag:$0x4] =	stream.strided.gather [hbm4b:s1+s10], $0x2000, s12, s10, $0x38;
	[tilespmem:$0x1E280] =	vst v63  }
.LBB2_48:
.Ltmp63:
0x5a9: {  	(pc) =	sbr.rel .LBB2_55-.Ltmp63, $2  }
0x5aa: {  	_ =	sdelay $0x2  }
0x5ab: {  	s19 =	simm.s32 $0x0;
	s17 =	simm.s32 $0x0  }
.LBB2_63:
.Ltmp64:
0x5ac: {  	(pc) =	sbr.rel .LBB2_70-.Ltmp64, $2  }
0x5ad: {  	_ =	sdelay $0x2  }
0x5ae: {  	s22 =	simm.s32 $0x0;
	s21 =	simm.s32 $0x0  }
.LBB2_78:
.Ltmp65:
0x5af: {  	(pc) =	sbr.rel .LBB2_85-.Ltmp65, $2  }
0x5b0: {  	_ =	sdelay $0x2  }
0x5b1: {  	s17 =	simm.s32 $0x0;
	s13 =	simm.s32 $0x0  }
.LBB2_93:
.Ltmp66:
0x5b2: {  	(pc) =	sbr.rel .LBB2_100-.Ltmp66, $2  }
0x5b3: {  	_ =	sdelay $0x2  }
0x5b4: {  	s13 =	simm.s32 $0x0;
	s12 =	simm.s32 $0x0  }
.LBB2_53:
.Ltmp67:
0x5b5: {  	(pc) =	sbr.rel .LBB2_55-.Ltmp67, $2  }
0x5b6: {  	_ =	sdelay $0x2  }
0x5b7: {  	s17 =	simm.s32 $0x0  }
.LBB2_68:
.Ltmp68:
0x5b8: {  	(pc) =	sbr.rel .LBB2_70-.Ltmp68, $2  }
0x5b9: {  	_ =	sdelay $0x2  }
0x5ba: {  	s21 =	simm.s32 $0x0  }
.LBB2_83:
.Ltmp69:
0x5bb: {  	(pc) =	sbr.rel .LBB2_85-.Ltmp69, $2  }
0x5bc: {  	_ =	sdelay $0x2  }
0x5bd: {  	s13 =	simm.s32 $0x0  }
.LBB2_98:
.Ltmp70:
0x5be: {  	(pc) =	sbr.rel .LBB2_100-.Ltmp70, $2  }
0x5bf: {  	_ =	sdelay $0x2  }
0x5c0: {  	s12 =	simm.s32 $0x0  }
.LBB2_51:
.Ltmp71:
0x5c1: {  	(pc) =	sbr.rel .LBB2_60-.Ltmp71, $2  }
0x5c2: {  	_ =	sdelay $0x2  }
0x5c3: {  	s2 =	simm.s32 $0x1  }
.LBB2_66:
.Ltmp72:
0x5c4: {  	(pc) =	sbr.rel .LBB2_75-.Ltmp72, $2  }
0x5c5: {  	_ =	sdelay $0x2  }
0x5c6: {  	s19 =	simm.s32 $0x1  }
.LBB2_81:
.Ltmp73:
0x5c7: {  	(pc) =	sbr.rel .LBB2_90-.Ltmp73, $2  }
0x5c8: {  	_ =	sdelay $0x2  }
0x5c9: {  	s2 =	simm.s32 $0x1  }
.LBB2_96:
.Ltmp74:
0x5ca: {  	(pc) =	sbr.rel .LBB2_105-.Ltmp74, $2  }
0x5cb: {  	_ =	sdelay $0x2  }
0x5cc: {  	s2 =	simm.s32 $0x1  }
.LBB2_57:
.Ltmp75:
0x5cd: {  	(pc) =	sbr.rel .LBB2_60-.Ltmp75, $2  }
0x5ce: {  	_ =	sdelay $0x2  }
0x5cf: {  	s18 =	simm.s32 $0x1  }
.LBB2_72:
.Ltmp76:
0x5d0: {  	(pc) =	sbr.rel .LBB2_75-.Ltmp76, $3  }
0x5d1: {  	_ =	sdelay $0x1  }
0x5d2: {  	s18 =	simm.s32 $0x1;
	s24 =	smov.u32 s25;
	s25 =	smov.u32 s4  }
0x5d3: {  	s4 =	smov.u32 s9;
	s9 =	smov.u32 s10;
	s10 =	simm.s32 $0x800  }
.LBB2_87:
.Ltmp77:
0x5d4: {  	(pc) =	sbr.rel .LBB2_90-.Ltmp77, $2  }
0x5d5: {  	_ =	sdelay $0x2  }
0x5d6: {  	s17 =	simm.s32 $0x1  }
.LBB2_102:
.Ltmp78:
0x5d7: {  	(pc) =	sbr.rel .LBB2_105-.Ltmp78, $2  }
0x5d8: {  	_ =	sdelay $0x2  }
0x5d9: {  	s16 =	simm.s32 $0x1  }
.LBB2_5:
.Ltmp79:
0x5da: {  	(pc) =	sbr.rel .LBB2_9-.Ltmp79, $2  }
0x5db: {  	_ =	sdelay $0x2  }
0x5dc: {  	s15 =	simm.s32 $0x0;
	s14 =	simm.s32 $0x0;
	p2 =	por $0x0, $0x0  }
.LBB2_10:
.Ltmp80:
0x5dd: {  	(pc) =	sbr.rel .LBB2_14-.Ltmp80, $2  }
0x5de: {  	_ =	sdelay $0x2  }
0x5df: {  	s2 =	smov.u32 s15  }
.LBB2_15:
.Ltmp81:
0x5e0: {  	(pc) =	sbr.rel .LBB2_19-.Ltmp81, $2  }
0x5e1: {  	_ =	sdelay $0x2  }
0x5e2: {  	s17 =	simm.s32 $0x0;
	s15 =	smov.u32 s14;
	p2 =	por $0x0, $0x0  }
.LBB2_20:
.Ltmp82:
0x5e3: {  	(pc) =	sbr.rel .LBB2_24-.Ltmp82, $2  }
0x5e4: {  	_ =	sdelay $0x2  }
0x5e5: {  	s2 =	smov.u32 s15  }
.LBB2_25:
.Ltmp83:
0x5e6: {  	(pc) =	sbr.rel .LBB2_29-.Ltmp83, $2  }
0x5e7: {  	_ =	sdelay $0x2  }
0x5e8: {  	s17 =	simm.s32 $0x0;
	s15 =	smov.u32 s14;
	p2 =	por $0x0, $0x0  }
.LBB2_30:
.Ltmp84:
0x5e9: {  	(pc) =	sbr.rel .LBB2_34-.Ltmp84, $2  }
0x5ea: {  	_ =	sdelay $0x2  }
0x5eb: {  	s2 =	smov.u32 s15  }
.LBB2_35:
.Ltmp85:
0x5ec: {  	(pc) =	sbr.rel .LBB2_39-.Ltmp85, $2  }
0x5ed: {  	_ =	sdelay $0x2  }
0x5ee: {  	s2 =	smov.u32 s1  }
.LBB2_40:
.Ltmp86:
0x5ef: {  	(pc) =	sbr.rel .LBB2_44-.Ltmp86, $2  }
0x5f0: {  	_ =	sdelay $0x2  }
0x5f1: {  	s1 =	smov.u32 s2  }
.LBB2_7:
.Ltmp87:
0x5f2: {  	(pc) =	sbr.rel .LBB2_9-.Ltmp87, $2  }
0x5f3: {  	_ =	sdelay $0x2  }
0x5f4: {  	s14 =	simm.s32 $0x0  }
.LBB2_12:
.Ltmp88:
0x5f5: {  	(pc) =	sbr.rel .LBB2_14-.Ltmp88, $2  }
0x5f6: {  	_ =	sdelay $0x2  }
0x5f7: {  	s2 =	smov.u32 s15  }
.LBB2_17:
.Ltmp89:
0x5f8: {  	(pc) =	sbr.rel .LBB2_19-.Ltmp89, $2  }
0x5f9: {  	_ =	sdelay $0x2  }
0x5fa: {  	s15 =	smov.u32 s14  }
.LBB2_22:
.Ltmp90:
0x5fb: {  	(pc) =	sbr.rel .LBB2_24-.Ltmp90, $2  }
0x5fc: {  	_ =	sdelay $0x2  }
0x5fd: {  	s2 =	smov.u32 s15  }
.LBB2_27:
.Ltmp91:
0x5fe: {  	(pc) =	sbr.rel .LBB2_29-.Ltmp91, $2  }
0x5ff: {  	_ =	sdelay $0x2  }
0x600: {  	s15 =	smov.u32 s14  }
.LBB2_32:
.Ltmp92:
0x601: {  	(pc) =	sbr.rel .LBB2_34-.Ltmp92, $2  }
0x602: {  	_ =	sdelay $0x2  }
0x603: {  	s2 =	smov.u32 s15  }
.LBB2_37:
.Ltmp93:
0x604: {  	(pc) =	sbr.rel .LBB2_39-.Ltmp93, $2  }
0x605: {  	_ =	sdelay $0x2  }
0x606: {  	s2 =	smov.u32 s1  }
.LBB2_42:
.Ltmp94:
0x607: {  	(pc) =	sbr.rel .LBB2_44-.Ltmp94, $2  }
0x608: {  	_ =	sdelay $0x2  }
0x609: {  	s1 =	smov.u32 s2  }
.LBB2_109:
0x60a: {  	_ =	sfence.sel $0x180000  }
0x60b: {  	[bflag:$0x0] =	sbarrier.arrive $0xFFFF  }
0x60c: {  	_ =	strace $0x90000047  }
0x60d: {  	s0 =	stileid.u32;
	[bflag:$0x2] =	sbarrier.arrive $0xFFFF  }
0x60e: {  	p0 =	sne.s32 s0, $0x0;
	s0 =	rddreg [dreg:$0x3]  }
0x60f: {  	s0 =	sadd.s32 @!p0 $0x100000, s0  }
0x610: {  	[sflag:s0] =	ssyncadd.tile.s32 @!p0 $0x1;
	_ =	shalt  }
.Lfunc_end2:
_tile_overlayer_lowered:
.L_overlay_start_2:
0x611: {  	(tag) =	ssettag $0x2  }
0x612: {  	s0 =	rddreg [dreg:$0x0];
	s2 =	stileid.u32  }
0x613: {  	s1 =	rddreg [dreg:$0x1];
	p0 =	sne.s32 s2, $0x0  }
0x614: {  	s3 =	rddreg [dreg:$0x2];
	[bflag:$0x3] =	sbarrier.arrive $0xFFFF;
	s2 =	simm.s32 @!p0 $0x1C06  }
0x615: {  	[timem:s3], [sflag:s2] =	dma.local @!p0 [hbm:s0], s1  }
0x616: {  	s0 =	simm.s32 @!p0 $0x6  }
0x617: {  	_ =	swait.ge @!p0 [sflag:s0], s1  }
0x618: {  	s1 =	ssub.s32 @!p0 $0x0, s1;
	[sflag:s0] =	ssyncset.done @!p0 $0x0  }
0x619: {  	[sflag:s0] =	ssyncadd.s32 @!p0 s1  }
0x61a: {  	[bflag:$0x3] =	sbarrier.arrive $0xFFFF  }
0x61b: {  	_ =	shalt  }

</sc_bundles>
